<compile_context>
chip_gen: v7x
topology: tpu7x:2x2x1
jax: 0.10.2.dev20260603
libtpu: 0.0.44.dev20260713+nightly
codegen_flags: <defaults>
</compile_context>

<pallas_src>
import functools

import jax
import jax.numpy as jnp
from jax import lax
from jax.experimental import pallas as pl
from jax.experimental.pallas import tpu as pltpu
from jax.experimental.pallas import tpu_sc as plsc

_N = 10000
_E = 320000
_D = 128
_NV = 100
_EV = 5
_NF = 9
_EF = 3
_NTAB = 1024
_NSC = 2
_NTILE = 16
_NW = _NSC * _NTILE
_K = 128
_NCH = 80
_EP = _NW * _NCH * _K
_NPAD = 10240
_RPT = _NPAD // _NTILE
_NB = 25
_BN = _N // _NB

_sc_mesh = plsc.VectorSubcoreMesh(core_axis_name="c", subcore_axis_name="s")


def _sc_scatter_body(h_hbm, src_hbm, dst_hbm, out_hbm,
                     src_v, dst_v, buf0, zb, neigh, sem0):
    c = lax.axis_index("c")
    s = lax.axis_index("s")
    w = c * _NTILE + s
    zeros = jnp.zeros((16,), jnp.float32)
    for r in range(16):
        for q in range(_D // 16):
            zb[r, pl.ds(q * 16, 16)] = zeros
    base = s * _RPT

    def zrow(k, carry):
        pltpu.sync_copy(zb, neigh.at[pl.ds(base + k * 16, 16)])
        return carry

    lax.fori_loop(0, _RPT // 16, zrow, 0)
    plsc.subcore_barrier()

    pltpu.sync_copy(src_hbm.at[w], src_v)
    pltpu.sync_copy(dst_hbm.at[w], dst_v)

    def chunk(j, carry):
        pltpu.async_copy(h_hbm.at[src_v.at[j]], buf0, sem0).wait()
        pltpu.sync_copy(buf0, neigh.at[dst_v.at[j]], add=True)
        return carry

    lax.fori_loop(0, _NCH, chunk, 0)
    plsc.subcore_barrier()
    pltpu.sync_copy(neigh.at[pl.ds(base, _RPT)],
                    out_hbm.at[c, pl.ds(base, _RPT)])


_sc_scatter = pl.kernel(
    _sc_scatter_body,
    out_type=jax.ShapeDtypeStruct((_NSC, _NPAD, _D), jnp.float32),
    mesh=_sc_mesh,
    scratch_types=[
        pltpu.VMEM((_NCH, _K), jnp.int32),
        pltpu.VMEM((_NCH, _K), jnp.int32),
        pltpu.VMEM((_K, _D), jnp.float32),
        pltpu.VMEM((16, _D), jnp.float32),
        pltpu.VMEM_SHARED((_NPAD, _D), jnp.float32),
        pltpu.SemaphoreType.DMA,
    ],
    compiler_params=pltpu.CompilerParams(needs_layout_passes=False),
)


def _h0_body(nf_ref, tab_ref, out_ref):
    nf = nf_ref[...]
    iota = lax.broadcasted_iota(jnp.int32, (_BN, _NTAB), 1)
    acc = jnp.zeros((_BN, _NTAB), jnp.float32)
    for f in range(_NF):
        acc += (iota == nf[:, f][:, None]).astype(jnp.float32)
    out_ref[...] = jnp.dot(acc, tab_ref[...],
                           preferred_element_type=jnp.float32,
                           precision=lax.Precision.HIGHEST)


_h0_call = pl.pallas_call(
    _h0_body,
    grid=(_NB,),
    in_specs=[pl.BlockSpec((_BN, _NF), lambda i: (i, 0)),
              pl.BlockSpec((_NTAB, _D), lambda i: (0, 0))],
    out_specs=pl.BlockSpec((_BN, _D), lambda i: (i, 0)),
    out_shape=jax.ShapeDtypeStruct((_N, _D), jnp.float32),
)


def _dense_body(is_last, h_ref, parts_ref, cparts_ref, etbl_ref, w_ref,
                b_ref, g_ref, be_ref, *rest):
    if is_last:
        pw1_ref, pb1_ref, pw2_ref, pb2_ref, out_ref, h2_s, sum_s, sq_s, gs_s = rest
    else:
        out_ref, h2_s, sum_s, sq_s, gs_s = rest
    t = pl.program_id(0)
    i = pl.program_id(1)

    @pl.when(t == 0)
    def _pass_a():
        csum = cparts_ref[0] + cparts_ref[1]
        neigh = parts_ref[0] + parts_ref[1]
        degs = 1.0 + jnp.sum(csum, axis=1, keepdims=True) * (1.0 / 3.0)
        ce = jnp.dot(csum, etbl_ref[...], preferred_element_type=jnp.float32,
                           precision=lax.Precision.HIGHEST)
        dinv = 1.0 / degs
        dinv = dinv * (2.0 - degs * dinv)
        x = (h_ref[...] + neigh + ce) * dinv
        h2 = jnp.dot(x, w_ref[...],
                     preferred_element_type=jnp.float32) + b_ref[...]
        h2_s[pl.ds(i * _BN, _BN), :] = h2
        cs = jnp.sum(h2, axis=0, keepdims=True)

        @pl.when(i == 0)
        def _():
            sum_s[...] = cs

        @pl.when(i > 0)
        def _():
            sum_s[...] += cs

    @pl.when(t == 1)
    def _pass_v():
        h2 = h2_s[pl.ds(i * _BN, _BN), :]
        d = h2 - sum_s[...] * (1.0 / _N)
        cq = jnp.sum(d * d, axis=0, keepdims=True)

        @pl.when(i == 0)
        def _():
            sq_s[...] = cq

        @pl.when(i > 0)
        def _():
            sq_s[...] += cq

    @pl.when(t == 2)
    def _pass_b():
        h2 = h2_s[pl.ds(i * _BN, _BN), :]
        mu = sum_s[...] * (1.0 / _N)
        var = sq_s[...] * (1.0 / _N)
        denom = var + 1e-5
        rs = lax.rsqrt(denom)
        rs = rs * (1.5 - 0.5 * denom * rs * rs)
        y = (h2 - mu) * rs * g_ref[...] + be_ref[...]
        hn = jnp.maximum(y, 0.0)
        if not is_last:
            out_ref[...] = hn
        else:
            cs = jnp.sum(hn, axis=0, keepdims=True)

            @pl.when(i == 0)
            def _():
                gs_s[...] = cs

            @pl.when(i > 0)
            def _():
                gs_s[...] += cs

            @pl.when(i == _NB - 1)
            def _():
                gvec = gs_s[...] * (1.0 / _N)
                z1 = jnp.maximum(
                    jnp.dot(gvec, pw1_ref[...],
                            preferred_element_type=jnp.float32)
                    + pb1_ref[...], 0.0)
                out_ref[...] = jnp.dot(
                    z1, pw2_ref[...],
                    preferred_element_type=jnp.float32) + pb2_ref[...]


def _make_dense(is_last):
    in_specs = [
        pl.BlockSpec((_BN, _D), lambda t, i: (i, 0)),
        pl.BlockSpec((_NSC, _BN, _D), lambda t, i: (0, i, 0)),
        pl.BlockSpec((_NSC, _BN, 16), lambda t, i: (0, i, 0)),
        pl.BlockSpec((16, _D), lambda t, i: (0, 0)),
        pl.BlockSpec((_D, _D), lambda t, i: (0, 0)),
        pl.BlockSpec((1, _D), lambda t, i: (0, 0)),
        pl.BlockSpec((1, _D), lambda t, i: (0, 0)),
        pl.BlockSpec((1, _D), lambda t, i: (0, 0)),
    ]
    if is_last:
        in_specs += [
            pl.BlockSpec((_D, _D), lambda t, i: (0, 0)),
            pl.BlockSpec((1, _D), lambda t, i: (0, 0)),
            pl.BlockSpec((_D, _D), lambda t, i: (0, 0)),
            pl.BlockSpec((1, _D), lambda t, i: (0, 0)),
        ]
        out_specs = pl.BlockSpec((1, _D), lambda t, i: (0, 0))
        out_shape = jax.ShapeDtypeStruct((1, _D), jnp.float32)
    else:
        out_specs = pl.BlockSpec((_BN, _D), lambda t, i: (i, 0))
        out_shape = jax.ShapeDtypeStruct((_N, _D), jnp.float32)
    return pl.pallas_call(
        functools.partial(_dense_body, is_last),
        grid=(3, _NB),
        in_specs=in_specs,
        out_specs=out_specs,
        out_shape=out_shape,
        scratch_shapes=[
            pltpu.VMEM((_N, _D), jnp.float32),
            pltpu.VMEM((1, _D), jnp.float32),
            pltpu.VMEM((1, _D), jnp.float32),
            pltpu.VMEM((1, _D), jnp.float32),
        ],
    )


_dense_mid = _make_dense(False)
_dense_last = _make_dense(True)


def kernel(edge_index, nfeat, efeat, node_table, edge_tables, Ws, bs,
           gammas, betas, pW1, pb1, pW2, pb2):
    i32 = jnp.int32
    src = edge_index[0].astype(i32)
    dst = edge_index[1].astype(i32)
    srcp = jnp.pad(src, (0, _EP - _E)).reshape(_NW, _NCH, _K)
    dstp = jnp.pad(dst, (0, _EP - _E),
                   constant_values=_N).reshape(_NW, _NCH, _K)
    sdp = jnp.stack([srcp, dstp], axis=2)
    jf = (efeat.astype(i32)
          + (jnp.arange(_EF, dtype=i32) * _EV)[None, :])
    ohe = jnp.sum(jf[:, :, None] == jnp.arange(16, dtype=i32),
                  axis=1, dtype=jnp.float32)
    ohe128 = jnp.pad(ohe, ((0, _EP - _E), (0, _D - 16)))
    eidxp = jnp.arange(_EP, dtype=i32).reshape(_NW, _NCH, _K)
    nfflat = nfeat.astype(i32) + (jnp.arange(_NF, dtype=i32) * _NV)[None, :]
    tabp = jnp.pad(node_table, ((0, _NTAB - _NF * _NV), (0, 0)))
    etblp = jnp.pad(edge_tables, ((0, 0), (0, 1), (0, 0)))
    b2 = bs.reshape(-1, 1, _D)
    gm = gammas.reshape(-1, 1, _D)
    bt = betas.reshape(-1, 1, _D)
    pb1r = pb1.reshape(1, _D)
    pw2p = jnp.pad(pW2, ((0, 0), (0, _D - pW2.shape[1])))
    pb2p = jnp.pad(pb2, (0, _D - pb2.shape[0])).reshape(1, _D)

    h = _h0_call(nfflat, tabp)
    cparts = _sc_scatter(ohe128, eidxp, dstp)[:, :, :16]
    pre = None
    for l in range(3):
        parts = _sc_scatter(h, srcp, dstp)
        if l < 2:
            h = _dense_mid(h, parts, cparts, etblp[l], Ws[l],
                           b2[l], gm[l], bt[l])
        else:
            pre = _dense_last(h, parts, cparts, etblp[l], Ws[l],
                              b2[l], gm[l], bt[l], pW1, pb1r, pw2p, pb2p)
    return pre[:, :1]

# --- scband reference (transcript-rebuilt; emitter-appended) ---
"""Pipeline reference for scband-gcn-22084721836889 (READ-ONLY COPY).

The authoritative reference and input builder live on the scoring server;
editing this copy changes nothing except your own understanding.
"""

import jax, jax.numpy as jnp
import numpy as np

N = 10000
E = 320000
D = 128
L = 3
NV = 100   # per-field node feature vocab
EV = 5     # per-field edge feature vocab
NF = 9     # node categorical fields (OGB atom encoder)
EF = 3     # edge categorical fields (OGB bond encoder)
OUT = 1


def setup_inputs(seed: int = 0) -> dict:
    key = jax.random.key(seed)
    k = jax.random.split(key, 12)
    edge_index = jax.random.randint(k[0], (2, E), 0, N, dtype=jnp.int32)
    nfeat = jax.random.randint(k[1], (N, NF), 0, NV, dtype=jnp.int32)
    efeat = jax.random.randint(k[2], (E, EF), 0, EV, dtype=jnp.int32)
    s = 0.02
    node_table = jax.random.normal(k[3], (NF * NV, D), jnp.float32) * s
    edge_tables = jax.random.normal(k[4], (L, EF * EV, D), jnp.float32) * s
    Ws = jax.random.normal(k[5], (L, D, D), jnp.float32) * (1.0 / np.sqrt(D))
    bs = jnp.zeros((L, D), jnp.float32)
    gammas = jnp.ones((L, D), jnp.float32)
    betas = jnp.zeros((L, D), jnp.float32)
    pW1 = jax.random.normal(k[6], (D, D), jnp.float32) * (1.0 / np.sqrt(D))
    pb1 = jnp.zeros((D,), jnp.float32)
    pW2 = jax.random.normal(k[7], (D, OUT), jnp.float32) * (1.0 / np.sqrt(D))
    pb2 = jnp.zeros((OUT,), jnp.float32)
    return {
        'edge_index': edge_index, 'nfeat': nfeat, 'efeat': efeat,
        'node_table': node_table, 'edge_tables': edge_tables,
        'Ws': Ws, 'bs': bs, 'gammas': gammas, 'betas': betas,
        'pW1': pW1, 'pb1': pb1, 'pW2': pW2, 'pb2': pb2,
    }


def reference(edge_index, nfeat, efeat, node_table, edge_tables, Ws, bs, gammas, betas, pW1, pb1, pW2, pb2):
    src = edge_index[0]
    dst = edge_index[1]
    # OGB atom encoder: sum of per-field embeddings (gather)
    node_off = (jnp.arange(NF, dtype=nfeat.dtype) * NV)[None, :]
    h = jnp.take(node_table, nfeat + node_off, axis=0).sum(axis=1)  # [N, D]
    # in-degrees + 1 (scatter-add of ones)
    degs = jax.ops.segment_sum(jnp.ones((E,), jnp.float32), dst, num_segments=N) + 1.0
    edge_off = (jnp.arange(EF, dtype=efeat.dtype) * EV)[None, :]
    for l in range(L):
        # per-layer OGB bond encoder: sum of per-field embeddings
        e = jnp.take(edge_tables[l], efeat + edge_off, axis=0).sum(axis=1)  # [E, D]
        # u_add_e message + sum aggregation (gather + scatter-add)
        m = jnp.take(h, src, axis=0) + e
        neigh = jax.ops.segment_sum(m, dst, num_segments=N)
        # GCNConvLayer: project ((h + neigh) / degs)
        h2 = ((h + neigh) / degs[:, None]) @ Ws[l] + bs[l]
        # GNN_Norm (batch norm over nodes, affine)
        mu = h2.mean(axis=0)
        var = h2.var(axis=0)
        h2 = (h2 - mu) / jnp.sqrt(var + 1e-5) * gammas[l] + betas[l]
        # activation (dropout is identity in eval)
        h = jax.nn.relu(h2)
    # global mean pooling (single graph)
    g = h.mean(axis=0, keepdims=True)  # [1, D]
    # prediction head
    pre = jax.nn.relu(g @ pW1 + pb1) @ pW2 + pb2  # [1, OUT]
    return pre

if __name__ == "__main__":
    import jax
    _d = setup_inputs()
    print(jax.jit(kernel)(*tuple(_d.values())))

</pallas_src>

<mosaic_0001>
#map = affine_map<(d0, d1) -> (0, 0)>
#map1 = affine_map<(d0, d1) -> (0, 0, 0)>
module attributes {stable_mosaic.version = 14 : i64} {
  func.func @_sc_scatter_body(%arg0: i32, %arg1: i32, %arg2: memref<327680x128xf32, #tpu.memory_space<hbm>>, %arg3: memref<32x80x128xi32, #tpu.memory_space<hbm>>, %arg4: memref<32x80x128xi32, #tpu.memory_space<hbm>>, %arg5: memref<2x10240x128xf32, #tpu.memory_space<hbm>>, %arg6: memref<80x128xi32, #tpu.memory_space<vmem>>, %arg7: memref<80x128xi32, #tpu.memory_space<vmem>>, %arg8: memref<128x128xf32, #tpu.memory_space<vmem>>, %arg9: memref<16x128xf32, #tpu.memory_space<vmem>>, %arg10: memref<10240x128xf32, #tpu.memory_space<vmem_shared>>, %arg11: memref<!tpu.dma_semaphore, #tpu.memory_space<semaphore_mem>>) attributes {dimension_semantics = [#tpu.dimension_semantics<core_parallel>, #tpu.dimension_semantics<subcore_parallel>], iteration_bounds = array<i64: 2, 16>, scalar_prefetch = 0 : i64, scratch_operands = 6 : i64, tpu.core_type = #tpu.core_type<sc_vector_subcore>, window_params = [{transform_indices = #map}, {transform_indices = #map1}, {transform_indices = #map1}, {transform_indices = #map1}]} {
    %mul3A = arith.constant 16 : i32
    %mul3A_0 = arith.muli %arg0, %mul3A : i32
    %add3A = arith.addi %mul3A_0, %arg1 : i32
    %broadcast_in_dim3A = arith.constant 0.000000e+00 : f32
    %broadcast_in_dim3A_1 = vector.broadcast %broadcast_in_dim3A : f32 to vector<16xf32>
    %swap3A = arith.constant 0 : i32
    %swap3A_2 = arith.index_cast %swap3A : i32 to index
    %swap3A_3 = arith.constant 0 : index
    %swap3A_4 = tpu.vector_load %arg9[%swap3A_2, %swap3A_3] {strides = array<i32>} : memref<16x128xf32, #tpu.memory_space<vmem>>, vector<16xf32>,
    tpu.vector_store %arg9[%swap3A_2, %swap3A_3], %broadcast_in_dim3A_1 {strides = array<i32>} : memref<16x128xf32, #tpu.memory_space<vmem>>, vector<16xf32>,
    %swap3A_5 = arith.constant 0 : i32
    %swap3A_6 = arith.index_cast %swap3A_5 : i32 to index
    %swap3A_7 = arith.constant 16 : index
    %swap3A_8 = tpu.vector_load %arg9[%swap3A_6, %swap3A_7] {strides = array<i32>} : memref<16x128xf32, #tpu.memory_space<vmem>>, vector<16xf32>,
    tpu.vector_store %arg9[%swap3A_6, %swap3A_7], %broadcast_in_dim3A_1 {strides = array<i32>} : memref<16x128xf32, #tpu.memory_space<vmem>>, vector<16xf32>,
    %swap3A_9 = arith.constant 0 : i32
    %swap3A_10 = arith.index_cast %swap3A_9 : i32 to index
    %swap3A_11 = arith.constant 32 : index
    %swap3A_12 = tpu.vector_load %arg9[%swap3A_10, %swap3A_11] {strides = array<i32>} : memref<16x128xf32, #tpu.memory_space<vmem>>, vector<16xf32>,
    tpu.vector_store %arg9[%swap3A_10, %swap3A_11], %broadcast_in_dim3A_1 {strides = array<i32>} : memref<16x128xf32, #tpu.memory_space<vmem>>, vector<16xf32>,
    %swap3A_13 = arith.constant 0 : i32
    %swap3A_14 = arith.index_cast %swap3A_13 : i32 to index
    %swap3A_15 = arith.constant 48 : index
    %swap3A_16 = tpu.vector_load %arg9[%swap3A_14, %swap3A_15] {strides = array<i32>} : memref<16x128xf32, #tpu.memory_space<vmem>>, vector<16xf32>,
    tpu.vector_store %arg9[%swap3A_14, %swap3A_15], %broadcast_in_dim3A_1 {strides = array<i32>} : memref<16x128xf32, #tpu.memory_space<vmem>>, vector<16xf32>,
    %swap3A_17 = arith.constant 0 : i32
    %swap3A_18 = arith.index_cast %swap3A_17 : i32 to index
    %swap3A_19 = arith.constant 64 : index
    %swap3A_20 = tpu.vector_load %arg9[%swap3A_18, %swap3A_19] {strides = array<i32>} : memref<16x128xf32, #tpu.memory_space<vmem>>, vector<16xf32>,
    tpu.vector_store %arg9[%swap3A_18, %swap3A_19], %broadcast_in_dim3A_1 {strides = array<i32>} : memref<16x128xf32, #tpu.memory_space<vmem>>, vector<16xf32>,
    %swap3A_21 = arith.constant 0 : i32
    %swap3A_22 = arith.index_cast %swap3A_21 : i32 to index
    %swap3A_23 = arith.constant 80 : index
    %swap3A_24 = tpu.vector_load %arg9[%swap3A_22, %swap3A_23] {strides = array<i32>} : memref<16x128xf32, #tpu.memory_space<vmem>>, vector<16xf32>,
    tpu.vector_store %arg9[%swap3A_22, %swap3A_23], %broadcast_in_dim3A_1 {strides = array<i32>} : memref<16x128xf32, #tpu.memory_space<vmem>>, vector<16xf32>,
    %swap3A_25 = arith.constant 0 : i32
    %swap3A_26 = arith.index_cast %swap3A_25 : i32 to index
    %swap3A_27 = arith.constant 96 : index
    %swap3A_28 = tpu.vector_load %arg9[%swap3A_26, %swap3A_27] {strides = array<i32>} : memref<16x128xf32, #tpu.memory_space<vmem>>, vector<16xf32>,
    tpu.vector_store %arg9[%swap3A_26, %swap3A_27], %broadcast_in_dim3A_1 {strides = array<i32>} : memref<16x128xf32, #tpu.memory_space<vmem>>, vector<16xf32>,
    %swap3A_29 = arith.constant 0 : i32
    %swap3A_30 = arith.index_cast %swap3A_29 : i32 to index
    %swap3A_31 = arith.constant 112 : index
    %swap3A_32 = tpu.vector_load %arg9[%swap3A_30, %swap3A_31] {strides = array<i32>} : memref<16x128xf32, #tpu.memory_space<vmem>>, vector<16xf32>,
    tpu.vector_store %arg9[%swap3A_30, %swap3A_31], %broadcast_in_dim3A_1 {strides = array<i32>} : memref<16x128xf32, #tpu.memory_space<vmem>>, vector<16xf32>,
    %swap3A_33 = arith.constant 1 : i32
    %swap3A_34 = arith.index_cast %swap3A_33 : i32 to index
    %swap3A_35 = arith.constant 0 : index
    %swap3A_36 = tpu.vector_load %arg9[%swap3A_34, %swap3A_35] {strides = array<i32>} : memref<16x128xf32, #tpu.memory_space<vmem>>, vector<16xf32>,
    tpu.vector_store %arg9[%swap3A_34, %swap3A_35], %broadcast_in_dim3A_1 {strides = array<i32>} : memref<16x128xf32, #tpu.memory_space<vmem>>, vector<16xf32>,
    %swap3A_37 = arith.constant 1 : i32
    %swap3A_38 = arith.index_cast %swap3A_37 : i32 to index
    %swap3A_39 = arith.constant 16 : index
    %swap3A_40 = tpu.vector_load %arg9[%swap3A_38, %swap3A_39] {strides = array<i32>} : memref<16x128xf32, #tpu.memory_space<vmem>>, vector<16xf32>,
    tpu.vector_store %arg9[%swap3A_38, %swap3A_39], %broadcast_in_dim3A_1 {strides = array<i32>} : memref<16x128xf32, #tpu.memory_space<vmem>>, vector<16xf32>,
    %swap3A_41 = arith.constant 1 : i32
    %swap3A_42 = arith.index_cast %swap3A_41 : i32 to index
    %swap3A_43 = arith.constant 32 : index
    %swap3A_44 = tpu.vector_load %arg9[%swap3A_42, %swap3A_43] {strides = array<i32>} : memref<16x128xf32, #tpu.memory_space<vmem>>, vector<16xf32>,
    tpu.vector_store %arg9[%swap3A_42, %swap3A_43], %broadcast_in_dim3A_1 {strides = array<i32>} : memref<16x128xf32, #tpu.memory_space<vmem>>, vector<16xf32>,
    %swap3A_45 = arith.constant 1 : i32
    %swap3A_46 = arith.index_cast %swap3A_45 : i32 to index
    %swap3A_47 = arith.constant 48 : index
    %swap3A_48 = tpu.vector_load %arg9[%swap3A_46, %swap3A_47] {strides = array<i32>} : memref<16x128xf32, #tpu.memory_space<vmem>>, vector<16xf32>,
    tpu.vector_store %arg9[%swap3A_46, %swap3A_47], %broadcast_in_dim3A_1 {strides = array<i32>} : memref<16x128xf32, #tpu.memory_space<vmem>>, vector<16xf32>,
    %swap3A_49 = arith.constant 1 : i32
    %swap3A_50 = arith.index_cast %swap3A_49 : i32 to index
    %swap3A_51 = arith.constant 64 : index
    %swap3A_52 = tpu.vector_load %arg9[%swap3A_50, %swap3A_51] {strides = array<i32>} : memref<16x128xf32, #tpu.memory_space<vmem>>, vector<16xf32>,
    tpu.vector_store %arg9[%swap3A_50, %swap3A_51], %broadcast_in_dim3A_1 {strides = array<i32>} : memref<16x128xf32, #tpu.memory_space<vmem>>, vector<16xf32>,
    %swap3A_53 = arith.constant 1 : i32
    %swap3A_54 = arith.index_cast %swap3A_53 : i32 to index
    %swap3A_55 = arith.constant 80 : index
    %swap3A_56 = tpu.vector_load %arg9[%swap3A_54, %swap3A_55] {strides = array<i32>} : memref<16x128xf32, #tpu.memory_space<vmem>>, vector<16xf32>,
    tpu.vector_store %arg9[%swap3A_54, %swap3A_55], %broadcast_in_dim3A_1 {strides = array<i32>} : memref<16x128xf32, #tpu.memory_space<vmem>>, vector<16xf32>,
    %swap3A_57 = arith.constant 1 : i32
    %swap3A_58 = arith.index_cast %swap3A_57 : i32 to index
    %swap3A_59 = arith.constant 96 : index
    %swap3A_60 = tpu.vector_load %arg9[%swap3A_58, %swap3A_59] {strides = array<i32>} : memref<16x128xf32, #tpu.memory_space<vmem>>, vector<16xf32>,
    tpu.vector_store %arg9[%swap3A_58, %swap3A_59], %broadcast_in_dim3A_1 {strides = array<i32>} : memref<16x128xf32, #tpu.memory_space<vmem>>, vector<16xf32>,
    %swap3A_61 = arith.constant 1 : i32
    %swap3A_62 = arith.index_cast %swap3A_61 : i32 to index
    %swap3A_63 = arith.constant 112 : index
    %swap3A_64 = tpu.vector_load %arg9[%swap3A_62, %swap3A_63] {strides = array<i32>} : memref<16x128xf32, #tpu.memory_space<vmem>>, vector<16xf32>,
    tpu.vector_store %arg9[%swap3A_62, %swap3A_63], %broadcast_in_dim3A_1 {strides = array<i32>} : memref<16x128xf32, #tpu.memory_space<vmem>>, vector<16xf32>,
    %swap3A_65 = arith.constant 2 : i32
    %swap3A_66 = arith.index_cast %swap3A_65 : i32 to index
    %swap3A_67 = arith.constant 0 : index
    %swap3A_68 = tpu.vector_load %arg9[%swap3A_66, %swap3A_67] {strides = array<i32>} : memref<16x128xf32, #tpu.memory_space<vmem>>, vector<16xf32>,
    tpu.vector_store %arg9[%swap3A_66, %swap3A_67], %broadcast_in_dim3A_1 {strides = array<i32>} : memref<16x128xf32, #tpu.memory_space<vmem>>, vector<16xf32>,
    %swap3A_69 = arith.constant 2 : i32
    %swap3A_70 = arith.index_cast %swap3A_69 : i32 to index
    %swap3A_71 = arith.constant 16 : index
    %swap3A_72 = tpu.vector_load %arg9[%swap3A_70, %swap3A_71] {strides = array<i32>} : memref<16x128xf32, #tpu.memory_space<vmem>>, vector<16xf32>,
    tpu.vector_store %arg9[%swap3A_70, %swap3A_71], %broadcast_in_dim3A_1 {strides = array<i32>} : memref<16x128xf32, #tpu.memory_space<vmem>>, vector<16xf32>,
    %swap3A_73 = arith.constant 2 : i32
    %swap3A_74 = arith.index_cast %swap3A_73 : i32 to index
    %swap3A_75 = arith.constant 32 : index
    %swap3A_76 = tpu.vector_load %arg9[%swap3A_74, %swap3A_75] {strides = array<i32>} : memref<16x128xf32, #tpu.memory_space<vmem>>, vector<16xf32>,
    tpu.vector_store %arg9[%swap3A_74, %swap3A_75], %broadcast_in_dim3A_1 {strides = array<i32>} : memref<16x128xf32, #tpu.memory_space<vmem>>, vector<16xf32>,
    %swap3A_77 = arith.constant 2 : i32
    %swap3A_78 = arith.index_cast %swap3A_77 : i32 to index
    %swap3A_79 = arith.constant 48 : index
    %swap3A_80 = tpu.vector_load %arg9[%swap3A_78, %swap3A_79] {strides = array<i32>} : memref<16x128xf32, #tpu.memory_space<vmem>>, vector<16xf32>,
    tpu.vector_store %arg9[%swap3A_78, %swap3A_79], %broadcast_in_dim3A_1 {strides = array<i32>} : memref<16x128xf32, #tpu.memory_space<vmem>>, vector<16xf32>,
    %swap3A_81 = arith.constant 2 : i32
    %swap3A_82 = arith.index_cast %swap3A_81 : i32 to index
    %swap3A_83 = arith.constant 64 : index
    %swap3A_84 = tpu.vector_load %arg9[%swap3A_82, %swap3A_83] {strides = array<i32>} : memref<16x128xf32, #tpu.memory_space<vmem>>, vector<16xf32>,
    tpu.vector_store %arg9[%swap3A_82, %swap3A_83], %broadcast_in_dim3A_1 {strides = array<i32>} : memref<16x128xf32, #tpu.memory_space<vmem>>, vector<16xf32>,
    %swap3A_85 = arith.constant 2 : i32
    %swap3A_86 = arith.index_cast %swap3A_85 : i32 to index
    %swap3A_87 = arith.constant 80 : index
    %swap3A_88 = tpu.vector_load %arg9[%swap3A_86, %swap3A_87] {strides = array<i32>} : memref<16x128xf32, #tpu.memory_space<vmem>>, vector<16xf32>,
    tpu.vector_store %arg9[%swap3A_86, %swap3A_87], %broadcast_in_dim3A_1 {strides = array<i32>} : memref<16x128xf32, #tpu.memory_space<vmem>>, vector<16xf32>,
    %swap3A_89 = arith.constant 2 : i32
    %swap3A_90 = arith.index_cast %swap3A_89 : i32 to index
    %swap3A_91 = arith.constant 96 : index
    %swap3A_92 = tpu.vector_load %arg9[%swap3A_90, %swap3A_91] {strides = array<i32>} : memref<16x128xf32, #tpu.memory_space<vmem>>, vector<16xf32>,
    tpu.vector_store %arg9[%swap3A_90, %swap3A_91], %broadcast_in_dim3A_1 {strides = array<i32>} : memref<16x128xf32, #tpu.memory_space<vmem>>, vector<16xf32>,
    %swap3A_93 = arith.constant 2 : i32
    %swap3A_94 = arith.index_cast %swap3A_93 : i32 to index
    %swap3A_95 = arith.constant 112 : index
    %swap3A_96 = tpu.vector_load %arg9[%swap3A_94, %swap3A_95] {strides = array<i32>} : memref<16x128xf32, #tpu.memory_space<vmem>>, vector<16xf32>,
    tpu.vector_store %arg9[%swap3A_94, %swap3A_95], %broadcast_in_dim3A_1 {strides = array<i32>} : memref<16x128xf32, #tpu.memory_space<vmem>>, vector<16xf32>,
    %swap3A_97 = arith.constant 3 : i32
    %swap3A_98 = arith.index_cast %swap3A_97 : i32 to index
    %swap3A_99 = arith.constant 0 : index
    %swap3A_100 = tpu.vector_load %arg9[%swap3A_98, %swap3A_99] {strides = array<i32>} : memref<16x128xf32, #tpu.memory_space<vmem>>, vector<16xf32>,
    tpu.vector_store %arg9[%swap3A_98, %swap3A_99], %broadcast_in_dim3A_1 {strides = array<i32>} : memref<16x128xf32, #tpu.memory_space<vmem>>, vector<16xf32>,
    %swap3A_101 = arith.constant 3 : i32
    %swap3A_102 = arith.index_cast %swap3A_101 : i32 to index
    %swap3A_103 = arith.constant 16 : index
    %swap3A_104 = tpu.vector_load %arg9[%swap3A_102, %swap3A_103] {strides = array<i32>} : memref<16x128xf32, #tpu.memory_space<vmem>>, vector<16xf32>,
    tpu.vector_store %arg9[%swap3A_102, %swap3A_103], %broadcast_in_dim3A_1 {strides = array<i32>} : memref<16x128xf32, #tpu.memory_space<vmem>>, vector<16xf32>,
    %swap3A_105 = arith.constant 3 : i32
    %swap3A_106 = arith.index_cast %swap3A_105 : i32 to index
    %swap3A_107 = arith.constant 32 : index
    %swap3A_108 = tpu.vector_load %arg9[%swap3A_106, %swap3A_107] {strides = array<i32>} : memref<16x128xf32, #tpu.memory_space<vmem>>, vector<16xf32>,
    tpu.vector_store %arg9[%swap3A_106, %swap3A_107], %broadcast_in_dim3A_1 {strides = array<i32>} : memref<16x128xf32, #tpu.memory_space<vmem>>, vector<16xf32>,
    %swap3A_109 = arith.constant 3 : i32
    %swap3A_110 = arith.index_cast %swap3A_109 : i32 to index
    %swap3A_111 = arith.constant 48 : index
    %swap3A_112 = tpu.vector_load %arg9[%swap3A_110, %swap3A_111] {strides = array<i32>} : memref<16x128xf32, #tpu.memory_space<vmem>>, vector<16xf32>,
    tpu.vector_store %arg9[%swap3A_110, %swap3A_111], %broadcast_in_dim3A_1 {strides = array<i32>} : memref<16x128xf32, #tpu.memory_space<vmem>>, vector<16xf32>,
    %swap3A_113 = arith.constant 3 : i32
    %swap3A_114 = arith.index_cast %swap3A_113 : i32 to index
    %swap3A_115 = arith.constant 64 : index
    %swap3A_116 = tpu.vector_load %arg9[%swap3A_114, %swap3A_115] {strides = array<i32>} : memref<16x128xf32, #tpu.memory_space<vmem>>, vector<16xf32>,
    tpu.vector_store %arg9[%swap3A_114, %swap3A_115], %broadcast_in_dim3A_1 {strides = array<i32>} : memref<16x128xf32, #tpu.memory_space<vmem>>, vector<16xf32>,
    %swap3A_117 = arith.constant 3 : i32
    %swap3A_118 = arith.index_cast %swap3A_117 : i32 to index
    %swap3A_119 = arith.constant 80 : index
    %swap3A_120 = tpu.vector_load %arg9[%swap3A_118, %swap3A_119] {strides = array<i32>} : memref<16x128xf32, #tpu.memory_space<vmem>>, vector<16xf32>,
    tpu.vector_store %arg9[%swap3A_118, %swap3A_119], %broadcast_in_dim3A_1 {strides = array<i32>} : memref<16x128xf32, #tpu.memory_space<vmem>>, vector<16xf32>,
    %swap3A_121 = arith.constant 3 : i32
    %swap3A_122 = arith.index_cast %swap3A_121 : i32 to index
    %swap3A_123 = arith.constant 96 : index
    %swap3A_124 = tpu.vector_load %arg9[%swap3A_122, %swap3A_123] {strides = array<i32>} : memref<16x128xf32, #tpu.memory_space<vmem>>, vector<16xf32>,
    tpu.vector_store %arg9[%swap3A_122, %swap3A_123], %broadcast_in_dim3A_1 {strides = array<i32>} : memref<16x128xf32, #tpu.memory_space<vmem>>, vector<16xf32>,
    %swap3A_125 = arith.constant 3 : i32
    %swap3A_126 = arith.index_cast %swap3A_125 : i32 to index
    %swap3A_127 = arith.constant 112 : index
    %swap3A_128 = tpu.vector_load %arg9[%swap3A_126, %swap3A_127] {strides = array<i32>} : memref<16x128xf32, #tpu.memory_space<vmem>>, vector<16xf32>,
    tpu.vector_store %arg9[%swap3A_126, %swap3A_127], %broadcast_in_dim3A_1 {strides = array<i32>} : memref<16x128xf32, #tpu.memory_space<vmem>>, vector<16xf32>,
    %swap3A_129 = arith.constant 4 : i32
    %swap3A_130 = arith.index_cast %swap3A_129 : i32 to index
    %swap3A_131 = arith.constant 0 : index
    %swap3A_132 = tpu.vector_load %arg9[%swap3A_130, %swap3A_131] {strides = array<i32>} : memref<16x128xf32, #tpu.memory_space<vmem>>, vector<16xf32>,
    tpu.vector_store %arg9[%swap3A_130, %swap3A_131], %broadcast_in_dim3A_1 {strides = array<i32>} : memref<16x128xf32, #tpu.memory_space<vmem>>, vector<16xf32>,
    %swap3A_133 = arith.constant 4 : i32
    %swap3A_134 = arith.index_cast %swap3A_133 : i32 to index
    %swap3A_135 = arith.constant 16 : index
    %swap3A_136 = tpu.vector_load %arg9[%swap3A_134, %swap3A_135] {strides = array<i32>} : memref<16x128xf32, #tpu.memory_space<vmem>>, vector<16xf32>,
    tpu.vector_store %arg9[%swap3A_134, %swap3A_135], %broadcast_in_dim3A_1 {strides = array<i32>} : memref<16x128xf32, #tpu.memory_space<vmem>>, vector<16xf32>,
    %swap3A_137 = arith.constant 4 : i32
    %swap3A_138 = arith.index_cast %swap3A_137 : i32 to index
    %swap3A_139 = arith.constant 32 : index
    %swap3A_140 = tpu.vector_load %arg9[%swap3A_138, %swap3A_139] {strides = array<i32>} : memref<16x128xf32, #tpu.memory_space<vmem>>, vector<16xf32>,
    tpu.vector_store %arg9[%swap3A_138, %swap3A_139], %broadcast_in_dim3A_1 {strides = array<i32>} : memref<16x128xf32, #tpu.memory_space<vmem>>, vector<16xf32>,
    %swap3A_141 = arith.constant 4 : i32
    %swap3A_142 = arith.index_cast %swap3A_141 : i32 to index
    %swap3A_143 = arith.constant 48 : index
    %swap3A_144 = tpu.vector_load %arg9[%swap3A_142, %swap3A_143] {strides = array<i32>} : memref<16x128xf32, #tpu.memory_space<vmem>>, vector<16xf32>,
    tpu.vector_store %arg9[%swap3A_142, %swap3A_143], %broadcast_in_dim3A_1 {strides = array<i32>} : memref<16x128xf32, #tpu.memory_space<vmem>>, vector<16xf32>,
    %swap3A_145 = arith.constant 4 : i32
    %swap3A_146 = arith.index_cast %swap3A_145 : i32 to index
    %swap3A_147 = arith.constant 64 : index
    %swap3A_148 = tpu.vector_load %arg9[%swap3A_146, %swap3A_147] {strides = array<i32>} : memref<16x128xf32, #tpu.memory_space<vmem>>, vector<16xf32>,
    tpu.vector_store %arg9[%swap3A_146, %swap3A_147], %broadcast_in_dim3A_1 {strides = array<i32>} : memref<16x128xf32, #tpu.memory_space<vmem>>, vector<16xf32>,
    %swap3A_149 = arith.constant 4 : i32
    %swap3A_150 = arith.index_cast %swap3A_149 : i32 to index
    %swap3A_151 = arith.constant 80 : index
    %swap3A_152 = tpu.vector_load %arg9[%swap3A_150, %swap3A_151] {strides = array<i32>} : memref<16x128xf32, #tpu.memory_space<vmem>>, vector<16xf32>,
    tpu.vector_store %arg9[%swap3A_150, %swap3A_151], %broadcast_in_dim3A_1 {strides = array<i32>} : memref<16x128xf32, #tpu.memory_space<vmem>>, vector<16xf32>,
    %swap3A_153 = arith.constant 4 : i32
    %swap3A_154 = arith.index_cast %swap3A_153 : i32 to index
    %swap3A_155 = arith.constant 96 : index
    %swap3A_156 = tpu.vector_load %arg9[%swap3A_154, %swap3A_155] {strides = array<i32>} : memref<16x128xf32, #tpu.memory_space<vmem>>, vector<16xf32>,
    tpu.vector_store %arg9[%swap3A_154, %swap3A_155], %broadcast_in_dim3A_1 {strides = array<i32>} : memref<16x128xf32, #tpu.memory_space<vmem>>, vector<16xf32>,
    %swap3A_157 = arith.constant 4 : i32
    %swap3A_158 = arith.index_cast %swap3A_157 : i32 to index
    %swap3A_159 = arith.constant 112 : index
    %swap3A_160 = tpu.vector_load %arg9[%swap3A_158, %swap3A_159] {strides = array<i32>} : memref<16x128xf32, #tpu.memory_space<vmem>>, vector<16xf32>,
    tpu.vector_store %arg9[%swap3A_158, %swap3A_159], %broadcast_in_dim3A_1 {strides = array<i32>} : memref<16x128xf32, #tpu.memory_space<vmem>>, vector<16xf32>,
    %swap3A_161 = arith.constant 5 : i32
    %swap3A_162 = arith.index_cast %swap3A_161 : i32 to index
    %swap3A_163 = arith.constant 0 : index
    %swap3A_164 = tpu.vector_load %arg9[%swap3A_162, %swap3A_163] {strides = array<i32>} : memref<16x128xf32, #tpu.memory_space<vmem>>, vector<16xf32>,
    tpu.vector_store %arg9[%swap3A_162, %swap3A_163], %broadcast_in_dim3A_1 {strides = array<i32>} : memref<16x128xf32, #tpu.memory_space<vmem>>, vector<16xf32>,
    %swap3A_165 = arith.constant 5 : i32
    %swap3A_166 = arith.index_cast %swap3A_165 : i32 to index
    %swap3A_167 = arith.constant 16 : index
    %swap3A_168 = tpu.vector_load %arg9[%swap3A_166, %swap3A_167] {strides = array<i32>} : memref<16x128xf32, #tpu.memory_space<vmem>>, vector<16xf32>,
    tpu.vector_store %arg9[%swap3A_166, %swap3A_167], %broadcast_in_dim3A_1 {strides = array<i32>} : memref<16x128xf32, #tpu.memory_space<vmem>>, vector<16xf32>,
    %swap3A_169 = arith.constant 5 : i32
    %swap3A_170 = arith.index_cast %swap3A_169 : i32 to index
    %swap3A_171 = arith.constant 32 : index
    %swap3A_172 = tpu.vector_load %arg9[%swap3A_170, %swap3A_171] {strides = array<i32>} : memref<16x128xf32, #tpu.memory_space<vmem>>, vector<16xf32>,
    tpu.vector_store %arg9[%swap3A_170, %swap3A_171], %broadcast_in_dim3A_1 {strides = array<i32>} : memref<16x128xf32, #tpu.memory_space<vmem>>, vector<16xf32>,
    %swap3A_173 = arith.constant 5 : i32
    %swap3A_174 = arith.index_cast %swap3A_173 : i32 to index
    %swap3A_175 = arith.constant 48 : index
    %swap3A_176 = tpu.vector_load %arg9[%swap3A_174, %swap3A_175] {strides = array<i32>} : memref<16x128xf32, #tpu.memory_space<vmem>>, vector<16xf32>,
    tpu.vector_store %arg9[%swap3A_174, %swap3A_175], %broadcast_in_dim3A_1 {strides = array<i32>} : memref<16x128xf32, #tpu.memory_space<vmem>>, vector<16xf32>,
    %swap3A_177 = arith.constant 5 : i32
    %swap3A_178 = arith.index_cast %swap3A_177 : i32 to index
    %swap3A_179 = arith.constant 64 : index
    %swap3A_180 = tpu.vector_load %arg9[%swap3A_178, %swap3A_179] {strides = array<i32>} : memref<16x128xf32, #tpu.memory_space<vmem>>, vector<16xf32>,
    tpu.vector_store %arg9[%swap3A_178, %swap3A_179], %broadcast_in_dim3A_1 {strides = array<i32>} : memref<16x128xf32, #tpu.memory_space<vmem>>, vector<16xf32>,
    %swap3A_181 = arith.constant 5 : i32
    %swap3A_182 = arith.index_cast %swap3A_181 : i32 to index
    %swap3A_183 = arith.constant 80 : index
    %swap3A_184 = tpu.vector_load %arg9[%swap3A_182, %swap3A_183] {strides = array<i32>} : memref<16x128xf32, #tpu.memory_space<vmem>>, vector<16xf32>,
    tpu.vector_store %arg9[%swap3A_182, %swap3A_183], %broadcast_in_dim3A_1 {strides = array<i32>} : memref<16x128xf32, #tpu.memory_space<vmem>>, vector<16xf32>,
    %swap3A_185 = arith.constant 5 : i32
    %swap3A_186 = arith.index_cast %swap3A_185 : i32 to index
    %swap3A_187 = arith.constant 96 : index
    %swap3A_188 = tpu.vector_load %arg9[%swap3A_186, %swap3A_187] {strides = array<i32>} : memref<16x128xf32, #tpu.memory_space<vmem>>, vector<16xf32>,
    tpu.vector_store %arg9[%swap3A_186, %swap3A_187], %broadcast_in_dim3A_1 {strides = array<i32>} : memref<16x128xf32, #tpu.memory_space<vmem>>, vector<16xf32>,
    %swap3A_189 = arith.constant 5 : i32
    %swap3A_190 = arith.index_cast %swap3A_189 : i32 to index
    %swap3A_191 = arith.constant 112 : index
    %swap3A_192 = tpu.vector_load %arg9[%swap3A_190, %swap3A_191] {strides = array<i32>} : memref<16x128xf32, #tpu.memory_space<vmem>>, vector<16xf32>,
    tpu.vector_store %arg9[%swap3A_190, %swap3A_191], %broadcast_in_dim3A_1 {strides = array<i32>} : memref<16x128xf32, #tpu.memory_space<vmem>>, vector<16xf32>,
    %swap3A_193 = arith.constant 6 : i32
    %swap3A_194 = arith.index_cast %swap3A_193 : i32 to index
    %swap3A_195 = arith.constant 0 : index
    %swap3A_196 = tpu.vector_load %arg9[%swap3A_194, %swap3A_195] {strides = array<i32>} : memref<16x128xf32, #tpu.memory_space<vmem>>, vector<16xf32>,
    tpu.vector_store %arg9[%swap3A_194, %swap3A_195], %broadcast_in_dim3A_1 {strides = array<i32>} : memref<16x128xf32, #tpu.memory_space<vmem>>, vector<16xf32>,
    %swap3A_197 = arith.constant 6 : i32
    %swap3A_198 = arith.index_cast %swap3A_197 : i32 to index
    %swap3A_199 = arith.constant 16 : index
    %swap3A_200 = tpu.vector_load %arg9[%swap3A_198, %swap3A_199] {strides = array<i32>} : memref<16x128xf32, #tpu.memory_space<vmem>>, vector<16xf32>,
    tpu.vector_store %arg9[%swap3A_198, %swap3A_199], %broadcast_in_dim3A_1 {strides = array<i32>} : memref<16x128xf32, #tpu.memory_space<vmem>>, vector<16xf32>,
    %swap3A_201 = arith.constant 6 : i32
    %swap3A_202 = arith.index_cast %swap3A_201 : i32 to index
    %swap3A_203 = arith.constant 32 : index
    %swap3A_204 = tpu.vector_load %arg9[%swap3A_202, %swap3A_203] {strides = array<i32>} : memref<16x128xf32, #tpu.memory_space<vmem>>, vector<16xf32>,
    tpu.vector_store %arg9[%swap3A_202, %swap3A_203], %broadcast_in_dim3A_1 {strides = array<i32>} : memref<16x128xf32, #tpu.memory_space<vmem>>, vector<16xf32>,
    %swap3A_205 = arith.constant 6 : i32
    %swap3A_206 = arith.index_cast %swap3A_205 : i32 to index
    %swap3A_207 = arith.constant 48 : index
    %swap3A_208 = tpu.vector_load %arg9[%swap3A_206, %swap3A_207] {strides = array<i32>} : memref<16x128xf32, #tpu.memory_space<vmem>>, vector<16xf32>,
    tpu.vector_store %arg9[%swap3A_206, %swap3A_207], %broadcast_in_dim3A_1 {strides = array<i32>} : memref<16x128xf32, #tpu.memory_space<vmem>>, vector<16xf32>,
    %swap3A_209 = arith.constant 6 : i32
    %swap3A_210 = arith.index_cast %swap3A_209 : i32 to index
    %swap3A_211 = arith.constant 64 : index
    %swap3A_212 = tpu.vector_load %arg9[%swap3A_210, %swap3A_211] {strides = array<i32>} : memref<16x128xf32, #tpu.memory_space<vmem>>, vector<16xf32>,
    tpu.vector_store %arg9[%swap3A_210, %swap3A_211], %broadcast_in_dim3A_1 {strides = array<i32>} : memref<16x128xf32, #tpu.memory_space<vmem>>, vector<16xf32>,
    %swap3A_213 = arith.constant 6 : i32
    %swap3A_214 = arith.index_cast %swap3A_213 : i32 to index
    %swap3A_215 = arith.constant 80 : index
    %swap3A_216 = tpu.vector_load %arg9[%swap3A_214, %swap3A_215] {strides = array<i32>} : memref<16x128xf32, #tpu.memory_space<vmem>>, vector<16xf32>,
    tpu.vector_store %arg9[%swap3A_214, %swap3A_215], %broadcast_in_dim3A_1 {strides = array<i32>} : memref<16x128xf32, #tpu.memory_space<vmem>>, vector<16xf32>,
    %swap3A_217 = arith.constant 6 : i32
    %swap3A_218 = arith.index_cast %swap3A_217 : i32 to index
    %swap3A_219 = arith.constant 96 : index
    %swap3A_220 = tpu.vector_load %arg9[%swap3A_218, %swap3A_219] {strides = array<i32>} : memref<16x128xf32, #tpu.memory_space<vmem>>, vector<16xf32>,
    tpu.vector_store %arg9[%swap3A_218, %swap3A_219], %broadcast_in_dim3A_1 {strides = array<i32>} : memref<16x128xf32, #tpu.memory_space<vmem>>, vector<16xf32>,
    %swap3A_221 = arith.constant 6 : i32
    %swap3A_222 = arith.index_cast %swap3A_221 : i32 to index
    %swap3A_223 = arith.constant 112 : index
    %swap3A_224 = tpu.vector_load %arg9[%swap3A_222, %swap3A_223] {strides = array<i32>} : memref<16x128xf32, #tpu.memory_space<vmem>>, vector<16xf32>,
    tpu.vector_store %arg9[%swap3A_222, %swap3A_223], %broadcast_in_dim3A_1 {strides = array<i32>} : memref<16x128xf32, #tpu.memory_space<vmem>>, vector<16xf32>,
    %swap3A_225 = arith.constant 7 : i32
    %swap3A_226 = arith.index_cast %swap3A_225 : i32 to index
    %swap3A_227 = arith.constant 0 : index
    %swap3A_228 = tpu.vector_load %arg9[%swap3A_226, %swap3A_227] {strides = array<i32>} : memref<16x128xf32, #tpu.memory_space<vmem>>, vector<16xf32>,
    tpu.vector_store %arg9[%swap3A_226, %swap3A_227], %broadcast_in_dim3A_1 {strides = array<i32>} : memref<16x128xf32, #tpu.memory_space<vmem>>, vector<16xf32>,
    %swap3A_229 = arith.constant 7 : i32
    %swap3A_230 = arith.index_cast %swap3A_229 : i32 to index
    %swap3A_231 = arith.constant 16 : index
    %swap3A_232 = tpu.vector_load %arg9[%swap3A_230, %swap3A_231] {strides = array<i32>} : memref<16x128xf32, #tpu.memory_space<vmem>>, vector<16xf32>,
    tpu.vector_store %arg9[%swap3A_230, %swap3A_231], %broadcast_in_dim3A_1 {strides = array<i32>} : memref<16x128xf32, #tpu.memory_space<vmem>>, vector<16xf32>,
    %swap3A_233 = arith.constant 7 : i32
    %swap3A_234 = arith.index_cast %swap3A_233 : i32 to index
    %swap3A_235 = arith.constant 32 : index
    %swap3A_236 = tpu.vector_load %arg9[%swap3A_234, %swap3A_235] {strides = array<i32>} : memref<16x128xf32, #tpu.memory_space<vmem>>, vector<16xf32>,
    tpu.vector_store %arg9[%swap3A_234, %swap3A_235], %broadcast_in_dim3A_1 {strides = array<i32>} : memref<16x128xf32, #tpu.memory_space<vmem>>, vector<16xf32>,
    %swap3A_237 = arith.constant 7 : i32
    %swap3A_238 = arith.index_cast %swap3A_237 : i32 to index
    %swap3A_239 = arith.constant 48 : index
    %swap3A_240 = tpu.vector_load %arg9[%swap3A_238, %swap3A_239] {strides = array<i32>} : memref<16x128xf32, #tpu.memory_space<vmem>>, vector<16xf32>,
    tpu.vector_store %arg9[%swap3A_238, %swap3A_239], %broadcast_in_dim3A_1 {strides = array<i32>} : memref<16x128xf32, #tpu.memory_space<vmem>>, vector<16xf32>,
    %swap3A_241 = arith.constant 7 : i32
    %swap3A_242 = arith.index_cast %swap3A_241 : i32 to index
    %swap3A_243 = arith.constant 64 : index
    %swap3A_244 = tpu.vector_load %arg9[%swap3A_242, %swap3A_243] {strides = array<i32>} : memref<16x128xf32, #tpu.memory_space<vmem>>, vector<16xf32>,
    tpu.vector_store %arg9[%swap3A_242, %swap3A_243], %broadcast_in_dim3A_1 {strides = array<i32>} : memref<16x128xf32, #tpu.memory_space<vmem>>, vector<16xf32>,
    %swap3A_245 = arith.constant 7 : i32
    %swap3A_246 = arith.index_cast %swap3A_245 : i32 to index
    %swap3A_247 = arith.constant 80 : index
    %swap3A_248 = tpu.vector_load %arg9[%swap3A_246, %swap3A_247] {strides = array<i32>} : memref<16x128xf32, #tpu.memory_space<vmem>>, vector<16xf32>,
    tpu.vector_store %arg9[%swap3A_246, %swap3A_247], %broadcast_in_dim3A_1 {strides = array<i32>} : memref<16x128xf32, #tpu.memory_space<vmem>>, vector<16xf32>,
    %swap3A_249 = arith.constant 7 : i32
    %swap3A_250 = arith.index_cast %swap3A_249 : i32 to index
    %swap3A_251 = arith.constant 96 : index
    %swap3A_252 = tpu.vector_load %arg9[%swap3A_250, %swap3A_251] {strides = array<i32>} : memref<16x128xf32, #tpu.memory_space<vmem>>, vector<16xf32>,
    tpu.vector_store %arg9[%swap3A_250, %swap3A_251], %broadcast_in_dim3A_1 {strides = array<i32>} : memref<16x128xf32, #tpu.memory_space<vmem>>, vector<16xf32>,
    %swap3A_253 = arith.constant 7 : i32
    %swap3A_254 = arith.index_cast %swap3A_253 : i32 to index
    %swap3A_255 = arith.constant 112 : index
    %swap3A_256 = tpu.vector_load %arg9[%swap3A_254, %swap3A_255] {strides = array<i32>} : memref<16x128xf32, #tpu.memory_space<vmem>>, vector<16xf32>,
    tpu.vector_store %arg9[%swap3A_254, %swap3A_255], %broadcast_in_dim3A_1 {strides = array<i32>} : memref<16x128xf32, #tpu.memory_space<vmem>>, vector<16xf32>,
    %swap3A_257 = arith.constant 8 : i32
    %swap3A_258 = arith.index_cast %swap3A_257 : i32 to index
    %swap3A_259 = arith.constant 0 : index
    %swap3A_260 = tpu.vector_load %arg9[%swap3A_258, %swap3A_259] {strides = array<i32>} : memref<16x128xf32, #tpu.memory_space<vmem>>, vector<16xf32>,
    tpu.vector_store %arg9[%swap3A_258, %swap3A_259], %broadcast_in_dim3A_1 {strides = array<i32>} : memref<16x128xf32, #tpu.memory_space<vmem>>, vector<16xf32>,
    %swap3A_261 = arith.constant 8 : i32
    %swap3A_262 = arith.index_cast %swap3A_261 : i32 to index
    %swap3A_263 = arith.constant 16 : index
    %swap3A_264 = tpu.vector_load %arg9[%swap3A_262, %swap3A_263] {strides = array<i32>} : memref<16x128xf32, #tpu.memory_space<vmem>>, vector<16xf32>,
    tpu.vector_store %arg9[%swap3A_262, %swap3A_263], %broadcast_in_dim3A_1 {strides = array<i32>} : memref<16x128xf32, #tpu.memory_space<vmem>>, vector<16xf32>,
    %swap3A_265 = arith.constant 8 : i32
    %swap3A_266 = arith.index_cast %swap3A_265 : i32 to index
    %swap3A_267 = arith.constant 32 : index
    %swap3A_268 = tpu.vector_load %arg9[%swap3A_266, %swap3A_267] {strides = array<i32>} : memref<16x128xf32, #tpu.memory_space<vmem>>, vector<16xf32>,
    tpu.vector_store %arg9[%swap3A_266, %swap3A_267], %broadcast_in_dim3A_1 {strides = array<i32>} : memref<16x128xf32, #tpu.memory_space<vmem>>, vector<16xf32>,
    %swap3A_269 = arith.constant 8 : i32
    %swap3A_270 = arith.index_cast %swap3A_269 : i32 to index
    %swap3A_271 = arith.constant 48 : index
    %swap3A_272 = tpu.vector_load %arg9[%swap3A_270, %swap3A_271] {strides = array<i32>} : memref<16x128xf32, #tpu.memory_space<vmem>>, vector<16xf32>,
    tpu.vector_store %arg9[%swap3A_270, %swap3A_271], %broadcast_in_dim3A_1 {strides = array<i32>} : memref<16x128xf32, #tpu.memory_space<vmem>>, vector<16xf32>,
    %swap3A_273 = arith.constant 8 : i32
    %swap3A_274 = arith.index_cast %swap3A_273 : i32 to index
    %swap3A_275 = arith.constant 64 : index
    %swap3A_276 = tpu.vector_load %arg9[%swap3A_274, %swap3A_275] {strides = array<i32>} : memref<16x128xf32, #tpu.memory_space<vmem>>, vector<16xf32>,
    tpu.vector_store %arg9[%swap3A_274, %swap3A_275], %broadcast_in_dim3A_1 {strides = array<i32>} : memref<16x128xf32, #tpu.memory_space<vmem>>, vector<16xf32>,
    %swap3A_277 = arith.constant 8 : i32
    %swap3A_278 = arith.index_cast %swap3A_277 : i32 to index
    %swap3A_279 = arith.constant 80 : index
    %swap3A_280 = tpu.vector_load %arg9[%swap3A_278, %swap3A_279] {strides = array<i32>} : memref<16x128xf32, #tpu.memory_space<vmem>>, vector<16xf32>,
    tpu.vector_store %arg9[%swap3A_278, %swap3A_279], %broadcast_in_dim3A_1 {strides = array<i32>} : memref<16x128xf32, #tpu.memory_space<vmem>>, vector<16xf32>,
    %swap3A_281 = arith.constant 8 : i32
    %swap3A_282 = arith.index_cast %swap3A_281 : i32 to index
    %swap3A_283 = arith.constant 96 : index
    %swap3A_284 = tpu.vector_load %arg9[%swap3A_282, %swap3A_283] {strides = array<i32>} : memref<16x128xf32, #tpu.memory_space<vmem>>, vector<16xf32>,
    tpu.vector_store %arg9[%swap3A_282, %swap3A_283], %broadcast_in_dim3A_1 {strides = array<i32>} : memref<16x128xf32, #tpu.memory_space<vmem>>, vector<16xf32>,
    %swap3A_285 = arith.constant 8 : i32
    %swap3A_286 = arith.index_cast %swap3A_285 : i32 to index
    %swap3A_287 = arith.constant 112 : index
    %swap3A_288 = tpu.vector_load %arg9[%swap3A_286, %swap3A_287] {strides = array<i32>} : memref<16x128xf32, #tpu.memory_space<vmem>>, vector<16xf32>,
    tpu.vector_store %arg9[%swap3A_286, %swap3A_287], %broadcast_in_dim3A_1 {strides = array<i32>} : memref<16x128xf32, #tpu.memory_space<vmem>>, vector<16xf32>,
    %swap3A_289 = arith.constant 9 : i32
    %swap3A_290 = arith.index_cast %swap3A_289 : i32 to index
    %swap3A_291 = arith.constant 0 : index
    %swap3A_292 = tpu.vector_load %arg9[%swap3A_290, %swap3A_291] {strides = array<i32>} : memref<16x128xf32, #tpu.memory_space<vmem>>, vector<16xf32>,
    tpu.vector_store %arg9[%swap3A_290, %swap3A_291], %broadcast_in_dim3A_1 {strides = array<i32>} : memref<16x128xf32, #tpu.memory_space<vmem>>, vector<16xf32>,
    %swap3A_293 = arith.constant 9 : i32
    %swap3A_294 = arith.index_cast %swap3A_293 : i32 to index
    %swap3A_295 = arith.constant 16 : index
    %swap3A_296 = tpu.vector_load %arg9[%swap3A_294, %swap3A_295] {strides = array<i32>} : memref<16x128xf32, #tpu.memory_space<vmem>>, vector<16xf32>,
    tpu.vector_store %arg9[%swap3A_294, %swap3A_295], %broadcast_in_dim3A_1 {strides = array<i32>} : memref<16x128xf32, #tpu.memory_space<vmem>>, vector<16xf32>,
    %swap3A_297 = arith.constant 9 : i32
    %swap3A_298 = arith.index_cast %swap3A_297 : i32 to index
    %swap3A_299 = arith.constant 32 : index
    %swap3A_300 = tpu.vector_load %arg9[%swap3A_298, %swap3A_299] {strides = array<i32>} : memref<16x128xf32, #tpu.memory_space<vmem>>, vector<16xf32>,
    tpu.vector_store %arg9[%swap3A_298, %swap3A_299], %broadcast_in_dim3A_1 {strides = array<i32>} : memref<16x128xf32, #tpu.memory_space<vmem>>, vector<16xf32>,
    %swap3A_301 = arith.constant 9 : i32
    %swap3A_302 = arith.index_cast %swap3A_301 : i32 to index
    %swap3A_303 = arith.constant 48 : index
    %swap3A_304 = tpu.vector_load %arg9[%swap3A_302, %swap3A_303] {strides = array<i32>} : memref<16x128xf32, #tpu.memory_space<vmem>>, vector<16xf32>,
    tpu.vector_store %arg9[%swap3A_302, %swap3A_303], %broadcast_in_dim3A_1 {strides = array<i32>} : memref<16x128xf32, #tpu.memory_space<vmem>>, vector<16xf32>,
    %swap3A_305 = arith.constant 9 : i32
    %swap3A_306 = arith.index_cast %swap3A_305 : i32 to index
    %swap3A_307 = arith.constant 64 : index
    %swap3A_308 = tpu.vector_load %arg9[%swap3A_306, %swap3A_307] {strides = array<i32>} : memref<16x128xf32, #tpu.memory_space<vmem>>, vector<16xf32>,
    tpu.vector_store %arg9[%swap3A_306, %swap3A_307], %broadcast_in_dim3A_1 {strides = array<i32>} : memref<16x128xf32, #tpu.memory_space<vmem>>, vector<16xf32>,
    %swap3A_309 = arith.constant 9 : i32
    %swap3A_310 = arith.index_cast %swap3A_309 : i32 to index
    %swap3A_311 = arith.constant 80 : index
    %swap3A_312 = tpu.vector_load %arg9[%swap3A_310, %swap3A_311] {strides = array<i32>} : memref<16x128xf32, #tpu.memory_space<vmem>>, vector<16xf32>,
    tpu.vector_store %arg9[%swap3A_310, %swap3A_311], %broadcast_in_dim3A_1 {strides = array<i32>} : memref<16x128xf32, #tpu.memory_space<vmem>>, vector<16xf32>,
    %swap3A_313 = arith.constant 9 : i32
    %swap3A_314 = arith.index_cast %swap3A_313 : i32 to index
    %swap3A_315 = arith.constant 96 : index
    %swap3A_316 = tpu.vector_load %arg9[%swap3A_314, %swap3A_315] {strides = array<i32>} : memref<16x128xf32, #tpu.memory_space<vmem>>, vector<16xf32>,
    tpu.vector_store %arg9[%swap3A_314, %swap3A_315], %broadcast_in_dim3A_1 {strides = array<i32>} : memref<16x128xf32, #tpu.memory_space<vmem>>, vector<16xf32>,
    %swap3A_317 = arith.constant 9 : i32
    %swap3A_318 = arith.index_cast %swap3A_317 : i32 to index
    %swap3A_319 = arith.constant 112 : index
    %swap3A_320 = tpu.vector_load %arg9[%swap3A_318, %swap3A_319] {strides = array<i32>} : memref<16x128xf32, #tpu.memory_space<vmem>>, vector<16xf32>,
    tpu.vector_store %arg9[%swap3A_318, %swap3A_319], %broadcast_in_dim3A_1 {strides = array<i32>} : memref<16x128xf32, #tpu.memory_space<vmem>>, vector<16xf32>,
    %swap3A_321 = arith.constant 10 : i32
    %swap3A_322 = arith.index_cast %swap3A_321 : i32 to index
    %swap3A_323 = arith.constant 0 : index
    %swap3A_324 = tpu.vector_load %arg9[%swap3A_322, %swap3A_323] {strides = array<i32>} : memref<16x128xf32, #tpu.memory_space<vmem>>, vector<16xf32>,
    tpu.vector_store %arg9[%swap3A_322, %swap3A_323], %broadcast_in_dim3A_1 {strides = array<i32>} : memref<16x128xf32, #tpu.memory_space<vmem>>, vector<16xf32>,
    %swap3A_325 = arith.constant 10 : i32
    %swap3A_326 = arith.index_cast %swap3A_325 : i32 to index
    %swap3A_327 = arith.constant 16 : index
    %swap3A_328 = tpu.vector_load %arg9[%swap3A_326, %swap3A_327] {strides = array<i32>} : memref<16x128xf32, #tpu.memory_space<vmem>>, vector<16xf32>,
    tpu.vector_store %arg9[%swap3A_326, %swap3A_327], %broadcast_in_dim3A_1 {strides = array<i32>} : memref<16x128xf32, #tpu.memory_space<vmem>>, vector<16xf32>,
    %swap3A_329 = arith.constant 10 : i32
    %swap3A_330 = arith.index_cast %swap3A_329 : i32 to index
    %swap3A_331 = arith.constant 32 : index
    %swap3A_332 = tpu.vector_load %arg9[%swap3A_330, %swap3A_331] {strides = array<i32>} : memref<16x128xf32, #tpu.memory_space<vmem>>, vector<16xf32>,
    tpu.vector_store %arg9[%swap3A_330, %swap3A_331], %broadcast_in_dim3A_1 {strides = array<i32>} : memref<16x128xf32, #tpu.memory_space<vmem>>, vector<16xf32>,
    %swap3A_333 = arith.constant 10 : i32
    %swap3A_334 = arith.index_cast %swap3A_333 : i32 to index
    %swap3A_335 = arith.constant 48 : index
    %swap3A_336 = tpu.vector_load %arg9[%swap3A_334, %swap3A_335] {strides = array<i32>} : memref<16x128xf32, #tpu.memory_space<vmem>>, vector<16xf32>,
    tpu.vector_store %arg9[%swap3A_334, %swap3A_335], %broadcast_in_dim3A_1 {strides = array<i32>} : memref<16x128xf32, #tpu.memory_space<vmem>>, vector<16xf32>,
    %swap3A_337 = arith.constant 10 : i32
    %swap3A_338 = arith.index_cast %swap3A_337 : i32 to index
    %swap3A_339 = arith.constant 64 : index
    %swap3A_340 = tpu.vector_load %arg9[%swap3A_338, %swap3A_339] {strides = array<i32>} : memref<16x128xf32, #tpu.memory_space<vmem>>, vector<16xf32>,
    tpu.vector_store %arg9[%swap3A_338, %swap3A_339], %broadcast_in_dim3A_1 {strides = array<i32>} : memref<16x128xf32, #tpu.memory_space<vmem>>, vector<16xf32>,
    %swap3A_341 = arith.constant 10 : i32
    %swap3A_342 = arith.index_cast %swap3A_341 : i32 to index
    %swap3A_343 = arith.constant 80 : index
    %swap3A_344 = tpu.vector_load %arg9[%swap3A_342, %swap3A_343] {strides = array<i32>} : memref<16x128xf32, #tpu.memory_space<vmem>>, vector<16xf32>,
    tpu.vector_store %arg9[%swap3A_342, %swap3A_343], %broadcast_in_dim3A_1 {strides = array<i32>} : memref<16x128xf32, #tpu.memory_space<vmem>>, vector<16xf32>,
    %swap3A_345 = arith.constant 10 : i32
    %swap3A_346 = arith.index_cast %swap3A_345 : i32 to index
    %swap3A_347 = arith.constant 96 : index
    %swap3A_348 = tpu.vector_load %arg9[%swap3A_346, %swap3A_347] {strides = array<i32>} : memref<16x128xf32, #tpu.memory_space<vmem>>, vector<16xf32>,
    tpu.vector_store %arg9[%swap3A_346, %swap3A_347], %broadcast_in_dim3A_1 {strides = array<i32>} : memref<16x128xf32, #tpu.memory_space<vmem>>, vector<16xf32>,
    %swap3A_349 = arith.constant 10 : i32
    %swap3A_350 = arith.index_cast %swap3A_349 : i32 to index
    %swap3A_351 = arith.constant 112 : index
    %swap3A_352 = tpu.vector_load %arg9[%swap3A_350, %swap3A_351] {strides = array<i32>} : memref<16x128xf32, #tpu.memory_space<vmem>>, vector<16xf32>,
    tpu.vector_store %arg9[%swap3A_350, %swap3A_351], %broadcast_in_dim3A_1 {strides = array<i32>} : memref<16x128xf32, #tpu.memory_space<vmem>>, vector<16xf32>,
    %swap3A_353 = arith.constant 11 : i32
    %swap3A_354 = arith.index_cast %swap3A_353 : i32 to index
    %swap3A_355 = arith.constant 0 : index
    %swap3A_356 = tpu.vector_load %arg9[%swap3A_354, %swap3A_355] {strides = array<i32>} : memref<16x128xf32, #tpu.memory_space<vmem>>, vector<16xf32>,
    tpu.vector_store %arg9[%swap3A_354, %swap3A_355], %broadcast_in_dim3A_1 {strides = array<i32>} : memref<16x128xf32, #tpu.memory_space<vmem>>, vector<16xf32>,
    %swap3A_357 = arith.constant 11 : i32
    %swap3A_358 = arith.index_cast %swap3A_357 : i32 to index
    %swap3A_359 = arith.constant 16 : index
    %swap3A_360 = tpu.vector_load %arg9[%swap3A_358, %swap3A_359] {strides = array<i32>} : memref<16x128xf32, #tpu.memory_space<vmem>>, vector<16xf32>,
    tpu.vector_store %arg9[%swap3A_358, %swap3A_359], %broadcast_in_dim3A_1 {strides = array<i32>} : memref<16x128xf32, #tpu.memory_space<vmem>>, vector<16xf32>,
    %swap3A_361 = arith.constant 11 : i32
    %swap3A_362 = arith.index_cast %swap3A_361 : i32 to index
    %swap3A_363 = arith.constant 32 : index
    %swap3A_364 = tpu.vector_load %arg9[%swap3A_362, %swap3A_363] {strides = array<i32>} : memref<16x128xf32, #tpu.memory_space<vmem>>, vector<16xf32>,
    tpu.vector_store %arg9[%swap3A_362, %swap3A_363], %broadcast_in_dim3A_1 {strides = array<i32>} : memref<16x128xf32, #tpu.memory_space<vmem>>, vector<16xf32>,
    %swap3A_365 = arith.constant 11 : i32
    %swap3A_366 = arith.index_cast %swap3A_365 : i32 to index
    %swap3A_367 = arith.constant 48 : index
    %swap3A_368 = tpu.vector_load %arg9[%swap3A_366, %swap3A_367] {strides = array<i32>} : memref<16x128xf32, #tpu.memory_space<vmem>>, vector<16xf32>,
    tpu.vector_store %arg9[%swap3A_366, %swap3A_367], %broadcast_in_dim3A_1 {strides = array<i32>} : memref<16x128xf32, #tpu.memory_space<vmem>>, vector<16xf32>,
    %swap3A_369 = arith.constant 11 : i32
    %swap3A_370 = arith.index_cast %swap3A_369 : i32 to index
    %swap3A_371 = arith.constant 64 : index
    %swap3A_372 = tpu.vector_load %arg9[%swap3A_370, %swap3A_371] {strides = array<i32>} : memref<16x128xf32, #tpu.memory_space<vmem>>, vector<16xf32>,
    tpu.vector_store %arg9[%swap3A_370, %swap3A_371], %broadcast_in_dim3A_1 {strides = array<i32>} : memref<16x128xf32, #tpu.memory_space<vmem>>, vector<16xf32>,
    %swap3A_373 = arith.constant 11 : i32
    %swap3A_374 = arith.index_cast %swap3A_373 : i32 to index
    %swap3A_375 = arith.constant 80 : index
    %swap3A_376 = tpu.vector_load %arg9[%swap3A_374, %swap3A_375] {strides = array<i32>} : memref<16x128xf32, #tpu.memory_space<vmem>>, vector<16xf32>,
    tpu.vector_store %arg9[%swap3A_374, %swap3A_375], %broadcast_in_dim3A_1 {strides = array<i32>} : memref<16x128xf32, #tpu.memory_space<vmem>>, vector<16xf32>,
    %swap3A_377 = arith.constant 11 : i32
    %swap3A_378 = arith.index_cast %swap3A_377 : i32 to index
    %swap3A_379 = arith.constant 96 : index
    %swap3A_380 = tpu.vector_load %arg9[%swap3A_378, %swap3A_379] {strides = array<i32>} : memref<16x128xf32, #tpu.memory_space<vmem>>, vector<16xf32>,
    tpu.vector_store %arg9[%swap3A_378, %swap3A_379], %broadcast_in_dim3A_1 {strides = array<i32>} : memref<16x128xf32, #tpu.memory_space<vmem>>, vector<16xf32>,
    %swap3A_381 = arith.constant 11 : i32
    %swap3A_382 = arith.index_cast %swap3A_381 : i32 to index
    %swap3A_383 = arith.constant 112 : index
    %swap3A_384 = tpu.vector_load %arg9[%swap3A_382, %swap3A_383] {strides = array<i32>} : memref<16x128xf32, #tpu.memory_space<vmem>>, vector<16xf32>,
    tpu.vector_store %arg9[%swap3A_382, %swap3A_383], %broadcast_in_dim3A_1 {strides = array<i32>} : memref<16x128xf32, #tpu.memory_space<vmem>>, vector<16xf32>,
    %swap3A_385 = arith.constant 12 : i32
    %swap3A_386 = arith.index_cast %swap3A_385 : i32 to index
    %swap3A_387 = arith.constant 0 : index
    %swap3A_388 = tpu.vector_load %arg9[%swap3A_386, %swap3A_387] {strides = array<i32>} : memref<16x128xf32, #tpu.memory_space<vmem>>, vector<16xf32>,
    tpu.vector_store %arg9[%swap3A_386, %swap3A_387], %broadcast_in_dim3A_1 {strides = array<i32>} : memref<16x128xf32, #tpu.memory_space<vmem>>, vector<16xf32>,
    %swap3A_389 = arith.constant 12 : i32
    %swap3A_390 = arith.index_cast %swap3A_389 : i32 to index
    %swap3A_391 = arith.constant 16 : index
    %swap3A_392 = tpu.vector_load %arg9[%swap3A_390, %swap3A_391] {strides = array<i32>} : memref<16x128xf32, #tpu.memory_space<vmem>>, vector<16xf32>,
    tpu.vector_store %arg9[%swap3A_390, %swap3A_391], %broadcast_in_dim3A_1 {strides = array<i32>} : memref<16x128xf32, #tpu.memory_space<vmem>>, vector<16xf32>,
    %swap3A_393 = arith.constant 12 : i32
    %swap3A_394 = arith.index_cast %swap3A_393 : i32 to index
    %swap3A_395 = arith.constant 32 : index
    %swap3A_396 = tpu.vector_load %arg9[%swap3A_394, %swap3A_395] {strides = array<i32>} : memref<16x128xf32, #tpu.memory_space<vmem>>, vector<16xf32>,
    tpu.vector_store %arg9[%swap3A_394, %swap3A_395], %broadcast_in_dim3A_1 {strides = array<i32>} : memref<16x128xf32, #tpu.memory_space<vmem>>, vector<16xf32>,
    %swap3A_397 = arith.constant 12 : i32
    %swap3A_398 = arith.index_cast %swap3A_397 : i32 to index
    %swap3A_399 = arith.constant 48 : index
    %swap3A_400 = tpu.vector_load %arg9[%swap3A_398, %swap3A_399] {strides = array<i32>} : memref<16x128xf32, #tpu.memory_space<vmem>>, vector<16xf32>,
    tpu.vector_store %arg9[%swap3A_398, %swap3A_399], %broadcast_in_dim3A_1 {strides = array<i32>} : memref<16x128xf32, #tpu.memory_space<vmem>>, vector<16xf32>,
    %swap3A_401 = arith.constant 12 : i32
    %swap3A_402 = arith.index_cast %swap3A_401 : i32 to index
    %swap3A_403 = arith.constant 64 : index
    %swap3A_404 = tpu.vector_load %arg9[%swap3A_402, %swap3A_403] {strides = array<i32>} : memref<16x128xf32, #tpu.memory_space<vmem>>, vector<16xf32>,
    tpu.vector_store %arg9[%swap3A_402, %swap3A_403], %broadcast_in_dim3A_1 {strides = array<i32>} : memref<16x128xf32, #tpu.memory_space<vmem>>, vector<16xf32>,
    %swap3A_405 = arith.constant 12 : i32
    %swap3A_406 = arith.index_cast %swap3A_405 : i32 to index
    %swap3A_407 = arith.constant 80 : index
    %swap3A_408 = tpu.vector_load %arg9[%swap3A_406, %swap3A_407] {strides = array<i32>} : memref<16x128xf32, #tpu.memory_space<vmem>>, vector<16xf32>,
    tpu.vector_store %arg9[%swap3A_406, %swap3A_407], %broadcast_in_dim3A_1 {strides = array<i32>} : memref<16x128xf32, #tpu.memory_space<vmem>>, vector<16xf32>,
    %swap3A_409 = arith.constant 12 : i32
    %swap3A_410 = arith.index_cast %swap3A_409 : i32 to index
    %swap3A_411 = arith.constant 96 : index
    %swap3A_412 = tpu.vector_load %arg9[%swap3A_410, %swap3A_411] {strides = array<i32>} : memref<16x128xf32, #tpu.memory_space<vmem>>, vector<16xf32>,
    tpu.vector_store %arg9[%swap3A_410, %swap3A_411], %broadcast_in_dim3A_1 {strides = array<i32>} : memref<16x128xf32, #tpu.memory_space<vmem>>, vector<16xf32>,
    %swap3A_413 = arith.constant 12 : i32
    %swap3A_414 = arith.index_cast %swap3A_413 : i32 to index
    %swap3A_415 = arith.constant 112 : index
    %swap3A_416 = tpu.vector_load %arg9[%swap3A_414, %swap3A_415] {strides = array<i32>} : memref<16x128xf32, #tpu.memory_space<vmem>>, vector<16xf32>,
    tpu.vector_store %arg9[%swap3A_414, %swap3A_415], %broadcast_in_dim3A_1 {strides = array<i32>} : memref<16x128xf32, #tpu.memory_space<vmem>>, vector<16xf32>,
    %swap3A_417 = arith.constant 13 : i32
    %swap3A_418 = arith.index_cast %swap3A_417 : i32 to index
    %swap3A_419 = arith.constant 0 : index
    %swap3A_420 = tpu.vector_load %arg9[%swap3A_418, %swap3A_419] {strides = array<i32>} : memref<16x128xf32, #tpu.memory_space<vmem>>, vector<16xf32>,
    tpu.vector_store %arg9[%swap3A_418, %swap3A_419], %broadcast_in_dim3A_1 {strides = array<i32>} : memref<16x128xf32, #tpu.memory_space<vmem>>, vector<16xf32>,
    %swap3A_421 = arith.constant 13 : i32
    %swap3A_422 = arith.index_cast %swap3A_421 : i32 to index
    %swap3A_423 = arith.constant 16 : index
    %swap3A_424 = tpu.vector_load %arg9[%swap3A_422, %swap3A_423] {strides = array<i32>} : memref<16x128xf32, #tpu.memory_space<vmem>>, vector<16xf32>,
    tpu.vector_store %arg9[%swap3A_422, %swap3A_423], %broadcast_in_dim3A_1 {strides = array<i32>} : memref<16x128xf32, #tpu.memory_space<vmem>>, vector<16xf32>,
    %swap3A_425 = arith.constant 13 : i32
    %swap3A_426 = arith.index_cast %swap3A_425 : i32 to index
    %swap3A_427 = arith.constant 32 : index
    %swap3A_428 = tpu.vector_load %arg9[%swap3A_426, %swap3A_427] {strides = array<i32>} : memref<16x128xf32, #tpu.memory_space<vmem>>, vector<16xf32>,
    tpu.vector_store %arg9[%swap3A_426, %swap3A_427], %broadcast_in_dim3A_1 {strides = array<i32>} : memref<16x128xf32, #tpu.memory_space<vmem>>, vector<16xf32>,
    %swap3A_429 = arith.constant 13 : i32
    %swap3A_430 = arith.index_cast %swap3A_429 : i32 to index
    %swap3A_431 = arith.constant 48 : index
    %swap3A_432 = tpu.vector_load %arg9[%swap3A_430, %swap3A_431] {strides = array<i32>} : memref<16x128xf32, #tpu.memory_space<vmem>>, vector<16xf32>,
    tpu.vector_store %arg9[%swap3A_430, %swap3A_431], %broadcast_in_dim3A_1 {strides = array<i32>} : memref<16x128xf32, #tpu.memory_space<vmem>>, vector<16xf32>,
    %swap3A_433 = arith.constant 13 : i32
    %swap3A_434 = arith.index_cast %swap3A_433 : i32 to index
    %swap3A_435 = arith.constant 64 : index
    %swap3A_436 = tpu.vector_load %arg9[%swap3A_434, %swap3A_435] {strides = array<i32>} : memref<16x128xf32, #tpu.memory_space<vmem>>, vector<16xf32>,
    tpu.vector_store %arg9[%swap3A_434, %swap3A_435], %broadcast_in_dim3A_1 {strides = array<i32>} : memref<16x128xf32, #tpu.memory_space<vmem>>, vector<16xf32>,
    %swap3A_437 = arith.constant 13 : i32
    %swap3A_438 = arith.index_cast %swap3A_437 : i32 to index
    %swap3A_439 = arith.constant 80 : index
    %swap3A_440 = tpu.vector_load %arg9[%swap3A_438, %swap3A_439] {strides = array<i32>} : memref<16x128xf32, #tpu.memory_space<vmem>>, vector<16xf32>,
    tpu.vector_store %arg9[%swap3A_438, %swap3A_439], %broadcast_in_dim3A_1 {strides = array<i32>} : memref<16x128xf32, #tpu.memory_space<vmem>>, vector<16xf32>,
    %swap3A_441 = arith.constant 13 : i32
    %swap3A_442 = arith.index_cast %swap3A_441 : i32 to index
    %swap3A_443 = arith.constant 96 : index
    %swap3A_444 = tpu.vector_load %arg9[%swap3A_442, %swap3A_443] {strides = array<i32>} : memref<16x128xf32, #tpu.memory_space<vmem>>, vector<16xf32>,
    tpu.vector_store %arg9[%swap3A_442, %swap3A_443], %broadcast_in_dim3A_1 {strides = array<i32>} : memref<16x128xf32, #tpu.memory_space<vmem>>, vector<16xf32>,
    %swap3A_445 = arith.constant 13 : i32
    %swap3A_446 = arith.index_cast %swap3A_445 : i32 to index
    %swap3A_447 = arith.constant 112 : index
    %swap3A_448 = tpu.vector_load %arg9[%swap3A_446, %swap3A_447] {strides = array<i32>} : memref<16x128xf32, #tpu.memory_space<vmem>>, vector<16xf32>,
    tpu.vector_store %arg9[%swap3A_446, %swap3A_447], %broadcast_in_dim3A_1 {strides = array<i32>} : memref<16x128xf32, #tpu.memory_space<vmem>>, vector<16xf32>,
    %swap3A_449 = arith.constant 14 : i32
    %swap3A_450 = arith.index_cast %swap3A_449 : i32 to index
    %swap3A_451 = arith.constant 0 : index
    %swap3A_452 = tpu.vector_load %arg9[%swap3A_450, %swap3A_451] {strides = array<i32>} : memref<16x128xf32, #tpu.memory_space<vmem>>, vector<16xf32>,
    tpu.vector_store %arg9[%swap3A_450, %swap3A_451], %broadcast_in_dim3A_1 {strides = array<i32>} : memref<16x128xf32, #tpu.memory_space<vmem>>, vector<16xf32>,
    %swap3A_453 = arith.constant 14 : i32
    %swap3A_454 = arith.index_cast %swap3A_453 : i32 to index
    %swap3A_455 = arith.constant 16 : index
    %swap3A_456 = tpu.vector_load %arg9[%swap3A_454, %swap3A_455] {strides = array<i32>} : memref<16x128xf32, #tpu.memory_space<vmem>>, vector<16xf32>,
    tpu.vector_store %arg9[%swap3A_454, %swap3A_455], %broadcast_in_dim3A_1 {strides = array<i32>} : memref<16x128xf32, #tpu.memory_space<vmem>>, vector<16xf32>,
    %swap3A_457 = arith.constant 14 : i32
    %swap3A_458 = arith.index_cast %swap3A_457 : i32 to index
    %swap3A_459 = arith.constant 32 : index
    %swap3A_460 = tpu.vector_load %arg9[%swap3A_458, %swap3A_459] {strides = array<i32>} : memref<16x128xf32, #tpu.memory_space<vmem>>, vector<16xf32>,
    tpu.vector_store %arg9[%swap3A_458, %swap3A_459], %broadcast_in_dim3A_1 {strides = array<i32>} : memref<16x128xf32, #tpu.memory_space<vmem>>, vector<16xf32>,
    %swap3A_461 = arith.constant 14 : i32
    %swap3A_462 = arith.index_cast %swap3A_461 : i32 to index
    %swap3A_463 = arith.constant 48 : index
    %swap3A_464 = tpu.vector_load %arg9[%swap3A_462, %swap3A_463] {strides = array<i32>} : memref<16x128xf32, #tpu.memory_space<vmem>>, vector<16xf32>,
    tpu.vector_store %arg9[%swap3A_462, %swap3A_463], %broadcast_in_dim3A_1 {strides = array<i32>} : memref<16x128xf32, #tpu.memory_space<vmem>>, vector<16xf32>,
    %swap3A_465 = arith.constant 14 : i32
    %swap3A_466 = arith.index_cast %swap3A_465 : i32 to index
    %swap3A_467 = arith.constant 64 : index
    %swap3A_468 = tpu.vector_load %arg9[%swap3A_466, %swap3A_467] {strides = array<i32>} : memref<16x128xf32, #tpu.memory_space<vmem>>, vector<16xf32>,
    tpu.vector_store %arg9[%swap3A_466, %swap3A_467], %broadcast_in_dim3A_1 {strides = array<i32>} : memref<16x128xf32, #tpu.memory_space<vmem>>, vector<16xf32>,
    %swap3A_469 = arith.constant 14 : i32
    %swap3A_470 = arith.index_cast %swap3A_469 : i32 to index
    %swap3A_471 = arith.constant 80 : index
    %swap3A_472 = tpu.vector_load %arg9[%swap3A_470, %swap3A_471] {strides = array<i32>} : memref<16x128xf32, #tpu.memory_space<vmem>>, vector<16xf32>,
    tpu.vector_store %arg9[%swap3A_470, %swap3A_471], %broadcast_in_dim3A_1 {strides = array<i32>} : memref<16x128xf32, #tpu.memory_space<vmem>>, vector<16xf32>,
    %swap3A_473 = arith.constant 14 : i32
    %swap3A_474 = arith.index_cast %swap3A_473 : i32 to index
    %swap3A_475 = arith.constant 96 : index
    %swap3A_476 = tpu.vector_load %arg9[%swap3A_474, %swap3A_475] {strides = array<i32>} : memref<16x128xf32, #tpu.memory_space<vmem>>, vector<16xf32>,
    tpu.vector_store %arg9[%swap3A_474, %swap3A_475], %broadcast_in_dim3A_1 {strides = array<i32>} : memref<16x128xf32, #tpu.memory_space<vmem>>, vector<16xf32>,
    %swap3A_477 = arith.constant 14 : i32
    %swap3A_478 = arith.index_cast %swap3A_477 : i32 to index
    %swap3A_479 = arith.constant 112 : index
    %swap3A_480 = tpu.vector_load %arg9[%swap3A_478, %swap3A_479] {strides = array<i32>} : memref<16x128xf32, #tpu.memory_space<vmem>>, vector<16xf32>,
    tpu.vector_store %arg9[%swap3A_478, %swap3A_479], %broadcast_in_dim3A_1 {strides = array<i32>} : memref<16x128xf32, #tpu.memory_space<vmem>>, vector<16xf32>,
    %swap3A_481 = arith.constant 15 : i32
    %swap3A_482 = arith.index_cast %swap3A_481 : i32 to index
    %swap3A_483 = arith.constant 0 : index
    %swap3A_484 = tpu.vector_load %arg9[%swap3A_482, %swap3A_483] {strides = array<i32>} : memref<16x128xf32, #tpu.memory_space<vmem>>, vector<16xf32>,
    tpu.vector_store %arg9[%swap3A_482, %swap3A_483], %broadcast_in_dim3A_1 {strides = array<i32>} : memref<16x128xf32, #tpu.memory_space<vmem>>, vector<16xf32>,
    %swap3A_485 = arith.constant 15 : i32
    %swap3A_486 = arith.index_cast %swap3A_485 : i32 to index
    %swap3A_487 = arith.constant 16 : index
    %swap3A_488 = tpu.vector_load %arg9[%swap3A_486, %swap3A_487] {strides = array<i32>} : memref<16x128xf32, #tpu.memory_space<vmem>>, vector<16xf32>,
    tpu.vector_store %arg9[%swap3A_486, %swap3A_487], %broadcast_in_dim3A_1 {strides = array<i32>} : memref<16x128xf32, #tpu.memory_space<vmem>>, vector<16xf32>,
    %swap3A_489 = arith.constant 15 : i32
    %swap3A_490 = arith.index_cast %swap3A_489 : i32 to index
    %swap3A_491 = arith.constant 32 : index
    %swap3A_492 = tpu.vector_load %arg9[%swap3A_490, %swap3A_491] {strides = array<i32>} : memref<16x128xf32, #tpu.memory_space<vmem>>, vector<16xf32>,
    tpu.vector_store %arg9[%swap3A_490, %swap3A_491], %broadcast_in_dim3A_1 {strides = array<i32>} : memref<16x128xf32, #tpu.memory_space<vmem>>, vector<16xf32>,
    %swap3A_493 = arith.constant 15 : i32
    %swap3A_494 = arith.index_cast %swap3A_493 : i32 to index
    %swap3A_495 = arith.constant 48 : index
    %swap3A_496 = tpu.vector_load %arg9[%swap3A_494, %swap3A_495] {strides = array<i32>} : memref<16x128xf32, #tpu.memory_space<vmem>>, vector<16xf32>,
    tpu.vector_store %arg9[%swap3A_494, %swap3A_495], %broadcast_in_dim3A_1 {strides = array<i32>} : memref<16x128xf32, #tpu.memory_space<vmem>>, vector<16xf32>,
    %swap3A_497 = arith.constant 15 : i32
    %swap3A_498 = arith.index_cast %swap3A_497 : i32 to index
    %swap3A_499 = arith.constant 64 : index
    %swap3A_500 = tpu.vector_load %arg9[%swap3A_498, %swap3A_499] {strides = array<i32>} : memref<16x128xf32, #tpu.memory_space<vmem>>, vector<16xf32>,
    tpu.vector_store %arg9[%swap3A_498, %swap3A_499], %broadcast_in_dim3A_1 {strides = array<i32>} : memref<16x128xf32, #tpu.memory_space<vmem>>, vector<16xf32>,
    %swap3A_501 = arith.constant 15 : i32
    %swap3A_502 = arith.index_cast %swap3A_501 : i32 to index
    %swap3A_503 = arith.constant 80 : index
    %swap3A_504 = tpu.vector_load %arg9[%swap3A_502, %swap3A_503] {strides = array<i32>} : memref<16x128xf32, #tpu.memory_space<vmem>>, vector<16xf32>,
    tpu.vector_store %arg9[%swap3A_502, %swap3A_503], %broadcast_in_dim3A_1 {strides = array<i32>} : memref<16x128xf32, #tpu.memory_space<vmem>>, vector<16xf32>,
    %swap3A_505 = arith.constant 15 : i32
    %swap3A_506 = arith.index_cast %swap3A_505 : i32 to index
    %swap3A_507 = arith.constant 96 : index
    %swap3A_508 = tpu.vector_load %arg9[%swap3A_506, %swap3A_507] {strides = array<i32>} : memref<16x128xf32, #tpu.memory_space<vmem>>, vector<16xf32>,
    tpu.vector_store %arg9[%swap3A_506, %swap3A_507], %broadcast_in_dim3A_1 {strides = array<i32>} : memref<16x128xf32, #tpu.memory_space<vmem>>, vector<16xf32>,
    %swap3A_509 = arith.constant 15 : i32
    %swap3A_510 = arith.index_cast %swap3A_509 : i32 to index
    %swap3A_511 = arith.constant 112 : index
    %swap3A_512 = tpu.vector_load %arg9[%swap3A_510, %swap3A_511] {strides = array<i32>} : memref<16x128xf32, #tpu.memory_space<vmem>>, vector<16xf32>,
    tpu.vector_store %arg9[%swap3A_510, %swap3A_511], %broadcast_in_dim3A_1 {strides = array<i32>} : memref<16x128xf32, #tpu.memory_space<vmem>>, vector<16xf32>,
    %mul3A_513 = arith.constant 640 : i32
    %mul3A_514 = arith.muli %arg1, %mul3A_513 : i32
    %scan3A = arith.constant 0 : i32
    %scan3A_515 = arith.constant 0 : i32
    %scan3A_516 = arith.constant 40 : i32
    %scan3A_517 = arith.addi %scan3A_515, %scan3A_516 : i32
    %scan3A_518 = arith.constant 1 : i32
    scf.for %scan3A_527 = %scan3A_515 to %scan3A_517 step %scan3A_518  : i32 {
      %mul3A_528 = arith.constant 16 : i32
      %mul3A_529 = arith.muli %scan3A_527, %mul3A_528 : i32
      %add3A_530 = arith.addi %mul3A_514, %mul3A_529 : i32
      "tpu.region"() ({
        %run_scoped3A = tpu.sem_alloc : memref<!tpu.dma_semaphore, #tpu.memory_space<semaphore_mem>>
        %dma_start3A = arith.constant 0 : i32
        %dma_start3A_531 = tpu.memref_slice %arg10[%add3A_530, %dma_start3A] : memref<10240x128xf32, #tpu.memory_space<vmem_shared>> -> memref<16x128xf32, #tpu.memory_space<vmem_shared>>
        %dma_start3A_532 = arith.constant 0 : i32
        %dma_start3A_533 = tpu.memref_slice %arg10[%add3A_530, %dma_start3A_532] : memref<10240x128xf32, #tpu.memory_space<vmem_shared>> -> memref<16x128xf32, #tpu.memory_space<vmem_shared>>
        tpu.enqueue_dma source(%arg9 : memref<16x128xf32, #tpu.memory_space<vmem>>) target(%dma_start3A_533 : memref<16x128xf32, #tpu.memory_space<vmem_shared>>) target_semaphore(%run_scoped3A : memref<!tpu.dma_semaphore, #tpu.memory_space<semaphore_mem>>)
        %dma_wait3A = arith.constant 0 : i32
        %dma_wait3A_534 = tpu.memref_slice %arg10[%add3A_530, %dma_wait3A] : memref<10240x128xf32, #tpu.memory_space<vmem_shared>> -> memref<16x128xf32, #tpu.memory_space<vmem_shared>>
        %dma_wait3A_535 = arith.constant 0 : i32
        %dma_wait3A_536 = tpu.memref_slice %arg10[%add3A_530, %dma_wait3A_535] : memref<10240x128xf32, #tpu.memory_space<vmem_shared>> -> memref<16x128xf32, #tpu.memory_space<vmem_shared>>
        tpu.wait_dma2 semaphore(%run_scoped3A : memref<!tpu.dma_semaphore, #tpu.memory_space<semaphore_mem>>) src(%arg9 : memref<16x128xf32, #tpu.memory_space<vmem>>) dst(%dma_wait3A_536 : memref<16x128xf32, #tpu.memory_space<vmem_shared>>)
        tpu.yield
      }) : () -> ()
    }
    %scan3A_519 = arith.constant 40 : i32
    %barrier3A = arith.constant 0 : index
    tpu.barrier barrier_id(%barrier3A)
    "tpu.region"() ({
      %run_scoped3A = tpu.sem_alloc : memref<!tpu.dma_semaphore, #tpu.memory_space<semaphore_mem>>
      %dma_start3A = arith.constant 0 : i32
      %dma_start3A_527 = arith.constant 0 : i32
      %dma_start3A_528 = tpu.memref_slice %arg3[%add3A, %dma_start3A, %dma_start3A_527] : memref<32x80x128xi32, #tpu.memory_space<hbm>> -> memref<1x80x128xi32, #tpu.memory_space<hbm>>
      %dma_start3A_529 = tpu.memref_squeeze %dma_start3A_528 : memref<1x80x128xi32, #tpu.memory_space<hbm>> -> memref<80x128xi32, #tpu.memory_space<hbm>>
      %dma_start3A_530 = arith.constant 0 : i32
      %dma_start3A_531 = arith.constant 0 : i32
      %dma_start3A_532 = tpu.memref_slice %arg3[%add3A, %dma_start3A_530, %dma_start3A_531] : memref<32x80x128xi32, #tpu.memory_space<hbm>> -> memref<1x80x128xi32, #tpu.memory_space<hbm>>
      %dma_start3A_533 = tpu.memref_squeeze %dma_start3A_532 : memref<1x80x128xi32, #tpu.memory_space<hbm>> -> memref<80x128xi32, #tpu.memory_space<hbm>>
      tpu.enqueue_dma source(%dma_start3A_533 : memref<80x128xi32, #tpu.memory_space<hbm>>) target(%arg6 : memref<80x128xi32, #tpu.memory_space<vmem>>) target_semaphore(%run_scoped3A : memref<!tpu.dma_semaphore, #tpu.memory_space<semaphore_mem>>)
      %dma_wait3A = arith.constant 0 : i32
      %dma_wait3A_534 = arith.constant 0 : i32
      %dma_wait3A_535 = tpu.memref_slice %arg3[%add3A, %dma_wait3A, %dma_wait3A_534] : memref<32x80x128xi32, #tpu.memory_space<hbm>> -> memref<1x80x128xi32, #tpu.memory_space<hbm>>
      %dma_wait3A_536 = tpu.memref_squeeze %dma_wait3A_535 : memref<1x80x128xi32, #tpu.memory_space<hbm>> -> memref<80x128xi32, #tpu.memory_space<hbm>>
      %dma_wait3A_537 = arith.constant 0 : i32
      %dma_wait3A_538 = arith.constant 0 : i32
      %dma_wait3A_539 = tpu.memref_slice %arg3[%add3A, %dma_wait3A_537, %dma_wait3A_538] : memref<32x80x128xi32, #tpu.memory_space<hbm>> -> memref<1x80x128xi32, #tpu.memory_space<hbm>>
      %dma_wait3A_540 = tpu.memref_squeeze %dma_wait3A_539 : memref<1x80x128xi32, #tpu.memory_space<hbm>> -> memref<80x128xi32, #tpu.memory_space<hbm>>
      tpu.wait_dma2 semaphore(%run_scoped3A : memref<!tpu.dma_semaphore, #tpu.memory_space<semaphore_mem>>) src(%dma_wait3A_540 : memref<80x128xi32, #tpu.memory_space<hbm>>) dst(%arg6 : memref<80x128xi32, #tpu.memory_space<vmem>>)
      tpu.yield
    }) : () -> ()
    "tpu.region"() ({
      %run_scoped3A = tpu.sem_alloc : memref<!tpu.dma_semaphore, #tpu.memory_space<semaphore_mem>>
      %dma_start3A = arith.constant 0 : i32
      %dma_start3A_527 = arith.constant 0 : i32
      %dma_start3A_528 = tpu.memref_slice %arg4[%add3A, %dma_start3A, %dma_start3A_527] : memref<32x80x128xi32, #tpu.memory_space<hbm>> -> memref<1x80x128xi32, #tpu.memory_space<hbm>>
      %dma_start3A_529 = tpu.memref_squeeze %dma_start3A_528 : memref<1x80x128xi32, #tpu.memory_space<hbm>> -> memref<80x128xi32, #tpu.memory_space<hbm>>
      %dma_start3A_530 = arith.constant 0 : i32
      %dma_start3A_531 = arith.constant 0 : i32
      %dma_start3A_532 = tpu.memref_slice %arg4[%add3A, %dma_start3A_530, %dma_start3A_531] : memref<32x80x128xi32, #tpu.memory_space<hbm>> -> memref<1x80x128xi32, #tpu.memory_space<hbm>>
      %dma_start3A_533 = tpu.memref_squeeze %dma_start3A_532 : memref<1x80x128xi32, #tpu.memory_space<hbm>> -> memref<80x128xi32, #tpu.memory_space<hbm>>
      tpu.enqueue_dma source(%dma_start3A_533 : memref<80x128xi32, #tpu.memory_space<hbm>>) target(%arg7 : memref<80x128xi32, #tpu.memory_space<vmem>>) target_semaphore(%run_scoped3A : memref<!tpu.dma_semaphore, #tpu.memory_space<semaphore_mem>>)
      %dma_wait3A = arith.constant 0 : i32
      %dma_wait3A_534 = arith.constant 0 : i32
      %dma_wait3A_535 = tpu.memref_slice %arg4[%add3A, %dma_wait3A, %dma_wait3A_534] : memref<32x80x128xi32, #tpu.memory_space<hbm>> -> memref<1x80x128xi32, #tpu.memory_space<hbm>>
      %dma_wait3A_536 = tpu.memref_squeeze %dma_wait3A_535 : memref<1x80x128xi32, #tpu.memory_space<hbm>> -> memref<80x128xi32, #tpu.memory_space<hbm>>
      %dma_wait3A_537 = arith.constant 0 : i32
      %dma_wait3A_538 = arith.constant 0 : i32
      %dma_wait3A_539 = tpu.memref_slice %arg4[%add3A, %dma_wait3A_537, %dma_wait3A_538] : memref<32x80x128xi32, #tpu.memory_space<hbm>> -> memref<1x80x128xi32, #tpu.memory_space<hbm>>
      %dma_wait3A_540 = tpu.memref_squeeze %dma_wait3A_539 : memref<1x80x128xi32, #tpu.memory_space<hbm>> -> memref<80x128xi32, #tpu.memory_space<hbm>>
      tpu.wait_dma2 semaphore(%run_scoped3A : memref<!tpu.dma_semaphore, #tpu.memory_space<semaphore_mem>>) src(%dma_wait3A_540 : memref<80x128xi32, #tpu.memory_space<hbm>>) dst(%arg7 : memref<80x128xi32, #tpu.memory_space<vmem>>)
      tpu.yield
    }) : () -> ()
    %scan3A_520 = arith.constant 0 : i32
    %scan3A_521 = arith.constant 0 : i32
    %scan3A_522 = arith.constant 80 : i32
    %scan3A_523 = arith.addi %scan3A_521, %scan3A_522 : i32
    %scan3A_524 = arith.constant 1 : i32
    scf.for %scan3A_527 = %scan3A_521 to %scan3A_523 step %scan3A_524  : i32 {
      %dma_start3A = arith.constant 0 : i32
      %dma_start3A_528 = tpu.memref_slice %arg6[%scan3A_527, %dma_start3A] : memref<80x128xi32, #tpu.memory_space<vmem>> -> memref<1x128xi32, #tpu.memory_space<vmem>>
      %dma_start3A_529 = tpu.memref_squeeze %dma_start3A_528 : memref<1x128xi32, #tpu.memory_space<vmem>> -> memref<128xi32, #tpu.memory_space<vmem>>
      %dma_start3A_530 = arith.constant 0 : i32
      %dma_start3A_531 = arith.constant 0 : i32
      %dma_start3A_532 = tpu.memref_slice %arg2[%dma_start3A_530, %dma_start3A_531] : memref<327680x128xf32, #tpu.memory_space<hbm>> -> memref<327680x128xf32, #tpu.memory_space<hbm>>
      tpu.enqueue_indirect_dma source(%dma_start3A_532 : memref<327680x128xf32, #tpu.memory_space<hbm>>) target(%arg8 : memref<128x128xf32, #tpu.memory_space<vmem>>) offsets(%dma_start3A_529 : memref<128xi32, #tpu.memory_space<vmem>>) semaphore(%arg11 : memref<!tpu.dma_semaphore, #tpu.memory_space<semaphore_mem>>)
      %dma_wait3A = arith.constant 0 : i32
      %dma_wait3A_533 = tpu.memref_slice %arg6[%scan3A_527, %dma_wait3A] : memref<80x128xi32, #tpu.memory_space<vmem>> -> memref<1x128xi32, #tpu.memory_space<vmem>>
      %dma_wait3A_534 = tpu.memref_squeeze %dma_wait3A_533 : memref<1x128xi32, #tpu.memory_space<vmem>> -> memref<128xi32, #tpu.memory_space<vmem>>
      %dma_wait3A_535 = arith.constant 0 : i32
      %dma_wait3A_536 = arith.constant 0 : i32
      %dma_wait3A_537 = tpu.memref_slice %arg2[%dma_wait3A_535, %dma_wait3A_536] : memref<327680x128xf32, #tpu.memory_space<hbm>> -> memref<327680x128xf32, #tpu.memory_space<hbm>>
      tpu.wait_indirect_dma semaphore(%arg11 : memref<!tpu.dma_semaphore, #tpu.memory_space<semaphore_mem>>) src(%dma_wait3A_537 : memref<327680x128xf32, #tpu.memory_space<hbm>>) dst(%arg8 : memref<128x128xf32, #tpu.memory_space<vmem>>)
      "tpu.region"() ({
        %run_scoped3A = tpu.sem_alloc : memref<!tpu.dma_semaphore, #tpu.memory_space<semaphore_mem>>
        %dma_start3A_538 = arith.constant 0 : i32
        %dma_start3A_539 = tpu.memref_slice %arg7[%scan3A_527, %dma_start3A_538] : memref<80x128xi32, #tpu.memory_space<vmem>> -> memref<1x128xi32, #tpu.memory_space<vmem>>
        %dma_start3A_540 = tpu.memref_squeeze %dma_start3A_539 : memref<1x128xi32, #tpu.memory_space<vmem>> -> memref<128xi32, #tpu.memory_space<vmem>>
        %dma_start3A_541 = arith.constant 0 : i32
        %dma_start3A_542 = arith.constant 0 : i32
        %dma_start3A_543 = tpu.memref_slice %arg10[%dma_start3A_541, %dma_start3A_542] : memref<10240x128xf32, #tpu.memory_space<vmem_shared>> -> memref<10240x128xf32, #tpu.memory_space<vmem_shared>>
        tpu.enqueue_indirect_dma source(%arg8 : memref<128x128xf32, #tpu.memory_space<vmem>>) target(%dma_start3A_543 : memref<10240x128xf32, #tpu.memory_space<vmem_shared>>) offsets(%dma_start3A_540 : memref<128xi32, #tpu.memory_space<vmem>>) semaphore(%run_scoped3A : memref<!tpu.dma_semaphore, #tpu.memory_space<semaphore_mem>>) {add = true}
        %dma_wait3A_544 = arith.constant 0 : i32
        %dma_wait3A_545 = tpu.memref_slice %arg7[%scan3A_527, %dma_wait3A_544] : memref<80x128xi32, #tpu.memory_space<vmem>> -> memref<1x128xi32, #tpu.memory_space<vmem>>
        %dma_wait3A_546 = tpu.memref_squeeze %dma_wait3A_545 : memref<1x128xi32, #tpu.memory_space<vmem>> -> memref<128xi32, #tpu.memory_space<vmem>>
        %dma_wait3A_547 = arith.constant 0 : i32
        %dma_wait3A_548 = arith.constant 0 : i32
        %dma_wait3A_549 = tpu.memref_slice %arg10[%dma_wait3A_547, %dma_wait3A_548] : memref<10240x128xf32, #tpu.memory_space<vmem_shared>> -> memref<10240x128xf32, #tpu.memory_space<vmem_shared>>
        tpu.wait_indirect_dma semaphore(%run_scoped3A : memref<!tpu.dma_semaphore, #tpu.memory_space<semaphore_mem>>) src(%arg8 : memref<128x128xf32, #tpu.memory_space<vmem>>) dst(%dma_wait3A_549 : memref<10240x128xf32, #tpu.memory_space<vmem_shared>>)
        tpu.yield
      }) : () -> ()
    }
    %scan3A_525 = arith.constant 80 : i32
    %barrier3A_526 = arith.constant 0 : index
    tpu.barrier barrier_id(%barrier3A_526)
    "tpu.region"() ({
      %run_scoped3A = tpu.sem_alloc : memref<!tpu.dma_semaphore, #tpu.memory_space<semaphore_mem>>
      %dma_start3A = arith.constant 0 : i32
      %dma_start3A_527 = tpu.memref_slice %arg5[%arg0, %mul3A_514, %dma_start3A] : memref<2x10240x128xf32, #tpu.memory_space<hbm>> -> memref<1x640x128xf32, #tpu.memory_space<hbm>>
      %dma_start3A_528 = tpu.memref_squeeze %dma_start3A_527 : memref<1x640x128xf32, #tpu.memory_space<hbm>> -> memref<640x128xf32, #tpu.memory_space<hbm>>
      %dma_start3A_529 = arith.constant 0 : i32
      %dma_start3A_530 = tpu.memref_slice %arg10[%mul3A_514, %dma_start3A_529] : memref<10240x128xf32, #tpu.memory_space<vmem_shared>> -> memref<640x128xf32, #tpu.memory_space<vmem_shared>>
      tpu.enqueue_dma source(%dma_start3A_530 : memref<640x128xf32, #tpu.memory_space<vmem_shared>>) target(%dma_start3A_528 : memref<640x128xf32, #tpu.memory_space<hbm>>) target_semaphore(%run_scoped3A : memref<!tpu.dma_semaphore, #tpu.memory_space<semaphore_mem>>)
      %dma_wait3A = arith.constant 0 : i32
      %dma_wait3A_531 = tpu.memref_slice %arg5[%arg0, %mul3A_514, %dma_wait3A] : memref<2x10240x128xf32, #tpu.memory_space<hbm>> -> memref<1x640x128xf32, #tpu.memory_space<hbm>>
      %dma_wait3A_532 = tpu.memref_squeeze %dma_wait3A_531 : memref<1x640x128xf32, #tpu.memory_space<hbm>> -> memref<640x128xf32, #tpu.memory_space<hbm>>
      %dma_wait3A_533 = arith.constant 0 : i32
      %dma_wait3A_534 = tpu.memref_slice %arg10[%mul3A_514, %dma_wait3A_533] : memref<10240x128xf32, #tpu.memory_space<vmem_shared>> -> memref<640x128xf32, #tpu.memory_space<vmem_shared>>
      tpu.wait_dma2 semaphore(%run_scoped3A : memref<!tpu.dma_semaphore, #tpu.memory_space<semaphore_mem>>) src(%dma_wait3A_534 : memref<640x128xf32, #tpu.memory_space<vmem_shared>>) dst(%dma_wait3A_532 : memref<640x128xf32, #tpu.memory_space<hbm>>)
      tpu.yield
    }) : () -> ()
    return
  }
}

#map = affine_map<(d0, d1) -> (0, 0)>
#map1 = affine_map<(d0, d1) -> (0, 0, 0)>
module attributes {stable_mosaic.version = 14 : i64} {
  func.func @_sc_scatter_body(%arg0: i32, %arg1: i32, %arg2: memref<10000x128xf32, #tpu.memory_space<hbm>>, %arg3: memref<32x80x128xi32, #tpu.memory_space<hbm>>, %arg4: memref<32x80x128xi32, #tpu.memory_space<hbm>>, %arg5: memref<2x10240x128xf32, #tpu.memory_space<hbm>>, %arg6: memref<80x128xi32, #tpu.memory_space<vmem>>, %arg7: memref<80x128xi32, #tpu.memory_space<vmem>>, %arg8: memref<128x128xf32, #tpu.memory_space<vmem>>, %arg9: memref<16x128xf32, #tpu.memory_space<vmem>>, %arg10: memref<10240x128xf32, #tpu.memory_space<vmem_shared>>, %arg11: memref<!tpu.dma_semaphore, #tpu.memory_space<semaphore_mem>>) attributes {dimension_semantics = [#tpu.dimension_semantics<core_parallel>, #tpu.dimension_semantics<subcore_parallel>], iteration_bounds = array<i64: 2, 16>, scalar_prefetch = 0 : i64, scratch_operands = 6 : i64, tpu.core_type = #tpu.core_type<sc_vector_subcore>, window_params = [{transform_indices = #map}, {transform_indices = #map1}, {transform_indices = #map1}, {transform_indices = #map1}]} {
    %mul3A = arith.constant 16 : i32
    %mul3A_0 = arith.muli %arg0, %mul3A : i32
    %add3A = arith.addi %mul3A_0, %arg1 : i32
    %broadcast_in_dim3A = arith.constant 0.000000e+00 : f32
    %broadcast_in_dim3A_1 = vector.broadcast %broadcast_in_dim3A : f32 to vector<16xf32>
    %swap3A = arith.constant 0 : i32
    %swap3A_2 = arith.index_cast %swap3A : i32 to index
    %swap3A_3 = arith.constant 0 : index
    %swap3A_4 = tpu.vector_load %arg9[%swap3A_2, %swap3A_3] {strides = array<i32>} : memref<16x128xf32, #tpu.memory_space<vmem>>, vector<16xf32>,
    tpu.vector_store %arg9[%swap3A_2, %swap3A_3], %broadcast_in_dim3A_1 {strides = array<i32>} : memref<16x128xf32, #tpu.memory_space<vmem>>, vector<16xf32>,
    %swap3A_5 = arith.constant 0 : i32
    %swap3A_6 = arith.index_cast %swap3A_5 : i32 to index
    %swap3A_7 = arith.constant 16 : index
    %swap3A_8 = tpu.vector_load %arg9[%swap3A_6, %swap3A_7] {strides = array<i32>} : memref<16x128xf32, #tpu.memory_space<vmem>>, vector<16xf32>,
    tpu.vector_store %arg9[%swap3A_6, %swap3A_7], %broadcast_in_dim3A_1 {strides = array<i32>} : memref<16x128xf32, #tpu.memory_space<vmem>>, vector<16xf32>,
    %swap3A_9 = arith.constant 0 : i32
    %swap3A_10 = arith.index_cast %swap3A_9 : i32 to index
    %swap3A_11 = arith.constant 32 : index
    %swap3A_12 = tpu.vector_load %arg9[%swap3A_10, %swap3A_11] {strides = array<i32>} : memref<16x128xf32, #tpu.memory_space<vmem>>, vector<16xf32>,
    tpu.vector_store %arg9[%swap3A_10, %swap3A_11], %broadcast_in_dim3A_1 {strides = array<i32>} : memref<16x128xf32, #tpu.memory_space<vmem>>, vector<16xf32>,
    %swap3A_13 = arith.constant 0 : i32
    %swap3A_14 = arith.index_cast %swap3A_13 : i32 to index
    %swap3A_15 = arith.constant 48 : index
    %swap3A_16 = tpu.vector_load %arg9[%swap3A_14, %swap3A_15] {strides = array<i32>} : memref<16x128xf32, #tpu.memory_space<vmem>>, vector<16xf32>,
    tpu.vector_store %arg9[%swap3A_14, %swap3A_15], %broadcast_in_dim3A_1 {strides = array<i32>} : memref<16x128xf32, #tpu.memory_space<vmem>>, vector<16xf32>,
    %swap3A_17 = arith.constant 0 : i32
    %swap3A_18 = arith.index_cast %swap3A_17 : i32 to index
    %swap3A_19 = arith.constant 64 : index
    %swap3A_20 = tpu.vector_load %arg9[%swap3A_18, %swap3A_19] {strides = array<i32>} : memref<16x128xf32, #tpu.memory_space<vmem>>, vector<16xf32>,
    tpu.vector_store %arg9[%swap3A_18, %swap3A_19], %broadcast_in_dim3A_1 {strides = array<i32>} : memref<16x128xf32, #tpu.memory_space<vmem>>, vector<16xf32>,
    %swap3A_21 = arith.constant 0 : i32
    %swap3A_22 = arith.index_cast %swap3A_21 : i32 to index
    %swap3A_23 = arith.constant 80 : index
    %swap3A_24 = tpu.vector_load %arg9[%swap3A_22, %swap3A_23] {strides = array<i32>} : memref<16x128xf32, #tpu.memory_space<vmem>>, vector<16xf32>,
    tpu.vector_store %arg9[%swap3A_22, %swap3A_23], %broadcast_in_dim3A_1 {strides = array<i32>} : memref<16x128xf32, #tpu.memory_space<vmem>>, vector<16xf32>,
    %swap3A_25 = arith.constant 0 : i32
    %swap3A_26 = arith.index_cast %swap3A_25 : i32 to index
    %swap3A_27 = arith.constant 96 : index
    %swap3A_28 = tpu.vector_load %arg9[%swap3A_26, %swap3A_27] {strides = array<i32>} : memref<16x128xf32, #tpu.memory_space<vmem>>, vector<16xf32>,
    tpu.vector_store %arg9[%swap3A_26, %swap3A_27], %broadcast_in_dim3A_1 {strides = array<i32>} : memref<16x128xf32, #tpu.memory_space<vmem>>, vector<16xf32>,
    %swap3A_29 = arith.constant 0 : i32
    %swap3A_30 = arith.index_cast %swap3A_29 : i32 to index
    %swap3A_31 = arith.constant 112 : index
    %swap3A_32 = tpu.vector_load %arg9[%swap3A_30, %swap3A_31] {strides = array<i32>} : memref<16x128xf32, #tpu.memory_space<vmem>>, vector<16xf32>,
    tpu.vector_store %arg9[%swap3A_30, %swap3A_31], %broadcast_in_dim3A_1 {strides = array<i32>} : memref<16x128xf32, #tpu.memory_space<vmem>>, vector<16xf32>,
    %swap3A_33 = arith.constant 1 : i32
    %swap3A_34 = arith.index_cast %swap3A_33 : i32 to index
    %swap3A_35 = arith.constant 0 : index
    %swap3A_36 = tpu.vector_load %arg9[%swap3A_34, %swap3A_35] {strides = array<i32>} : memref<16x128xf32, #tpu.memory_space<vmem>>, vector<16xf32>,
    tpu.vector_store %arg9[%swap3A_34, %swap3A_35], %broadcast_in_dim3A_1 {strides = array<i32>} : memref<16x128xf32, #tpu.memory_space<vmem>>, vector<16xf32>,
    %swap3A_37 = arith.constant 1 : i32
    %swap3A_38 = arith.index_cast %swap3A_37 : i32 to index
    %swap3A_39 = arith.constant 16 : index
    %swap3A_40 = tpu.vector_load %arg9[%swap3A_38, %swap3A_39] {strides = array<i32>} : memref<16x128xf32, #tpu.memory_space<vmem>>, vector<16xf32>,
    tpu.vector_store %arg9[%swap3A_38, %swap3A_39], %broadcast_in_dim3A_1 {strides = array<i32>} : memref<16x128xf32, #tpu.memory_space<vmem>>, vector<16xf32>,
    %swap3A_41 = arith.constant 1 : i32
    %swap3A_42 = arith.index_cast %swap3A_41 : i32 to index
    %swap3A_43 = arith.constant 32 : index
    %swap3A_44 = tpu.vector_load %arg9[%swap3A_42, %swap3A_43] {strides = array<i32>} : memref<16x128xf32, #tpu.memory_space<vmem>>, vector<16xf32>,
    tpu.vector_store %arg9[%swap3A_42, %swap3A_43], %broadcast_in_dim3A_1 {strides = array<i32>} : memref<16x128xf32, #tpu.memory_space<vmem>>, vector<16xf32>,
    %swap3A_45 = arith.constant 1 : i32
    %swap3A_46 = arith.index_cast %swap3A_45 : i32 to index
    %swap3A_47 = arith.constant 48 : index
    %swap3A_48 = tpu.vector_load %arg9[%swap3A_46, %swap3A_47] {strides = array<i32>} : memref<16x128xf32, #tpu.memory_space<vmem>>, vector<16xf32>,
    tpu.vector_store %arg9[%swap3A_46, %swap3A_47], %broadcast_in_dim3A_1 {strides = array<i32>} : memref<16x128xf32, #tpu.memory_space<vmem>>, vector<16xf32>,
    %swap3A_49 = arith.constant 1 : i32
    %swap3A_50 = arith.index_cast %swap3A_49 : i32 to index
    %swap3A_51 = arith.constant 64 : index
    %swap3A_52 = tpu.vector_load %arg9[%swap3A_50, %swap3A_51] {strides = array<i32>} : memref<16x128xf32, #tpu.memory_space<vmem>>, vector<16xf32>,
    tpu.vector_store %arg9[%swap3A_50, %swap3A_51], %broadcast_in_dim3A_1 {strides = array<i32>} : memref<16x128xf32, #tpu.memory_space<vmem>>, vector<16xf32>,
    %swap3A_53 = arith.constant 1 : i32
    %swap3A_54 = arith.index_cast %swap3A_53 : i32 to index
    %swap3A_55 = arith.constant 80 : index
    %swap3A_56 = tpu.vector_load %arg9[%swap3A_54, %swap3A_55] {strides = array<i32>} : memref<16x128xf32, #tpu.memory_space<vmem>>, vector<16xf32>,
    tpu.vector_store %arg9[%swap3A_54, %swap3A_55], %broadcast_in_dim3A_1 {strides = array<i32>} : memref<16x128xf32, #tpu.memory_space<vmem>>, vector<16xf32>,
    %swap3A_57 = arith.constant 1 : i32
    %swap3A_58 = arith.index_cast %swap3A_57 : i32 to index
    %swap3A_59 = arith.constant 96 : index
    %swap3A_60 = tpu.vector_load %arg9[%swap3A_58, %swap3A_59] {strides = array<i32>} : memref<16x128xf32, #tpu.memory_space<vmem>>, vector<16xf32>,
    tpu.vector_store %arg9[%swap3A_58, %swap3A_59], %broadcast_in_dim3A_1 {strides = array<i32>} : memref<16x128xf32, #tpu.memory_space<vmem>>, vector<16xf32>,
    %swap3A_61 = arith.constant 1 : i32
    %swap3A_62 = arith.index_cast %swap3A_61 : i32 to index
    %swap3A_63 = arith.constant 112 : index
    %swap3A_64 = tpu.vector_load %arg9[%swap3A_62, %swap3A_63] {strides = array<i32>} : memref<16x128xf32, #tpu.memory_space<vmem>>, vector<16xf32>,
    tpu.vector_store %arg9[%swap3A_62, %swap3A_63], %broadcast_in_dim3A_1 {strides = array<i32>} : memref<16x128xf32, #tpu.memory_space<vmem>>, vector<16xf32>,
    %swap3A_65 = arith.constant 2 : i32
    %swap3A_66 = arith.index_cast %swap3A_65 : i32 to index
    %swap3A_67 = arith.constant 0 : index
    %swap3A_68 = tpu.vector_load %arg9[%swap3A_66, %swap3A_67] {strides = array<i32>} : memref<16x128xf32, #tpu.memory_space<vmem>>, vector<16xf32>,
    tpu.vector_store %arg9[%swap3A_66, %swap3A_67], %broadcast_in_dim3A_1 {strides = array<i32>} : memref<16x128xf32, #tpu.memory_space<vmem>>, vector<16xf32>,
    %swap3A_69 = arith.constant 2 : i32
    %swap3A_70 = arith.index_cast %swap3A_69 : i32 to index
    %swap3A_71 = arith.constant 16 : index
    %swap3A_72 = tpu.vector_load %arg9[%swap3A_70, %swap3A_71] {strides = array<i32>} : memref<16x128xf32, #tpu.memory_space<vmem>>, vector<16xf32>,
    tpu.vector_store %arg9[%swap3A_70, %swap3A_71], %broadcast_in_dim3A_1 {strides = array<i32>} : memref<16x128xf32, #tpu.memory_space<vmem>>, vector<16xf32>,
    %swap3A_73 = arith.constant 2 : i32
    %swap3A_74 = arith.index_cast %swap3A_73 : i32 to index
    %swap3A_75 = arith.constant 32 : index
    %swap3A_76 = tpu.vector_load %arg9[%swap3A_74, %swap3A_75] {strides = array<i32>} : memref<16x128xf32, #tpu.memory_space<vmem>>, vector<16xf32>,
    tpu.vector_store %arg9[%swap3A_74, %swap3A_75], %broadcast_in_dim3A_1 {strides = array<i32>} : memref<16x128xf32, #tpu.memory_space<vmem>>, vector<16xf32>,
    %swap3A_77 = arith.constant 2 : i32
    %swap3A_78 = arith.index_cast %swap3A_77 : i32 to index
    %swap3A_79 = arith.constant 48 : index
    %swap3A_80 = tpu.vector_load %arg9[%swap3A_78, %swap3A_79] {strides = array<i32>} : memref<16x128xf32, #tpu.memory_space<vmem>>, vector<16xf32>,
    tpu.vector_store %arg9[%swap3A_78, %swap3A_79], %broadcast_in_dim3A_1 {strides = array<i32>} : memref<16x128xf32, #tpu.memory_space<vmem>>, vector<16xf32>,
    %swap3A_81 = arith.constant 2 : i32
    %swap3A_82 = arith.index_cast %swap3A_81 : i32 to index
    %swap3A_83 = arith.constant 64 : index
    %swap3A_84 = tpu.vector_load %arg9[%swap3A_82, %swap3A_83] {strides = array<i32>} : memref<16x128xf32, #tpu.memory_space<vmem>>, vector<16xf32>,
    tpu.vector_store %arg9[%swap3A_82, %swap3A_83], %broadcast_in_dim3A_1 {strides = array<i32>} : memref<16x128xf32, #tpu.memory_space<vmem>>, vector<16xf32>,
    %swap3A_85 = arith.constant 2 : i32
    %swap3A_86 = arith.index_cast %swap3A_85 : i32 to index
    %swap3A_87 = arith.constant 80 : index
    %swap3A_88 = tpu.vector_load %arg9[%swap3A_86, %swap3A_87] {strides = array<i32>} : memref<16x128xf32, #tpu.memory_space<vmem>>, vector<16xf32>,
    tpu.vector_store %arg9[%swap3A_86, %swap3A_87], %broadcast_in_dim3A_1 {strides = array<i32>} : memref<16x128xf32, #tpu.memory_space<vmem>>, vector<16xf32>,
    %swap3A_89 = arith.constant 2 : i32
    %swap3A_90 = arith.index_cast %swap3A_89 : i32 to index
    %swap3A_91 = arith.constant 96 : index
    %swap3A_92 = tpu.vector_load %arg9[%swap3A_90, %swap3A_91] {strides = array<i32>} : memref<16x128xf32, #tpu.memory_space<vmem>>, vector<16xf32>,
    tpu.vector_store %arg9[%swap3A_90, %swap3A_91], %broadcast_in_dim3A_1 {strides = array<i32>} : memref<16x128xf32, #tpu.memory_space<vmem>>, vector<16xf32>,
    %swap3A_93 = arith.constant 2 : i32
    %swap3A_94 = arith.index_cast %swap3A_93 : i32 to index
    %swap3A_95 = arith.constant 112 : index
    %swap3A_96 = tpu.vector_load %arg9[%swap3A_94, %swap3A_95] {strides = array<i32>} : memref<16x128xf32, #tpu.memory_space<vmem>>, vector<16xf32>,
    tpu.vector_store %arg9[%swap3A_94, %swap3A_95], %broadcast_in_dim3A_1 {strides = array<i32>} : memref<16x128xf32, #tpu.memory_space<vmem>>, vector<16xf32>,
    %swap3A_97 = arith.constant 3 : i32
    %swap3A_98 = arith.index_cast %swap3A_97 : i32 to index
    %swap3A_99 = arith.constant 0 : index
    %swap3A_100 = tpu.vector_load %arg9[%swap3A_98, %swap3A_99] {strides = array<i32>} : memref<16x128xf32, #tpu.memory_space<vmem>>, vector<16xf32>,
    tpu.vector_store %arg9[%swap3A_98, %swap3A_99], %broadcast_in_dim3A_1 {strides = array<i32>} : memref<16x128xf32, #tpu.memory_space<vmem>>, vector<16xf32>,
    %swap3A_101 = arith.constant 3 : i32
    %swap3A_102 = arith.index_cast %swap3A_101 : i32 to index
    %swap3A_103 = arith.constant 16 : index
    %swap3A_104 = tpu.vector_load %arg9[%swap3A_102, %swap3A_103] {strides = array<i32>} : memref<16x128xf32, #tpu.memory_space<vmem>>, vector<16xf32>,
    tpu.vector_store %arg9[%swap3A_102, %swap3A_103], %broadcast_in_dim3A_1 {strides = array<i32>} : memref<16x128xf32, #tpu.memory_space<vmem>>, vector<16xf32>,
    %swap3A_105 = arith.constant 3 : i32
    %swap3A_106 = arith.index_cast %swap3A_105 : i32 to index
    %swap3A_107 = arith.constant 32 : index
    %swap3A_108 = tpu.vector_load %arg9[%swap3A_106, %swap3A_107] {strides = array<i32>} : memref<16x128xf32, #tpu.memory_space<vmem>>, vector<16xf32>,
    tpu.vector_store %arg9[%swap3A_106, %swap3A_107], %broadcast_in_dim3A_1 {strides = array<i32>} : memref<16x128xf32, #tpu.memory_space<vmem>>, vector<16xf32>,
    %swap3A_109 = arith.constant 3 : i32
    %swap3A_110 = arith.index_cast %swap3A_109 : i32 to index
    %swap3A_111 = arith.constant 48 : index
    %swap3A_112 = tpu.vector_load %arg9[%swap3A_110, %swap3A_111] {strides = array<i32>} : memref<16x128xf32, #tpu.memory_space<vmem>>, vector<16xf32>,
    tpu.vector_store %arg9[%swap3A_110, %swap3A_111], %broadcast_in_dim3A_1 {strides = array<i32>} : memref<16x128xf32, #tpu.memory_space<vmem>>, vector<16xf32>,
    %swap3A_113 = arith.constant 3 : i32
    %swap3A_114 = arith.index_cast %swap3A_113 : i32 to index
    %swap3A_115 = arith.constant 64 : index
    %swap3A_116 = tpu.vector_load %arg9[%swap3A_114, %swap3A_115] {strides = array<i32>} : memref<16x128xf32, #tpu.memory_space<vmem>>, vector<16xf32>,
    tpu.vector_store %arg9[%swap3A_114, %swap3A_115], %broadcast_in_dim3A_1 {strides = array<i32>} : memref<16x128xf32, #tpu.memory_space<vmem>>, vector<16xf32>,
    %swap3A_117 = arith.constant 3 : i32
    %swap3A_118 = arith.index_cast %swap3A_117 : i32 to index
    %swap3A_119 = arith.constant 80 : index
    %swap3A_120 = tpu.vector_load %arg9[%swap3A_118, %swap3A_119] {strides = array<i32>} : memref<16x128xf32, #tpu.memory_space<vmem>>, vector<16xf32>,
    tpu.vector_store %arg9[%swap3A_118, %swap3A_119], %broadcast_in_dim3A_1 {strides = array<i32>} : memref<16x128xf32, #tpu.memory_space<vmem>>, vector<16xf32>,
    %swap3A_121 = arith.constant 3 : i32
    %swap3A_122 = arith.index_cast %swap3A_121 : i32 to index
    %swap3A_123 = arith.constant 96 : index
    %swap3A_124 = tpu.vector_load %arg9[%swap3A_122, %swap3A_123] {strides = array<i32>} : memref<16x128xf32, #tpu.memory_space<vmem>>, vector<16xf32>,
    tpu.vector_store %arg9[%swap3A_122, %swap3A_123], %broadcast_in_dim3A_1 {strides = array<i32>} : memref<16x128xf32, #tpu.memory_space<vmem>>, vector<16xf32>,
    %swap3A_125 = arith.constant 3 : i32
    %swap3A_126 = arith.index_cast %swap3A_125 : i32 to index
    %swap3A_127 = arith.constant 112 : index
    %swap3A_128 = tpu.vector_load %arg9[%swap3A_126, %swap3A_127] {strides = array<i32>} : memref<16x128xf32, #tpu.memory_space<vmem>>, vector<16xf32>,
    tpu.vector_store %arg9[%swap3A_126, %swap3A_127], %broadcast_in_dim3A_1 {strides = array<i32>} : memref<16x128xf32, #tpu.memory_space<vmem>>, vector<16xf32>,
    %swap3A_129 = arith.constant 4 : i32
    %swap3A_130 = arith.index_cast %swap3A_129 : i32 to index
    %swap3A_131 = arith.constant 0 : index
    %swap3A_132 = tpu.vector_load %arg9[%swap3A_130, %swap3A_131] {strides = array<i32>} : memref<16x128xf32, #tpu.memory_space<vmem>>, vector<16xf32>,
    tpu.vector_store %arg9[%swap3A_130, %swap3A_131], %broadcast_in_dim3A_1 {strides = array<i32>} : memref<16x128xf32, #tpu.memory_space<vmem>>, vector<16xf32>,
    %swap3A_133 = arith.constant 4 : i32
    %swap3A_134 = arith.index_cast %swap3A_133 : i32 to index
    %swap3A_135 = arith.constant 16 : index
    %swap3A_136 = tpu.vector_load %arg9[%swap3A_134, %swap3A_135] {strides = array<i32>} : memref<16x128xf32, #tpu.memory_space<vmem>>, vector<16xf32>,
    tpu.vector_store %arg9[%swap3A_134, %swap3A_135], %broadcast_in_dim3A_1 {strides = array<i32>} : memref<16x128xf32, #tpu.memory_space<vmem>>, vector<16xf32>,
    %swap3A_137 = arith.constant 4 : i32
    %swap3A_138 = arith.index_cast %swap3A_137 : i32 to index
    %swap3A_139 = arith.constant 32 : index
    %swap3A_140 = tpu.vector_load %arg9[%swap3A_138, %swap3A_139] {strides = array<i32>} : memref<16x128xf32, #tpu.memory_space<vmem>>, vector<16xf32>,
    tpu.vector_store %arg9[%swap3A_138, %swap3A_139], %broadcast_in_dim3A_1 {strides = array<i32>} : memref<16x128xf32, #tpu.memory_space<vmem>>, vector<16xf32>,
    %swap3A_141 = arith.constant 4 : i32
    %swap3A_142 = arith.index_cast %swap3A_141 : i32 to index
    %swap3A_143 = arith.constant 48 : index
    %swap3A_144 = tpu.vector_load %arg9[%swap3A_142, %swap3A_143] {strides = array<i32>} : memref<16x128xf32, #tpu.memory_space<vmem>>, vector<16xf32>,
    tpu.vector_store %arg9[%swap3A_142, %swap3A_143], %broadcast_in_dim3A_1 {strides = array<i32>} : memref<16x128xf32, #tpu.memory_space<vmem>>, vector<16xf32>,
    %swap3A_145 = arith.constant 4 : i32
    %swap3A_146 = arith.index_cast %swap3A_145 : i32 to index
    %swap3A_147 = arith.constant 64 : index
    %swap3A_148 = tpu.vector_load %arg9[%swap3A_146, %swap3A_147] {strides = array<i32>} : memref<16x128xf32, #tpu.memory_space<vmem>>, vector<16xf32>,
    tpu.vector_store %arg9[%swap3A_146, %swap3A_147], %broadcast_in_dim3A_1 {strides = array<i32>} : memref<16x128xf32, #tpu.memory_space<vmem>>, vector<16xf32>,
    %swap3A_149 = arith.constant 4 : i32
    %swap3A_150 = arith.index_cast %swap3A_149 : i32 to index
    %swap3A_151 = arith.constant 80 : index
    %swap3A_152 = tpu.vector_load %arg9[%swap3A_150, %swap3A_151] {strides = array<i32>} : memref<16x128xf32, #tpu.memory_space<vmem>>, vector<16xf32>,
    tpu.vector_store %arg9[%swap3A_150, %swap3A_151], %broadcast_in_dim3A_1 {strides = array<i32>} : memref<16x128xf32, #tpu.memory_space<vmem>>, vector<16xf32>,
    %swap3A_153 = arith.constant 4 : i32
    %swap3A_154 = arith.index_cast %swap3A_153 : i32 to index
    %swap3A_155 = arith.constant 96 : index
    %swap3A_156 = tpu.vector_load %arg9[%swap3A_154, %swap3A_155] {strides = array<i32>} : memref<16x128xf32, #tpu.memory_space<vmem>>, vector<16xf32>,
    tpu.vector_store %arg9[%swap3A_154, %swap3A_155], %broadcast_in_dim3A_1 {strides = array<i32>} : memref<16x128xf32, #tpu.memory_space<vmem>>, vector<16xf32>,
    %swap3A_157 = arith.constant 4 : i32
    %swap3A_158 = arith.index_cast %swap3A_157 : i32 to index
    %swap3A_159 = arith.constant 112 : index
    %swap3A_160 = tpu.vector_load %arg9[%swap3A_158, %swap3A_159] {strides = array<i32>} : memref<16x128xf32, #tpu.memory_space<vmem>>, vector<16xf32>,
    tpu.vector_store %arg9[%swap3A_158, %swap3A_159], %broadcast_in_dim3A_1 {strides = array<i32>} : memref<16x128xf32, #tpu.memory_space<vmem>>, vector<16xf32>,
    %swap3A_161 = arith.constant 5 : i32
    %swap3A_162 = arith.index_cast %swap3A_161 : i32 to index
    %swap3A_163 = arith.constant 0 : index
    %swap3A_164 = tpu.vector_load %arg9[%swap3A_162, %swap3A_163] {strides = array<i32>} : memref<16x128xf32, #tpu.memory_space<vmem>>, vector<16xf32>,
    tpu.vector_store %arg9[%swap3A_162, %swap3A_163], %broadcast_in_dim3A_1 {strides = array<i32>} : memref<16x128xf32, #tpu.memory_space<vmem>>, vector<16xf32>,
    %swap3A_165 = arith.constant 5 : i32
    %swap3A_166 = arith.index_cast %swap3A_165 : i32 to index
    %swap3A_167 = arith.constant 16 : index
    %swap3A_168 = tpu.vector_load %arg9[%swap3A_166, %swap3A_167] {strides = array<i32>} : memref<16x128xf32, #tpu.memory_space<vmem>>, vector<16xf32>,
    tpu.vector_store %arg9[%swap3A_166, %swap3A_167], %broadcast_in_dim3A_1 {strides = array<i32>} : memref<16x128xf32, #tpu.memory_space<vmem>>, vector<16xf32>,
    %swap3A_169 = arith.constant 5 : i32
    %swap3A_170 = arith.index_cast %swap3A_169 : i32 to index
    %swap3A_171 = arith.constant 32 : index
    %swap3A_172 = tpu.vector_load %arg9[%swap3A_170, %swap3A_171] {strides = array<i32>} : memref<16x128xf32, #tpu.memory_space<vmem>>, vector<16xf32>,
    tpu.vector_store %arg9[%swap3A_170, %swap3A_171], %broadcast_in_dim3A_1 {strides = array<i32>} : memref<16x128xf32, #tpu.memory_space<vmem>>, vector<16xf32>,
    %swap3A_173 = arith.constant 5 : i32
    %swap3A_174 = arith.index_cast %swap3A_173 : i32 to index
    %swap3A_175 = arith.constant 48 : index
    %swap3A_176 = tpu.vector_load %arg9[%swap3A_174, %swap3A_175] {strides = array<i32>} : memref<16x128xf32, #tpu.memory_space<vmem>>, vector<16xf32>,
    tpu.vector_store %arg9[%swap3A_174, %swap3A_175], %broadcast_in_dim3A_1 {strides = array<i32>} : memref<16x128xf32, #tpu.memory_space<vmem>>, vector<16xf32>,
    %swap3A_177 = arith.constant 5 : i32
    %swap3A_178 = arith.index_cast %swap3A_177 : i32 to index
    %swap3A_179 = arith.constant 64 : index
    %swap3A_180 = tpu.vector_load %arg9[%swap3A_178, %swap3A_179] {strides = array<i32>} : memref<16x128xf32, #tpu.memory_space<vmem>>, vector<16xf32>,
    tpu.vector_store %arg9[%swap3A_178, %swap3A_179], %broadcast_in_dim3A_1 {strides = array<i32>} : memref<16x128xf32, #tpu.memory_space<vmem>>, vector<16xf32>,
    %swap3A_181 = arith.constant 5 : i32
    %swap3A_182 = arith.index_cast %swap3A_181 : i32 to index
    %swap3A_183 = arith.constant 80 : index
    %swap3A_184 = tpu.vector_load %arg9[%swap3A_182, %swap3A_183] {strides = array<i32>} : memref<16x128xf32, #tpu.memory_space<vmem>>, vector<16xf32>,
    tpu.vector_store %arg9[%swap3A_182, %swap3A_183], %broadcast_in_dim3A_1 {strides = array<i32>} : memref<16x128xf32, #tpu.memory_space<vmem>>, vector<16xf32>,
    %swap3A_185 = arith.constant 5 : i32
    %swap3A_186 = arith.index_cast %swap3A_185 : i32 to index
    %swap3A_187 = arith.constant 96 : index
    %swap3A_188 = tpu.vector_load %arg9[%swap3A_186, %swap3A_187] {strides = array<i32>} : memref<16x128xf32, #tpu.memory_space<vmem>>, vector<16xf32>,
    tpu.vector_store %arg9[%swap3A_186, %swap3A_187], %broadcast_in_dim3A_1 {strides = array<i32>} : memref<16x128xf32, #tpu.memory_space<vmem>>, vector<16xf32>,
    %swap3A_189 = arith.constant 5 : i32
    %swap3A_190 = arith.index_cast %swap3A_189 : i32 to index
    %swap3A_191 = arith.constant 112 : index
    %swap3A_192 = tpu.vector_load %arg9[%swap3A_190, %swap3A_191] {strides = array<i32>} : memref<16x128xf32, #tpu.memory_space<vmem>>, vector<16xf32>,
    tpu.vector_store %arg9[%swap3A_190, %swap3A_191], %broadcast_in_dim3A_1 {strides = array<i32>} : memref<16x128xf32, #tpu.memory_space<vmem>>, vector<16xf32>,
    %swap3A_193 = arith.constant 6 : i32
    %swap3A_194 = arith.index_cast %swap3A_193 : i32 to index
    %swap3A_195 = arith.constant 0 : index
    %swap3A_196 = tpu.vector_load %arg9[%swap3A_194, %swap3A_195] {strides = array<i32>} : memref<16x128xf32, #tpu.memory_space<vmem>>, vector<16xf32>,
    tpu.vector_store %arg9[%swap3A_194, %swap3A_195], %broadcast_in_dim3A_1 {strides = array<i32>} : memref<16x128xf32, #tpu.memory_space<vmem>>, vector<16xf32>,
    %swap3A_197 = arith.constant 6 : i32
    %swap3A_198 = arith.index_cast %swap3A_197 : i32 to index
    %swap3A_199 = arith.constant 16 : index
    %swap3A_200 = tpu.vector_load %arg9[%swap3A_198, %swap3A_199] {strides = array<i32>} : memref<16x128xf32, #tpu.memory_space<vmem>>, vector<16xf32>,
    tpu.vector_store %arg9[%swap3A_198, %swap3A_199], %broadcast_in_dim3A_1 {strides = array<i32>} : memref<16x128xf32, #tpu.memory_space<vmem>>, vector<16xf32>,
    %swap3A_201 = arith.constant 6 : i32
    %swap3A_202 = arith.index_cast %swap3A_201 : i32 to index
    %swap3A_203 = arith.constant 32 : index
    %swap3A_204 = tpu.vector_load %arg9[%swap3A_202, %swap3A_203] {strides = array<i32>} : memref<16x128xf32, #tpu.memory_space<vmem>>, vector<16xf32>,
    tpu.vector_store %arg9[%swap3A_202, %swap3A_203], %broadcast_in_dim3A_1 {strides = array<i32>} : memref<16x128xf32, #tpu.memory_space<vmem>>, vector<16xf32>,
    %swap3A_205 = arith.constant 6 : i32
    %swap3A_206 = arith.index_cast %swap3A_205 : i32 to index
    %swap3A_207 = arith.constant 48 : index
    %swap3A_208 = tpu.vector_load %arg9[%swap3A_206, %swap3A_207] {strides = array<i32>} : memref<16x128xf32, #tpu.memory_space<vmem>>, vector<16xf32>,
    tpu.vector_store %arg9[%swap3A_206, %swap3A_207], %broadcast_in_dim3A_1 {strides = array<i32>} : memref<16x128xf32, #tpu.memory_space<vmem>>, vector<16xf32>,
    %swap3A_209 = arith.constant 6 : i32
    %swap3A_210 = arith.index_cast %swap3A_209 : i32 to index
    %swap3A_211 = arith.constant 64 : index
    %swap3A_212 = tpu.vector_load %arg9[%swap3A_210, %swap3A_211] {strides = array<i32>} : memref<16x128xf32, #tpu.memory_space<vmem>>, vector<16xf32>,
    tpu.vector_store %arg9[%swap3A_210, %swap3A_211], %broadcast_in_dim3A_1 {strides = array<i32>} : memref<16x128xf32, #tpu.memory_space<vmem>>, vector<16xf32>,
    %swap3A_213 = arith.constant 6 : i32
    %swap3A_214 = arith.index_cast %swap3A_213 : i32 to index
    %swap3A_215 = arith.constant 80 : index
    %swap3A_216 = tpu.vector_load %arg9[%swap3A_214, %swap3A_215] {strides = array<i32>} : memref<16x128xf32, #tpu.memory_space<vmem>>, vector<16xf32>,
    tpu.vector_store %arg9[%swap3A_214, %swap3A_215], %broadcast_in_dim3A_1 {strides = array<i32>} : memref<16x128xf32, #tpu.memory_space<vmem>>, vector<16xf32>,
    %swap3A_217 = arith.constant 6 : i32
    %swap3A_218 = arith.index_cast %swap3A_217 : i32 to index
    %swap3A_219 = arith.constant 96 : index
    %swap3A_220 = tpu.vector_load %arg9[%swap3A_218, %swap3A_219] {strides = array<i32>} : memref<16x128xf32, #tpu.memory_space<vmem>>, vector<16xf32>,
    tpu.vector_store %arg9[%swap3A_218, %swap3A_219], %broadcast_in_dim3A_1 {strides = array<i32>} : memref<16x128xf32, #tpu.memory_space<vmem>>, vector<16xf32>,
    %swap3A_221 = arith.constant 6 : i32
    %swap3A_222 = arith.index_cast %swap3A_221 : i32 to index
    %swap3A_223 = arith.constant 112 : index
    %swap3A_224 = tpu.vector_load %arg9[%swap3A_222, %swap3A_223] {strides = array<i32>} : memref<16x128xf32, #tpu.memory_space<vmem>>, vector<16xf32>,
    tpu.vector_store %arg9[%swap3A_222, %swap3A_223], %broadcast_in_dim3A_1 {strides = array<i32>} : memref<16x128xf32, #tpu.memory_space<vmem>>, vector<16xf32>,
    %swap3A_225 = arith.constant 7 : i32
    %swap3A_226 = arith.index_cast %swap3A_225 : i32 to index
    %swap3A_227 = arith.constant 0 : index
    %swap3A_228 = tpu.vector_load %arg9[%swap3A_226, %swap3A_227] {strides = array<i32>} : memref<16x128xf32, #tpu.memory_space<vmem>>, vector<16xf32>,
    tpu.vector_store %arg9[%swap3A_226, %swap3A_227], %broadcast_in_dim3A_1 {strides = array<i32>} : memref<16x128xf32, #tpu.memory_space<vmem>>, vector<16xf32>,
    %swap3A_229 = arith.constant 7 : i32
    %swap3A_230 = arith.index_cast %swap3A_229 : i32 to index
    %swap3A_231 = arith.constant 16 : index
    %swap3A_232 = tpu.vector_load %arg9[%swap3A_230, %swap3A_231] {strides = array<i32>} : memref<16x128xf32, #tpu.memory_space<vmem>>, vector<16xf32>,
    tpu.vector_store %arg9[%swap3A_230, %swap3A_231], %broadcast_in_dim3A_1 {strides = array<i32>} : memref<16x128xf32, #tpu.memory_space<vmem>>, vector<16xf32>,
    %swap3A_233 = arith.constant 7 : i32
    %swap3A_234 = arith.index_cast %swap3A_233 : i32 to index
    %swap3A_235 = arith.constant 32 : index
    %swap3A_236 = tpu.vector_load %arg9[%swap3A_234, %swap3A_235] {strides = array<i32>} : memref<16x128xf32, #tpu.memory_space<vmem>>, vector<16xf32>,
    tpu.vector_store %arg9[%swap3A_234, %swap3A_235], %broadcast_in_dim3A_1 {strides = array<i32>} : memref<16x128xf32, #tpu.memory_space<vmem>>, vector<16xf32>,
    %swap3A_237 = arith.constant 7 : i32
    %swap3A_238 = arith.index_cast %swap3A_237 : i32 to index
    %swap3A_239 = arith.constant 48 : index
    %swap3A_240 = tpu.vector_load %arg9[%swap3A_238, %swap3A_239] {strides = array<i32>} : memref<16x128xf32, #tpu.memory_space<vmem>>, vector<16xf32>,
    tpu.vector_store %arg9[%swap3A_238, %swap3A_239], %broadcast_in_dim3A_1 {strides = array<i32>} : memref<16x128xf32, #tpu.memory_space<vmem>>, vector<16xf32>,
    %swap3A_241 = arith.constant 7 : i32
    %swap3A_242 = arith.index_cast %swap3A_241 : i32 to index
    %swap3A_243 = arith.constant 64 : index
    %swap3A_244 = tpu.vector_load %arg9[%swap3A_242, %swap3A_243] {strides = array<i32>} : memref<16x128xf32, #tpu.memory_space<vmem>>, vector<16xf32>,
    tpu.vector_store %arg9[%swap3A_242, %swap3A_243], %broadcast_in_dim3A_1 {strides = array<i32>} : memref<16x128xf32, #tpu.memory_space<vmem>>, vector<16xf32>,
    %swap3A_245 = arith.constant 7 : i32
    %swap3A_246 = arith.index_cast %swap3A_245 : i32 to index
    %swap3A_247 = arith.constant 80 : index
    %swap3A_248 = tpu.vector_load %arg9[%swap3A_246, %swap3A_247] {strides = array<i32>} : memref<16x128xf32, #tpu.memory_space<vmem>>, vector<16xf32>,
    tpu.vector_store %arg9[%swap3A_246, %swap3A_247], %broadcast_in_dim3A_1 {strides = array<i32>} : memref<16x128xf32, #tpu.memory_space<vmem>>, vector<16xf32>,
    %swap3A_249 = arith.constant 7 : i32
    %swap3A_250 = arith.index_cast %swap3A_249 : i32 to index
    %swap3A_251 = arith.constant 96 : index
    %swap3A_252 = tpu.vector_load %arg9[%swap3A_250, %swap3A_251] {strides = array<i32>} : memref<16x128xf32, #tpu.memory_space<vmem>>, vector<16xf32>,
    tpu.vector_store %arg9[%swap3A_250, %swap3A_251], %broadcast_in_dim3A_1 {strides = array<i32>} : memref<16x128xf32, #tpu.memory_space<vmem>>, vector<16xf32>,
    %swap3A_253 = arith.constant 7 : i32
    %swap3A_254 = arith.index_cast %swap3A_253 : i32 to index
    %swap3A_255 = arith.constant 112 : index
    %swap3A_256 = tpu.vector_load %arg9[%swap3A_254, %swap3A_255] {strides = array<i32>} : memref<16x128xf32, #tpu.memory_space<vmem>>, vector<16xf32>,
    tpu.vector_store %arg9[%swap3A_254, %swap3A_255], %broadcast_in_dim3A_1 {strides = array<i32>} : memref<16x128xf32, #tpu.memory_space<vmem>>, vector<16xf32>,
    %swap3A_257 = arith.constant 8 : i32
    %swap3A_258 = arith.index_cast %swap3A_257 : i32 to index
    %swap3A_259 = arith.constant 0 : index
    %swap3A_260 = tpu.vector_load %arg9[%swap3A_258, %swap3A_259] {strides = array<i32>} : memref<16x128xf32, #tpu.memory_space<vmem>>, vector<16xf32>,
    tpu.vector_store %arg9[%swap3A_258, %swap3A_259], %broadcast_in_dim3A_1 {strides = array<i32>} : memref<16x128xf32, #tpu.memory_space<vmem>>, vector<16xf32>,
    %swap3A_261 = arith.constant 8 : i32
    %swap3A_262 = arith.index_cast %swap3A_261 : i32 to index
    %swap3A_263 = arith.constant 16 : index
    %swap3A_264 = tpu.vector_load %arg9[%swap3A_262, %swap3A_263] {strides = array<i32>} : memref<16x128xf32, #tpu.memory_space<vmem>>, vector<16xf32>,
    tpu.vector_store %arg9[%swap3A_262, %swap3A_263], %broadcast_in_dim3A_1 {strides = array<i32>} : memref<16x128xf32, #tpu.memory_space<vmem>>, vector<16xf32>,
    %swap3A_265 = arith.constant 8 : i32
    %swap3A_266 = arith.index_cast %swap3A_265 : i32 to index
    %swap3A_267 = arith.constant 32 : index
    %swap3A_268 = tpu.vector_load %arg9[%swap3A_266, %swap3A_267] {strides = array<i32>} : memref<16x128xf32, #tpu.memory_space<vmem>>, vector<16xf32>,
    tpu.vector_store %arg9[%swap3A_266, %swap3A_267], %broadcast_in_dim3A_1 {strides = array<i32>} : memref<16x128xf32, #tpu.memory_space<vmem>>, vector<16xf32>,
    %swap3A_269 = arith.constant 8 : i32
    %swap3A_270 = arith.index_cast %swap3A_269 : i32 to index
    %swap3A_271 = arith.constant 48 : index
    %swap3A_272 = tpu.vector_load %arg9[%swap3A_270, %swap3A_271] {strides = array<i32>} : memref<16x128xf32, #tpu.memory_space<vmem>>, vector<16xf32>,
    tpu.vector_store %arg9[%swap3A_270, %swap3A_271], %broadcast_in_dim3A_1 {strides = array<i32>} : memref<16x128xf32, #tpu.memory_space<vmem>>, vector<16xf32>,
    %swap3A_273 = arith.constant 8 : i32
    %swap3A_274 = arith.index_cast %swap3A_273 : i32 to index
    %swap3A_275 = arith.constant 64 : index
    %swap3A_276 = tpu.vector_load %arg9[%swap3A_274, %swap3A_275] {strides = array<i32>} : memref<16x128xf32, #tpu.memory_space<vmem>>, vector<16xf32>,
    tpu.vector_store %arg9[%swap3A_274, %swap3A_275], %broadcast_in_dim3A_1 {strides = array<i32>} : memref<16x128xf32, #tpu.memory_space<vmem>>, vector<16xf32>,
    %swap3A_277 = arith.constant 8 : i32
    %swap3A_278 = arith.index_cast %swap3A_277 : i32 to index
    %swap3A_279 = arith.constant 80 : index
    %swap3A_280 = tpu.vector_load %arg9[%swap3A_278, %swap3A_279] {strides = array<i32>} : memref<16x128xf32, #tpu.memory_space<vmem>>, vector<16xf32>,
    tpu.vector_store %arg9[%swap3A_278, %swap3A_279], %broadcast_in_dim3A_1 {strides = array<i32>} : memref<16x128xf32, #tpu.memory_space<vmem>>, vector<16xf32>,
    %swap3A_281 = arith.constant 8 : i32
    %swap3A_282 = arith.index_cast %swap3A_281 : i32 to index
    %swap3A_283 = arith.constant 96 : index
    %swap3A_284 = tpu.vector_load %arg9[%swap3A_282, %swap3A_283] {strides = array<i32>} : memref<16x128xf32, #tpu.memory_space<vmem>>, vector<16xf32>,
    tpu.vector_store %arg9[%swap3A_282, %swap3A_283], %broadcast_in_dim3A_1 {strides = array<i32>} : memref<16x128xf32, #tpu.memory_space<vmem>>, vector<16xf32>,
    %swap3A_285 = arith.constant 8 : i32
    %swap3A_286 = arith.index_cast %swap3A_285 : i32 to index
    %swap3A_287 = arith.constant 112 : index
    %swap3A_288 = tpu.vector_load %arg9[%swap3A_286, %swap3A_287] {strides = array<i32>} : memref<16x128xf32, #tpu.memory_space<vmem>>, vector<16xf32>,
    tpu.vector_store %arg9[%swap3A_286, %swap3A_287], %broadcast_in_dim3A_1 {strides = array<i32>} : memref<16x128xf32, #tpu.memory_space<vmem>>, vector<16xf32>,
    %swap3A_289 = arith.constant 9 : i32
    %swap3A_290 = arith.index_cast %swap3A_289 : i32 to index
    %swap3A_291 = arith.constant 0 : index
    %swap3A_292 = tpu.vector_load %arg9[%swap3A_290, %swap3A_291] {strides = array<i32>} : memref<16x128xf32, #tpu.memory_space<vmem>>, vector<16xf32>,
    tpu.vector_store %arg9[%swap3A_290, %swap3A_291], %broadcast_in_dim3A_1 {strides = array<i32>} : memref<16x128xf32, #tpu.memory_space<vmem>>, vector<16xf32>,
    %swap3A_293 = arith.constant 9 : i32
    %swap3A_294 = arith.index_cast %swap3A_293 : i32 to index
    %swap3A_295 = arith.constant 16 : index
    %swap3A_296 = tpu.vector_load %arg9[%swap3A_294, %swap3A_295] {strides = array<i32>} : memref<16x128xf32, #tpu.memory_space<vmem>>, vector<16xf32>,
    tpu.vector_store %arg9[%swap3A_294, %swap3A_295], %broadcast_in_dim3A_1 {strides = array<i32>} : memref<16x128xf32, #tpu.memory_space<vmem>>, vector<16xf32>,
    %swap3A_297 = arith.constant 9 : i32
    %swap3A_298 = arith.index_cast %swap3A_297 : i32 to index
    %swap3A_299 = arith.constant 32 : index
    %swap3A_300 = tpu.vector_load %arg9[%swap3A_298, %swap3A_299] {strides = array<i32>} : memref<16x128xf32, #tpu.memory_space<vmem>>, vector<16xf32>,
    tpu.vector_store %arg9[%swap3A_298, %swap3A_299], %broadcast_in_dim3A_1 {strides = array<i32>} : memref<16x128xf32, #tpu.memory_space<vmem>>, vector<16xf32>,
    %swap3A_301 = arith.constant 9 : i32
    %swap3A_302 = arith.index_cast %swap3A_301 : i32 to index
    %swap3A_303 = arith.constant 48 : index
    %swap3A_304 = tpu.vector_load %arg9[%swap3A_302, %swap3A_303] {strides = array<i32>} : memref<16x128xf32, #tpu.memory_space<vmem>>, vector<16xf32>,
    tpu.vector_store %arg9[%swap3A_302, %swap3A_303], %broadcast_in_dim3A_1 {strides = array<i32>} : memref<16x128xf32, #tpu.memory_space<vmem>>, vector<16xf32>,
    %swap3A_305 = arith.constant 9 : i32
    %swap3A_306 = arith.index_cast %swap3A_305 : i32 to index
    %swap3A_307 = arith.constant 64 : index
    %swap3A_308 = tpu.vector_load %arg9[%swap3A_306, %swap3A_307] {strides = array<i32>} : memref<16x128xf32, #tpu.memory_space<vmem>>, vector<16xf32>,
    tpu.vector_store %arg9[%swap3A_306, %swap3A_307], %broadcast_in_dim3A_1 {strides = array<i32>} : memref<16x128xf32, #tpu.memory_space<vmem>>, vector<16xf32>,
    %swap3A_309 = arith.constant 9 : i32
    %swap3A_310 = arith.index_cast %swap3A_309 : i32 to index
    %swap3A_311 = arith.constant 80 : index
    %swap3A_312 = tpu.vector_load %arg9[%swap3A_310, %swap3A_311] {strides = array<i32>} : memref<16x128xf32, #tpu.memory_space<vmem>>, vector<16xf32>,
    tpu.vector_store %arg9[%swap3A_310, %swap3A_311], %broadcast_in_dim3A_1 {strides = array<i32>} : memref<16x128xf32, #tpu.memory_space<vmem>>, vector<16xf32>,
    %swap3A_313 = arith.constant 9 : i32
    %swap3A_314 = arith.index_cast %swap3A_313 : i32 to index
    %swap3A_315 = arith.constant 96 : index
    %swap3A_316 = tpu.vector_load %arg9[%swap3A_314, %swap3A_315] {strides = array<i32>} : memref<16x128xf32, #tpu.memory_space<vmem>>, vector<16xf32>,
    tpu.vector_store %arg9[%swap3A_314, %swap3A_315], %broadcast_in_dim3A_1 {strides = array<i32>} : memref<16x128xf32, #tpu.memory_space<vmem>>, vector<16xf32>,
    %swap3A_317 = arith.constant 9 : i32
    %swap3A_318 = arith.index_cast %swap3A_317 : i32 to index
    %swap3A_319 = arith.constant 112 : index
    %swap3A_320 = tpu.vector_load %arg9[%swap3A_318, %swap3A_319] {strides = array<i32>} : memref<16x128xf32, #tpu.memory_space<vmem>>, vector<16xf32>,
    tpu.vector_store %arg9[%swap3A_318, %swap3A_319], %broadcast_in_dim3A_1 {strides = array<i32>} : memref<16x128xf32, #tpu.memory_space<vmem>>, vector<16xf32>,
    %swap3A_321 = arith.constant 10 : i32
    %swap3A_322 = arith.index_cast %swap3A_321 : i32 to index
    %swap3A_323 = arith.constant 0 : index
    %swap3A_324 = tpu.vector_load %arg9[%swap3A_322, %swap3A_323] {strides = array<i32>} : memref<16x128xf32, #tpu.memory_space<vmem>>, vector<16xf32>,
    tpu.vector_store %arg9[%swap3A_322, %swap3A_323], %broadcast_in_dim3A_1 {strides = array<i32>} : memref<16x128xf32, #tpu.memory_space<vmem>>, vector<16xf32>,
    %swap3A_325 = arith.constant 10 : i32
    %swap3A_326 = arith.index_cast %swap3A_325 : i32 to index
    %swap3A_327 = arith.constant 16 : index
    %swap3A_328 = tpu.vector_load %arg9[%swap3A_326, %swap3A_327] {strides = array<i32>} : memref<16x128xf32, #tpu.memory_space<vmem>>, vector<16xf32>,
    tpu.vector_store %arg9[%swap3A_326, %swap3A_327], %broadcast_in_dim3A_1 {strides = array<i32>} : memref<16x128xf32, #tpu.memory_space<vmem>>, vector<16xf32>,
    %swap3A_329 = arith.constant 10 : i32
    %swap3A_330 = arith.index_cast %swap3A_329 : i32 to index
    %swap3A_331 = arith.constant 32 : index
    %swap3A_332 = tpu.vector_load %arg9[%swap3A_330, %swap3A_331] {strides = array<i32>} : memref<16x128xf32, #tpu.memory_space<vmem>>, vector<16xf32>,
    tpu.vector_store %arg9[%swap3A_330, %swap3A_331], %broadcast_in_dim3A_1 {strides = array<i32>} : memref<16x128xf32, #tpu.memory_space<vmem>>, vector<16xf32>,
    %swap3A_333 = arith.constant 10 : i32
    %swap3A_334 = arith.index_cast %swap3A_333 : i32 to index
    %swap3A_335 = arith.constant 48 : index
    %swap3A_336 = tpu.vector_load %arg9[%swap3A_334, %swap3A_335] {strides = array<i32>} : memref<16x128xf32, #tpu.memory_space<vmem>>, vector<16xf32>,
    tpu.vector_store %arg9[%swap3A_334, %swap3A_335], %broadcast_in_dim3A_1 {strides = array<i32>} : memref<16x128xf32, #tpu.memory_space<vmem>>, vector<16xf32>,
    %swap3A_337 = arith.constant 10 : i32
    %swap3A_338 = arith.index_cast %swap3A_337 : i32 to index
    %swap3A_339 = arith.constant 64 : index
    %swap3A_340 = tpu.vector_load %arg9[%swap3A_338, %swap3A_339] {strides = array<i32>} : memref<16x128xf32, #tpu.memory_space<vmem>>, vector<16xf32>,
    tpu.vector_store %arg9[%swap3A_338, %swap3A_339], %broadcast_in_dim3A_1 {strides = array<i32>} : memref<16x128xf32, #tpu.memory_space<vmem>>, vector<16xf32>,
    %swap3A_341 = arith.constant 10 : i32
    %swap3A_342 = arith.index_cast %swap3A_341 : i32 to index
    %swap3A_343 = arith.constant 80 : index
    %swap3A_344 = tpu.vector_load %arg9[%swap3A_342, %swap3A_343] {strides = array<i32>} : memref<16x128xf32, #tpu.memory_space<vmem>>, vector<16xf32>,
    tpu.vector_store %arg9[%swap3A_342, %swap3A_343], %broadcast_in_dim3A_1 {strides = array<i32>} : memref<16x128xf32, #tpu.memory_space<vmem>>, vector<16xf32>,
    %swap3A_345 = arith.constant 10 : i32
    %swap3A_346 = arith.index_cast %swap3A_345 : i32 to index
    %swap3A_347 = arith.constant 96 : index
    %swap3A_348 = tpu.vector_load %arg9[%swap3A_346, %swap3A_347] {strides = array<i32>} : memref<16x128xf32, #tpu.memory_space<vmem>>, vector<16xf32>,
    tpu.vector_store %arg9[%swap3A_346, %swap3A_347], %broadcast_in_dim3A_1 {strides = array<i32>} : memref<16x128xf32, #tpu.memory_space<vmem>>, vector<16xf32>,
    %swap3A_349 = arith.constant 10 : i32
    %swap3A_350 = arith.index_cast %swap3A_349 : i32 to index
    %swap3A_351 = arith.constant 112 : index
    %swap3A_352 = tpu.vector_load %arg9[%swap3A_350, %swap3A_351] {strides = array<i32>} : memref<16x128xf32, #tpu.memory_space<vmem>>, vector<16xf32>,
    tpu.vector_store %arg9[%swap3A_350, %swap3A_351], %broadcast_in_dim3A_1 {strides = array<i32>} : memref<16x128xf32, #tpu.memory_space<vmem>>, vector<16xf32>,
    %swap3A_353 = arith.constant 11 : i32
    %swap3A_354 = arith.index_cast %swap3A_353 : i32 to index
    %swap3A_355 = arith.constant 0 : index
    %swap3A_356 = tpu.vector_load %arg9[%swap3A_354, %swap3A_355] {strides = array<i32>} : memref<16x128xf32, #tpu.memory_space<vmem>>, vector<16xf32>,
    tpu.vector_store %arg9[%swap3A_354, %swap3A_355], %broadcast_in_dim3A_1 {strides = array<i32>} : memref<16x128xf32, #tpu.memory_space<vmem>>, vector<16xf32>,
    %swap3A_357 = arith.constant 11 : i32
    %swap3A_358 = arith.index_cast %swap3A_357 : i32 to index
    %swap3A_359 = arith.constant 16 : index
    %swap3A_360 = tpu.vector_load %arg9[%swap3A_358, %swap3A_359] {strides = array<i32>} : memref<16x128xf32, #tpu.memory_space<vmem>>, vector<16xf32>,
    tpu.vector_store %arg9[%swap3A_358, %swap3A_359], %broadcast_in_dim3A_1 {strides = array<i32>} : memref<16x128xf32, #tpu.memory_space<vmem>>, vector<16xf32>,
    %swap3A_361 = arith.constant 11 : i32
    %swap3A_362 = arith.index_cast %swap3A_361 : i32 to index
    %swap3A_363 = arith.constant 32 : index
    %swap3A_364 = tpu.vector_load %arg9[%swap3A_362, %swap3A_363] {strides = array<i32>} : memref<16x128xf32, #tpu.memory_space<vmem>>, vector<16xf32>,
    tpu.vector_store %arg9[%swap3A_362, %swap3A_363], %broadcast_in_dim3A_1 {strides = array<i32>} : memref<16x128xf32, #tpu.memory_space<vmem>>, vector<16xf32>,
    %swap3A_365 = arith.constant 11 : i32
    %swap3A_366 = arith.index_cast %swap3A_365 : i32 to index
    %swap3A_367 = arith.constant 48 : index
    %swap3A_368 = tpu.vector_load %arg9[%swap3A_366, %swap3A_367] {strides = array<i32>} : memref<16x128xf32, #tpu.memory_space<vmem>>, vector<16xf32>,
    tpu.vector_store %arg9[%swap3A_366, %swap3A_367], %broadcast_in_dim3A_1 {strides = array<i32>} : memref<16x128xf32, #tpu.memory_space<vmem>>, vector<16xf32>,
    %swap3A_369 = arith.constant 11 : i32
    %swap3A_370 = arith.index_cast %swap3A_369 : i32 to index
    %swap3A_371 = arith.constant 64 : index
    %swap3A_372 = tpu.vector_load %arg9[%swap3A_370, %swap3A_371] {strides = array<i32>} : memref<16x128xf32, #tpu.memory_space<vmem>>, vector<16xf32>,
    tpu.vector_store %arg9[%swap3A_370, %swap3A_371], %broadcast_in_dim3A_1 {strides = array<i32>} : memref<16x128xf32, #tpu.memory_space<vmem>>, vector<16xf32>,
    %swap3A_373 = arith.constant 11 : i32
    %swap3A_374 = arith.index_cast %swap3A_373 : i32 to index
    %swap3A_375 = arith.constant 80 : index
    %swap3A_376 = tpu.vector_load %arg9[%swap3A_374, %swap3A_375] {strides = array<i32>} : memref<16x128xf32, #tpu.memory_space<vmem>>, vector<16xf32>,
    tpu.vector_store %arg9[%swap3A_374, %swap3A_375], %broadcast_in_dim3A_1 {strides = array<i32>} : memref<16x128xf32, #tpu.memory_space<vmem>>, vector<16xf32>,
    %swap3A_377 = arith.constant 11 : i32
    %swap3A_378 = arith.index_cast %swap3A_377 : i32 to index
    %swap3A_379 = arith.constant 96 : index
    %swap3A_380 = tpu.vector_load %arg9[%swap3A_378, %swap3A_379] {strides = array<i32>} : memref<16x128xf32, #tpu.memory_space<vmem>>, vector<16xf32>,
    tpu.vector_store %arg9[%swap3A_378, %swap3A_379], %broadcast_in_dim3A_1 {strides = array<i32>} : memref<16x128xf32, #tpu.memory_space<vmem>>, vector<16xf32>,
    %swap3A_381 = arith.constant 11 : i32
    %swap3A_382 = arith.index_cast %swap3A_381 : i32 to index
    %swap3A_383 = arith.constant 112 : index
    %swap3A_384 = tpu.vector_load %arg9[%swap3A_382, %swap3A_383] {strides = array<i32>} : memref<16x128xf32, #tpu.memory_space<vmem>>, vector<16xf32>,
    tpu.vector_store %arg9[%swap3A_382, %swap3A_383], %broadcast_in_dim3A_1 {strides = array<i32>} : memref<16x128xf32, #tpu.memory_space<vmem>>, vector<16xf32>,
    %swap3A_385 = arith.constant 12 : i32
    %swap3A_386 = arith.index_cast %swap3A_385 : i32 to index
    %swap3A_387 = arith.constant 0 : index
    %swap3A_388 = tpu.vector_load %arg9[%swap3A_386, %swap3A_387] {strides = array<i32>} : memref<16x128xf32, #tpu.memory_space<vmem>>, vector<16xf32>,
    tpu.vector_store %arg9[%swap3A_386, %swap3A_387], %broadcast_in_dim3A_1 {strides = array<i32>} : memref<16x128xf32, #tpu.memory_space<vmem>>, vector<16xf32>,
    %swap3A_389 = arith.constant 12 : i32
    %swap3A_390 = arith.index_cast %swap3A_389 : i32 to index
    %swap3A_391 = arith.constant 16 : index
    %swap3A_392 = tpu.vector_load %arg9[%swap3A_390, %swap3A_391] {strides = array<i32>} : memref<16x128xf32, #tpu.memory_space<vmem>>, vector<16xf32>,
    tpu.vector_store %arg9[%swap3A_390, %swap3A_391], %broadcast_in_dim3A_1 {strides = array<i32>} : memref<16x128xf32, #tpu.memory_space<vmem>>, vector<16xf32>,
    %swap3A_393 = arith.constant 12 : i32
    %swap3A_394 = arith.index_cast %swap3A_393 : i32 to index
    %swap3A_395 = arith.constant 32 : index
    %swap3A_396 = tpu.vector_load %arg9[%swap3A_394, %swap3A_395] {strides = array<i32>} : memref<16x128xf32, #tpu.memory_space<vmem>>, vector<16xf32>,
    tpu.vector_store %arg9[%swap3A_394, %swap3A_395], %broadcast_in_dim3A_1 {strides = array<i32>} : memref<16x128xf32, #tpu.memory_space<vmem>>, vector<16xf32>,
    %swap3A_397 = arith.constant 12 : i32
    %swap3A_398 = arith.index_cast %swap3A_397 : i32 to index
    %swap3A_399 = arith.constant 48 : index
    %swap3A_400 = tpu.vector_load %arg9[%swap3A_398, %swap3A_399] {strides = array<i32>} : memref<16x128xf32, #tpu.memory_space<vmem>>, vector<16xf32>,
    tpu.vector_store %arg9[%swap3A_398, %swap3A_399], %broadcast_in_dim3A_1 {strides = array<i32>} : memref<16x128xf32, #tpu.memory_space<vmem>>, vector<16xf32>,
    %swap3A_401 = arith.constant 12 : i32
    %swap3A_402 = arith.index_cast %swap3A_401 : i32 to index
    %swap3A_403 = arith.constant 64 : index
    %swap3A_404 = tpu.vector_load %arg9[%swap3A_402, %swap3A_403] {strides = array<i32>} : memref<16x128xf32, #tpu.memory_space<vmem>>, vector<16xf32>,
    tpu.vector_store %arg9[%swap3A_402, %swap3A_403], %broadcast_in_dim3A_1 {strides = array<i32>} : memref<16x128xf32, #tpu.memory_space<vmem>>, vector<16xf32>,
    %swap3A_405 = arith.constant 12 : i32
    %swap3A_406 = arith.index_cast %swap3A_405 : i32 to index
    %swap3A_407 = arith.constant 80 : index
    %swap3A_408 = tpu.vector_load %arg9[%swap3A_406, %swap3A_407] {strides = array<i32>} : memref<16x128xf32, #tpu.memory_space<vmem>>, vector<16xf32>,
    tpu.vector_store %arg9[%swap3A_406, %swap3A_407], %broadcast_in_dim3A_1 {strides = array<i32>} : memref<16x128xf32, #tpu.memory_space<vmem>>, vector<16xf32>,
    %swap3A_409 = arith.constant 12 : i32
    %swap3A_410 = arith.index_cast %swap3A_409 : i32 to index
    %swap3A_411 = arith.constant 96 : index
    %swap3A_412 = tpu.vector_load %arg9[%swap3A_410, %swap3A_411] {strides = array<i32>} : memref<16x128xf32, #tpu.memory_space<vmem>>, vector<16xf32>,
    tpu.vector_store %arg9[%swap3A_410, %swap3A_411], %broadcast_in_dim3A_1 {strides = array<i32>} : memref<16x128xf32, #tpu.memory_space<vmem>>, vector<16xf32>,
    %swap3A_413 = arith.constant 12 : i32
    %swap3A_414 = arith.index_cast %swap3A_413 : i32 to index
    %swap3A_415 = arith.constant 112 : index
    %swap3A_416 = tpu.vector_load %arg9[%swap3A_414, %swap3A_415] {strides = array<i32>} : memref<16x128xf32, #tpu.memory_space<vmem>>, vector<16xf32>,
    tpu.vector_store %arg9[%swap3A_414, %swap3A_415], %broadcast_in_dim3A_1 {strides = array<i32>} : memref<16x128xf32, #tpu.memory_space<vmem>>, vector<16xf32>,
    %swap3A_417 = arith.constant 13 : i32
    %swap3A_418 = arith.index_cast %swap3A_417 : i32 to index
    %swap3A_419 = arith.constant 0 : index
    %swap3A_420 = tpu.vector_load %arg9[%swap3A_418, %swap3A_419] {strides = array<i32>} : memref<16x128xf32, #tpu.memory_space<vmem>>, vector<16xf32>,
    tpu.vector_store %arg9[%swap3A_418, %swap3A_419], %broadcast_in_dim3A_1 {strides = array<i32>} : memref<16x128xf32, #tpu.memory_space<vmem>>, vector<16xf32>,
    %swap3A_421 = arith.constant 13 : i32
    %swap3A_422 = arith.index_cast %swap3A_421 : i32 to index
    %swap3A_423 = arith.constant 16 : index
    %swap3A_424 = tpu.vector_load %arg9[%swap3A_422, %swap3A_423] {strides = array<i32>} : memref<16x128xf32, #tpu.memory_space<vmem>>, vector<16xf32>,
    tpu.vector_store %arg9[%swap3A_422, %swap3A_423], %broadcast_in_dim3A_1 {strides = array<i32>} : memref<16x128xf32, #tpu.memory_space<vmem>>, vector<16xf32>,
    %swap3A_425 = arith.constant 13 : i32
    %swap3A_426 = arith.index_cast %swap3A_425 : i32 to index
    %swap3A_427 = arith.constant 32 : index
    %swap3A_428 = tpu.vector_load %arg9[%swap3A_426, %swap3A_427] {strides = array<i32>} : memref<16x128xf32, #tpu.memory_space<vmem>>, vector<16xf32>,
    tpu.vector_store %arg9[%swap3A_426, %swap3A_427], %broadcast_in_dim3A_1 {strides = array<i32>} : memref<16x128xf32, #tpu.memory_space<vmem>>, vector<16xf32>,
    %swap3A_429 = arith.constant 13 : i32
    %swap3A_430 = arith.index_cast %swap3A_429 : i32 to index
    %swap3A_431 = arith.constant 48 : index
    %swap3A_432 = tpu.vector_load %arg9[%swap3A_430, %swap3A_431] {strides = array<i32>} : memref<16x128xf32, #tpu.memory_space<vmem>>, vector<16xf32>,
    tpu.vector_store %arg9[%swap3A_430, %swap3A_431], %broadcast_in_dim3A_1 {strides = array<i32>} : memref<16x128xf32, #tpu.memory_space<vmem>>, vector<16xf32>,
    %swap3A_433 = arith.constant 13 : i32
    %swap3A_434 = arith.index_cast %swap3A_433 : i32 to index
    %swap3A_435 = arith.constant 64 : index
    %swap3A_436 = tpu.vector_load %arg9[%swap3A_434, %swap3A_435] {strides = array<i32>} : memref<16x128xf32, #tpu.memory_space<vmem>>, vector<16xf32>,
    tpu.vector_store %arg9[%swap3A_434, %swap3A_435], %broadcast_in_dim3A_1 {strides = array<i32>} : memref<16x128xf32, #tpu.memory_space<vmem>>, vector<16xf32>,
    %swap3A_437 = arith.constant 13 : i32
    %swap3A_438 = arith.index_cast %swap3A_437 : i32 to index
    %swap3A_439 = arith.constant 80 : index
    %swap3A_440 = tpu.vector_load %arg9[%swap3A_438, %swap3A_439] {strides = array<i32>} : memref<16x128xf32, #tpu.memory_space<vmem>>, vector<16xf32>,
    tpu.vector_store %arg9[%swap3A_438, %swap3A_439], %broadcast_in_dim3A_1 {strides = array<i32>} : memref<16x128xf32, #tpu.memory_space<vmem>>, vector<16xf32>,
    %swap3A_441 = arith.constant 13 : i32
    %swap3A_442 = arith.index_cast %swap3A_441 : i32 to index
    %swap3A_443 = arith.constant 96 : index
    %swap3A_444 = tpu.vector_load %arg9[%swap3A_442, %swap3A_443] {strides = array<i32>} : memref<16x128xf32, #tpu.memory_space<vmem>>, vector<16xf32>,
    tpu.vector_store %arg9[%swap3A_442, %swap3A_443], %broadcast_in_dim3A_1 {strides = array<i32>} : memref<16x128xf32, #tpu.memory_space<vmem>>, vector<16xf32>,
    %swap3A_445 = arith.constant 13 : i32
    %swap3A_446 = arith.index_cast %swap3A_445 : i32 to index
    %swap3A_447 = arith.constant 112 : index
    %swap3A_448 = tpu.vector_load %arg9[%swap3A_446, %swap3A_447] {strides = array<i32>} : memref<16x128xf32, #tpu.memory_space<vmem>>, vector<16xf32>,
    tpu.vector_store %arg9[%swap3A_446, %swap3A_447], %broadcast_in_dim3A_1 {strides = array<i32>} : memref<16x128xf32, #tpu.memory_space<vmem>>, vector<16xf32>,
    %swap3A_449 = arith.constant 14 : i32
    %swap3A_450 = arith.index_cast %swap3A_449 : i32 to index
    %swap3A_451 = arith.constant 0 : index
    %swap3A_452 = tpu.vector_load %arg9[%swap3A_450, %swap3A_451] {strides = array<i32>} : memref<16x128xf32, #tpu.memory_space<vmem>>, vector<16xf32>,
    tpu.vector_store %arg9[%swap3A_450, %swap3A_451], %broadcast_in_dim3A_1 {strides = array<i32>} : memref<16x128xf32, #tpu.memory_space<vmem>>, vector<16xf32>,
    %swap3A_453 = arith.constant 14 : i32
    %swap3A_454 = arith.index_cast %swap3A_453 : i32 to index
    %swap3A_455 = arith.constant 16 : index
    %swap3A_456 = tpu.vector_load %arg9[%swap3A_454, %swap3A_455] {strides = array<i32>} : memref<16x128xf32, #tpu.memory_space<vmem>>, vector<16xf32>,
    tpu.vector_store %arg9[%swap3A_454, %swap3A_455], %broadcast_in_dim3A_1 {strides = array<i32>} : memref<16x128xf32, #tpu.memory_space<vmem>>, vector<16xf32>,
    %swap3A_457 = arith.constant 14 : i32
    %swap3A_458 = arith.index_cast %swap3A_457 : i32 to index
    %swap3A_459 = arith.constant 32 : index
    %swap3A_460 = tpu.vector_load %arg9[%swap3A_458, %swap3A_459] {strides = array<i32>} : memref<16x128xf32, #tpu.memory_space<vmem>>, vector<16xf32>,
    tpu.vector_store %arg9[%swap3A_458, %swap3A_459], %broadcast_in_dim3A_1 {strides = array<i32>} : memref<16x128xf32, #tpu.memory_space<vmem>>, vector<16xf32>,
    %swap3A_461 = arith.constant 14 : i32
    %swap3A_462 = arith.index_cast %swap3A_461 : i32 to index
    %swap3A_463 = arith.constant 48 : index
    %swap3A_464 = tpu.vector_load %arg9[%swap3A_462, %swap3A_463] {strides = array<i32>} : memref<16x128xf32, #tpu.memory_space<vmem>>, vector<16xf32>,
    tpu.vector_store %arg9[%swap3A_462, %swap3A_463], %broadcast_in_dim3A_1 {strides = array<i32>} : memref<16x128xf32, #tpu.memory_space<vmem>>, vector<16xf32>,
    %swap3A_465 = arith.constant 14 : i32
    %swap3A_466 = arith.index_cast %swap3A_465 : i32 to index
    %swap3A_467 = arith.constant 64 : index
    %swap3A_468 = tpu.vector_load %arg9[%swap3A_466, %swap3A_467] {strides = array<i32>} : memref<16x128xf32, #tpu.memory_space<vmem>>, vector<16xf32>,
    tpu.vector_store %arg9[%swap3A_466, %swap3A_467], %broadcast_in_dim3A_1 {strides = array<i32>} : memref<16x128xf32, #tpu.memory_space<vmem>>, vector<16xf32>,
    %swap3A_469 = arith.constant 14 : i32
    %swap3A_470 = arith.index_cast %swap3A_469 : i32 to index
    %swap3A_471 = arith.constant 80 : index
    %swap3A_472 = tpu.vector_load %arg9[%swap3A_470, %swap3A_471] {strides = array<i32>} : memref<16x128xf32, #tpu.memory_space<vmem>>, vector<16xf32>,
    tpu.vector_store %arg9[%swap3A_470, %swap3A_471], %broadcast_in_dim3A_1 {strides = array<i32>} : memref<16x128xf32, #tpu.memory_space<vmem>>, vector<16xf32>,
    %swap3A_473 = arith.constant 14 : i32
    %swap3A_474 = arith.index_cast %swap3A_473 : i32 to index
    %swap3A_475 = arith.constant 96 : index
    %swap3A_476 = tpu.vector_load %arg9[%swap3A_474, %swap3A_475] {strides = array<i32>} : memref<16x128xf32, #tpu.memory_space<vmem>>, vector<16xf32>,
    tpu.vector_store %arg9[%swap3A_474, %swap3A_475], %broadcast_in_dim3A_1 {strides = array<i32>} : memref<16x128xf32, #tpu.memory_space<vmem>>, vector<16xf32>,
    %swap3A_477 = arith.constant 14 : i32
    %swap3A_478 = arith.index_cast %swap3A_477 : i32 to index
    %swap3A_479 = arith.constant 112 : index
    %swap3A_480 = tpu.vector_load %arg9[%swap3A_478, %swap3A_479] {strides = array<i32>} : memref<16x128xf32, #tpu.memory_space<vmem>>, vector<16xf32>,
    tpu.vector_store %arg9[%swap3A_478, %swap3A_479], %broadcast_in_dim3A_1 {strides = array<i32>} : memref<16x128xf32, #tpu.memory_space<vmem>>, vector<16xf32>,
    %swap3A_481 = arith.constant 15 : i32
    %swap3A_482 = arith.index_cast %swap3A_481 : i32 to index
    %swap3A_483 = arith.constant 0 : index
    %swap3A_484 = tpu.vector_load %arg9[%swap3A_482, %swap3A_483] {strides = array<i32>} : memref<16x128xf32, #tpu.memory_space<vmem>>, vector<16xf32>,
    tpu.vector_store %arg9[%swap3A_482, %swap3A_483], %broadcast_in_dim3A_1 {strides = array<i32>} : memref<16x128xf32, #tpu.memory_space<vmem>>, vector<16xf32>,
    %swap3A_485 = arith.constant 15 : i32
    %swap3A_486 = arith.index_cast %swap3A_485 : i32 to index
    %swap3A_487 = arith.constant 16 : index
    %swap3A_488 = tpu.vector_load %arg9[%swap3A_486, %swap3A_487] {strides = array<i32>} : memref<16x128xf32, #tpu.memory_space<vmem>>, vector<16xf32>,
    tpu.vector_store %arg9[%swap3A_486, %swap3A_487], %broadcast_in_dim3A_1 {strides = array<i32>} : memref<16x128xf32, #tpu.memory_space<vmem>>, vector<16xf32>,
    %swap3A_489 = arith.constant 15 : i32
    %swap3A_490 = arith.index_cast %swap3A_489 : i32 to index
    %swap3A_491 = arith.constant 32 : index
    %swap3A_492 = tpu.vector_load %arg9[%swap3A_490, %swap3A_491] {strides = array<i32>} : memref<16x128xf32, #tpu.memory_space<vmem>>, vector<16xf32>,
    tpu.vector_store %arg9[%swap3A_490, %swap3A_491], %broadcast_in_dim3A_1 {strides = array<i32>} : memref<16x128xf32, #tpu.memory_space<vmem>>, vector<16xf32>,
    %swap3A_493 = arith.constant 15 : i32
    %swap3A_494 = arith.index_cast %swap3A_493 : i32 to index
    %swap3A_495 = arith.constant 48 : index
    %swap3A_496 = tpu.vector_load %arg9[%swap3A_494, %swap3A_495] {strides = array<i32>} : memref<16x128xf32, #tpu.memory_space<vmem>>, vector<16xf32>,
    tpu.vector_store %arg9[%swap3A_494, %swap3A_495], %broadcast_in_dim3A_1 {strides = array<i32>} : memref<16x128xf32, #tpu.memory_space<vmem>>, vector<16xf32>,
    %swap3A_497 = arith.constant 15 : i32
    %swap3A_498 = arith.index_cast %swap3A_497 : i32 to index
    %swap3A_499 = arith.constant 64 : index
    %swap3A_500 = tpu.vector_load %arg9[%swap3A_498, %swap3A_499] {strides = array<i32>} : memref<16x128xf32, #tpu.memory_space<vmem>>, vector<16xf32>,
    tpu.vector_store %arg9[%swap3A_498, %swap3A_499], %broadcast_in_dim3A_1 {strides = array<i32>} : memref<16x128xf32, #tpu.memory_space<vmem>>, vector<16xf32>,
    %swap3A_501 = arith.constant 15 : i32
    %swap3A_502 = arith.index_cast %swap3A_501 : i32 to index
    %swap3A_503 = arith.constant 80 : index
    %swap3A_504 = tpu.vector_load %arg9[%swap3A_502, %swap3A_503] {strides = array<i32>} : memref<16x128xf32, #tpu.memory_space<vmem>>, vector<16xf32>,
    tpu.vector_store %arg9[%swap3A_502, %swap3A_503], %broadcast_in_dim3A_1 {strides = array<i32>} : memref<16x128xf32, #tpu.memory_space<vmem>>, vector<16xf32>,
    %swap3A_505 = arith.constant 15 : i32
    %swap3A_506 = arith.index_cast %swap3A_505 : i32 to index
    %swap3A_507 = arith.constant 96 : index
    %swap3A_508 = tpu.vector_load %arg9[%swap3A_506, %swap3A_507] {strides = array<i32>} : memref<16x128xf32, #tpu.memory_space<vmem>>, vector<16xf32>,
    tpu.vector_store %arg9[%swap3A_506, %swap3A_507], %broadcast_in_dim3A_1 {strides = array<i32>} : memref<16x128xf32, #tpu.memory_space<vmem>>, vector<16xf32>,
    %swap3A_509 = arith.constant 15 : i32
    %swap3A_510 = arith.index_cast %swap3A_509 : i32 to index
    %swap3A_511 = arith.constant 112 : index
    %swap3A_512 = tpu.vector_load %arg9[%swap3A_510, %swap3A_511] {strides = array<i32>} : memref<16x128xf32, #tpu.memory_space<vmem>>, vector<16xf32>,
    tpu.vector_store %arg9[%swap3A_510, %swap3A_511], %broadcast_in_dim3A_1 {strides = array<i32>} : memref<16x128xf32, #tpu.memory_space<vmem>>, vector<16xf32>,
    %mul3A_513 = arith.constant 640 : i32
    %mul3A_514 = arith.muli %arg1, %mul3A_513 : i32
    %scan3A = arith.constant 0 : i32
    %scan3A_515 = arith.constant 0 : i32
    %scan3A_516 = arith.constant 40 : i32
    %scan3A_517 = arith.addi %scan3A_515, %scan3A_516 : i32
    %scan3A_518 = arith.constant 1 : i32
    scf.for %scan3A_527 = %scan3A_515 to %scan3A_517 step %scan3A_518  : i32 {
      %mul3A_528 = arith.constant 16 : i32
      %mul3A_529 = arith.muli %scan3A_527, %mul3A_528 : i32
      %add3A_530 = arith.addi %mul3A_514, %mul3A_529 : i32
      "tpu.region"() ({
        %run_scoped3A = tpu.sem_alloc : memref<!tpu.dma_semaphore, #tpu.memory_space<semaphore_mem>>
        %dma_start3A = arith.constant 0 : i32
        %dma_start3A_531 = tpu.memref_slice %arg10[%add3A_530, %dma_start3A] : memref<10240x128xf32, #tpu.memory_space<vmem_shared>> -> memref<16x128xf32, #tpu.memory_space<vmem_shared>>
        %dma_start3A_532 = arith.constant 0 : i32
        %dma_start3A_533 = tpu.memref_slice %arg10[%add3A_530, %dma_start3A_532] : memref<10240x128xf32, #tpu.memory_space<vmem_shared>> -> memref<16x128xf32, #tpu.memory_space<vmem_shared>>
        tpu.enqueue_dma source(%arg9 : memref<16x128xf32, #tpu.memory_space<vmem>>) target(%dma_start3A_533 : memref<16x128xf32, #tpu.memory_space<vmem_shared>>) target_semaphore(%run_scoped3A : memref<!tpu.dma_semaphore, #tpu.memory_space<semaphore_mem>>)
        %dma_wait3A = arith.constant 0 : i32
        %dma_wait3A_534 = tpu.memref_slice %arg10[%add3A_530, %dma_wait3A] : memref<10240x128xf32, #tpu.memory_space<vmem_shared>> -> memref<16x128xf32, #tpu.memory_space<vmem_shared>>
        %dma_wait3A_535 = arith.constant 0 : i32
        %dma_wait3A_536 = tpu.memref_slice %arg10[%add3A_530, %dma_wait3A_535] : memref<10240x128xf32, #tpu.memory_space<vmem_shared>> -> memref<16x128xf32, #tpu.memory_space<vmem_shared>>
        tpu.wait_dma2 semaphore(%run_scoped3A : memref<!tpu.dma_semaphore, #tpu.memory_space<semaphore_mem>>) src(%arg9 : memref<16x128xf32, #tpu.memory_space<vmem>>) dst(%dma_wait3A_536 : memref<16x128xf32, #tpu.memory_space<vmem_shared>>)
        tpu.yield
      }) : () -> ()
    }
    %scan3A_519 = arith.constant 40 : i32
    %barrier3A = arith.constant 0 : index
    tpu.barrier barrier_id(%barrier3A)
    "tpu.region"() ({
      %run_scoped3A = tpu.sem_alloc : memref<!tpu.dma_semaphore, #tpu.memory_space<semaphore_mem>>
      %dma_start3A = arith.constant 0 : i32
      %dma_start3A_527 = arith.constant 0 : i32
      %dma_start3A_528 = tpu.memref_slice %arg3[%add3A, %dma_start3A, %dma_start3A_527] : memref<32x80x128xi32, #tpu.memory_space<hbm>> -> memref<1x80x128xi32, #tpu.memory_space<hbm>>
      %dma_start3A_529 = tpu.memref_squeeze %dma_start3A_528 : memref<1x80x128xi32, #tpu.memory_space<hbm>> -> memref<80x128xi32, #tpu.memory_space<hbm>>
      %dma_start3A_530 = arith.constant 0 : i32
      %dma_start3A_531 = arith.constant 0 : i32
      %dma_start3A_532 = tpu.memref_slice %arg3[%add3A, %dma_start3A_530, %dma_start3A_531] : memref<32x80x128xi32, #tpu.memory_space<hbm>> -> memref<1x80x128xi32, #tpu.memory_space<hbm>>
      %dma_start3A_533 = tpu.memref_squeeze %dma_start3A_532 : memref<1x80x128xi32, #tpu.memory_space<hbm>> -> memref<80x128xi32, #tpu.memory_space<hbm>>
      tpu.enqueue_dma source(%dma_start3A_533 : memref<80x128xi32, #tpu.memory_space<hbm>>) target(%arg6 : memref<80x128xi32, #tpu.memory_space<vmem>>) target_semaphore(%run_scoped3A : memref<!tpu.dma_semaphore, #tpu.memory_space<semaphore_mem>>)
      %dma_wait3A = arith.constant 0 : i32
      %dma_wait3A_534 = arith.constant 0 : i32
      %dma_wait3A_535 = tpu.memref_slice %arg3[%add3A, %dma_wait3A, %dma_wait3A_534] : memref<32x80x128xi32, #tpu.memory_space<hbm>> -> memref<1x80x128xi32, #tpu.memory_space<hbm>>
      %dma_wait3A_536 = tpu.memref_squeeze %dma_wait3A_535 : memref<1x80x128xi32, #tpu.memory_space<hbm>> -> memref<80x128xi32, #tpu.memory_space<hbm>>
      %dma_wait3A_537 = arith.constant 0 : i32
      %dma_wait3A_538 = arith.constant 0 : i32
      %dma_wait3A_539 = tpu.memref_slice %arg3[%add3A, %dma_wait3A_537, %dma_wait3A_538] : memref<32x80x128xi32, #tpu.memory_space<hbm>> -> memref<1x80x128xi32, #tpu.memory_space<hbm>>
      %dma_wait3A_540 = tpu.memref_squeeze %dma_wait3A_539 : memref<1x80x128xi32, #tpu.memory_space<hbm>> -> memref<80x128xi32, #tpu.memory_space<hbm>>
      tpu.wait_dma2 semaphore(%run_scoped3A : memref<!tpu.dma_semaphore, #tpu.memory_space<semaphore_mem>>) src(%dma_wait3A_540 : memref<80x128xi32, #tpu.memory_space<hbm>>) dst(%arg6 : memref<80x128xi32, #tpu.memory_space<vmem>>)
      tpu.yield
    }) : () -> ()
    "tpu.region"() ({
      %run_scoped3A = tpu.sem_alloc : memref<!tpu.dma_semaphore, #tpu.memory_space<semaphore_mem>>
      %dma_start3A = arith.constant 0 : i32
      %dma_start3A_527 = arith.constant 0 : i32
      %dma_start3A_528 = tpu.memref_slice %arg4[%add3A, %dma_start3A, %dma_start3A_527] : memref<32x80x128xi32, #tpu.memory_space<hbm>> -> memref<1x80x128xi32, #tpu.memory_space<hbm>>
      %dma_start3A_529 = tpu.memref_squeeze %dma_start3A_528 : memref<1x80x128xi32, #tpu.memory_space<hbm>> -> memref<80x128xi32, #tpu.memory_space<hbm>>
      %dma_start3A_530 = arith.constant 0 : i32
      %dma_start3A_531 = arith.constant 0 : i32
      %dma_start3A_532 = tpu.memref_slice %arg4[%add3A, %dma_start3A_530, %dma_start3A_531] : memref<32x80x128xi32, #tpu.memory_space<hbm>> -> memref<1x80x128xi32, #tpu.memory_space<hbm>>
      %dma_start3A_533 = tpu.memref_squeeze %dma_start3A_532 : memref<1x80x128xi32, #tpu.memory_space<hbm>> -> memref<80x128xi32, #tpu.memory_space<hbm>>
      tpu.enqueue_dma source(%dma_start3A_533 : memref<80x128xi32, #tpu.memory_space<hbm>>) target(%arg7 : memref<80x128xi32, #tpu.memory_space<vmem>>) target_semaphore(%run_scoped3A : memref<!tpu.dma_semaphore, #tpu.memory_space<semaphore_mem>>)
      %dma_wait3A = arith.constant 0 : i32
      %dma_wait3A_534 = arith.constant 0 : i32
      %dma_wait3A_535 = tpu.memref_slice %arg4[%add3A, %dma_wait3A, %dma_wait3A_534] : memref<32x80x128xi32, #tpu.memory_space<hbm>> -> memref<1x80x128xi32, #tpu.memory_space<hbm>>
      %dma_wait3A_536 = tpu.memref_squeeze %dma_wait3A_535 : memref<1x80x128xi32, #tpu.memory_space<hbm>> -> memref<80x128xi32, #tpu.memory_space<hbm>>
      %dma_wait3A_537 = arith.constant 0 : i32
      %dma_wait3A_538 = arith.constant 0 : i32
      %dma_wait3A_539 = tpu.memref_slice %arg4[%add3A, %dma_wait3A_537, %dma_wait3A_538] : memref<32x80x128xi32, #tpu.memory_space<hbm>> -> memref<1x80x128xi32, #tpu.memory_space<hbm>>
      %dma_wait3A_540 = tpu.memref_squeeze %dma_wait3A_539 : memref<1x80x128xi32, #tpu.memory_space<hbm>> -> memref<80x128xi32, #tpu.memory_space<hbm>>
      tpu.wait_dma2 semaphore(%run_scoped3A : memref<!tpu.dma_semaphore, #tpu.memory_space<semaphore_mem>>) src(%dma_wait3A_540 : memref<80x128xi32, #tpu.memory_space<hbm>>) dst(%arg7 : memref<80x128xi32, #tpu.memory_space<vmem>>)
      tpu.yield
    }) : () -> ()
    %scan3A_520 = arith.constant 0 : i32
    %scan3A_521 = arith.constant 0 : i32
    %scan3A_522 = arith.constant 80 : i32
    %scan3A_523 = arith.addi %scan3A_521, %scan3A_522 : i32
    %scan3A_524 = arith.constant 1 : i32
    scf.for %scan3A_527 = %scan3A_521 to %scan3A_523 step %scan3A_524  : i32 {
      %dma_start3A = arith.constant 0 : i32
      %dma_start3A_528 = tpu.memref_slice %arg6[%scan3A_527, %dma_start3A] : memref<80x128xi32, #tpu.memory_space<vmem>> -> memref<1x128xi32, #tpu.memory_space<vmem>>
      %dma_start3A_529 = tpu.memref_squeeze %dma_start3A_528 : memref<1x128xi32, #tpu.memory_space<vmem>> -> memref<128xi32, #tpu.memory_space<vmem>>
      %dma_start3A_530 = arith.constant 0 : i32
      %dma_start3A_531 = arith.constant 0 : i32
      %dma_start3A_532 = tpu.memref_slice %arg2[%dma_start3A_530, %dma_start3A_531] : memref<10000x128xf32, #tpu.memory_space<hbm>> -> memref<10000x128xf32, #tpu.memory_space<hbm>>
      tpu.enqueue_indirect_dma source(%dma_start3A_532 : memref<10000x128xf32, #tpu.memory_space<hbm>>) target(%arg8 : memref<128x128xf32, #tpu.memory_space<vmem>>) offsets(%dma_start3A_529 : memref<128xi32, #tpu.memory_space<vmem>>) semaphore(%arg11 : memref<!tpu.dma_semaphore, #tpu.memory_space<semaphore_mem>>)
      %dma_wait3A = arith.constant 0 : i32
      %dma_wait3A_533 = tpu.memref_slice %arg6[%scan3A_527, %dma_wait3A] : memref<80x128xi32, #tpu.memory_space<vmem>> -> memref<1x128xi32, #tpu.memory_space<vmem>>
      %dma_wait3A_534 = tpu.memref_squeeze %dma_wait3A_533 : memref<1x128xi32, #tpu.memory_space<vmem>> -> memref<128xi32, #tpu.memory_space<vmem>>
      %dma_wait3A_535 = arith.constant 0 : i32
      %dma_wait3A_536 = arith.constant 0 : i32
      %dma_wait3A_537 = tpu.memref_slice %arg2[%dma_wait3A_535, %dma_wait3A_536] : memref<10000x128xf32, #tpu.memory_space<hbm>> -> memref<10000x128xf32, #tpu.memory_space<hbm>>
      tpu.wait_indirect_dma semaphore(%arg11 : memref<!tpu.dma_semaphore, #tpu.memory_space<semaphore_mem>>) src(%dma_wait3A_537 : memref<10000x128xf32, #tpu.memory_space<hbm>>) dst(%arg8 : memref<128x128xf32, #tpu.memory_space<vmem>>)
      "tpu.region"() ({
        %run_scoped3A = tpu.sem_alloc : memref<!tpu.dma_semaphore, #tpu.memory_space<semaphore_mem>>
        %dma_start3A_538 = arith.constant 0 : i32
        %dma_start3A_539 = tpu.memref_slice %arg7[%scan3A_527, %dma_start3A_538] : memref<80x128xi32, #tpu.memory_space<vmem>> -> memref<1x128xi32, #tpu.memory_space<vmem>>
        %dma_start3A_540 = tpu.memref_squeeze %dma_start3A_539 : memref<1x128xi32, #tpu.memory_space<vmem>> -> memref<128xi32, #tpu.memory_space<vmem>>
        %dma_start3A_541 = arith.constant 0 : i32
        %dma_start3A_542 = arith.constant 0 : i32
        %dma_start3A_543 = tpu.memref_slice %arg10[%dma_start3A_541, %dma_start3A_542] : memref<10240x128xf32, #tpu.memory_space<vmem_shared>> -> memref<10240x128xf32, #tpu.memory_space<vmem_shared>>
        tpu.enqueue_indirect_dma source(%arg8 : memref<128x128xf32, #tpu.memory_space<vmem>>) target(%dma_start3A_543 : memref<10240x128xf32, #tpu.memory_space<vmem_shared>>) offsets(%dma_start3A_540 : memref<128xi32, #tpu.memory_space<vmem>>) semaphore(%run_scoped3A : memref<!tpu.dma_semaphore, #tpu.memory_space<semaphore_mem>>) {add = true}
        %dma_wait3A_544 = arith.constant 0 : i32
        %dma_wait3A_545 = tpu.memref_slice %arg7[%scan3A_527, %dma_wait3A_544] : memref<80x128xi32, #tpu.memory_space<vmem>> -> memref<1x128xi32, #tpu.memory_space<vmem>>
        %dma_wait3A_546 = tpu.memref_squeeze %dma_wait3A_545 : memref<1x128xi32, #tpu.memory_space<vmem>> -> memref<128xi32, #tpu.memory_space<vmem>>
        %dma_wait3A_547 = arith.constant 0 : i32
        %dma_wait3A_548 = arith.constant 0 : i32
        %dma_wait3A_549 = tpu.memref_slice %arg10[%dma_wait3A_547, %dma_wait3A_548] : memref<10240x128xf32, #tpu.memory_space<vmem_shared>> -> memref<10240x128xf32, #tpu.memory_space<vmem_shared>>
        tpu.wait_indirect_dma semaphore(%run_scoped3A : memref<!tpu.dma_semaphore, #tpu.memory_space<semaphore_mem>>) src(%arg8 : memref<128x128xf32, #tpu.memory_space<vmem>>) dst(%dma_wait3A_549 : memref<10240x128xf32, #tpu.memory_space<vmem_shared>>)
        tpu.yield
      }) : () -> ()
    }
    %scan3A_525 = arith.constant 80 : i32
    %barrier3A_526 = arith.constant 0 : index
    tpu.barrier barrier_id(%barrier3A_526)
    "tpu.region"() ({
      %run_scoped3A = tpu.sem_alloc : memref<!tpu.dma_semaphore, #tpu.memory_space<semaphore_mem>>
      %dma_start3A = arith.constant 0 : i32
      %dma_start3A_527 = tpu.memref_slice %arg5[%arg0, %mul3A_514, %dma_start3A] : memref<2x10240x128xf32, #tpu.memory_space<hbm>> -> memref<1x640x128xf32, #tpu.memory_space<hbm>>
      %dma_start3A_528 = tpu.memref_squeeze %dma_start3A_527 : memref<1x640x128xf32, #tpu.memory_space<hbm>> -> memref<640x128xf32, #tpu.memory_space<hbm>>
      %dma_start3A_529 = arith.constant 0 : i32
      %dma_start3A_530 = tpu.memref_slice %arg10[%mul3A_514, %dma_start3A_529] : memref<10240x128xf32, #tpu.memory_space<vmem_shared>> -> memref<640x128xf32, #tpu.memory_space<vmem_shared>>
      tpu.enqueue_dma source(%dma_start3A_530 : memref<640x128xf32, #tpu.memory_space<vmem_shared>>) target(%dma_start3A_528 : memref<640x128xf32, #tpu.memory_space<hbm>>) target_semaphore(%run_scoped3A : memref<!tpu.dma_semaphore, #tpu.memory_space<semaphore_mem>>)
      %dma_wait3A = arith.constant 0 : i32
      %dma_wait3A_531 = tpu.memref_slice %arg5[%arg0, %mul3A_514, %dma_wait3A] : memref<2x10240x128xf32, #tpu.memory_space<hbm>> -> memref<1x640x128xf32, #tpu.memory_space<hbm>>
      %dma_wait3A_532 = tpu.memref_squeeze %dma_wait3A_531 : memref<1x640x128xf32, #tpu.memory_space<hbm>> -> memref<640x128xf32, #tpu.memory_space<hbm>>
      %dma_wait3A_533 = arith.constant 0 : i32
      %dma_wait3A_534 = tpu.memref_slice %arg10[%mul3A_514, %dma_wait3A_533] : memref<10240x128xf32, #tpu.memory_space<vmem_shared>> -> memref<640x128xf32, #tpu.memory_space<vmem_shared>>
      tpu.wait_dma2 semaphore(%run_scoped3A : memref<!tpu.dma_semaphore, #tpu.memory_space<semaphore_mem>>) src(%dma_wait3A_534 : memref<640x128xf32, #tpu.memory_space<vmem_shared>>) dst(%dma_wait3A_532 : memref<640x128xf32, #tpu.memory_space<hbm>>)
      tpu.yield
    }) : () -> ()
    return
  }
}

#map = affine_map<(d0, d1) -> (0, 0)>
#map1 = affine_map<(d0, d1) -> (0, 0, 0)>
module attributes {stable_mosaic.version = 14 : i64} {
  func.func @_sc_scatter_body(%arg0: i32, %arg1: i32, %arg2: memref<10000x128xf32, #tpu.memory_space<hbm>>, %arg3: memref<32x80x128xi32, #tpu.memory_space<hbm>>, %arg4: memref<32x80x128xi32, #tpu.memory_space<hbm>>, %arg5: memref<2x10240x128xf32, #tpu.memory_space<hbm>>, %arg6: memref<80x128xi32, #tpu.memory_space<vmem>>, %arg7: memref<80x128xi32, #tpu.memory_space<vmem>>, %arg8: memref<128x128xf32, #tpu.memory_space<vmem>>, %arg9: memref<16x128xf32, #tpu.memory_space<vmem>>, %arg10: memref<10240x128xf32, #tpu.memory_space<vmem_shared>>, %arg11: memref<!tpu.dma_semaphore, #tpu.memory_space<semaphore_mem>>) attributes {dimension_semantics = [#tpu.dimension_semantics<core_parallel>, #tpu.dimension_semantics<subcore_parallel>], iteration_bounds = array<i64: 2, 16>, scalar_prefetch = 0 : i64, scratch_operands = 6 : i64, tpu.core_type = #tpu.core_type<sc_vector_subcore>, window_params = [{transform_indices = #map}, {transform_indices = #map1}, {transform_indices = #map1}, {transform_indices = #map1}]} {
    %mul3A = arith.constant 16 : i32
    %mul3A_0 = arith.muli %arg0, %mul3A : i32
    %add3A = arith.addi %mul3A_0, %arg1 : i32
    %broadcast_in_dim3A = arith.constant 0.000000e+00 : f32
    %broadcast_in_dim3A_1 = vector.broadcast %broadcast_in_dim3A : f32 to vector<16xf32>
    %swap3A = arith.constant 0 : i32
    %swap3A_2 = arith.index_cast %swap3A : i32 to index
    %swap3A_3 = arith.constant 0 : index
    %swap3A_4 = tpu.vector_load %arg9[%swap3A_2, %swap3A_3] {strides = array<i32>} : memref<16x128xf32, #tpu.memory_space<vmem>>, vector<16xf32>,
    tpu.vector_store %arg9[%swap3A_2, %swap3A_3], %broadcast_in_dim3A_1 {strides = array<i32>} : memref<16x128xf32, #tpu.memory_space<vmem>>, vector<16xf32>,
    %swap3A_5 = arith.constant 0 : i32
    %swap3A_6 = arith.index_cast %swap3A_5 : i32 to index
    %swap3A_7 = arith.constant 16 : index
    %swap3A_8 = tpu.vector_load %arg9[%swap3A_6, %swap3A_7] {strides = array<i32>} : memref<16x128xf32, #tpu.memory_space<vmem>>, vector<16xf32>,
    tpu.vector_store %arg9[%swap3A_6, %swap3A_7], %broadcast_in_dim3A_1 {strides = array<i32>} : memref<16x128xf32, #tpu.memory_space<vmem>>, vector<16xf32>,
    %swap3A_9 = arith.constant 0 : i32
    %swap3A_10 = arith.index_cast %swap3A_9 : i32 to index
    %swap3A_11 = arith.constant 32 : index
    %swap3A_12 = tpu.vector_load %arg9[%swap3A_10, %swap3A_11] {strides = array<i32>} : memref<16x128xf32, #tpu.memory_space<vmem>>, vector<16xf32>,
    tpu.vector_store %arg9[%swap3A_10, %swap3A_11], %broadcast_in_dim3A_1 {strides = array<i32>} : memref<16x128xf32, #tpu.memory_space<vmem>>, vector<16xf32>,
    %swap3A_13 = arith.constant 0 : i32
    %swap3A_14 = arith.index_cast %swap3A_13 : i32 to index
    %swap3A_15 = arith.constant 48 : index
    %swap3A_16 = tpu.vector_load %arg9[%swap3A_14, %swap3A_15] {strides = array<i32>} : memref<16x128xf32, #tpu.memory_space<vmem>>, vector<16xf32>,
    tpu.vector_store %arg9[%swap3A_14, %swap3A_15], %broadcast_in_dim3A_1 {strides = array<i32>} : memref<16x128xf32, #tpu.memory_space<vmem>>, vector<16xf32>,
    %swap3A_17 = arith.constant 0 : i32
    %swap3A_18 = arith.index_cast %swap3A_17 : i32 to index
    %swap3A_19 = arith.constant 64 : index
    %swap3A_20 = tpu.vector_load %arg9[%swap3A_18, %swap3A_19] {strides = array<i32>} : memref<16x128xf32, #tpu.memory_space<vmem>>, vector<16xf32>,
    tpu.vector_store %arg9[%swap3A_18, %swap3A_19], %broadcast_in_dim3A_1 {strides = array<i32>} : memref<16x128xf32, #tpu.memory_space<vmem>>, vector<16xf32>,
    %swap3A_21 = arith.constant 0 : i32
    %swap3A_22 = arith.index_cast %swap3A_21 : i32 to index
    %swap3A_23 = arith.constant 80 : index
    %swap3A_24 = tpu.vector_load %arg9[%swap3A_22, %swap3A_23] {strides = array<i32>} : memref<16x128xf32, #tpu.memory_space<vmem>>, vector<16xf32>,
    tpu.vector_store %arg9[%swap3A_22, %swap3A_23], %broadcast_in_dim3A_1 {strides = array<i32>} : memref<16x128xf32, #tpu.memory_space<vmem>>, vector<16xf32>,
    %swap3A_25 = arith.constant 0 : i32
    %swap3A_26 = arith.index_cast %swap3A_25 : i32 to index
    %swap3A_27 = arith.constant 96 : index
    %swap3A_28 = tpu.vector_load %arg9[%swap3A_26, %swap3A_27] {strides = array<i32>} : memref<16x128xf32, #tpu.memory_space<vmem>>, vector<16xf32>,
    tpu.vector_store %arg9[%swap3A_26, %swap3A_27], %broadcast_in_dim3A_1 {strides = array<i32>} : memref<16x128xf32, #tpu.memory_space<vmem>>, vector<16xf32>,
    %swap3A_29 = arith.constant 0 : i32
    %swap3A_30 = arith.index_cast %swap3A_29 : i32 to index
    %swap3A_31 = arith.constant 112 : index
    %swap3A_32 = tpu.vector_load %arg9[%swap3A_30, %swap3A_31] {strides = array<i32>} : memref<16x128xf32, #tpu.memory_space<vmem>>, vector<16xf32>,
    tpu.vector_store %arg9[%swap3A_30, %swap3A_31], %broadcast_in_dim3A_1 {strides = array<i32>} : memref<16x128xf32, #tpu.memory_space<vmem>>, vector<16xf32>,
    %swap3A_33 = arith.constant 1 : i32
    %swap3A_34 = arith.index_cast %swap3A_33 : i32 to index
    %swap3A_35 = arith.constant 0 : index
    %swap3A_36 = tpu.vector_load %arg9[%swap3A_34, %swap3A_35] {strides = array<i32>} : memref<16x128xf32, #tpu.memory_space<vmem>>, vector<16xf32>,
    tpu.vector_store %arg9[%swap3A_34, %swap3A_35], %broadcast_in_dim3A_1 {strides = array<i32>} : memref<16x128xf32, #tpu.memory_space<vmem>>, vector<16xf32>,
    %swap3A_37 = arith.constant 1 : i32
    %swap3A_38 = arith.index_cast %swap3A_37 : i32 to index
    %swap3A_39 = arith.constant 16 : index
    %swap3A_40 = tpu.vector_load %arg9[%swap3A_38, %swap3A_39] {strides = array<i32>} : memref<16x128xf32, #tpu.memory_space<vmem>>, vector<16xf32>,
    tpu.vector_store %arg9[%swap3A_38, %swap3A_39], %broadcast_in_dim3A_1 {strides = array<i32>} : memref<16x128xf32, #tpu.memory_space<vmem>>, vector<16xf32>,
    %swap3A_41 = arith.constant 1 : i32
    %swap3A_42 = arith.index_cast %swap3A_41 : i32 to index
    %swap3A_43 = arith.constant 32 : index
    %swap3A_44 = tpu.vector_load %arg9[%swap3A_42, %swap3A_43] {strides = array<i32>} : memref<16x128xf32, #tpu.memory_space<vmem>>, vector<16xf32>,
    tpu.vector_store %arg9[%swap3A_42, %swap3A_43], %broadcast_in_dim3A_1 {strides = array<i32>} : memref<16x128xf32, #tpu.memory_space<vmem>>, vector<16xf32>,
    %swap3A_45 = arith.constant 1 : i32
    %swap3A_46 = arith.index_cast %swap3A_45 : i32 to index
    %swap3A_47 = arith.constant 48 : index
    %swap3A_48 = tpu.vector_load %arg9[%swap3A_46, %swap3A_47] {strides = array<i32>} : memref<16x128xf32, #tpu.memory_space<vmem>>, vector<16xf32>,
    tpu.vector_store %arg9[%swap3A_46, %swap3A_47], %broadcast_in_dim3A_1 {strides = array<i32>} : memref<16x128xf32, #tpu.memory_space<vmem>>, vector<16xf32>,
    %swap3A_49 = arith.constant 1 : i32
    %swap3A_50 = arith.index_cast %swap3A_49 : i32 to index
    %swap3A_51 = arith.constant 64 : index
    %swap3A_52 = tpu.vector_load %arg9[%swap3A_50, %swap3A_51] {strides = array<i32>} : memref<16x128xf32, #tpu.memory_space<vmem>>, vector<16xf32>,
    tpu.vector_store %arg9[%swap3A_50, %swap3A_51], %broadcast_in_dim3A_1 {strides = array<i32>} : memref<16x128xf32, #tpu.memory_space<vmem>>, vector<16xf32>,
    %swap3A_53 = arith.constant 1 : i32
    %swap3A_54 = arith.index_cast %swap3A_53 : i32 to index
    %swap3A_55 = arith.constant 80 : index
    %swap3A_56 = tpu.vector_load %arg9[%swap3A_54, %swap3A_55] {strides = array<i32>} : memref<16x128xf32, #tpu.memory_space<vmem>>, vector<16xf32>,
    tpu.vector_store %arg9[%swap3A_54, %swap3A_55], %broadcast_in_dim3A_1 {strides = array<i32>} : memref<16x128xf32, #tpu.memory_space<vmem>>, vector<16xf32>,
    %swap3A_57 = arith.constant 1 : i32
    %swap3A_58 = arith.index_cast %swap3A_57 : i32 to index
    %swap3A_59 = arith.constant 96 : index
    %swap3A_60 = tpu.vector_load %arg9[%swap3A_58, %swap3A_59] {strides = array<i32>} : memref<16x128xf32, #tpu.memory_space<vmem>>, vector<16xf32>,
    tpu.vector_store %arg9[%swap3A_58, %swap3A_59], %broadcast_in_dim3A_1 {strides = array<i32>} : memref<16x128xf32, #tpu.memory_space<vmem>>, vector<16xf32>,
    %swap3A_61 = arith.constant 1 : i32
    %swap3A_62 = arith.index_cast %swap3A_61 : i32 to index
    %swap3A_63 = arith.constant 112 : index
    %swap3A_64 = tpu.vector_load %arg9[%swap3A_62, %swap3A_63] {strides = array<i32>} : memref<16x128xf32, #tpu.memory_space<vmem>>, vector<16xf32>,
    tpu.vector_store %arg9[%swap3A_62, %swap3A_63], %broadcast_in_dim3A_1 {strides = array<i32>} : memref<16x128xf32, #tpu.memory_space<vmem>>, vector<16xf32>,
    %swap3A_65 = arith.constant 2 : i32
    %swap3A_66 = arith.index_cast %swap3A_65 : i32 to index
    %swap3A_67 = arith.constant 0 : index
    %swap3A_68 = tpu.vector_load %arg9[%swap3A_66, %swap3A_67] {strides = array<i32>} : memref<16x128xf32, #tpu.memory_space<vmem>>, vector<16xf32>,
    tpu.vector_store %arg9[%swap3A_66, %swap3A_67], %broadcast_in_dim3A_1 {strides = array<i32>} : memref<16x128xf32, #tpu.memory_space<vmem>>, vector<16xf32>,
    %swap3A_69 = arith.constant 2 : i32
    %swap3A_70 = arith.index_cast %swap3A_69 : i32 to index
    %swap3A_71 = arith.constant 16 : index
    %swap3A_72 = tpu.vector_load %arg9[%swap3A_70, %swap3A_71] {strides = array<i32>} : memref<16x128xf32, #tpu.memory_space<vmem>>, vector<16xf32>,
    tpu.vector_store %arg9[%swap3A_70, %swap3A_71], %broadcast_in_dim3A_1 {strides = array<i32>} : memref<16x128xf32, #tpu.memory_space<vmem>>, vector<16xf32>,
    %swap3A_73 = arith.constant 2 : i32
    %swap3A_74 = arith.index_cast %swap3A_73 : i32 to index
    %swap3A_75 = arith.constant 32 : index
    %swap3A_76 = tpu.vector_load %arg9[%swap3A_74, %swap3A_75] {strides = array<i32>} : memref<16x128xf32, #tpu.memory_space<vmem>>, vector<16xf32>,
    tpu.vector_store %arg9[%swap3A_74, %swap3A_75], %broadcast_in_dim3A_1 {strides = array<i32>} : memref<16x128xf32, #tpu.memory_space<vmem>>, vector<16xf32>,
    %swap3A_77 = arith.constant 2 : i32
    %swap3A_78 = arith.index_cast %swap3A_77 : i32 to index
    %swap3A_79 = arith.constant 48 : index
    %swap3A_80 = tpu.vector_load %arg9[%swap3A_78, %swap3A_79] {strides = array<i32>} : memref<16x128xf32, #tpu.memory_space<vmem>>, vector<16xf32>,
    tpu.vector_store %arg9[%swap3A_78, %swap3A_79], %broadcast_in_dim3A_1 {strides = array<i32>} : memref<16x128xf32, #tpu.memory_space<vmem>>, vector<16xf32>,
    %swap3A_81 = arith.constant 2 : i32
    %swap3A_82 = arith.index_cast %swap3A_81 : i32 to index
    %swap3A_83 = arith.constant 64 : index
    %swap3A_84 = tpu.vector_load %arg9[%swap3A_82, %swap3A_83] {strides = array<i32>} : memref<16x128xf32, #tpu.memory_space<vmem>>, vector<16xf32>,
    tpu.vector_store %arg9[%swap3A_82, %swap3A_83], %broadcast_in_dim3A_1 {strides = array<i32>} : memref<16x128xf32, #tpu.memory_space<vmem>>, vector<16xf32>,
    %swap3A_85 = arith.constant 2 : i32
    %swap3A_86 = arith.index_cast %swap3A_85 : i32 to index
    %swap3A_87 = arith.constant 80 : index
    %swap3A_88 = tpu.vector_load %arg9[%swap3A_86, %swap3A_87] {strides = array<i32>} : memref<16x128xf32, #tpu.memory_space<vmem>>, vector<16xf32>,
    tpu.vector_store %arg9[%swap3A_86, %swap3A_87], %broadcast_in_dim3A_1 {strides = array<i32>} : memref<16x128xf32, #tpu.memory_space<vmem>>, vector<16xf32>,
    %swap3A_89 = arith.constant 2 : i32
    %swap3A_90 = arith.index_cast %swap3A_89 : i32 to index
    %swap3A_91 = arith.constant 96 : index
    %swap3A_92 = tpu.vector_load %arg9[%swap3A_90, %swap3A_91] {strides = array<i32>} : memref<16x128xf32, #tpu.memory_space<vmem>>, vector<16xf32>,
    tpu.vector_store %arg9[%swap3A_90, %swap3A_91], %broadcast_in_dim3A_1 {strides = array<i32>} : memref<16x128xf32, #tpu.memory_space<vmem>>, vector<16xf32>,
    %swap3A_93 = arith.constant 2 : i32
    %swap3A_94 = arith.index_cast %swap3A_93 : i32 to index
    %swap3A_95 = arith.constant 112 : index
    %swap3A_96 = tpu.vector_load %arg9[%swap3A_94, %swap3A_95] {strides = array<i32>} : memref<16x128xf32, #tpu.memory_space<vmem>>, vector<16xf32>,
    tpu.vector_store %arg9[%swap3A_94, %swap3A_95], %broadcast_in_dim3A_1 {strides = array<i32>} : memref<16x128xf32, #tpu.memory_space<vmem>>, vector<16xf32>,
    %swap3A_97 = arith.constant 3 : i32
    %swap3A_98 = arith.index_cast %swap3A_97 : i32 to index
    %swap3A_99 = arith.constant 0 : index
    %swap3A_100 = tpu.vector_load %arg9[%swap3A_98, %swap3A_99] {strides = array<i32>} : memref<16x128xf32, #tpu.memory_space<vmem>>, vector<16xf32>,
    tpu.vector_store %arg9[%swap3A_98, %swap3A_99], %broadcast_in_dim3A_1 {strides = array<i32>} : memref<16x128xf32, #tpu.memory_space<vmem>>, vector<16xf32>,
    %swap3A_101 = arith.constant 3 : i32
    %swap3A_102 = arith.index_cast %swap3A_101 : i32 to index
    %swap3A_103 = arith.constant 16 : index
    %swap3A_104 = tpu.vector_load %arg9[%swap3A_102, %swap3A_103] {strides = array<i32>} : memref<16x128xf32, #tpu.memory_space<vmem>>, vector<16xf32>,
    tpu.vector_store %arg9[%swap3A_102, %swap3A_103], %broadcast_in_dim3A_1 {strides = array<i32>} : memref<16x128xf32, #tpu.memory_space<vmem>>, vector<16xf32>,
    %swap3A_105 = arith.constant 3 : i32
    %swap3A_106 = arith.index_cast %swap3A_105 : i32 to index
    %swap3A_107 = arith.constant 32 : index
    %swap3A_108 = tpu.vector_load %arg9[%swap3A_106, %swap3A_107] {strides = array<i32>} : memref<16x128xf32, #tpu.memory_space<vmem>>, vector<16xf32>,
    tpu.vector_store %arg9[%swap3A_106, %swap3A_107], %broadcast_in_dim3A_1 {strides = array<i32>} : memref<16x128xf32, #tpu.memory_space<vmem>>, vector<16xf32>,
    %swap3A_109 = arith.constant 3 : i32
    %swap3A_110 = arith.index_cast %swap3A_109 : i32 to index
    %swap3A_111 = arith.constant 48 : index
    %swap3A_112 = tpu.vector_load %arg9[%swap3A_110, %swap3A_111] {strides = array<i32>} : memref<16x128xf32, #tpu.memory_space<vmem>>, vector<16xf32>,
    tpu.vector_store %arg9[%swap3A_110, %swap3A_111], %broadcast_in_dim3A_1 {strides = array<i32>} : memref<16x128xf32, #tpu.memory_space<vmem>>, vector<16xf32>,
    %swap3A_113 = arith.constant 3 : i32
    %swap3A_114 = arith.index_cast %swap3A_113 : i32 to index
    %swap3A_115 = arith.constant 64 : index
    %swap3A_116 = tpu.vector_load %arg9[%swap3A_114, %swap3A_115] {strides = array<i32>} : memref<16x128xf32, #tpu.memory_space<vmem>>, vector<16xf32>,
    tpu.vector_store %arg9[%swap3A_114, %swap3A_115], %broadcast_in_dim3A_1 {strides = array<i32>} : memref<16x128xf32, #tpu.memory_space<vmem>>, vector<16xf32>,
    %swap3A_117 = arith.constant 3 : i32
    %swap3A_118 = arith.index_cast %swap3A_117 : i32 to index
    %swap3A_119 = arith.constant 80 : index
    %swap3A_120 = tpu.vector_load %arg9[%swap3A_118, %swap3A_119] {strides = array<i32>} : memref<16x128xf32, #tpu.memory_space<vmem>>, vector<16xf32>,
    tpu.vector_store %arg9[%swap3A_118, %swap3A_119], %broadcast_in_dim3A_1 {strides = array<i32>} : memref<16x128xf32, #tpu.memory_space<vmem>>, vector<16xf32>,
    %swap3A_121 = arith.constant 3 : i32
    %swap3A_122 = arith.index_cast %swap3A_121 : i32 to index
    %swap3A_123 = arith.constant 96 : index
    %swap3A_124 = tpu.vector_load %arg9[%swap3A_122, %swap3A_123] {strides = array<i32>} : memref<16x128xf32, #tpu.memory_space<vmem>>, vector<16xf32>,
    tpu.vector_store %arg9[%swap3A_122, %swap3A_123], %broadcast_in_dim3A_1 {strides = array<i32>} : memref<16x128xf32, #tpu.memory_space<vmem>>, vector<16xf32>,
    %swap3A_125 = arith.constant 3 : i32
    %swap3A_126 = arith.index_cast %swap3A_125 : i32 to index
    %swap3A_127 = arith.constant 112 : index
    %swap3A_128 = tpu.vector_load %arg9[%swap3A_126, %swap3A_127] {strides = array<i32>} : memref<16x128xf32, #tpu.memory_space<vmem>>, vector<16xf32>,
    tpu.vector_store %arg9[%swap3A_126, %swap3A_127], %broadcast_in_dim3A_1 {strides = array<i32>} : memref<16x128xf32, #tpu.memory_space<vmem>>, vector<16xf32>,
    %swap3A_129 = arith.constant 4 : i32
    %swap3A_130 = arith.index_cast %swap3A_129 : i32 to index
    %swap3A_131 = arith.constant 0 : index
    %swap3A_132 = tpu.vector_load %arg9[%swap3A_130, %swap3A_131] {strides = array<i32>} : memref<16x128xf32, #tpu.memory_space<vmem>>, vector<16xf32>,
    tpu.vector_store %arg9[%swap3A_130, %swap3A_131], %broadcast_in_dim3A_1 {strides = array<i32>} : memref<16x128xf32, #tpu.memory_space<vmem>>, vector<16xf32>,
    %swap3A_133 = arith.constant 4 : i32
    %swap3A_134 = arith.index_cast %swap3A_133 : i32 to index
    %swap3A_135 = arith.constant 16 : index
    %swap3A_136 = tpu.vector_load %arg9[%swap3A_134, %swap3A_135] {strides = array<i32>} : memref<16x128xf32, #tpu.memory_space<vmem>>, vector<16xf32>,
    tpu.vector_store %arg9[%swap3A_134, %swap3A_135], %broadcast_in_dim3A_1 {strides = array<i32>} : memref<16x128xf32, #tpu.memory_space<vmem>>, vector<16xf32>,
    %swap3A_137 = arith.constant 4 : i32
    %swap3A_138 = arith.index_cast %swap3A_137 : i32 to index
    %swap3A_139 = arith.constant 32 : index
    %swap3A_140 = tpu.vector_load %arg9[%swap3A_138, %swap3A_139] {strides = array<i32>} : memref<16x128xf32, #tpu.memory_space<vmem>>, vector<16xf32>,
    tpu.vector_store %arg9[%swap3A_138, %swap3A_139], %broadcast_in_dim3A_1 {strides = array<i32>} : memref<16x128xf32, #tpu.memory_space<vmem>>, vector<16xf32>,
    %swap3A_141 = arith.constant 4 : i32
    %swap3A_142 = arith.index_cast %swap3A_141 : i32 to index
    %swap3A_143 = arith.constant 48 : index
    %swap3A_144 = tpu.vector_load %arg9[%swap3A_142, %swap3A_143] {strides = array<i32>} : memref<16x128xf32, #tpu.memory_space<vmem>>, vector<16xf32>,
    tpu.vector_store %arg9[%swap3A_142, %swap3A_143], %broadcast_in_dim3A_1 {strides = array<i32>} : memref<16x128xf32, #tpu.memory_space<vmem>>, vector<16xf32>,
    %swap3A_145 = arith.constant 4 : i32
    %swap3A_146 = arith.index_cast %swap3A_145 : i32 to index
    %swap3A_147 = arith.constant 64 : index
    %swap3A_148 = tpu.vector_load %arg9[%swap3A_146, %swap3A_147] {strides = array<i32>} : memref<16x128xf32, #tpu.memory_space<vmem>>, vector<16xf32>,
    tpu.vector_store %arg9[%swap3A_146, %swap3A_147], %broadcast_in_dim3A_1 {strides = array<i32>} : memref<16x128xf32, #tpu.memory_space<vmem>>, vector<16xf32>,
    %swap3A_149 = arith.constant 4 : i32
    %swap3A_150 = arith.index_cast %swap3A_149 : i32 to index
    %swap3A_151 = arith.constant 80 : index
    %swap3A_152 = tpu.vector_load %arg9[%swap3A_150, %swap3A_151] {strides = array<i32>} : memref<16x128xf32, #tpu.memory_space<vmem>>, vector<16xf32>,
    tpu.vector_store %arg9[%swap3A_150, %swap3A_151], %broadcast_in_dim3A_1 {strides = array<i32>} : memref<16x128xf32, #tpu.memory_space<vmem>>, vector<16xf32>,
    %swap3A_153 = arith.constant 4 : i32
    %swap3A_154 = arith.index_cast %swap3A_153 : i32 to index
    %swap3A_155 = arith.constant 96 : index
    %swap3A_156 = tpu.vector_load %arg9[%swap3A_154, %swap3A_155] {strides = array<i32>} : memref<16x128xf32, #tpu.memory_space<vmem>>, vector<16xf32>,
    tpu.vector_store %arg9[%swap3A_154, %swap3A_155], %broadcast_in_dim3A_1 {strides = array<i32>} : memref<16x128xf32, #tpu.memory_space<vmem>>, vector<16xf32>,
    %swap3A_157 = arith.constant 4 : i32
    %swap3A_158 = arith.index_cast %swap3A_157 : i32 to index
    %swap3A_159 = arith.constant 112 : index
    %swap3A_160 = tpu.vector_load %arg9[%swap3A_158, %swap3A_159] {strides = array<i32>} : memref<16x128xf32, #tpu.memory_space<vmem>>, vector<16xf32>,
    tpu.vector_store %arg9[%swap3A_158, %swap3A_159], %broadcast_in_dim3A_1 {strides = array<i32>} : memref<16x128xf32, #tpu.memory_space<vmem>>, vector<16xf32>,
    %swap3A_161 = arith.constant 5 : i32
    %swap3A_162 = arith.index_cast %swap3A_161 : i32 to index
    %swap3A_163 = arith.constant 0 : index
    %swap3A_164 = tpu.vector_load %arg9[%swap3A_162, %swap3A_163] {strides = array<i32>} : memref<16x128xf32, #tpu.memory_space<vmem>>, vector<16xf32>,
    tpu.vector_store %arg9[%swap3A_162, %swap3A_163], %broadcast_in_dim3A_1 {strides = array<i32>} : memref<16x128xf32, #tpu.memory_space<vmem>>, vector<16xf32>,
    %swap3A_165 = arith.constant 5 : i32
    %swap3A_166 = arith.index_cast %swap3A_165 : i32 to index
    %swap3A_167 = arith.constant 16 : index
    %swap3A_168 = tpu.vector_load %arg9[%swap3A_166, %swap3A_167] {strides = array<i32>} : memref<16x128xf32, #tpu.memory_space<vmem>>, vector<16xf32>,
    tpu.vector_store %arg9[%swap3A_166, %swap3A_167], %broadcast_in_dim3A_1 {strides = array<i32>} : memref<16x128xf32, #tpu.memory_space<vmem>>, vector<16xf32>,
    %swap3A_169 = arith.constant 5 : i32
    %swap3A_170 = arith.index_cast %swap3A_169 : i32 to index
    %swap3A_171 = arith.constant 32 : index
    %swap3A_172 = tpu.vector_load %arg9[%swap3A_170, %swap3A_171] {strides = array<i32>} : memref<16x128xf32, #tpu.memory_space<vmem>>, vector<16xf32>,
    tpu.vector_store %arg9[%swap3A_170, %swap3A_171], %broadcast_in_dim3A_1 {strides = array<i32>} : memref<16x128xf32, #tpu.memory_space<vmem>>, vector<16xf32>,
    %swap3A_173 = arith.constant 5 : i32
    %swap3A_174 = arith.index_cast %swap3A_173 : i32 to index
    %swap3A_175 = arith.constant 48 : index
    %swap3A_176 = tpu.vector_load %arg9[%swap3A_174, %swap3A_175] {strides = array<i32>} : memref<16x128xf32, #tpu.memory_space<vmem>>, vector<16xf32>,
    tpu.vector_store %arg9[%swap3A_174, %swap3A_175], %broadcast_in_dim3A_1 {strides = array<i32>} : memref<16x128xf32, #tpu.memory_space<vmem>>, vector<16xf32>,
    %swap3A_177 = arith.constant 5 : i32
    %swap3A_178 = arith.index_cast %swap3A_177 : i32 to index
    %swap3A_179 = arith.constant 64 : index
    %swap3A_180 = tpu.vector_load %arg9[%swap3A_178, %swap3A_179] {strides = array<i32>} : memref<16x128xf32, #tpu.memory_space<vmem>>, vector<16xf32>,
    tpu.vector_store %arg9[%swap3A_178, %swap3A_179], %broadcast_in_dim3A_1 {strides = array<i32>} : memref<16x128xf32, #tpu.memory_space<vmem>>, vector<16xf32>,
    %swap3A_181 = arith.constant 5 : i32
    %swap3A_182 = arith.index_cast %swap3A_181 : i32 to index
    %swap3A_183 = arith.constant 80 : index
    %swap3A_184 = tpu.vector_load %arg9[%swap3A_182, %swap3A_183] {strides = array<i32>} : memref<16x128xf32, #tpu.memory_space<vmem>>, vector<16xf32>,
    tpu.vector_store %arg9[%swap3A_182, %swap3A_183], %broadcast_in_dim3A_1 {strides = array<i32>} : memref<16x128xf32, #tpu.memory_space<vmem>>, vector<16xf32>,
    %swap3A_185 = arith.constant 5 : i32
    %swap3A_186 = arith.index_cast %swap3A_185 : i32 to index
    %swap3A_187 = arith.constant 96 : index
    %swap3A_188 = tpu.vector_load %arg9[%swap3A_186, %swap3A_187] {strides = array<i32>} : memref<16x128xf32, #tpu.memory_space<vmem>>, vector<16xf32>,
    tpu.vector_store %arg9[%swap3A_186, %swap3A_187], %broadcast_in_dim3A_1 {strides = array<i32>} : memref<16x128xf32, #tpu.memory_space<vmem>>, vector<16xf32>,
    %swap3A_189 = arith.constant 5 : i32
    %swap3A_190 = arith.index_cast %swap3A_189 : i32 to index
    %swap3A_191 = arith.constant 112 : index
    %swap3A_192 = tpu.vector_load %arg9[%swap3A_190, %swap3A_191] {strides = array<i32>} : memref<16x128xf32, #tpu.memory_space<vmem>>, vector<16xf32>,
    tpu.vector_store %arg9[%swap3A_190, %swap3A_191], %broadcast_in_dim3A_1 {strides = array<i32>} : memref<16x128xf32, #tpu.memory_space<vmem>>, vector<16xf32>,
    %swap3A_193 = arith.constant 6 : i32
    %swap3A_194 = arith.index_cast %swap3A_193 : i32 to index
    %swap3A_195 = arith.constant 0 : index
    %swap3A_196 = tpu.vector_load %arg9[%swap3A_194, %swap3A_195] {strides = array<i32>} : memref<16x128xf32, #tpu.memory_space<vmem>>, vector<16xf32>,
    tpu.vector_store %arg9[%swap3A_194, %swap3A_195], %broadcast_in_dim3A_1 {strides = array<i32>} : memref<16x128xf32, #tpu.memory_space<vmem>>, vector<16xf32>,
    %swap3A_197 = arith.constant 6 : i32
    %swap3A_198 = arith.index_cast %swap3A_197 : i32 to index
    %swap3A_199 = arith.constant 16 : index
    %swap3A_200 = tpu.vector_load %arg9[%swap3A_198, %swap3A_199] {strides = array<i32>} : memref<16x128xf32, #tpu.memory_space<vmem>>, vector<16xf32>,
    tpu.vector_store %arg9[%swap3A_198, %swap3A_199], %broadcast_in_dim3A_1 {strides = array<i32>} : memref<16x128xf32, #tpu.memory_space<vmem>>, vector<16xf32>,
    %swap3A_201 = arith.constant 6 : i32
    %swap3A_202 = arith.index_cast %swap3A_201 : i32 to index
    %swap3A_203 = arith.constant 32 : index
    %swap3A_204 = tpu.vector_load %arg9[%swap3A_202, %swap3A_203] {strides = array<i32>} : memref<16x128xf32, #tpu.memory_space<vmem>>, vector<16xf32>,
    tpu.vector_store %arg9[%swap3A_202, %swap3A_203], %broadcast_in_dim3A_1 {strides = array<i32>} : memref<16x128xf32, #tpu.memory_space<vmem>>, vector<16xf32>,
    %swap3A_205 = arith.constant 6 : i32
    %swap3A_206 = arith.index_cast %swap3A_205 : i32 to index
    %swap3A_207 = arith.constant 48 : index
    %swap3A_208 = tpu.vector_load %arg9[%swap3A_206, %swap3A_207] {strides = array<i32>} : memref<16x128xf32, #tpu.memory_space<vmem>>, vector<16xf32>,
    tpu.vector_store %arg9[%swap3A_206, %swap3A_207], %broadcast_in_dim3A_1 {strides = array<i32>} : memref<16x128xf32, #tpu.memory_space<vmem>>, vector<16xf32>,
    %swap3A_209 = arith.constant 6 : i32
    %swap3A_210 = arith.index_cast %swap3A_209 : i32 to index
    %swap3A_211 = arith.constant 64 : index
    %swap3A_212 = tpu.vector_load %arg9[%swap3A_210, %swap3A_211] {strides = array<i32>} : memref<16x128xf32, #tpu.memory_space<vmem>>, vector<16xf32>,
    tpu.vector_store %arg9[%swap3A_210, %swap3A_211], %broadcast_in_dim3A_1 {strides = array<i32>} : memref<16x128xf32, #tpu.memory_space<vmem>>, vector<16xf32>,
    %swap3A_213 = arith.constant 6 : i32
    %swap3A_214 = arith.index_cast %swap3A_213 : i32 to index
    %swap3A_215 = arith.constant 80 : index
    %swap3A_216 = tpu.vector_load %arg9[%swap3A_214, %swap3A_215] {strides = array<i32>} : memref<16x128xf32, #tpu.memory_space<vmem>>, vector<16xf32>,
    tpu.vector_store %arg9[%swap3A_214, %swap3A_215], %broadcast_in_dim3A_1 {strides = array<i32>} : memref<16x128xf32, #tpu.memory_space<vmem>>, vector<16xf32>,
    %swap3A_217 = arith.constant 6 : i32
    %swap3A_218 = arith.index_cast %swap3A_217 : i32 to index
    %swap3A_219 = arith.constant 96 : index
    %swap3A_220 = tpu.vector_load %arg9[%swap3A_218, %swap3A_219] {strides = array<i32>} : memref<16x128xf32, #tpu.memory_space<vmem>>, vector<16xf32>,
    tpu.vector_store %arg9[%swap3A_218, %swap3A_219], %broadcast_in_dim3A_1 {strides = array<i32>} : memref<16x128xf32, #tpu.memory_space<vmem>>, vector<16xf32>,
    %swap3A_221 = arith.constant 6 : i32
    %swap3A_222 = arith.index_cast %swap3A_221 : i32 to index
    %swap3A_223 = arith.constant 112 : index
    %swap3A_224 = tpu.vector_load %arg9[%swap3A_222, %swap3A_223] {strides = array<i32>} : memref<16x128xf32, #tpu.memory_space<vmem>>, vector<16xf32>,
    tpu.vector_store %arg9[%swap3A_222, %swap3A_223], %broadcast_in_dim3A_1 {strides = array<i32>} : memref<16x128xf32, #tpu.memory_space<vmem>>, vector<16xf32>,
    %swap3A_225 = arith.constant 7 : i32
    %swap3A_226 = arith.index_cast %swap3A_225 : i32 to index
    %swap3A_227 = arith.constant 0 : index
    %swap3A_228 = tpu.vector_load %arg9[%swap3A_226, %swap3A_227] {strides = array<i32>} : memref<16x128xf32, #tpu.memory_space<vmem>>, vector<16xf32>,
    tpu.vector_store %arg9[%swap3A_226, %swap3A_227], %broadcast_in_dim3A_1 {strides = array<i32>} : memref<16x128xf32, #tpu.memory_space<vmem>>, vector<16xf32>,
    %swap3A_229 = arith.constant 7 : i32
    %swap3A_230 = arith.index_cast %swap3A_229 : i32 to index
    %swap3A_231 = arith.constant 16 : index
    %swap3A_232 = tpu.vector_load %arg9[%swap3A_230, %swap3A_231] {strides = array<i32>} : memref<16x128xf32, #tpu.memory_space<vmem>>, vector<16xf32>,
    tpu.vector_store %arg9[%swap3A_230, %swap3A_231], %broadcast_in_dim3A_1 {strides = array<i32>} : memref<16x128xf32, #tpu.memory_space<vmem>>, vector<16xf32>,
    %swap3A_233 = arith.constant 7 : i32
    %swap3A_234 = arith.index_cast %swap3A_233 : i32 to index
    %swap3A_235 = arith.constant 32 : index
    %swap3A_236 = tpu.vector_load %arg9[%swap3A_234, %swap3A_235] {strides = array<i32>} : memref<16x128xf32, #tpu.memory_space<vmem>>, vector<16xf32>,
    tpu.vector_store %arg9[%swap3A_234, %swap3A_235], %broadcast_in_dim3A_1 {strides = array<i32>} : memref<16x128xf32, #tpu.memory_space<vmem>>, vector<16xf32>,
    %swap3A_237 = arith.constant 7 : i32
    %swap3A_238 = arith.index_cast %swap3A_237 : i32 to index
    %swap3A_239 = arith.constant 48 : index
    %swap3A_240 = tpu.vector_load %arg9[%swap3A_238, %swap3A_239] {strides = array<i32>} : memref<16x128xf32, #tpu.memory_space<vmem>>, vector<16xf32>,
    tpu.vector_store %arg9[%swap3A_238, %swap3A_239], %broadcast_in_dim3A_1 {strides = array<i32>} : memref<16x128xf32, #tpu.memory_space<vmem>>, vector<16xf32>,
    %swap3A_241 = arith.constant 7 : i32
    %swap3A_242 = arith.index_cast %swap3A_241 : i32 to index
    %swap3A_243 = arith.constant 64 : index
    %swap3A_244 = tpu.vector_load %arg9[%swap3A_242, %swap3A_243] {strides = array<i32>} : memref<16x128xf32, #tpu.memory_space<vmem>>, vector<16xf32>,
    tpu.vector_store %arg9[%swap3A_242, %swap3A_243], %broadcast_in_dim3A_1 {strides = array<i32>} : memref<16x128xf32, #tpu.memory_space<vmem>>, vector<16xf32>,
    %swap3A_245 = arith.constant 7 : i32
    %swap3A_246 = arith.index_cast %swap3A_245 : i32 to index
    %swap3A_247 = arith.constant 80 : index
    %swap3A_248 = tpu.vector_load %arg9[%swap3A_246, %swap3A_247] {strides = array<i32>} : memref<16x128xf32, #tpu.memory_space<vmem>>, vector<16xf32>,
    tpu.vector_store %arg9[%swap3A_246, %swap3A_247], %broadcast_in_dim3A_1 {strides = array<i32>} : memref<16x128xf32, #tpu.memory_space<vmem>>, vector<16xf32>,
    %swap3A_249 = arith.constant 7 : i32
    %swap3A_250 = arith.index_cast %swap3A_249 : i32 to index
    %swap3A_251 = arith.constant 96 : index
    %swap3A_252 = tpu.vector_load %arg9[%swap3A_250, %swap3A_251] {strides = array<i32>} : memref<16x128xf32, #tpu.memory_space<vmem>>, vector<16xf32>,
    tpu.vector_store %arg9[%swap3A_250, %swap3A_251], %broadcast_in_dim3A_1 {strides = array<i32>} : memref<16x128xf32, #tpu.memory_space<vmem>>, vector<16xf32>,
    %swap3A_253 = arith.constant 7 : i32
    %swap3A_254 = arith.index_cast %swap3A_253 : i32 to index
    %swap3A_255 = arith.constant 112 : index
    %swap3A_256 = tpu.vector_load %arg9[%swap3A_254, %swap3A_255] {strides = array<i32>} : memref<16x128xf32, #tpu.memory_space<vmem>>, vector<16xf32>,
    tpu.vector_store %arg9[%swap3A_254, %swap3A_255], %broadcast_in_dim3A_1 {strides = array<i32>} : memref<16x128xf32, #tpu.memory_space<vmem>>, vector<16xf32>,
    %swap3A_257 = arith.constant 8 : i32
    %swap3A_258 = arith.index_cast %swap3A_257 : i32 to index
    %swap3A_259 = arith.constant 0 : index
    %swap3A_260 = tpu.vector_load %arg9[%swap3A_258, %swap3A_259] {strides = array<i32>} : memref<16x128xf32, #tpu.memory_space<vmem>>, vector<16xf32>,
    tpu.vector_store %arg9[%swap3A_258, %swap3A_259], %broadcast_in_dim3A_1 {strides = array<i32>} : memref<16x128xf32, #tpu.memory_space<vmem>>, vector<16xf32>,
    %swap3A_261 = arith.constant 8 : i32
    %swap3A_262 = arith.index_cast %swap3A_261 : i32 to index
    %swap3A_263 = arith.constant 16 : index
    %swap3A_264 = tpu.vector_load %arg9[%swap3A_262, %swap3A_263] {strides = array<i32>} : memref<16x128xf32, #tpu.memory_space<vmem>>, vector<16xf32>,
    tpu.vector_store %arg9[%swap3A_262, %swap3A_263], %broadcast_in_dim3A_1 {strides = array<i32>} : memref<16x128xf32, #tpu.memory_space<vmem>>, vector<16xf32>,
    %swap3A_265 = arith.constant 8 : i32
    %swap3A_266 = arith.index_cast %swap3A_265 : i32 to index
    %swap3A_267 = arith.constant 32 : index
    %swap3A_268 = tpu.vector_load %arg9[%swap3A_266, %swap3A_267] {strides = array<i32>} : memref<16x128xf32, #tpu.memory_space<vmem>>, vector<16xf32>,
    tpu.vector_store %arg9[%swap3A_266, %swap3A_267], %broadcast_in_dim3A_1 {strides = array<i32>} : memref<16x128xf32, #tpu.memory_space<vmem>>, vector<16xf32>,
    %swap3A_269 = arith.constant 8 : i32
    %swap3A_270 = arith.index_cast %swap3A_269 : i32 to index
    %swap3A_271 = arith.constant 48 : index
    %swap3A_272 = tpu.vector_load %arg9[%swap3A_270, %swap3A_271] {strides = array<i32>} : memref<16x128xf32, #tpu.memory_space<vmem>>, vector<16xf32>,
    tpu.vector_store %arg9[%swap3A_270, %swap3A_271], %broadcast_in_dim3A_1 {strides = array<i32>} : memref<16x128xf32, #tpu.memory_space<vmem>>, vector<16xf32>,
    %swap3A_273 = arith.constant 8 : i32
    %swap3A_274 = arith.index_cast %swap3A_273 : i32 to index
    %swap3A_275 = arith.constant 64 : index
    %swap3A_276 = tpu.vector_load %arg9[%swap3A_274, %swap3A_275] {strides = array<i32>} : memref<16x128xf32, #tpu.memory_space<vmem>>, vector<16xf32>,
    tpu.vector_store %arg9[%swap3A_274, %swap3A_275], %broadcast_in_dim3A_1 {strides = array<i32>} : memref<16x128xf32, #tpu.memory_space<vmem>>, vector<16xf32>,
    %swap3A_277 = arith.constant 8 : i32
    %swap3A_278 = arith.index_cast %swap3A_277 : i32 to index
    %swap3A_279 = arith.constant 80 : index
    %swap3A_280 = tpu.vector_load %arg9[%swap3A_278, %swap3A_279] {strides = array<i32>} : memref<16x128xf32, #tpu.memory_space<vmem>>, vector<16xf32>,
    tpu.vector_store %arg9[%swap3A_278, %swap3A_279], %broadcast_in_dim3A_1 {strides = array<i32>} : memref<16x128xf32, #tpu.memory_space<vmem>>, vector<16xf32>,
    %swap3A_281 = arith.constant 8 : i32
    %swap3A_282 = arith.index_cast %swap3A_281 : i32 to index
    %swap3A_283 = arith.constant 96 : index
    %swap3A_284 = tpu.vector_load %arg9[%swap3A_282, %swap3A_283] {strides = array<i32>} : memref<16x128xf32, #tpu.memory_space<vmem>>, vector<16xf32>,
    tpu.vector_store %arg9[%swap3A_282, %swap3A_283], %broadcast_in_dim3A_1 {strides = array<i32>} : memref<16x128xf32, #tpu.memory_space<vmem>>, vector<16xf32>,
    %swap3A_285 = arith.constant 8 : i32
    %swap3A_286 = arith.index_cast %swap3A_285 : i32 to index
    %swap3A_287 = arith.constant 112 : index
    %swap3A_288 = tpu.vector_load %arg9[%swap3A_286, %swap3A_287] {strides = array<i32>} : memref<16x128xf32, #tpu.memory_space<vmem>>, vector<16xf32>,
    tpu.vector_store %arg9[%swap3A_286, %swap3A_287], %broadcast_in_dim3A_1 {strides = array<i32>} : memref<16x128xf32, #tpu.memory_space<vmem>>, vector<16xf32>,
    %swap3A_289 = arith.constant 9 : i32
    %swap3A_290 = arith.index_cast %swap3A_289 : i32 to index
    %swap3A_291 = arith.constant 0 : index
    %swap3A_292 = tpu.vector_load %arg9[%swap3A_290, %swap3A_291] {strides = array<i32>} : memref<16x128xf32, #tpu.memory_space<vmem>>, vector<16xf32>,
    tpu.vector_store %arg9[%swap3A_290, %swap3A_291], %broadcast_in_dim3A_1 {strides = array<i32>} : memref<16x128xf32, #tpu.memory_space<vmem>>, vector<16xf32>,
    %swap3A_293 = arith.constant 9 : i32
    %swap3A_294 = arith.index_cast %swap3A_293 : i32 to index
    %swap3A_295 = arith.constant 16 : index
    %swap3A_296 = tpu.vector_load %arg9[%swap3A_294, %swap3A_295] {strides = array<i32>} : memref<16x128xf32, #tpu.memory_space<vmem>>, vector<16xf32>,
    tpu.vector_store %arg9[%swap3A_294, %swap3A_295], %broadcast_in_dim3A_1 {strides = array<i32>} : memref<16x128xf32, #tpu.memory_space<vmem>>, vector<16xf32>,
    %swap3A_297 = arith.constant 9 : i32
    %swap3A_298 = arith.index_cast %swap3A_297 : i32 to index
    %swap3A_299 = arith.constant 32 : index
    %swap3A_300 = tpu.vector_load %arg9[%swap3A_298, %swap3A_299] {strides = array<i32>} : memref<16x128xf32, #tpu.memory_space<vmem>>, vector<16xf32>,
    tpu.vector_store %arg9[%swap3A_298, %swap3A_299], %broadcast_in_dim3A_1 {strides = array<i32>} : memref<16x128xf32, #tpu.memory_space<vmem>>, vector<16xf32>,
    %swap3A_301 = arith.constant 9 : i32
    %swap3A_302 = arith.index_cast %swap3A_301 : i32 to index
    %swap3A_303 = arith.constant 48 : index
    %swap3A_304 = tpu.vector_load %arg9[%swap3A_302, %swap3A_303] {strides = array<i32>} : memref<16x128xf32, #tpu.memory_space<vmem>>, vector<16xf32>,
    tpu.vector_store %arg9[%swap3A_302, %swap3A_303], %broadcast_in_dim3A_1 {strides = array<i32>} : memref<16x128xf32, #tpu.memory_space<vmem>>, vector<16xf32>,
    %swap3A_305 = arith.constant 9 : i32
    %swap3A_306 = arith.index_cast %swap3A_305 : i32 to index
    %swap3A_307 = arith.constant 64 : index
    %swap3A_308 = tpu.vector_load %arg9[%swap3A_306, %swap3A_307] {strides = array<i32>} : memref<16x128xf32, #tpu.memory_space<vmem>>, vector<16xf32>,
    tpu.vector_store %arg9[%swap3A_306, %swap3A_307], %broadcast_in_dim3A_1 {strides = array<i32>} : memref<16x128xf32, #tpu.memory_space<vmem>>, vector<16xf32>,
    %swap3A_309 = arith.constant 9 : i32
    %swap3A_310 = arith.index_cast %swap3A_309 : i32 to index
    %swap3A_311 = arith.constant 80 : index
    %swap3A_312 = tpu.vector_load %arg9[%swap3A_310, %swap3A_311] {strides = array<i32>} : memref<16x128xf32, #tpu.memory_space<vmem>>, vector<16xf32>,
    tpu.vector_store %arg9[%swap3A_310, %swap3A_311], %broadcast_in_dim3A_1 {strides = array<i32>} : memref<16x128xf32, #tpu.memory_space<vmem>>, vector<16xf32>,
    %swap3A_313 = arith.constant 9 : i32
    %swap3A_314 = arith.index_cast %swap3A_313 : i32 to index
    %swap3A_315 = arith.constant 96 : index
    %swap3A_316 = tpu.vector_load %arg9[%swap3A_314, %swap3A_315] {strides = array<i32>} : memref<16x128xf32, #tpu.memory_space<vmem>>, vector<16xf32>,
    tpu.vector_store %arg9[%swap3A_314, %swap3A_315], %broadcast_in_dim3A_1 {strides = array<i32>} : memref<16x128xf32, #tpu.memory_space<vmem>>, vector<16xf32>,
    %swap3A_317 = arith.constant 9 : i32
    %swap3A_318 = arith.index_cast %swap3A_317 : i32 to index
    %swap3A_319 = arith.constant 112 : index
    %swap3A_320 = tpu.vector_load %arg9[%swap3A_318, %swap3A_319] {strides = array<i32>} : memref<16x128xf32, #tpu.memory_space<vmem>>, vector<16xf32>,
    tpu.vector_store %arg9[%swap3A_318, %swap3A_319], %broadcast_in_dim3A_1 {strides = array<i32>} : memref<16x128xf32, #tpu.memory_space<vmem>>, vector<16xf32>,
    %swap3A_321 = arith.constant 10 : i32
    %swap3A_322 = arith.index_cast %swap3A_321 : i32 to index
    %swap3A_323 = arith.constant 0 : index
    %swap3A_324 = tpu.vector_load %arg9[%swap3A_322, %swap3A_323] {strides = array<i32>} : memref<16x128xf32, #tpu.memory_space<vmem>>, vector<16xf32>,
    tpu.vector_store %arg9[%swap3A_322, %swap3A_323], %broadcast_in_dim3A_1 {strides = array<i32>} : memref<16x128xf32, #tpu.memory_space<vmem>>, vector<16xf32>,
    %swap3A_325 = arith.constant 10 : i32
    %swap3A_326 = arith.index_cast %swap3A_325 : i32 to index
    %swap3A_327 = arith.constant 16 : index
    %swap3A_328 = tpu.vector_load %arg9[%swap3A_326, %swap3A_327] {strides = array<i32>} : memref<16x128xf32, #tpu.memory_space<vmem>>, vector<16xf32>,
    tpu.vector_store %arg9[%swap3A_326, %swap3A_327], %broadcast_in_dim3A_1 {strides = array<i32>} : memref<16x128xf32, #tpu.memory_space<vmem>>, vector<16xf32>,
    %swap3A_329 = arith.constant 10 : i32
    %swap3A_330 = arith.index_cast %swap3A_329 : i32 to index
    %swap3A_331 = arith.constant 32 : index
    %swap3A_332 = tpu.vector_load %arg9[%swap3A_330, %swap3A_331] {strides = array<i32>} : memref<16x128xf32, #tpu.memory_space<vmem>>, vector<16xf32>,
    tpu.vector_store %arg9[%swap3A_330, %swap3A_331], %broadcast_in_dim3A_1 {strides = array<i32>} : memref<16x128xf32, #tpu.memory_space<vmem>>, vector<16xf32>,
    %swap3A_333 = arith.constant 10 : i32
    %swap3A_334 = arith.index_cast %swap3A_333 : i32 to index
    %swap3A_335 = arith.constant 48 : index
    %swap3A_336 = tpu.vector_load %arg9[%swap3A_334, %swap3A_335] {strides = array<i32>} : memref<16x128xf32, #tpu.memory_space<vmem>>, vector<16xf32>,
    tpu.vector_store %arg9[%swap3A_334, %swap3A_335], %broadcast_in_dim3A_1 {strides = array<i32>} : memref<16x128xf32, #tpu.memory_space<vmem>>, vector<16xf32>,
    %swap3A_337 = arith.constant 10 : i32
    %swap3A_338 = arith.index_cast %swap3A_337 : i32 to index
    %swap3A_339 = arith.constant 64 : index
    %swap3A_340 = tpu.vector_load %arg9[%swap3A_338, %swap3A_339] {strides = array<i32>} : memref<16x128xf32, #tpu.memory_space<vmem>>, vector<16xf32>,
    tpu.vector_store %arg9[%swap3A_338, %swap3A_339], %broadcast_in_dim3A_1 {strides = array<i32>} : memref<16x128xf32, #tpu.memory_space<vmem>>, vector<16xf32>,
    %swap3A_341 = arith.constant 10 : i32
    %swap3A_342 = arith.index_cast %swap3A_341 : i32 to index
    %swap3A_343 = arith.constant 80 : index
    %swap3A_344 = tpu.vector_load %arg9[%swap3A_342, %swap3A_343] {strides = array<i32>} : memref<16x128xf32, #tpu.memory_space<vmem>>, vector<16xf32>,
    tpu.vector_store %arg9[%swap3A_342, %swap3A_343], %broadcast_in_dim3A_1 {strides = array<i32>} : memref<16x128xf32, #tpu.memory_space<vmem>>, vector<16xf32>,
    %swap3A_345 = arith.constant 10 : i32
    %swap3A_346 = arith.index_cast %swap3A_345 : i32 to index
    %swap3A_347 = arith.constant 96 : index
    %swap3A_348 = tpu.vector_load %arg9[%swap3A_346, %swap3A_347] {strides = array<i32>} : memref<16x128xf32, #tpu.memory_space<vmem>>, vector<16xf32>,
    tpu.vector_store %arg9[%swap3A_346, %swap3A_347], %broadcast_in_dim3A_1 {strides = array<i32>} : memref<16x128xf32, #tpu.memory_space<vmem>>, vector<16xf32>,
    %swap3A_349 = arith.constant 10 : i32
    %swap3A_350 = arith.index_cast %swap3A_349 : i32 to index
    %swap3A_351 = arith.constant 112 : index
    %swap3A_352 = tpu.vector_load %arg9[%swap3A_350, %swap3A_351] {strides = array<i32>} : memref<16x128xf32, #tpu.memory_space<vmem>>, vector<16xf32>,
    tpu.vector_store %arg9[%swap3A_350, %swap3A_351], %broadcast_in_dim3A_1 {strides = array<i32>} : memref<16x128xf32, #tpu.memory_space<vmem>>, vector<16xf32>,
    %swap3A_353 = arith.constant 11 : i32
    %swap3A_354 = arith.index_cast %swap3A_353 : i32 to index
    %swap3A_355 = arith.constant 0 : index
    %swap3A_356 = tpu.vector_load %arg9[%swap3A_354, %swap3A_355] {strides = array<i32>} : memref<16x128xf32, #tpu.memory_space<vmem>>, vector<16xf32>,
    tpu.vector_store %arg9[%swap3A_354, %swap3A_355], %broadcast_in_dim3A_1 {strides = array<i32>} : memref<16x128xf32, #tpu.memory_space<vmem>>, vector<16xf32>,
    %swap3A_357 = arith.constant 11 : i32
    %swap3A_358 = arith.index_cast %swap3A_357 : i32 to index
    %swap3A_359 = arith.constant 16 : index
    %swap3A_360 = tpu.vector_load %arg9[%swap3A_358, %swap3A_359] {strides = array<i32>} : memref<16x128xf32, #tpu.memory_space<vmem>>, vector<16xf32>,
    tpu.vector_store %arg9[%swap3A_358, %swap3A_359], %broadcast_in_dim3A_1 {strides = array<i32>} : memref<16x128xf32, #tpu.memory_space<vmem>>, vector<16xf32>,
    %swap3A_361 = arith.constant 11 : i32
    %swap3A_362 = arith.index_cast %swap3A_361 : i32 to index
    %swap3A_363 = arith.constant 32 : index
    %swap3A_364 = tpu.vector_load %arg9[%swap3A_362, %swap3A_363] {strides = array<i32>} : memref<16x128xf32, #tpu.memory_space<vmem>>, vector<16xf32>,
    tpu.vector_store %arg9[%swap3A_362, %swap3A_363], %broadcast_in_dim3A_1 {strides = array<i32>} : memref<16x128xf32, #tpu.memory_space<vmem>>, vector<16xf32>,
    %swap3A_365 = arith.constant 11 : i32
    %swap3A_366 = arith.index_cast %swap3A_365 : i32 to index
    %swap3A_367 = arith.constant 48 : index
    %swap3A_368 = tpu.vector_load %arg9[%swap3A_366, %swap3A_367] {strides = array<i32>} : memref<16x128xf32, #tpu.memory_space<vmem>>, vector<16xf32>,
    tpu.vector_store %arg9[%swap3A_366, %swap3A_367], %broadcast_in_dim3A_1 {strides = array<i32>} : memref<16x128xf32, #tpu.memory_space<vmem>>, vector<16xf32>,
    %swap3A_369 = arith.constant 11 : i32
    %swap3A_370 = arith.index_cast %swap3A_369 : i32 to index
    %swap3A_371 = arith.constant 64 : index
    %swap3A_372 = tpu.vector_load %arg9[%swap3A_370, %swap3A_371] {strides = array<i32>} : memref<16x128xf32, #tpu.memory_space<vmem>>, vector<16xf32>,
    tpu.vector_store %arg9[%swap3A_370, %swap3A_371], %broadcast_in_dim3A_1 {strides = array<i32>} : memref<16x128xf32, #tpu.memory_space<vmem>>, vector<16xf32>,
    %swap3A_373 = arith.constant 11 : i32
    %swap3A_374 = arith.index_cast %swap3A_373 : i32 to index
    %swap3A_375 = arith.constant 80 : index
    %swap3A_376 = tpu.vector_load %arg9[%swap3A_374, %swap3A_375] {strides = array<i32>} : memref<16x128xf32, #tpu.memory_space<vmem>>, vector<16xf32>,
    tpu.vector_store %arg9[%swap3A_374, %swap3A_375], %broadcast_in_dim3A_1 {strides = array<i32>} : memref<16x128xf32, #tpu.memory_space<vmem>>, vector<16xf32>,
    %swap3A_377 = arith.constant 11 : i32
    %swap3A_378 = arith.index_cast %swap3A_377 : i32 to index
    %swap3A_379 = arith.constant 96 : index
    %swap3A_380 = tpu.vector_load %arg9[%swap3A_378, %swap3A_379] {strides = array<i32>} : memref<16x128xf32, #tpu.memory_space<vmem>>, vector<16xf32>,
    tpu.vector_store %arg9[%swap3A_378, %swap3A_379], %broadcast_in_dim3A_1 {strides = array<i32>} : memref<16x128xf32, #tpu.memory_space<vmem>>, vector<16xf32>,
    %swap3A_381 = arith.constant 11 : i32
    %swap3A_382 = arith.index_cast %swap3A_381 : i32 to index
    %swap3A_383 = arith.constant 112 : index
    %swap3A_384 = tpu.vector_load %arg9[%swap3A_382, %swap3A_383] {strides = array<i32>} : memref<16x128xf32, #tpu.memory_space<vmem>>, vector<16xf32>,
    tpu.vector_store %arg9[%swap3A_382, %swap3A_383], %broadcast_in_dim3A_1 {strides = array<i32>} : memref<16x128xf32, #tpu.memory_space<vmem>>, vector<16xf32>,
    %swap3A_385 = arith.constant 12 : i32
    %swap3A_386 = arith.index_cast %swap3A_385 : i32 to index
    %swap3A_387 = arith.constant 0 : index
    %swap3A_388 = tpu.vector_load %arg9[%swap3A_386, %swap3A_387] {strides = array<i32>} : memref<16x128xf32, #tpu.memory_space<vmem>>, vector<16xf32>,
    tpu.vector_store %arg9[%swap3A_386, %swap3A_387], %broadcast_in_dim3A_1 {strides = array<i32>} : memref<16x128xf32, #tpu.memory_space<vmem>>, vector<16xf32>,
    %swap3A_389 = arith.constant 12 : i32
    %swap3A_390 = arith.index_cast %swap3A_389 : i32 to index
    %swap3A_391 = arith.constant 16 : index
    %swap3A_392 = tpu.vector_load %arg9[%swap3A_390, %swap3A_391] {strides = array<i32>} : memref<16x128xf32, #tpu.memory_space<vmem>>, vector<16xf32>,
    tpu.vector_store %arg9[%swap3A_390, %swap3A_391], %broadcast_in_dim3A_1 {strides = array<i32>} : memref<16x128xf32, #tpu.memory_space<vmem>>, vector<16xf32>,
    %swap3A_393 = arith.constant 12 : i32
    %swap3A_394 = arith.index_cast %swap3A_393 : i32 to index
    %swap3A_395 = arith.constant 32 : index
    %swap3A_396 = tpu.vector_load %arg9[%swap3A_394, %swap3A_395] {strides = array<i32>} : memref<16x128xf32, #tpu.memory_space<vmem>>, vector<16xf32>,
    tpu.vector_store %arg9[%swap3A_394, %swap3A_395], %broadcast_in_dim3A_1 {strides = array<i32>} : memref<16x128xf32, #tpu.memory_space<vmem>>, vector<16xf32>,
    %swap3A_397 = arith.constant 12 : i32
    %swap3A_398 = arith.index_cast %swap3A_397 : i32 to index
    %swap3A_399 = arith.constant 48 : index
    %swap3A_400 = tpu.vector_load %arg9[%swap3A_398, %swap3A_399] {strides = array<i32>} : memref<16x128xf32, #tpu.memory_space<vmem>>, vector<16xf32>,
    tpu.vector_store %arg9[%swap3A_398, %swap3A_399], %broadcast_in_dim3A_1 {strides = array<i32>} : memref<16x128xf32, #tpu.memory_space<vmem>>, vector<16xf32>,
    %swap3A_401 = arith.constant 12 : i32
    %swap3A_402 = arith.index_cast %swap3A_401 : i32 to index
    %swap3A_403 = arith.constant 64 : index
    %swap3A_404 = tpu.vector_load %arg9[%swap3A_402, %swap3A_403] {strides = array<i32>} : memref<16x128xf32, #tpu.memory_space<vmem>>, vector<16xf32>,
    tpu.vector_store %arg9[%swap3A_402, %swap3A_403], %broadcast_in_dim3A_1 {strides = array<i32>} : memref<16x128xf32, #tpu.memory_space<vmem>>, vector<16xf32>,
    %swap3A_405 = arith.constant 12 : i32
    %swap3A_406 = arith.index_cast %swap3A_405 : i32 to index
    %swap3A_407 = arith.constant 80 : index
    %swap3A_408 = tpu.vector_load %arg9[%swap3A_406, %swap3A_407] {strides = array<i32>} : memref<16x128xf32, #tpu.memory_space<vmem>>, vector<16xf32>,
    tpu.vector_store %arg9[%swap3A_406, %swap3A_407], %broadcast_in_dim3A_1 {strides = array<i32>} : memref<16x128xf32, #tpu.memory_space<vmem>>, vector<16xf32>,
    %swap3A_409 = arith.constant 12 : i32
    %swap3A_410 = arith.index_cast %swap3A_409 : i32 to index
    %swap3A_411 = arith.constant 96 : index
    %swap3A_412 = tpu.vector_load %arg9[%swap3A_410, %swap3A_411] {strides = array<i32>} : memref<16x128xf32, #tpu.memory_space<vmem>>, vector<16xf32>,
    tpu.vector_store %arg9[%swap3A_410, %swap3A_411], %broadcast_in_dim3A_1 {strides = array<i32>} : memref<16x128xf32, #tpu.memory_space<vmem>>, vector<16xf32>,
    %swap3A_413 = arith.constant 12 : i32
    %swap3A_414 = arith.index_cast %swap3A_413 : i32 to index
    %swap3A_415 = arith.constant 112 : index
    %swap3A_416 = tpu.vector_load %arg9[%swap3A_414, %swap3A_415] {strides = array<i32>} : memref<16x128xf32, #tpu.memory_space<vmem>>, vector<16xf32>,
    tpu.vector_store %arg9[%swap3A_414, %swap3A_415], %broadcast_in_dim3A_1 {strides = array<i32>} : memref<16x128xf32, #tpu.memory_space<vmem>>, vector<16xf32>,
    %swap3A_417 = arith.constant 13 : i32
    %swap3A_418 = arith.index_cast %swap3A_417 : i32 to index
    %swap3A_419 = arith.constant 0 : index
    %swap3A_420 = tpu.vector_load %arg9[%swap3A_418, %swap3A_419] {strides = array<i32>} : memref<16x128xf32, #tpu.memory_space<vmem>>, vector<16xf32>,
    tpu.vector_store %arg9[%swap3A_418, %swap3A_419], %broadcast_in_dim3A_1 {strides = array<i32>} : memref<16x128xf32, #tpu.memory_space<vmem>>, vector<16xf32>,
    %swap3A_421 = arith.constant 13 : i32
    %swap3A_422 = arith.index_cast %swap3A_421 : i32 to index
    %swap3A_423 = arith.constant 16 : index
    %swap3A_424 = tpu.vector_load %arg9[%swap3A_422, %swap3A_423] {strides = array<i32>} : memref<16x128xf32, #tpu.memory_space<vmem>>, vector<16xf32>,
    tpu.vector_store %arg9[%swap3A_422, %swap3A_423], %broadcast_in_dim3A_1 {strides = array<i32>} : memref<16x128xf32, #tpu.memory_space<vmem>>, vector<16xf32>,
    %swap3A_425 = arith.constant 13 : i32
    %swap3A_426 = arith.index_cast %swap3A_425 : i32 to index
    %swap3A_427 = arith.constant 32 : index
    %swap3A_428 = tpu.vector_load %arg9[%swap3A_426, %swap3A_427] {strides = array<i32>} : memref<16x128xf32, #tpu.memory_space<vmem>>, vector<16xf32>,
    tpu.vector_store %arg9[%swap3A_426, %swap3A_427], %broadcast_in_dim3A_1 {strides = array<i32>} : memref<16x128xf32, #tpu.memory_space<vmem>>, vector<16xf32>,
    %swap3A_429 = arith.constant 13 : i32
    %swap3A_430 = arith.index_cast %swap3A_429 : i32 to index
    %swap3A_431 = arith.constant 48 : index
    %swap3A_432 = tpu.vector_load %arg9[%swap3A_430, %swap3A_431] {strides = array<i32>} : memref<16x128xf32, #tpu.memory_space<vmem>>, vector<16xf32>,
    tpu.vector_store %arg9[%swap3A_430, %swap3A_431], %broadcast_in_dim3A_1 {strides = array<i32>} : memref<16x128xf32, #tpu.memory_space<vmem>>, vector<16xf32>,
    %swap3A_433 = arith.constant 13 : i32
    %swap3A_434 = arith.index_cast %swap3A_433 : i32 to index
    %swap3A_435 = arith.constant 64 : index
    %swap3A_436 = tpu.vector_load %arg9[%swap3A_434, %swap3A_435] {strides = array<i32>} : memref<16x128xf32, #tpu.memory_space<vmem>>, vector<16xf32>,
    tpu.vector_store %arg9[%swap3A_434, %swap3A_435], %broadcast_in_dim3A_1 {strides = array<i32>} : memref<16x128xf32, #tpu.memory_space<vmem>>, vector<16xf32>,
    %swap3A_437 = arith.constant 13 : i32
    %swap3A_438 = arith.index_cast %swap3A_437 : i32 to index
    %swap3A_439 = arith.constant 80 : index
    %swap3A_440 = tpu.vector_load %arg9[%swap3A_438, %swap3A_439] {strides = array<i32>} : memref<16x128xf32, #tpu.memory_space<vmem>>, vector<16xf32>,
    tpu.vector_store %arg9[%swap3A_438, %swap3A_439], %broadcast_in_dim3A_1 {strides = array<i32>} : memref<16x128xf32, #tpu.memory_space<vmem>>, vector<16xf32>,
    %swap3A_441 = arith.constant 13 : i32
    %swap3A_442 = arith.index_cast %swap3A_441 : i32 to index
    %swap3A_443 = arith.constant 96 : index
    %swap3A_444 = tpu.vector_load %arg9[%swap3A_442, %swap3A_443] {strides = array<i32>} : memref<16x128xf32, #tpu.memory_space<vmem>>, vector<16xf32>,
    tpu.vector_store %arg9[%swap3A_442, %swap3A_443], %broadcast_in_dim3A_1 {strides = array<i32>} : memref<16x128xf32, #tpu.memory_space<vmem>>, vector<16xf32>,
    %swap3A_445 = arith.constant 13 : i32
    %swap3A_446 = arith.index_cast %swap3A_445 : i32 to index
    %swap3A_447 = arith.constant 112 : index
    %swap3A_448 = tpu.vector_load %arg9[%swap3A_446, %swap3A_447] {strides = array<i32>} : memref<16x128xf32, #tpu.memory_space<vmem>>, vector<16xf32>,
    tpu.vector_store %arg9[%swap3A_446, %swap3A_447], %broadcast_in_dim3A_1 {strides = array<i32>} : memref<16x128xf32, #tpu.memory_space<vmem>>, vector<16xf32>,
    %swap3A_449 = arith.constant 14 : i32
    %swap3A_450 = arith.index_cast %swap3A_449 : i32 to index
    %swap3A_451 = arith.constant 0 : index
    %swap3A_452 = tpu.vector_load %arg9[%swap3A_450, %swap3A_451] {strides = array<i32>} : memref<16x128xf32, #tpu.memory_space<vmem>>, vector<16xf32>,
    tpu.vector_store %arg9[%swap3A_450, %swap3A_451], %broadcast_in_dim3A_1 {strides = array<i32>} : memref<16x128xf32, #tpu.memory_space<vmem>>, vector<16xf32>,
    %swap3A_453 = arith.constant 14 : i32
    %swap3A_454 = arith.index_cast %swap3A_453 : i32 to index
    %swap3A_455 = arith.constant 16 : index
    %swap3A_456 = tpu.vector_load %arg9[%swap3A_454, %swap3A_455] {strides = array<i32>} : memref<16x128xf32, #tpu.memory_space<vmem>>, vector<16xf32>,
    tpu.vector_store %arg9[%swap3A_454, %swap3A_455], %broadcast_in_dim3A_1 {strides = array<i32>} : memref<16x128xf32, #tpu.memory_space<vmem>>, vector<16xf32>,
    %swap3A_457 = arith.constant 14 : i32
    %swap3A_458 = arith.index_cast %swap3A_457 : i32 to index
    %swap3A_459 = arith.constant 32 : index
    %swap3A_460 = tpu.vector_load %arg9[%swap3A_458, %swap3A_459] {strides = array<i32>} : memref<16x128xf32, #tpu.memory_space<vmem>>, vector<16xf32>,
    tpu.vector_store %arg9[%swap3A_458, %swap3A_459], %broadcast_in_dim3A_1 {strides = array<i32>} : memref<16x128xf32, #tpu.memory_space<vmem>>, vector<16xf32>,
    %swap3A_461 = arith.constant 14 : i32
    %swap3A_462 = arith.index_cast %swap3A_461 : i32 to index
    %swap3A_463 = arith.constant 48 : index
    %swap3A_464 = tpu.vector_load %arg9[%swap3A_462, %swap3A_463] {strides = array<i32>} : memref<16x128xf32, #tpu.memory_space<vmem>>, vector<16xf32>,
    tpu.vector_store %arg9[%swap3A_462, %swap3A_463], %broadcast_in_dim3A_1 {strides = array<i32>} : memref<16x128xf32, #tpu.memory_space<vmem>>, vector<16xf32>,
    %swap3A_465 = arith.constant 14 : i32
    %swap3A_466 = arith.index_cast %swap3A_465 : i32 to index
    %swap3A_467 = arith.constant 64 : index
    %swap3A_468 = tpu.vector_load %arg9[%swap3A_466, %swap3A_467] {strides = array<i32>} : memref<16x128xf32, #tpu.memory_space<vmem>>, vector<16xf32>,
    tpu.vector_store %arg9[%swap3A_466, %swap3A_467], %broadcast_in_dim3A_1 {strides = array<i32>} : memref<16x128xf32, #tpu.memory_space<vmem>>, vector<16xf32>,
    %swap3A_469 = arith.constant 14 : i32
    %swap3A_470 = arith.index_cast %swap3A_469 : i32 to index
    %swap3A_471 = arith.constant 80 : index
    %swap3A_472 = tpu.vector_load %arg9[%swap3A_470, %swap3A_471] {strides = array<i32>} : memref<16x128xf32, #tpu.memory_space<vmem>>, vector<16xf32>,
    tpu.vector_store %arg9[%swap3A_470, %swap3A_471], %broadcast_in_dim3A_1 {strides = array<i32>} : memref<16x128xf32, #tpu.memory_space<vmem>>, vector<16xf32>,
    %swap3A_473 = arith.constant 14 : i32
    %swap3A_474 = arith.index_cast %swap3A_473 : i32 to index
    %swap3A_475 = arith.constant 96 : index
    %swap3A_476 = tpu.vector_load %arg9[%swap3A_474, %swap3A_475] {strides = array<i32>} : memref<16x128xf32, #tpu.memory_space<vmem>>, vector<16xf32>,
    tpu.vector_store %arg9[%swap3A_474, %swap3A_475], %broadcast_in_dim3A_1 {strides = array<i32>} : memref<16x128xf32, #tpu.memory_space<vmem>>, vector<16xf32>,
    %swap3A_477 = arith.constant 14 : i32
    %swap3A_478 = arith.index_cast %swap3A_477 : i32 to index
    %swap3A_479 = arith.constant 112 : index
    %swap3A_480 = tpu.vector_load %arg9[%swap3A_478, %swap3A_479] {strides = array<i32>} : memref<16x128xf32, #tpu.memory_space<vmem>>, vector<16xf32>,
    tpu.vector_store %arg9[%swap3A_478, %swap3A_479], %broadcast_in_dim3A_1 {strides = array<i32>} : memref<16x128xf32, #tpu.memory_space<vmem>>, vector<16xf32>,
    %swap3A_481 = arith.constant 15 : i32
    %swap3A_482 = arith.index_cast %swap3A_481 : i32 to index
    %swap3A_483 = arith.constant 0 : index
    %swap3A_484 = tpu.vector_load %arg9[%swap3A_482, %swap3A_483] {strides = array<i32>} : memref<16x128xf32, #tpu.memory_space<vmem>>, vector<16xf32>,
    tpu.vector_store %arg9[%swap3A_482, %swap3A_483], %broadcast_in_dim3A_1 {strides = array<i32>} : memref<16x128xf32, #tpu.memory_space<vmem>>, vector<16xf32>,
    %swap3A_485 = arith.constant 15 : i32
    %swap3A_486 = arith.index_cast %swap3A_485 : i32 to index
    %swap3A_487 = arith.constant 16 : index
    %swap3A_488 = tpu.vector_load %arg9[%swap3A_486, %swap3A_487] {strides = array<i32>} : memref<16x128xf32, #tpu.memory_space<vmem>>, vector<16xf32>,
    tpu.vector_store %arg9[%swap3A_486, %swap3A_487], %broadcast_in_dim3A_1 {strides = array<i32>} : memref<16x128xf32, #tpu.memory_space<vmem>>, vector<16xf32>,
    %swap3A_489 = arith.constant 15 : i32
    %swap3A_490 = arith.index_cast %swap3A_489 : i32 to index
    %swap3A_491 = arith.constant 32 : index
    %swap3A_492 = tpu.vector_load %arg9[%swap3A_490, %swap3A_491] {strides = array<i32>} : memref<16x128xf32, #tpu.memory_space<vmem>>, vector<16xf32>,
    tpu.vector_store %arg9[%swap3A_490, %swap3A_491], %broadcast_in_dim3A_1 {strides = array<i32>} : memref<16x128xf32, #tpu.memory_space<vmem>>, vector<16xf32>,
    %swap3A_493 = arith.constant 15 : i32
    %swap3A_494 = arith.index_cast %swap3A_493 : i32 to index
    %swap3A_495 = arith.constant 48 : index
    %swap3A_496 = tpu.vector_load %arg9[%swap3A_494, %swap3A_495] {strides = array<i32>} : memref<16x128xf32, #tpu.memory_space<vmem>>, vector<16xf32>,
    tpu.vector_store %arg9[%swap3A_494, %swap3A_495], %broadcast_in_dim3A_1 {strides = array<i32>} : memref<16x128xf32, #tpu.memory_space<vmem>>, vector<16xf32>,
    %swap3A_497 = arith.constant 15 : i32
    %swap3A_498 = arith.index_cast %swap3A_497 : i32 to index
    %swap3A_499 = arith.constant 64 : index
    %swap3A_500 = tpu.vector_load %arg9[%swap3A_498, %swap3A_499] {strides = array<i32>} : memref<16x128xf32, #tpu.memory_space<vmem>>, vector<16xf32>,
    tpu.vector_store %arg9[%swap3A_498, %swap3A_499], %broadcast_in_dim3A_1 {strides = array<i32>} : memref<16x128xf32, #tpu.memory_space<vmem>>, vector<16xf32>,
    %swap3A_501 = arith.constant 15 : i32
    %swap3A_502 = arith.index_cast %swap3A_501 : i32 to index
    %swap3A_503 = arith.constant 80 : index
    %swap3A_504 = tpu.vector_load %arg9[%swap3A_502, %swap3A_503] {strides = array<i32>} : memref<16x128xf32, #tpu.memory_space<vmem>>, vector<16xf32>,
    tpu.vector_store %arg9[%swap3A_502, %swap3A_503], %broadcast_in_dim3A_1 {strides = array<i32>} : memref<16x128xf32, #tpu.memory_space<vmem>>, vector<16xf32>,
    %swap3A_505 = arith.constant 15 : i32
    %swap3A_506 = arith.index_cast %swap3A_505 : i32 to index
    %swap3A_507 = arith.constant 96 : index
    %swap3A_508 = tpu.vector_load %arg9[%swap3A_506, %swap3A_507] {strides = array<i32>} : memref<16x128xf32, #tpu.memory_space<vmem>>, vector<16xf32>,
    tpu.vector_store %arg9[%swap3A_506, %swap3A_507], %broadcast_in_dim3A_1 {strides = array<i32>} : memref<16x128xf32, #tpu.memory_space<vmem>>, vector<16xf32>,
    %swap3A_509 = arith.constant 15 : i32
    %swap3A_510 = arith.index_cast %swap3A_509 : i32 to index
    %swap3A_511 = arith.constant 112 : index
    %swap3A_512 = tpu.vector_load %arg9[%swap3A_510, %swap3A_511] {strides = array<i32>} : memref<16x128xf32, #tpu.memory_space<vmem>>, vector<16xf32>,
    tpu.vector_store %arg9[%swap3A_510, %swap3A_511], %broadcast_in_dim3A_1 {strides = array<i32>} : memref<16x128xf32, #tpu.memory_space<vmem>>, vector<16xf32>,
    %mul3A_513 = arith.constant 640 : i32
    %mul3A_514 = arith.muli %arg1, %mul3A_513 : i32
    %scan3A = arith.constant 0 : i32
    %scan3A_515 = arith.constant 0 : i32
    %scan3A_516 = arith.constant 40 : i32
    %scan3A_517 = arith.addi %scan3A_515, %scan3A_516 : i32
    %scan3A_518 = arith.constant 1 : i32
    scf.for %scan3A_527 = %scan3A_515 to %scan3A_517 step %scan3A_518  : i32 {
      %mul3A_528 = arith.constant 16 : i32
      %mul3A_529 = arith.muli %scan3A_527, %mul3A_528 : i32
      %add3A_530 = arith.addi %mul3A_514, %mul3A_529 : i32
      "tpu.region"() ({
        %run_scoped3A = tpu.sem_alloc : memref<!tpu.dma_semaphore, #tpu.memory_space<semaphore_mem>>
        %dma_start3A = arith.constant 0 : i32
        %dma_start3A_531 = tpu.memref_slice %arg10[%add3A_530, %dma_start3A] : memref<10240x128xf32, #tpu.memory_space<vmem_shared>> -> memref<16x128xf32, #tpu.memory_space<vmem_shared>>
        %dma_start3A_532 = arith.constant 0 : i32
        %dma_start3A_533 = tpu.memref_slice %arg10[%add3A_530, %dma_start3A_532] : memref<10240x128xf32, #tpu.memory_space<vmem_shared>> -> memref<16x128xf32, #tpu.memory_space<vmem_shared>>
        tpu.enqueue_dma source(%arg9 : memref<16x128xf32, #tpu.memory_space<vmem>>) target(%dma_start3A_533 : memref<16x128xf32, #tpu.memory_space<vmem_shared>>) target_semaphore(%run_scoped3A : memref<!tpu.dma_semaphore, #tpu.memory_space<semaphore_mem>>)
        %dma_wait3A = arith.constant 0 : i32
        %dma_wait3A_534 = tpu.memref_slice %arg10[%add3A_530, %dma_wait3A] : memref<10240x128xf32, #tpu.memory_space<vmem_shared>> -> memref<16x128xf32, #tpu.memory_space<vmem_shared>>
        %dma_wait3A_535 = arith.constant 0 : i32
        %dma_wait3A_536 = tpu.memref_slice %arg10[%add3A_530, %dma_wait3A_535] : memref<10240x128xf32, #tpu.memory_space<vmem_shared>> -> memref<16x128xf32, #tpu.memory_space<vmem_shared>>
        tpu.wait_dma2 semaphore(%run_scoped3A : memref<!tpu.dma_semaphore, #tpu.memory_space<semaphore_mem>>) src(%arg9 : memref<16x128xf32, #tpu.memory_space<vmem>>) dst(%dma_wait3A_536 : memref<16x128xf32, #tpu.memory_space<vmem_shared>>)
        tpu.yield
      }) : () -> ()
    }
    %scan3A_519 = arith.constant 40 : i32
    %barrier3A = arith.constant 0 : index
    tpu.barrier barrier_id(%barrier3A)
    "tpu.region"() ({
      %run_scoped3A = tpu.sem_alloc : memref<!tpu.dma_semaphore, #tpu.memory_space<semaphore_mem>>
      %dma_start3A = arith.constant 0 : i32
      %dma_start3A_527 = arith.constant 0 : i32
      %dma_start3A_528 = tpu.memref_slice %arg3[%add3A, %dma_start3A, %dma_start3A_527] : memref<32x80x128xi32, #tpu.memory_space<hbm>> -> memref<1x80x128xi32, #tpu.memory_space<hbm>>
      %dma_start3A_529 = tpu.memref_squeeze %dma_start3A_528 : memref<1x80x128xi32, #tpu.memory_space<hbm>> -> memref<80x128xi32, #tpu.memory_space<hbm>>
      %dma_start3A_530 = arith.constant 0 : i32
      %dma_start3A_531 = arith.constant 0 : i32
      %dma_start3A_532 = tpu.memref_slice %arg3[%add3A, %dma_start3A_530, %dma_start3A_531] : memref<32x80x128xi32, #tpu.memory_space<hbm>> -> memref<1x80x128xi32, #tpu.memory_space<hbm>>
      %dma_start3A_533 = tpu.memref_squeeze %dma_start3A_532 : memref<1x80x128xi32, #tpu.memory_space<hbm>> -> memref<80x128xi32, #tpu.memory_space<hbm>>
      tpu.enqueue_dma source(%dma_start3A_533 : memref<80x128xi32, #tpu.memory_space<hbm>>) target(%arg6 : memref<80x128xi32, #tpu.memory_space<vmem>>) target_semaphore(%run_scoped3A : memref<!tpu.dma_semaphore, #tpu.memory_space<semaphore_mem>>)
      %dma_wait3A = arith.constant 0 : i32
      %dma_wait3A_534 = arith.constant 0 : i32
      %dma_wait3A_535 = tpu.memref_slice %arg3[%add3A, %dma_wait3A, %dma_wait3A_534] : memref<32x80x128xi32, #tpu.memory_space<hbm>> -> memref<1x80x128xi32, #tpu.memory_space<hbm>>
      %dma_wait3A_536 = tpu.memref_squeeze %dma_wait3A_535 : memref<1x80x128xi32, #tpu.memory_space<hbm>> -> memref<80x128xi32, #tpu.memory_space<hbm>>
      %dma_wait3A_537 = arith.constant 0 : i32
      %dma_wait3A_538 = arith.constant 0 : i32
      %dma_wait3A_539 = tpu.memref_slice %arg3[%add3A, %dma_wait3A_537, %dma_wait3A_538] : memref<32x80x128xi32, #tpu.memory_space<hbm>> -> memref<1x80x128xi32, #tpu.memory_space<hbm>>
      %dma_wait3A_540 = tpu.memref_squeeze %dma_wait3A_539 : memref<1x80x128xi32, #tpu.memory_space<hbm>> -> memref<80x128xi32, #tpu.memory_space<hbm>>
      tpu.wait_dma2 semaphore(%run_scoped3A : memref<!tpu.dma_semaphore, #tpu.memory_space<semaphore_mem>>) src(%dma_wait3A_540 : memref<80x128xi32, #tpu.memory_space<hbm>>) dst(%arg6 : memref<80x128xi32, #tpu.memory_space<vmem>>)
      tpu.yield
    }) : () -> ()
    "tpu.region"() ({
      %run_scoped3A = tpu.sem_alloc : memref<!tpu.dma_semaphore, #tpu.memory_space<semaphore_mem>>
      %dma_start3A = arith.constant 0 : i32
      %dma_start3A_527 = arith.constant 0 : i32
      %dma_start3A_528 = tpu.memref_slice %arg4[%add3A, %dma_start3A, %dma_start3A_527] : memref<32x80x128xi32, #tpu.memory_space<hbm>> -> memref<1x80x128xi32, #tpu.memory_space<hbm>>
      %dma_start3A_529 = tpu.memref_squeeze %dma_start3A_528 : memref<1x80x128xi32, #tpu.memory_space<hbm>> -> memref<80x128xi32, #tpu.memory_space<hbm>>
      %dma_start3A_530 = arith.constant 0 : i32
      %dma_start3A_531 = arith.constant 0 : i32
      %dma_start3A_532 = tpu.memref_slice %arg4[%add3A, %dma_start3A_530, %dma_start3A_531] : memref<32x80x128xi32, #tpu.memory_space<hbm>> -> memref<1x80x128xi32, #tpu.memory_space<hbm>>
      %dma_start3A_533 = tpu.memref_squeeze %dma_start3A_532 : memref<1x80x128xi32, #tpu.memory_space<hbm>> -> memref<80x128xi32, #tpu.memory_space<hbm>>
      tpu.enqueue_dma source(%dma_start3A_533 : memref<80x128xi32, #tpu.memory_space<hbm>>) target(%arg7 : memref<80x128xi32, #tpu.memory_space<vmem>>) target_semaphore(%run_scoped3A : memref<!tpu.dma_semaphore, #tpu.memory_space<semaphore_mem>>)
      %dma_wait3A = arith.constant 0 : i32
      %dma_wait3A_534 = arith.constant 0 : i32
      %dma_wait3A_535 = tpu.memref_slice %arg4[%add3A, %dma_wait3A, %dma_wait3A_534] : memref<32x80x128xi32, #tpu.memory_space<hbm>> -> memref<1x80x128xi32, #tpu.memory_space<hbm>>
      %dma_wait3A_536 = tpu.memref_squeeze %dma_wait3A_535 : memref<1x80x128xi32, #tpu.memory_space<hbm>> -> memref<80x128xi32, #tpu.memory_space<hbm>>
      %dma_wait3A_537 = arith.constant 0 : i32
      %dma_wait3A_538 = arith.constant 0 : i32
      %dma_wait3A_539 = tpu.memref_slice %arg4[%add3A, %dma_wait3A_537, %dma_wait3A_538] : memref<32x80x128xi32, #tpu.memory_space<hbm>> -> memref<1x80x128xi32, #tpu.memory_space<hbm>>
      %dma_wait3A_540 = tpu.memref_squeeze %dma_wait3A_539 : memref<1x80x128xi32, #tpu.memory_space<hbm>> -> memref<80x128xi32, #tpu.memory_space<hbm>>
      tpu.wait_dma2 semaphore(%run_scoped3A : memref<!tpu.dma_semaphore, #tpu.memory_space<semaphore_mem>>) src(%dma_wait3A_540 : memref<80x128xi32, #tpu.memory_space<hbm>>) dst(%arg7 : memref<80x128xi32, #tpu.memory_space<vmem>>)
      tpu.yield
    }) : () -> ()
    %scan3A_520 = arith.constant 0 : i32
    %scan3A_521 = arith.constant 0 : i32
    %scan3A_522 = arith.constant 80 : i32
    %scan3A_523 = arith.addi %scan3A_521, %scan3A_522 : i32
    %scan3A_524 = arith.constant 1 : i32
    scf.for %scan3A_527 = %scan3A_521 to %scan3A_523 step %scan3A_524  : i32 {
      %dma_start3A = arith.constant 0 : i32
      %dma_start3A_528 = tpu.memref_slice %arg6[%scan3A_527, %dma_start3A] : memref<80x128xi32, #tpu.memory_space<vmem>> -> memref<1x128xi32, #tpu.memory_space<vmem>>
      %dma_start3A_529 = tpu.memref_squeeze %dma_start3A_528 : memref<1x128xi32, #tpu.memory_space<vmem>> -> memref<128xi32, #tpu.memory_space<vmem>>
      %dma_start3A_530 = arith.constant 0 : i32
      %dma_start3A_531 = arith.constant 0 : i32
      %dma_start3A_532 = tpu.memref_slice %arg2[%dma_start3A_530, %dma_start3A_531] : memref<10000x128xf32, #tpu.memory_space<hbm>> -> memref<10000x128xf32, #tpu.memory_space<hbm>>
      tpu.enqueue_indirect_dma source(%dma_start3A_532 : memref<10000x128xf32, #tpu.memory_space<hbm>>) target(%arg8 : memref<128x128xf32, #tpu.memory_space<vmem>>) offsets(%dma_start3A_529 : memref<128xi32, #tpu.memory_space<vmem>>) semaphore(%arg11 : memref<!tpu.dma_semaphore, #tpu.memory_space<semaphore_mem>>)
      %dma_wait3A = arith.constant 0 : i32
      %dma_wait3A_533 = tpu.memref_slice %arg6[%scan3A_527, %dma_wait3A] : memref<80x128xi32, #tpu.memory_space<vmem>> -> memref<1x128xi32, #tpu.memory_space<vmem>>
      %dma_wait3A_534 = tpu.memref_squeeze %dma_wait3A_533 : memref<1x128xi32, #tpu.memory_space<vmem>> -> memref<128xi32, #tpu.memory_space<vmem>>
      %dma_wait3A_535 = arith.constant 0 : i32
      %dma_wait3A_536 = arith.constant 0 : i32
      %dma_wait3A_537 = tpu.memref_slice %arg2[%dma_wait3A_535, %dma_wait3A_536] : memref<10000x128xf32, #tpu.memory_space<hbm>> -> memref<10000x128xf32, #tpu.memory_space<hbm>>
      tpu.wait_indirect_dma semaphore(%arg11 : memref<!tpu.dma_semaphore, #tpu.memory_space<semaphore_mem>>) src(%dma_wait3A_537 : memref<10000x128xf32, #tpu.memory_space<hbm>>) dst(%arg8 : memref<128x128xf32, #tpu.memory_space<vmem>>)
      "tpu.region"() ({
        %run_scoped3A = tpu.sem_alloc : memref<!tpu.dma_semaphore, #tpu.memory_space<semaphore_mem>>
        %dma_start3A_538 = arith.constant 0 : i32
        %dma_start3A_539 = tpu.memref_slice %arg7[%scan3A_527, %dma_start3A_538] : memref<80x128xi32, #tpu.memory_space<vmem>> -> memref<1x128xi32, #tpu.memory_space<vmem>>
        %dma_start3A_540 = tpu.memref_squeeze %dma_start3A_539 : memref<1x128xi32, #tpu.memory_space<vmem>> -> memref<128xi32, #tpu.memory_space<vmem>>
        %dma_start3A_541 = arith.constant 0 : i32
        %dma_start3A_542 = arith.constant 0 : i32
        %dma_start3A_543 = tpu.memref_slice %arg10[%dma_start3A_541, %dma_start3A_542] : memref<10240x128xf32, #tpu.memory_space<vmem_shared>> -> memref<10240x128xf32, #tpu.memory_space<vmem_shared>>
        tpu.enqueue_indirect_dma source(%arg8 : memref<128x128xf32, #tpu.memory_space<vmem>>) target(%dma_start3A_543 : memref<10240x128xf32, #tpu.memory_space<vmem_shared>>) offsets(%dma_start3A_540 : memref<128xi32, #tpu.memory_space<vmem>>) semaphore(%run_scoped3A : memref<!tpu.dma_semaphore, #tpu.memory_space<semaphore_mem>>) {add = true}
        %dma_wait3A_544 = arith.constant 0 : i32
        %dma_wait3A_545 = tpu.memref_slice %arg7[%scan3A_527, %dma_wait3A_544] : memref<80x128xi32, #tpu.memory_space<vmem>> -> memref<1x128xi32, #tpu.memory_space<vmem>>
        %dma_wait3A_546 = tpu.memref_squeeze %dma_wait3A_545 : memref<1x128xi32, #tpu.memory_space<vmem>> -> memref<128xi32, #tpu.memory_space<vmem>>
        %dma_wait3A_547 = arith.constant 0 : i32
        %dma_wait3A_548 = arith.constant 0 : i32
        %dma_wait3A_549 = tpu.memref_slice %arg10[%dma_wait3A_547, %dma_wait3A_548] : memref<10240x128xf32, #tpu.memory_space<vmem_shared>> -> memref<10240x128xf32, #tpu.memory_space<vmem_shared>>
        tpu.wait_indirect_dma semaphore(%run_scoped3A : memref<!tpu.dma_semaphore, #tpu.memory_space<semaphore_mem>>) src(%arg8 : memref<128x128xf32, #tpu.memory_space<vmem>>) dst(%dma_wait3A_549 : memref<10240x128xf32, #tpu.memory_space<vmem_shared>>)
        tpu.yield
      }) : () -> ()
    }
    %scan3A_525 = arith.constant 80 : i32
    %barrier3A_526 = arith.constant 0 : index
    tpu.barrier barrier_id(%barrier3A_526)
    "tpu.region"() ({
      %run_scoped3A = tpu.sem_alloc : memref<!tpu.dma_semaphore, #tpu.memory_space<semaphore_mem>>
      %dma_start3A = arith.constant 0 : i32
      %dma_start3A_527 = tpu.memref_slice %arg5[%arg0, %mul3A_514, %dma_start3A] : memref<2x10240x128xf32, #tpu.memory_space<hbm>> -> memref<1x640x128xf32, #tpu.memory_space<hbm>>
      %dma_start3A_528 = tpu.memref_squeeze %dma_start3A_527 : memref<1x640x128xf32, #tpu.memory_space<hbm>> -> memref<640x128xf32, #tpu.memory_space<hbm>>
      %dma_start3A_529 = arith.constant 0 : i32
      %dma_start3A_530 = tpu.memref_slice %arg10[%mul3A_514, %dma_start3A_529] : memref<10240x128xf32, #tpu.memory_space<vmem_shared>> -> memref<640x128xf32, #tpu.memory_space<vmem_shared>>
      tpu.enqueue_dma source(%dma_start3A_530 : memref<640x128xf32, #tpu.memory_space<vmem_shared>>) target(%dma_start3A_528 : memref<640x128xf32, #tpu.memory_space<hbm>>) target_semaphore(%run_scoped3A : memref<!tpu.dma_semaphore, #tpu.memory_space<semaphore_mem>>)
      %dma_wait3A = arith.constant 0 : i32
      %dma_wait3A_531 = tpu.memref_slice %arg5[%arg0, %mul3A_514, %dma_wait3A] : memref<2x10240x128xf32, #tpu.memory_space<hbm>> -> memref<1x640x128xf32, #tpu.memory_space<hbm>>
      %dma_wait3A_532 = tpu.memref_squeeze %dma_wait3A_531 : memref<1x640x128xf32, #tpu.memory_space<hbm>> -> memref<640x128xf32, #tpu.memory_space<hbm>>
      %dma_wait3A_533 = arith.constant 0 : i32
      %dma_wait3A_534 = tpu.memref_slice %arg10[%mul3A_514, %dma_wait3A_533] : memref<10240x128xf32, #tpu.memory_space<vmem_shared>> -> memref<640x128xf32, #tpu.memory_space<vmem_shared>>
      tpu.wait_dma2 semaphore(%run_scoped3A : memref<!tpu.dma_semaphore, #tpu.memory_space<semaphore_mem>>) src(%dma_wait3A_534 : memref<640x128xf32, #tpu.memory_space<vmem_shared>>) dst(%dma_wait3A_532 : memref<640x128xf32, #tpu.memory_space<hbm>>)
      tpu.yield
    }) : () -> ()
    return
  }
}

#map = affine_map<(d0, d1) -> (0, 0)>
#map1 = affine_map<(d0, d1) -> (0, 0, 0)>
module attributes {stable_mosaic.version = 14 : i64} {
  func.func @_sc_scatter_body(%arg0: i32, %arg1: i32, %arg2: memref<10000x128xf32, #tpu.memory_space<hbm>>, %arg3: memref<32x80x128xi32, #tpu.memory_space<hbm>>, %arg4: memref<32x80x128xi32, #tpu.memory_space<hbm>>, %arg5: memref<2x10240x128xf32, #tpu.memory_space<hbm>>, %arg6: memref<80x128xi32, #tpu.memory_space<vmem>>, %arg7: memref<80x128xi32, #tpu.memory_space<vmem>>, %arg8: memref<128x128xf32, #tpu.memory_space<vmem>>, %arg9: memref<16x128xf32, #tpu.memory_space<vmem>>, %arg10: memref<10240x128xf32, #tpu.memory_space<vmem_shared>>, %arg11: memref<!tpu.dma_semaphore, #tpu.memory_space<semaphore_mem>>) attributes {dimension_semantics = [#tpu.dimension_semantics<core_parallel>, #tpu.dimension_semantics<subcore_parallel>], iteration_bounds = array<i64: 2, 16>, scalar_prefetch = 0 : i64, scratch_operands = 6 : i64, tpu.core_type = #tpu.core_type<sc_vector_subcore>, window_params = [{transform_indices = #map}, {transform_indices = #map1}, {transform_indices = #map1}, {transform_indices = #map1}]} {
    %mul3A = arith.constant 16 : i32
    %mul3A_0 = arith.muli %arg0, %mul3A : i32
    %add3A = arith.addi %mul3A_0, %arg1 : i32
    %broadcast_in_dim3A = arith.constant 0.000000e+00 : f32
    %broadcast_in_dim3A_1 = vector.broadcast %broadcast_in_dim3A : f32 to vector<16xf32>
    %swap3A = arith.constant 0 : i32
    %swap3A_2 = arith.index_cast %swap3A : i32 to index
    %swap3A_3 = arith.constant 0 : index
    %swap3A_4 = tpu.vector_load %arg9[%swap3A_2, %swap3A_3] {strides = array<i32>} : memref<16x128xf32, #tpu.memory_space<vmem>>, vector<16xf32>,
    tpu.vector_store %arg9[%swap3A_2, %swap3A_3], %broadcast_in_dim3A_1 {strides = array<i32>} : memref<16x128xf32, #tpu.memory_space<vmem>>, vector<16xf32>,
    %swap3A_5 = arith.constant 0 : i32
    %swap3A_6 = arith.index_cast %swap3A_5 : i32 to index
    %swap3A_7 = arith.constant 16 : index
    %swap3A_8 = tpu.vector_load %arg9[%swap3A_6, %swap3A_7] {strides = array<i32>} : memref<16x128xf32, #tpu.memory_space<vmem>>, vector<16xf32>,
    tpu.vector_store %arg9[%swap3A_6, %swap3A_7], %broadcast_in_dim3A_1 {strides = array<i32>} : memref<16x128xf32, #tpu.memory_space<vmem>>, vector<16xf32>,
    %swap3A_9 = arith.constant 0 : i32
    %swap3A_10 = arith.index_cast %swap3A_9 : i32 to index
    %swap3A_11 = arith.constant 32 : index
    %swap3A_12 = tpu.vector_load %arg9[%swap3A_10, %swap3A_11] {strides = array<i32>} : memref<16x128xf32, #tpu.memory_space<vmem>>, vector<16xf32>,
    tpu.vector_store %arg9[%swap3A_10, %swap3A_11], %broadcast_in_dim3A_1 {strides = array<i32>} : memref<16x128xf32, #tpu.memory_space<vmem>>, vector<16xf32>,
    %swap3A_13 = arith.constant 0 : i32
    %swap3A_14 = arith.index_cast %swap3A_13 : i32 to index
    %swap3A_15 = arith.constant 48 : index
    %swap3A_16 = tpu.vector_load %arg9[%swap3A_14, %swap3A_15] {strides = array<i32>} : memref<16x128xf32, #tpu.memory_space<vmem>>, vector<16xf32>,
    tpu.vector_store %arg9[%swap3A_14, %swap3A_15], %broadcast_in_dim3A_1 {strides = array<i32>} : memref<16x128xf32, #tpu.memory_space<vmem>>, vector<16xf32>,
    %swap3A_17 = arith.constant 0 : i32
    %swap3A_18 = arith.index_cast %swap3A_17 : i32 to index
    %swap3A_19 = arith.constant 64 : index
    %swap3A_20 = tpu.vector_load %arg9[%swap3A_18, %swap3A_19] {strides = array<i32>} : memref<16x128xf32, #tpu.memory_space<vmem>>, vector<16xf32>,
    tpu.vector_store %arg9[%swap3A_18, %swap3A_19], %broadcast_in_dim3A_1 {strides = array<i32>} : memref<16x128xf32, #tpu.memory_space<vmem>>, vector<16xf32>,
    %swap3A_21 = arith.constant 0 : i32
    %swap3A_22 = arith.index_cast %swap3A_21 : i32 to index
    %swap3A_23 = arith.constant 80 : index
    %swap3A_24 = tpu.vector_load %arg9[%swap3A_22, %swap3A_23] {strides = array<i32>} : memref<16x128xf32, #tpu.memory_space<vmem>>, vector<16xf32>,
    tpu.vector_store %arg9[%swap3A_22, %swap3A_23], %broadcast_in_dim3A_1 {strides = array<i32>} : memref<16x128xf32, #tpu.memory_space<vmem>>, vector<16xf32>,
    %swap3A_25 = arith.constant 0 : i32
    %swap3A_26 = arith.index_cast %swap3A_25 : i32 to index
    %swap3A_27 = arith.constant 96 : index
    %swap3A_28 = tpu.vector_load %arg9[%swap3A_26, %swap3A_27] {strides = array<i32>} : memref<16x128xf32, #tpu.memory_space<vmem>>, vector<16xf32>,
    tpu.vector_store %arg9[%swap3A_26, %swap3A_27], %broadcast_in_dim3A_1 {strides = array<i32>} : memref<16x128xf32, #tpu.memory_space<vmem>>, vector<16xf32>,
    %swap3A_29 = arith.constant 0 : i32
    %swap3A_30 = arith.index_cast %swap3A_29 : i32 to index
    %swap3A_31 = arith.constant 112 : index
    %swap3A_32 = tpu.vector_load %arg9[%swap3A_30, %swap3A_31] {strides = array<i32>} : memref<16x128xf32, #tpu.memory_space<vmem>>, vector<16xf32>,
    tpu.vector_store %arg9[%swap3A_30, %swap3A_31], %broadcast_in_dim3A_1 {strides = array<i32>} : memref<16x128xf32, #tpu.memory_space<vmem>>, vector<16xf32>,
    %swap3A_33 = arith.constant 1 : i32
    %swap3A_34 = arith.index_cast %swap3A_33 : i32 to index
    %swap3A_35 = arith.constant 0 : index
    %swap3A_36 = tpu.vector_load %arg9[%swap3A_34, %swap3A_35] {strides = array<i32>} : memref<16x128xf32, #tpu.memory_space<vmem>>, vector<16xf32>,
    tpu.vector_store %arg9[%swap3A_34, %swap3A_35], %broadcast_in_dim3A_1 {strides = array<i32>} : memref<16x128xf32, #tpu.memory_space<vmem>>, vector<16xf32>,
    %swap3A_37 = arith.constant 1 : i32
    %swap3A_38 = arith.index_cast %swap3A_37 : i32 to index
    %swap3A_39 = arith.constant 16 : index
    %swap3A_40 = tpu.vector_load %arg9[%swap3A_38, %swap3A_39] {strides = array<i32>} : memref<16x128xf32, #tpu.memory_space<vmem>>, vector<16xf32>,
    tpu.vector_store %arg9[%swap3A_38, %swap3A_39], %broadcast_in_dim3A_1 {strides = array<i32>} : memref<16x128xf32, #tpu.memory_space<vmem>>, vector<16xf32>,
    %swap3A_41 = arith.constant 1 : i32
    %swap3A_42 = arith.index_cast %swap3A_41 : i32 to index
    %swap3A_43 = arith.constant 32 : index
    %swap3A_44 = tpu.vector_load %arg9[%swap3A_42, %swap3A_43] {strides = array<i32>} : memref<16x128xf32, #tpu.memory_space<vmem>>, vector<16xf32>,
    tpu.vector_store %arg9[%swap3A_42, %swap3A_43], %broadcast_in_dim3A_1 {strides = array<i32>} : memref<16x128xf32, #tpu.memory_space<vmem>>, vector<16xf32>,
    %swap3A_45 = arith.constant 1 : i32
    %swap3A_46 = arith.index_cast %swap3A_45 : i32 to index
    %swap3A_47 = arith.constant 48 : index
    %swap3A_48 = tpu.vector_load %arg9[%swap3A_46, %swap3A_47] {strides = array<i32>} : memref<16x128xf32, #tpu.memory_space<vmem>>, vector<16xf32>,
    tpu.vector_store %arg9[%swap3A_46, %swap3A_47], %broadcast_in_dim3A_1 {strides = array<i32>} : memref<16x128xf32, #tpu.memory_space<vmem>>, vector<16xf32>,
    %swap3A_49 = arith.constant 1 : i32
    %swap3A_50 = arith.index_cast %swap3A_49 : i32 to index
    %swap3A_51 = arith.constant 64 : index
    %swap3A_52 = tpu.vector_load %arg9[%swap3A_50, %swap3A_51] {strides = array<i32>} : memref<16x128xf32, #tpu.memory_space<vmem>>, vector<16xf32>,
    tpu.vector_store %arg9[%swap3A_50, %swap3A_51], %broadcast_in_dim3A_1 {strides = array<i32>} : memref<16x128xf32, #tpu.memory_space<vmem>>, vector<16xf32>,
    %swap3A_53 = arith.constant 1 : i32
    %swap3A_54 = arith.index_cast %swap3A_53 : i32 to index
    %swap3A_55 = arith.constant 80 : index
    %swap3A_56 = tpu.vector_load %arg9[%swap3A_54, %swap3A_55] {strides = array<i32>} : memref<16x128xf32, #tpu.memory_space<vmem>>, vector<16xf32>,
    tpu.vector_store %arg9[%swap3A_54, %swap3A_55], %broadcast_in_dim3A_1 {strides = array<i32>} : memref<16x128xf32, #tpu.memory_space<vmem>>, vector<16xf32>,
    %swap3A_57 = arith.constant 1 : i32
    %swap3A_58 = arith.index_cast %swap3A_57 : i32 to index
    %swap3A_59 = arith.constant 96 : index
    %swap3A_60 = tpu.vector_load %arg9[%swap3A_58, %swap3A_59] {strides = array<i32>} : memref<16x128xf32, #tpu.memory_space<vmem>>, vector<16xf32>,
    tpu.vector_store %arg9[%swap3A_58, %swap3A_59], %broadcast_in_dim3A_1 {strides = array<i32>} : memref<16x128xf32, #tpu.memory_space<vmem>>, vector<16xf32>,
    %swap3A_61 = arith.constant 1 : i32
    %swap3A_62 = arith.index_cast %swap3A_61 : i32 to index
    %swap3A_63 = arith.constant 112 : index
    %swap3A_64 = tpu.vector_load %arg9[%swap3A_62, %swap3A_63] {strides = array<i32>} : memref<16x128xf32, #tpu.memory_space<vmem>>, vector<16xf32>,
    tpu.vector_store %arg9[%swap3A_62, %swap3A_63], %broadcast_in_dim3A_1 {strides = array<i32>} : memref<16x128xf32, #tpu.memory_space<vmem>>, vector<16xf32>,
    %swap3A_65 = arith.constant 2 : i32
    %swap3A_66 = arith.index_cast %swap3A_65 : i32 to index
    %swap3A_67 = arith.constant 0 : index
    %swap3A_68 = tpu.vector_load %arg9[%swap3A_66, %swap3A_67] {strides = array<i32>} : memref<16x128xf32, #tpu.memory_space<vmem>>, vector<16xf32>,
    tpu.vector_store %arg9[%swap3A_66, %swap3A_67], %broadcast_in_dim3A_1 {strides = array<i32>} : memref<16x128xf32, #tpu.memory_space<vmem>>, vector<16xf32>,
    %swap3A_69 = arith.constant 2 : i32
    %swap3A_70 = arith.index_cast %swap3A_69 : i32 to index
    %swap3A_71 = arith.constant 16 : index
    %swap3A_72 = tpu.vector_load %arg9[%swap3A_70, %swap3A_71] {strides = array<i32>} : memref<16x128xf32, #tpu.memory_space<vmem>>, vector<16xf32>,
    tpu.vector_store %arg9[%swap3A_70, %swap3A_71], %broadcast_in_dim3A_1 {strides = array<i32>} : memref<16x128xf32, #tpu.memory_space<vmem>>, vector<16xf32>,
    %swap3A_73 = arith.constant 2 : i32
    %swap3A_74 = arith.index_cast %swap3A_73 : i32 to index
    %swap3A_75 = arith.constant 32 : index
    %swap3A_76 = tpu.vector_load %arg9[%swap3A_74, %swap3A_75] {strides = array<i32>} : memref<16x128xf32, #tpu.memory_space<vmem>>, vector<16xf32>,
    tpu.vector_store %arg9[%swap3A_74, %swap3A_75], %broadcast_in_dim3A_1 {strides = array<i32>} : memref<16x128xf32, #tpu.memory_space<vmem>>, vector<16xf32>,
    %swap3A_77 = arith.constant 2 : i32
    %swap3A_78 = arith.index_cast %swap3A_77 : i32 to index
    %swap3A_79 = arith.constant 48 : index
    %swap3A_80 = tpu.vector_load %arg9[%swap3A_78, %swap3A_79] {strides = array<i32>} : memref<16x128xf32, #tpu.memory_space<vmem>>, vector<16xf32>,
    tpu.vector_store %arg9[%swap3A_78, %swap3A_79], %broadcast_in_dim3A_1 {strides = array<i32>} : memref<16x128xf32, #tpu.memory_space<vmem>>, vector<16xf32>,
    %swap3A_81 = arith.constant 2 : i32
    %swap3A_82 = arith.index_cast %swap3A_81 : i32 to index
    %swap3A_83 = arith.constant 64 : index
    %swap3A_84 = tpu.vector_load %arg9[%swap3A_82, %swap3A_83] {strides = array<i32>} : memref<16x128xf32, #tpu.memory_space<vmem>>, vector<16xf32>,
    tpu.vector_store %arg9[%swap3A_82, %swap3A_83], %broadcast_in_dim3A_1 {strides = array<i32>} : memref<16x128xf32, #tpu.memory_space<vmem>>, vector<16xf32>,
    %swap3A_85 = arith.constant 2 : i32
    %swap3A_86 = arith.index_cast %swap3A_85 : i32 to index
    %swap3A_87 = arith.constant 80 : index
    %swap3A_88 = tpu.vector_load %arg9[%swap3A_86, %swap3A_87] {strides = array<i32>} : memref<16x128xf32, #tpu.memory_space<vmem>>, vector<16xf32>,
    tpu.vector_store %arg9[%swap3A_86, %swap3A_87], %broadcast_in_dim3A_1 {strides = array<i32>} : memref<16x128xf32, #tpu.memory_space<vmem>>, vector<16xf32>,
    %swap3A_89 = arith.constant 2 : i32
    %swap3A_90 = arith.index_cast %swap3A_89 : i32 to index
    %swap3A_91 = arith.constant 96 : index
    %swap3A_92 = tpu.vector_load %arg9[%swap3A_90, %swap3A_91] {strides = array<i32>} : memref<16x128xf32, #tpu.memory_space<vmem>>, vector<16xf32>,
    tpu.vector_store %arg9[%swap3A_90, %swap3A_91], %broadcast_in_dim3A_1 {strides = array<i32>} : memref<16x128xf32, #tpu.memory_space<vmem>>, vector<16xf32>,
    %swap3A_93 = arith.constant 2 : i32
    %swap3A_94 = arith.index_cast %swap3A_93 : i32 to index
    %swap3A_95 = arith.constant 112 : index
    %swap3A_96 = tpu.vector_load %arg9[%swap3A_94, %swap3A_95] {strides = array<i32>} : memref<16x128xf32, #tpu.memory_space<vmem>>, vector<16xf32>,
    tpu.vector_store %arg9[%swap3A_94, %swap3A_95], %broadcast_in_dim3A_1 {strides = array<i32>} : memref<16x128xf32, #tpu.memory_space<vmem>>, vector<16xf32>,
    %swap3A_97 = arith.constant 3 : i32
    %swap3A_98 = arith.index_cast %swap3A_97 : i32 to index
    %swap3A_99 = arith.constant 0 : index
    %swap3A_100 = tpu.vector_load %arg9[%swap3A_98, %swap3A_99] {strides = array<i32>} : memref<16x128xf32, #tpu.memory_space<vmem>>, vector<16xf32>,
    tpu.vector_store %arg9[%swap3A_98, %swap3A_99], %broadcast_in_dim3A_1 {strides = array<i32>} : memref<16x128xf32, #tpu.memory_space<vmem>>, vector<16xf32>,
    %swap3A_101 = arith.constant 3 : i32
    %swap3A_102 = arith.index_cast %swap3A_101 : i32 to index
    %swap3A_103 = arith.constant 16 : index
    %swap3A_104 = tpu.vector_load %arg9[%swap3A_102, %swap3A_103] {strides = array<i32>} : memref<16x128xf32, #tpu.memory_space<vmem>>, vector<16xf32>,
    tpu.vector_store %arg9[%swap3A_102, %swap3A_103], %broadcast_in_dim3A_1 {strides = array<i32>} : memref<16x128xf32, #tpu.memory_space<vmem>>, vector<16xf32>,
    %swap3A_105 = arith.constant 3 : i32
    %swap3A_106 = arith.index_cast %swap3A_105 : i32 to index
    %swap3A_107 = arith.constant 32 : index
    %swap3A_108 = tpu.vector_load %arg9[%swap3A_106, %swap3A_107] {strides = array<i32>} : memref<16x128xf32, #tpu.memory_space<vmem>>, vector<16xf32>,
    tpu.vector_store %arg9[%swap3A_106, %swap3A_107], %broadcast_in_dim3A_1 {strides = array<i32>} : memref<16x128xf32, #tpu.memory_space<vmem>>, vector<16xf32>,
    %swap3A_109 = arith.constant 3 : i32
    %swap3A_110 = arith.index_cast %swap3A_109 : i32 to index
    %swap3A_111 = arith.constant 48 : index
    %swap3A_112 = tpu.vector_load %arg9[%swap3A_110, %swap3A_111] {strides = array<i32>} : memref<16x128xf32, #tpu.memory_space<vmem>>, vector<16xf32>,
    tpu.vector_store %arg9[%swap3A_110, %swap3A_111], %broadcast_in_dim3A_1 {strides = array<i32>} : memref<16x128xf32, #tpu.memory_space<vmem>>, vector<16xf32>,
    %swap3A_113 = arith.constant 3 : i32
    %swap3A_114 = arith.index_cast %swap3A_113 : i32 to index
    %swap3A_115 = arith.constant 64 : index
    %swap3A_116 = tpu.vector_load %arg9[%swap3A_114, %swap3A_115] {strides = array<i32>} : memref<16x128xf32, #tpu.memory_space<vmem>>, vector<16xf32>,
    tpu.vector_store %arg9[%swap3A_114, %swap3A_115], %broadcast_in_dim3A_1 {strides = array<i32>} : memref<16x128xf32, #tpu.memory_space<vmem>>, vector<16xf32>,
    %swap3A_117 = arith.constant 3 : i32
    %swap3A_118 = arith.index_cast %swap3A_117 : i32 to index
    %swap3A_119 = arith.constant 80 : index
    %swap3A_120 = tpu.vector_load %arg9[%swap3A_118, %swap3A_119] {strides = array<i32>} : memref<16x128xf32, #tpu.memory_space<vmem>>, vector<16xf32>,
    tpu.vector_store %arg9[%swap3A_118, %swap3A_119], %broadcast_in_dim3A_1 {strides = array<i32>} : memref<16x128xf32, #tpu.memory_space<vmem>>, vector<16xf32>,
    %swap3A_121 = arith.constant 3 : i32
    %swap3A_122 = arith.index_cast %swap3A_121 : i32 to index
    %swap3A_123 = arith.constant 96 : index
    %swap3A_124 = tpu.vector_load %arg9[%swap3A_122, %swap3A_123] {strides = array<i32>} : memref<16x128xf32, #tpu.memory_space<vmem>>, vector<16xf32>,
    tpu.vector_store %arg9[%swap3A_122, %swap3A_123], %broadcast_in_dim3A_1 {strides = array<i32>} : memref<16x128xf32, #tpu.memory_space<vmem>>, vector<16xf32>,
    %swap3A_125 = arith.constant 3 : i32
    %swap3A_126 = arith.index_cast %swap3A_125 : i32 to index
    %swap3A_127 = arith.constant 112 : index
    %swap3A_128 = tpu.vector_load %arg9[%swap3A_126, %swap3A_127] {strides = array<i32>} : memref<16x128xf32, #tpu.memory_space<vmem>>, vector<16xf32>,
    tpu.vector_store %arg9[%swap3A_126, %swap3A_127], %broadcast_in_dim3A_1 {strides = array<i32>} : memref<16x128xf32, #tpu.memory_space<vmem>>, vector<16xf32>,
    %swap3A_129 = arith.constant 4 : i32
    %swap3A_130 = arith.index_cast %swap3A_129 : i32 to index
    %swap3A_131 = arith.constant 0 : index
    %swap3A_132 = tpu.vector_load %arg9[%swap3A_130, %swap3A_131] {strides = array<i32>} : memref<16x128xf32, #tpu.memory_space<vmem>>, vector<16xf32>,
    tpu.vector_store %arg9[%swap3A_130, %swap3A_131], %broadcast_in_dim3A_1 {strides = array<i32>} : memref<16x128xf32, #tpu.memory_space<vmem>>, vector<16xf32>,
    %swap3A_133 = arith.constant 4 : i32
    %swap3A_134 = arith.index_cast %swap3A_133 : i32 to index
    %swap3A_135 = arith.constant 16 : index
    %swap3A_136 = tpu.vector_load %arg9[%swap3A_134, %swap3A_135] {strides = array<i32>} : memref<16x128xf32, #tpu.memory_space<vmem>>, vector<16xf32>,
    tpu.vector_store %arg9[%swap3A_134, %swap3A_135], %broadcast_in_dim3A_1 {strides = array<i32>} : memref<16x128xf32, #tpu.memory_space<vmem>>, vector<16xf32>,
    %swap3A_137 = arith.constant 4 : i32
    %swap3A_138 = arith.index_cast %swap3A_137 : i32 to index
    %swap3A_139 = arith.constant 32 : index
    %swap3A_140 = tpu.vector_load %arg9[%swap3A_138, %swap3A_139] {strides = array<i32>} : memref<16x128xf32, #tpu.memory_space<vmem>>, vector<16xf32>,
    tpu.vector_store %arg9[%swap3A_138, %swap3A_139], %broadcast_in_dim3A_1 {strides = array<i32>} : memref<16x128xf32, #tpu.memory_space<vmem>>, vector<16xf32>,
    %swap3A_141 = arith.constant 4 : i32
    %swap3A_142 = arith.index_cast %swap3A_141 : i32 to index
    %swap3A_143 = arith.constant 48 : index
    %swap3A_144 = tpu.vector_load %arg9[%swap3A_142, %swap3A_143] {strides = array<i32>} : memref<16x128xf32, #tpu.memory_space<vmem>>, vector<16xf32>,
    tpu.vector_store %arg9[%swap3A_142, %swap3A_143], %broadcast_in_dim3A_1 {strides = array<i32>} : memref<16x128xf32, #tpu.memory_space<vmem>>, vector<16xf32>,
    %swap3A_145 = arith.constant 4 : i32
    %swap3A_146 = arith.index_cast %swap3A_145 : i32 to index
    %swap3A_147 = arith.constant 64 : index
    %swap3A_148 = tpu.vector_load %arg9[%swap3A_146, %swap3A_147] {strides = array<i32>} : memref<16x128xf32, #tpu.memory_space<vmem>>, vector<16xf32>,
    tpu.vector_store %arg9[%swap3A_146, %swap3A_147], %broadcast_in_dim3A_1 {strides = array<i32>} : memref<16x128xf32, #tpu.memory_space<vmem>>, vector<16xf32>,
    %swap3A_149 = arith.constant 4 : i32
    %swap3A_150 = arith.index_cast %swap3A_149 : i32 to index
    %swap3A_151 = arith.constant 80 : index
    %swap3A_152 = tpu.vector_load %arg9[%swap3A_150, %swap3A_151] {strides = array<i32>} : memref<16x128xf32, #tpu.memory_space<vmem>>, vector<16xf32>,
    tpu.vector_store %arg9[%swap3A_150, %swap3A_151], %broadcast_in_dim3A_1 {strides = array<i32>} : memref<16x128xf32, #tpu.memory_space<vmem>>, vector<16xf32>,
    %swap3A_153 = arith.constant 4 : i32
    %swap3A_154 = arith.index_cast %swap3A_153 : i32 to index
    %swap3A_155 = arith.constant 96 : index
    %swap3A_156 = tpu.vector_load %arg9[%swap3A_154, %swap3A_155] {strides = array<i32>} : memref<16x128xf32, #tpu.memory_space<vmem>>, vector<16xf32>,
    tpu.vector_store %arg9[%swap3A_154, %swap3A_155], %broadcast_in_dim3A_1 {strides = array<i32>} : memref<16x128xf32, #tpu.memory_space<vmem>>, vector<16xf32>,
    %swap3A_157 = arith.constant 4 : i32
    %swap3A_158 = arith.index_cast %swap3A_157 : i32 to index
    %swap3A_159 = arith.constant 112 : index
    %swap3A_160 = tpu.vector_load %arg9[%swap3A_158, %swap3A_159] {strides = array<i32>} : memref<16x128xf32, #tpu.memory_space<vmem>>, vector<16xf32>,
    tpu.vector_store %arg9[%swap3A_158, %swap3A_159], %broadcast_in_dim3A_1 {strides = array<i32>} : memref<16x128xf32, #tpu.memory_space<vmem>>, vector<16xf32>,
    %swap3A_161 = arith.constant 5 : i32
    %swap3A_162 = arith.index_cast %swap3A_161 : i32 to index
    %swap3A_163 = arith.constant 0 : index
    %swap3A_164 = tpu.vector_load %arg9[%swap3A_162, %swap3A_163] {strides = array<i32>} : memref<16x128xf32, #tpu.memory_space<vmem>>, vector<16xf32>,
    tpu.vector_store %arg9[%swap3A_162, %swap3A_163], %broadcast_in_dim3A_1 {strides = array<i32>} : memref<16x128xf32, #tpu.memory_space<vmem>>, vector<16xf32>,
    %swap3A_165 = arith.constant 5 : i32
    %swap3A_166 = arith.index_cast %swap3A_165 : i32 to index
    %swap3A_167 = arith.constant 16 : index
    %swap3A_168 = tpu.vector_load %arg9[%swap3A_166, %swap3A_167] {strides = array<i32>} : memref<16x128xf32, #tpu.memory_space<vmem>>, vector<16xf32>,
    tpu.vector_store %arg9[%swap3A_166, %swap3A_167], %broadcast_in_dim3A_1 {strides = array<i32>} : memref<16x128xf32, #tpu.memory_space<vmem>>, vector<16xf32>,
    %swap3A_169 = arith.constant 5 : i32
    %swap3A_170 = arith.index_cast %swap3A_169 : i32 to index
    %swap3A_171 = arith.constant 32 : index
    %swap3A_172 = tpu.vector_load %arg9[%swap3A_170, %swap3A_171] {strides = array<i32>} : memref<16x128xf32, #tpu.memory_space<vmem>>, vector<16xf32>,
    tpu.vector_store %arg9[%swap3A_170, %swap3A_171], %broadcast_in_dim3A_1 {strides = array<i32>} : memref<16x128xf32, #tpu.memory_space<vmem>>, vector<16xf32>,
    %swap3A_173 = arith.constant 5 : i32
    %swap3A_174 = arith.index_cast %swap3A_173 : i32 to index
    %swap3A_175 = arith.constant 48 : index
    %swap3A_176 = tpu.vector_load %arg9[%swap3A_174, %swap3A_175] {strides = array<i32>} : memref<16x128xf32, #tpu.memory_space<vmem>>, vector<16xf32>,
    tpu.vector_store %arg9[%swap3A_174, %swap3A_175], %broadcast_in_dim3A_1 {strides = array<i32>} : memref<16x128xf32, #tpu.memory_space<vmem>>, vector<16xf32>,
    %swap3A_177 = arith.constant 5 : i32
    %swap3A_178 = arith.index_cast %swap3A_177 : i32 to index
    %swap3A_179 = arith.constant 64 : index
    %swap3A_180 = tpu.vector_load %arg9[%swap3A_178, %swap3A_179] {strides = array<i32>} : memref<16x128xf32, #tpu.memory_space<vmem>>, vector<16xf32>,
    tpu.vector_store %arg9[%swap3A_178, %swap3A_179], %broadcast_in_dim3A_1 {strides = array<i32>} : memref<16x128xf32, #tpu.memory_space<vmem>>, vector<16xf32>,
    %swap3A_181 = arith.constant 5 : i32
    %swap3A_182 = arith.index_cast %swap3A_181 : i32 to index
    %swap3A_183 = arith.constant 80 : index
    %swap3A_184 = tpu.vector_load %arg9[%swap3A_182, %swap3A_183] {strides = array<i32>} : memref<16x128xf32, #tpu.memory_space<vmem>>, vector<16xf32>,
    tpu.vector_store %arg9[%swap3A_182, %swap3A_183], %broadcast_in_dim3A_1 {strides = array<i32>} : memref<16x128xf32, #tpu.memory_space<vmem>>, vector<16xf32>,
    %swap3A_185 = arith.constant 5 : i32
    %swap3A_186 = arith.index_cast %swap3A_185 : i32 to index
    %swap3A_187 = arith.constant 96 : index
    %swap3A_188 = tpu.vector_load %arg9[%swap3A_186, %swap3A_187] {strides = array<i32>} : memref<16x128xf32, #tpu.memory_space<vmem>>, vector<16xf32>,
    tpu.vector_store %arg9[%swap3A_186, %swap3A_187], %broadcast_in_dim3A_1 {strides = array<i32>} : memref<16x128xf32, #tpu.memory_space<vmem>>, vector<16xf32>,
    %swap3A_189 = arith.constant 5 : i32
    %swap3A_190 = arith.index_cast %swap3A_189 : i32 to index
    %swap3A_191 = arith.constant 112 : index
    %swap3A_192 = tpu.vector_load %arg9[%swap3A_190, %swap3A_191] {strides = array<i32>} : memref<16x128xf32, #tpu.memory_space<vmem>>, vector<16xf32>,
    tpu.vector_store %arg9[%swap3A_190, %swap3A_191], %broadcast_in_dim3A_1 {strides = array<i32>} : memref<16x128xf32, #tpu.memory_space<vmem>>, vector<16xf32>,
    %swap3A_193 = arith.constant 6 : i32
    %swap3A_194 = arith.index_cast %swap3A_193 : i32 to index
    %swap3A_195 = arith.constant 0 : index
    %swap3A_196 = tpu.vector_load %arg9[%swap3A_194, %swap3A_195] {strides = array<i32>} : memref<16x128xf32, #tpu.memory_space<vmem>>, vector<16xf32>,
    tpu.vector_store %arg9[%swap3A_194, %swap3A_195], %broadcast_in_dim3A_1 {strides = array<i32>} : memref<16x128xf32, #tpu.memory_space<vmem>>, vector<16xf32>,
    %swap3A_197 = arith.constant 6 : i32
    %swap3A_198 = arith.index_cast %swap3A_197 : i32 to index
    %swap3A_199 = arith.constant 16 : index
    %swap3A_200 = tpu.vector_load %arg9[%swap3A_198, %swap3A_199] {strides = array<i32>} : memref<16x128xf32, #tpu.memory_space<vmem>>, vector<16xf32>,
    tpu.vector_store %arg9[%swap3A_198, %swap3A_199], %broadcast_in_dim3A_1 {strides = array<i32>} : memref<16x128xf32, #tpu.memory_space<vmem>>, vector<16xf32>,
    %swap3A_201 = arith.constant 6 : i32
    %swap3A_202 = arith.index_cast %swap3A_201 : i32 to index
    %swap3A_203 = arith.constant 32 : index
    %swap3A_204 = tpu.vector_load %arg9[%swap3A_202, %swap3A_203] {strides = array<i32>} : memref<16x128xf32, #tpu.memory_space<vmem>>, vector<16xf32>,
    tpu.vector_store %arg9[%swap3A_202, %swap3A_203], %broadcast_in_dim3A_1 {strides = array<i32>} : memref<16x128xf32, #tpu.memory_space<vmem>>, vector<16xf32>,
    %swap3A_205 = arith.constant 6 : i32
    %swap3A_206 = arith.index_cast %swap3A_205 : i32 to index
    %swap3A_207 = arith.constant 48 : index
    %swap3A_208 = tpu.vector_load %arg9[%swap3A_206, %swap3A_207] {strides = array<i32>} : memref<16x128xf32, #tpu.memory_space<vmem>>, vector<16xf32>,
    tpu.vector_store %arg9[%swap3A_206, %swap3A_207], %broadcast_in_dim3A_1 {strides = array<i32>} : memref<16x128xf32, #tpu.memory_space<vmem>>, vector<16xf32>,
    %swap3A_209 = arith.constant 6 : i32
    %swap3A_210 = arith.index_cast %swap3A_209 : i32 to index
    %swap3A_211 = arith.constant 64 : index
    %swap3A_212 = tpu.vector_load %arg9[%swap3A_210, %swap3A_211] {strides = array<i32>} : memref<16x128xf32, #tpu.memory_space<vmem>>, vector<16xf32>,
    tpu.vector_store %arg9[%swap3A_210, %swap3A_211], %broadcast_in_dim3A_1 {strides = array<i32>} : memref<16x128xf32, #tpu.memory_space<vmem>>, vector<16xf32>,
    %swap3A_213 = arith.constant 6 : i32
    %swap3A_214 = arith.index_cast %swap3A_213 : i32 to index
    %swap3A_215 = arith.constant 80 : index
    %swap3A_216 = tpu.vector_load %arg9[%swap3A_214, %swap3A_215] {strides = array<i32>} : memref<16x128xf32, #tpu.memory_space<vmem>>, vector<16xf32>,
    tpu.vector_store %arg9[%swap3A_214, %swap3A_215], %broadcast_in_dim3A_1 {strides = array<i32>} : memref<16x128xf32, #tpu.memory_space<vmem>>, vector<16xf32>,
    %swap3A_217 = arith.constant 6 : i32
    %swap3A_218 = arith.index_cast %swap3A_217 : i32 to index
    %swap3A_219 = arith.constant 96 : index
    %swap3A_220 = tpu.vector_load %arg9[%swap3A_218, %swap3A_219] {strides = array<i32>} : memref<16x128xf32, #tpu.memory_space<vmem>>, vector<16xf32>,
    tpu.vector_store %arg9[%swap3A_218, %swap3A_219], %broadcast_in_dim3A_1 {strides = array<i32>} : memref<16x128xf32, #tpu.memory_space<vmem>>, vector<16xf32>,
    %swap3A_221 = arith.constant 6 : i32
    %swap3A_222 = arith.index_cast %swap3A_221 : i32 to index
    %swap3A_223 = arith.constant 112 : index
    %swap3A_224 = tpu.vector_load %arg9[%swap3A_222, %swap3A_223] {strides = array<i32>} : memref<16x128xf32, #tpu.memory_space<vmem>>, vector<16xf32>,
    tpu.vector_store %arg9[%swap3A_222, %swap3A_223], %broadcast_in_dim3A_1 {strides = array<i32>} : memref<16x128xf32, #tpu.memory_space<vmem>>, vector<16xf32>,
    %swap3A_225 = arith.constant 7 : i32
    %swap3A_226 = arith.index_cast %swap3A_225 : i32 to index
    %swap3A_227 = arith.constant 0 : index
    %swap3A_228 = tpu.vector_load %arg9[%swap3A_226, %swap3A_227] {strides = array<i32>} : memref<16x128xf32, #tpu.memory_space<vmem>>, vector<16xf32>,
    tpu.vector_store %arg9[%swap3A_226, %swap3A_227], %broadcast_in_dim3A_1 {strides = array<i32>} : memref<16x128xf32, #tpu.memory_space<vmem>>, vector<16xf32>,
    %swap3A_229 = arith.constant 7 : i32
    %swap3A_230 = arith.index_cast %swap3A_229 : i32 to index
    %swap3A_231 = arith.constant 16 : index
    %swap3A_232 = tpu.vector_load %arg9[%swap3A_230, %swap3A_231] {strides = array<i32>} : memref<16x128xf32, #tpu.memory_space<vmem>>, vector<16xf32>,
    tpu.vector_store %arg9[%swap3A_230, %swap3A_231], %broadcast_in_dim3A_1 {strides = array<i32>} : memref<16x128xf32, #tpu.memory_space<vmem>>, vector<16xf32>,
    %swap3A_233 = arith.constant 7 : i32
    %swap3A_234 = arith.index_cast %swap3A_233 : i32 to index
    %swap3A_235 = arith.constant 32 : index
    %swap3A_236 = tpu.vector_load %arg9[%swap3A_234, %swap3A_235] {strides = array<i32>} : memref<16x128xf32, #tpu.memory_space<vmem>>, vector<16xf32>,
    tpu.vector_store %arg9[%swap3A_234, %swap3A_235], %broadcast_in_dim3A_1 {strides = array<i32>} : memref<16x128xf32, #tpu.memory_space<vmem>>, vector<16xf32>,
    %swap3A_237 = arith.constant 7 : i32
    %swap3A_238 = arith.index_cast %swap3A_237 : i32 to index
    %swap3A_239 = arith.constant 48 : index
    %swap3A_240 = tpu.vector_load %arg9[%swap3A_238, %swap3A_239] {strides = array<i32>} : memref<16x128xf32, #tpu.memory_space<vmem>>, vector<16xf32>,
    tpu.vector_store %arg9[%swap3A_238, %swap3A_239], %broadcast_in_dim3A_1 {strides = array<i32>} : memref<16x128xf32, #tpu.memory_space<vmem>>, vector<16xf32>,
    %swap3A_241 = arith.constant 7 : i32
    %swap3A_242 = arith.index_cast %swap3A_241 : i32 to index
    %swap3A_243 = arith.constant 64 : index
    %swap3A_244 = tpu.vector_load %arg9[%swap3A_242, %swap3A_243] {strides = array<i32>} : memref<16x128xf32, #tpu.memory_space<vmem>>, vector<16xf32>,
    tpu.vector_store %arg9[%swap3A_242, %swap3A_243], %broadcast_in_dim3A_1 {strides = array<i32>} : memref<16x128xf32, #tpu.memory_space<vmem>>, vector<16xf32>,
    %swap3A_245 = arith.constant 7 : i32
    %swap3A_246 = arith.index_cast %swap3A_245 : i32 to index
    %swap3A_247 = arith.constant 80 : index
    %swap3A_248 = tpu.vector_load %arg9[%swap3A_246, %swap3A_247] {strides = array<i32>} : memref<16x128xf32, #tpu.memory_space<vmem>>, vector<16xf32>,
    tpu.vector_store %arg9[%swap3A_246, %swap3A_247], %broadcast_in_dim3A_1 {strides = array<i32>} : memref<16x128xf32, #tpu.memory_space<vmem>>, vector<16xf32>,
    %swap3A_249 = arith.constant 7 : i32
    %swap3A_250 = arith.index_cast %swap3A_249 : i32 to index
    %swap3A_251 = arith.constant 96 : index
    %swap3A_252 = tpu.vector_load %arg9[%swap3A_250, %swap3A_251] {strides = array<i32>} : memref<16x128xf32, #tpu.memory_space<vmem>>, vector<16xf32>,
    tpu.vector_store %arg9[%swap3A_250, %swap3A_251], %broadcast_in_dim3A_1 {strides = array<i32>} : memref<16x128xf32, #tpu.memory_space<vmem>>, vector<16xf32>,
    %swap3A_253 = arith.constant 7 : i32
    %swap3A_254 = arith.index_cast %swap3A_253 : i32 to index
    %swap3A_255 = arith.constant 112 : index
    %swap3A_256 = tpu.vector_load %arg9[%swap3A_254, %swap3A_255] {strides = array<i32>} : memref<16x128xf32, #tpu.memory_space<vmem>>, vector<16xf32>,
    tpu.vector_store %arg9[%swap3A_254, %swap3A_255], %broadcast_in_dim3A_1 {strides = array<i32>} : memref<16x128xf32, #tpu.memory_space<vmem>>, vector<16xf32>,
    %swap3A_257 = arith.constant 8 : i32
    %swap3A_258 = arith.index_cast %swap3A_257 : i32 to index
    %swap3A_259 = arith.constant 0 : index
    %swap3A_260 = tpu.vector_load %arg9[%swap3A_258, %swap3A_259] {strides = array<i32>} : memref<16x128xf32, #tpu.memory_space<vmem>>, vector<16xf32>,
    tpu.vector_store %arg9[%swap3A_258, %swap3A_259], %broadcast_in_dim3A_1 {strides = array<i32>} : memref<16x128xf32, #tpu.memory_space<vmem>>, vector<16xf32>,
    %swap3A_261 = arith.constant 8 : i32
    %swap3A_262 = arith.index_cast %swap3A_261 : i32 to index
    %swap3A_263 = arith.constant 16 : index
    %swap3A_264 = tpu.vector_load %arg9[%swap3A_262, %swap3A_263] {strides = array<i32>} : memref<16x128xf32, #tpu.memory_space<vmem>>, vector<16xf32>,
    tpu.vector_store %arg9[%swap3A_262, %swap3A_263], %broadcast_in_dim3A_1 {strides = array<i32>} : memref<16x128xf32, #tpu.memory_space<vmem>>, vector<16xf32>,
    %swap3A_265 = arith.constant 8 : i32
    %swap3A_266 = arith.index_cast %swap3A_265 : i32 to index
    %swap3A_267 = arith.constant 32 : index
    %swap3A_268 = tpu.vector_load %arg9[%swap3A_266, %swap3A_267] {strides = array<i32>} : memref<16x128xf32, #tpu.memory_space<vmem>>, vector<16xf32>,
    tpu.vector_store %arg9[%swap3A_266, %swap3A_267], %broadcast_in_dim3A_1 {strides = array<i32>} : memref<16x128xf32, #tpu.memory_space<vmem>>, vector<16xf32>,
    %swap3A_269 = arith.constant 8 : i32
    %swap3A_270 = arith.index_cast %swap3A_269 : i32 to index
    %swap3A_271 = arith.constant 48 : index
    %swap3A_272 = tpu.vector_load %arg9[%swap3A_270, %swap3A_271] {strides = array<i32>} : memref<16x128xf32, #tpu.memory_space<vmem>>, vector<16xf32>,
    tpu.vector_store %arg9[%swap3A_270, %swap3A_271], %broadcast_in_dim3A_1 {strides = array<i32>} : memref<16x128xf32, #tpu.memory_space<vmem>>, vector<16xf32>,
    %swap3A_273 = arith.constant 8 : i32
    %swap3A_274 = arith.index_cast %swap3A_273 : i32 to index
    %swap3A_275 = arith.constant 64 : index
    %swap3A_276 = tpu.vector_load %arg9[%swap3A_274, %swap3A_275] {strides = array<i32>} : memref<16x128xf32, #tpu.memory_space<vmem>>, vector<16xf32>,
    tpu.vector_store %arg9[%swap3A_274, %swap3A_275], %broadcast_in_dim3A_1 {strides = array<i32>} : memref<16x128xf32, #tpu.memory_space<vmem>>, vector<16xf32>,
    %swap3A_277 = arith.constant 8 : i32
    %swap3A_278 = arith.index_cast %swap3A_277 : i32 to index
    %swap3A_279 = arith.constant 80 : index
    %swap3A_280 = tpu.vector_load %arg9[%swap3A_278, %swap3A_279] {strides = array<i32>} : memref<16x128xf32, #tpu.memory_space<vmem>>, vector<16xf32>,
    tpu.vector_store %arg9[%swap3A_278, %swap3A_279], %broadcast_in_dim3A_1 {strides = array<i32>} : memref<16x128xf32, #tpu.memory_space<vmem>>, vector<16xf32>,
    %swap3A_281 = arith.constant 8 : i32
    %swap3A_282 = arith.index_cast %swap3A_281 : i32 to index
    %swap3A_283 = arith.constant 96 : index
    %swap3A_284 = tpu.vector_load %arg9[%swap3A_282, %swap3A_283] {strides = array<i32>} : memref<16x128xf32, #tpu.memory_space<vmem>>, vector<16xf32>,
    tpu.vector_store %arg9[%swap3A_282, %swap3A_283], %broadcast_in_dim3A_1 {strides = array<i32>} : memref<16x128xf32, #tpu.memory_space<vmem>>, vector<16xf32>,
    %swap3A_285 = arith.constant 8 : i32
    %swap3A_286 = arith.index_cast %swap3A_285 : i32 to index
    %swap3A_287 = arith.constant 112 : index
    %swap3A_288 = tpu.vector_load %arg9[%swap3A_286, %swap3A_287] {strides = array<i32>} : memref<16x128xf32, #tpu.memory_space<vmem>>, vector<16xf32>,
    tpu.vector_store %arg9[%swap3A_286, %swap3A_287], %broadcast_in_dim3A_1 {strides = array<i32>} : memref<16x128xf32, #tpu.memory_space<vmem>>, vector<16xf32>,
    %swap3A_289 = arith.constant 9 : i32
    %swap3A_290 = arith.index_cast %swap3A_289 : i32 to index
    %swap3A_291 = arith.constant 0 : index
    %swap3A_292 = tpu.vector_load %arg9[%swap3A_290, %swap3A_291] {strides = array<i32>} : memref<16x128xf32, #tpu.memory_space<vmem>>, vector<16xf32>,
    tpu.vector_store %arg9[%swap3A_290, %swap3A_291], %broadcast_in_dim3A_1 {strides = array<i32>} : memref<16x128xf32, #tpu.memory_space<vmem>>, vector<16xf32>,
    %swap3A_293 = arith.constant 9 : i32
    %swap3A_294 = arith.index_cast %swap3A_293 : i32 to index
    %swap3A_295 = arith.constant 16 : index
    %swap3A_296 = tpu.vector_load %arg9[%swap3A_294, %swap3A_295] {strides = array<i32>} : memref<16x128xf32, #tpu.memory_space<vmem>>, vector<16xf32>,
    tpu.vector_store %arg9[%swap3A_294, %swap3A_295], %broadcast_in_dim3A_1 {strides = array<i32>} : memref<16x128xf32, #tpu.memory_space<vmem>>, vector<16xf32>,
    %swap3A_297 = arith.constant 9 : i32
    %swap3A_298 = arith.index_cast %swap3A_297 : i32 to index
    %swap3A_299 = arith.constant 32 : index
    %swap3A_300 = tpu.vector_load %arg9[%swap3A_298, %swap3A_299] {strides = array<i32>} : memref<16x128xf32, #tpu.memory_space<vmem>>, vector<16xf32>,
    tpu.vector_store %arg9[%swap3A_298, %swap3A_299], %broadcast_in_dim3A_1 {strides = array<i32>} : memref<16x128xf32, #tpu.memory_space<vmem>>, vector<16xf32>,
    %swap3A_301 = arith.constant 9 : i32
    %swap3A_302 = arith.index_cast %swap3A_301 : i32 to index
    %swap3A_303 = arith.constant 48 : index
    %swap3A_304 = tpu.vector_load %arg9[%swap3A_302, %swap3A_303] {strides = array<i32>} : memref<16x128xf32, #tpu.memory_space<vmem>>, vector<16xf32>,
    tpu.vector_store %arg9[%swap3A_302, %swap3A_303], %broadcast_in_dim3A_1 {strides = array<i32>} : memref<16x128xf32, #tpu.memory_space<vmem>>, vector<16xf32>,
    %swap3A_305 = arith.constant 9 : i32
    %swap3A_306 = arith.index_cast %swap3A_305 : i32 to index
    %swap3A_307 = arith.constant 64 : index
    %swap3A_308 = tpu.vector_load %arg9[%swap3A_306, %swap3A_307] {strides = array<i32>} : memref<16x128xf32, #tpu.memory_space<vmem>>, vector<16xf32>,
    tpu.vector_store %arg9[%swap3A_306, %swap3A_307], %broadcast_in_dim3A_1 {strides = array<i32>} : memref<16x128xf32, #tpu.memory_space<vmem>>, vector<16xf32>,
    %swap3A_309 = arith.constant 9 : i32
    %swap3A_310 = arith.index_cast %swap3A_309 : i32 to index
    %swap3A_311 = arith.constant 80 : index
    %swap3A_312 = tpu.vector_load %arg9[%swap3A_310, %swap3A_311] {strides = array<i32>} : memref<16x128xf32, #tpu.memory_space<vmem>>, vector<16xf32>,
    tpu.vector_store %arg9[%swap3A_310, %swap3A_311], %broadcast_in_dim3A_1 {strides = array<i32>} : memref<16x128xf32, #tpu.memory_space<vmem>>, vector<16xf32>,
    %swap3A_313 = arith.constant 9 : i32
    %swap3A_314 = arith.index_cast %swap3A_313 : i32 to index
    %swap3A_315 = arith.constant 96 : index
    %swap3A_316 = tpu.vector_load %arg9[%swap3A_314, %swap3A_315] {strides = array<i32>} : memref<16x128xf32, #tpu.memory_space<vmem>>, vector<16xf32>,
    tpu.vector_store %arg9[%swap3A_314, %swap3A_315], %broadcast_in_dim3A_1 {strides = array<i32>} : memref<16x128xf32, #tpu.memory_space<vmem>>, vector<16xf32>,
    %swap3A_317 = arith.constant 9 : i32
    %swap3A_318 = arith.index_cast %swap3A_317 : i32 to index
    %swap3A_319 = arith.constant 112 : index
    %swap3A_320 = tpu.vector_load %arg9[%swap3A_318, %swap3A_319] {strides = array<i32>} : memref<16x128xf32, #tpu.memory_space<vmem>>, vector<16xf32>,
    tpu.vector_store %arg9[%swap3A_318, %swap3A_319], %broadcast_in_dim3A_1 {strides = array<i32>} : memref<16x128xf32, #tpu.memory_space<vmem>>, vector<16xf32>,
    %swap3A_321 = arith.constant 10 : i32
    %swap3A_322 = arith.index_cast %swap3A_321 : i32 to index
    %swap3A_323 = arith.constant 0 : index
    %swap3A_324 = tpu.vector_load %arg9[%swap3A_322, %swap3A_323] {strides = array<i32>} : memref<16x128xf32, #tpu.memory_space<vmem>>, vector<16xf32>,
    tpu.vector_store %arg9[%swap3A_322, %swap3A_323], %broadcast_in_dim3A_1 {strides = array<i32>} : memref<16x128xf32, #tpu.memory_space<vmem>>, vector<16xf32>,
    %swap3A_325 = arith.constant 10 : i32
    %swap3A_326 = arith.index_cast %swap3A_325 : i32 to index
    %swap3A_327 = arith.constant 16 : index
    %swap3A_328 = tpu.vector_load %arg9[%swap3A_326, %swap3A_327] {strides = array<i32>} : memref<16x128xf32, #tpu.memory_space<vmem>>, vector<16xf32>,
    tpu.vector_store %arg9[%swap3A_326, %swap3A_327], %broadcast_in_dim3A_1 {strides = array<i32>} : memref<16x128xf32, #tpu.memory_space<vmem>>, vector<16xf32>,
    %swap3A_329 = arith.constant 10 : i32
    %swap3A_330 = arith.index_cast %swap3A_329 : i32 to index
    %swap3A_331 = arith.constant 32 : index
    %swap3A_332 = tpu.vector_load %arg9[%swap3A_330, %swap3A_331] {strides = array<i32>} : memref<16x128xf32, #tpu.memory_space<vmem>>, vector<16xf32>,
    tpu.vector_store %arg9[%swap3A_330, %swap3A_331], %broadcast_in_dim3A_1 {strides = array<i32>} : memref<16x128xf32, #tpu.memory_space<vmem>>, vector<16xf32>,
    %swap3A_333 = arith.constant 10 : i32
    %swap3A_334 = arith.index_cast %swap3A_333 : i32 to index
    %swap3A_335 = arith.constant 48 : index
    %swap3A_336 = tpu.vector_load %arg9[%swap3A_334, %swap3A_335] {strides = array<i32>} : memref<16x128xf32, #tpu.memory_space<vmem>>, vector<16xf32>,
    tpu.vector_store %arg9[%swap3A_334, %swap3A_335], %broadcast_in_dim3A_1 {strides = array<i32>} : memref<16x128xf32, #tpu.memory_space<vmem>>, vector<16xf32>,
    %swap3A_337 = arith.constant 10 : i32
    %swap3A_338 = arith.index_cast %swap3A_337 : i32 to index
    %swap3A_339 = arith.constant 64 : index
    %swap3A_340 = tpu.vector_load %arg9[%swap3A_338, %swap3A_339] {strides = array<i32>} : memref<16x128xf32, #tpu.memory_space<vmem>>, vector<16xf32>,
    tpu.vector_store %arg9[%swap3A_338, %swap3A_339], %broadcast_in_dim3A_1 {strides = array<i32>} : memref<16x128xf32, #tpu.memory_space<vmem>>, vector<16xf32>,
    %swap3A_341 = arith.constant 10 : i32
    %swap3A_342 = arith.index_cast %swap3A_341 : i32 to index
    %swap3A_343 = arith.constant 80 : index
    %swap3A_344 = tpu.vector_load %arg9[%swap3A_342, %swap3A_343] {strides = array<i32>} : memref<16x128xf32, #tpu.memory_space<vmem>>, vector<16xf32>,
    tpu.vector_store %arg9[%swap3A_342, %swap3A_343], %broadcast_in_dim3A_1 {strides = array<i32>} : memref<16x128xf32, #tpu.memory_space<vmem>>, vector<16xf32>,
    %swap3A_345 = arith.constant 10 : i32
    %swap3A_346 = arith.index_cast %swap3A_345 : i32 to index
    %swap3A_347 = arith.constant 96 : index
    %swap3A_348 = tpu.vector_load %arg9[%swap3A_346, %swap3A_347] {strides = array<i32>} : memref<16x128xf32, #tpu.memory_space<vmem>>, vector<16xf32>,
    tpu.vector_store %arg9[%swap3A_346, %swap3A_347], %broadcast_in_dim3A_1 {strides = array<i32>} : memref<16x128xf32, #tpu.memory_space<vmem>>, vector<16xf32>,
    %swap3A_349 = arith.constant 10 : i32
    %swap3A_350 = arith.index_cast %swap3A_349 : i32 to index
    %swap3A_351 = arith.constant 112 : index
    %swap3A_352 = tpu.vector_load %arg9[%swap3A_350, %swap3A_351] {strides = array<i32>} : memref<16x128xf32, #tpu.memory_space<vmem>>, vector<16xf32>,
    tpu.vector_store %arg9[%swap3A_350, %swap3A_351], %broadcast_in_dim3A_1 {strides = array<i32>} : memref<16x128xf32, #tpu.memory_space<vmem>>, vector<16xf32>,
    %swap3A_353 = arith.constant 11 : i32
    %swap3A_354 = arith.index_cast %swap3A_353 : i32 to index
    %swap3A_355 = arith.constant 0 : index
    %swap3A_356 = tpu.vector_load %arg9[%swap3A_354, %swap3A_355] {strides = array<i32>} : memref<16x128xf32, #tpu.memory_space<vmem>>, vector<16xf32>,
    tpu.vector_store %arg9[%swap3A_354, %swap3A_355], %broadcast_in_dim3A_1 {strides = array<i32>} : memref<16x128xf32, #tpu.memory_space<vmem>>, vector<16xf32>,
    %swap3A_357 = arith.constant 11 : i32
    %swap3A_358 = arith.index_cast %swap3A_357 : i32 to index
    %swap3A_359 = arith.constant 16 : index
    %swap3A_360 = tpu.vector_load %arg9[%swap3A_358, %swap3A_359] {strides = array<i32>} : memref<16x128xf32, #tpu.memory_space<vmem>>, vector<16xf32>,
    tpu.vector_store %arg9[%swap3A_358, %swap3A_359], %broadcast_in_dim3A_1 {strides = array<i32>} : memref<16x128xf32, #tpu.memory_space<vmem>>, vector<16xf32>,
    %swap3A_361 = arith.constant 11 : i32
    %swap3A_362 = arith.index_cast %swap3A_361 : i32 to index
    %swap3A_363 = arith.constant 32 : index
    %swap3A_364 = tpu.vector_load %arg9[%swap3A_362, %swap3A_363] {strides = array<i32>} : memref<16x128xf32, #tpu.memory_space<vmem>>, vector<16xf32>,
    tpu.vector_store %arg9[%swap3A_362, %swap3A_363], %broadcast_in_dim3A_1 {strides = array<i32>} : memref<16x128xf32, #tpu.memory_space<vmem>>, vector<16xf32>,
    %swap3A_365 = arith.constant 11 : i32
    %swap3A_366 = arith.index_cast %swap3A_365 : i32 to index
    %swap3A_367 = arith.constant 48 : index
    %swap3A_368 = tpu.vector_load %arg9[%swap3A_366, %swap3A_367] {strides = array<i32>} : memref<16x128xf32, #tpu.memory_space<vmem>>, vector<16xf32>,
    tpu.vector_store %arg9[%swap3A_366, %swap3A_367], %broadcast_in_dim3A_1 {strides = array<i32>} : memref<16x128xf32, #tpu.memory_space<vmem>>, vector<16xf32>,
    %swap3A_369 = arith.constant 11 : i32
    %swap3A_370 = arith.index_cast %swap3A_369 : i32 to index
    %swap3A_371 = arith.constant 64 : index
    %swap3A_372 = tpu.vector_load %arg9[%swap3A_370, %swap3A_371] {strides = array<i32>} : memref<16x128xf32, #tpu.memory_space<vmem>>, vector<16xf32>,
    tpu.vector_store %arg9[%swap3A_370, %swap3A_371], %broadcast_in_dim3A_1 {strides = array<i32>} : memref<16x128xf32, #tpu.memory_space<vmem>>, vector<16xf32>,
    %swap3A_373 = arith.constant 11 : i32
    %swap3A_374 = arith.index_cast %swap3A_373 : i32 to index
    %swap3A_375 = arith.constant 80 : index
    %swap3A_376 = tpu.vector_load %arg9[%swap3A_374, %swap3A_375] {strides = array<i32>} : memref<16x128xf32, #tpu.memory_space<vmem>>, vector<16xf32>,
    tpu.vector_store %arg9[%swap3A_374, %swap3A_375], %broadcast_in_dim3A_1 {strides = array<i32>} : memref<16x128xf32, #tpu.memory_space<vmem>>, vector<16xf32>,
    %swap3A_377 = arith.constant 11 : i32
    %swap3A_378 = arith.index_cast %swap3A_377 : i32 to index
    %swap3A_379 = arith.constant 96 : index
    %swap3A_380 = tpu.vector_load %arg9[%swap3A_378, %swap3A_379] {strides = array<i32>} : memref<16x128xf32, #tpu.memory_space<vmem>>, vector<16xf32>,
    tpu.vector_store %arg9[%swap3A_378, %swap3A_379], %broadcast_in_dim3A_1 {strides = array<i32>} : memref<16x128xf32, #tpu.memory_space<vmem>>, vector<16xf32>,
    %swap3A_381 = arith.constant 11 : i32
    %swap3A_382 = arith.index_cast %swap3A_381 : i32 to index
    %swap3A_383 = arith.constant 112 : index
    %swap3A_384 = tpu.vector_load %arg9[%swap3A_382, %swap3A_383] {strides = array<i32>} : memref<16x128xf32, #tpu.memory_space<vmem>>, vector<16xf32>,
    tpu.vector_store %arg9[%swap3A_382, %swap3A_383], %broadcast_in_dim3A_1 {strides = array<i32>} : memref<16x128xf32, #tpu.memory_space<vmem>>, vector<16xf32>,
    %swap3A_385 = arith.constant 12 : i32
    %swap3A_386 = arith.index_cast %swap3A_385 : i32 to index
    %swap3A_387 = arith.constant 0 : index
    %swap3A_388 = tpu.vector_load %arg9[%swap3A_386, %swap3A_387] {strides = array<i32>} : memref<16x128xf32, #tpu.memory_space<vmem>>, vector<16xf32>,
    tpu.vector_store %arg9[%swap3A_386, %swap3A_387], %broadcast_in_dim3A_1 {strides = array<i32>} : memref<16x128xf32, #tpu.memory_space<vmem>>, vector<16xf32>,
    %swap3A_389 = arith.constant 12 : i32
    %swap3A_390 = arith.index_cast %swap3A_389 : i32 to index
    %swap3A_391 = arith.constant 16 : index
    %swap3A_392 = tpu.vector_load %arg9[%swap3A_390, %swap3A_391] {strides = array<i32>} : memref<16x128xf32, #tpu.memory_space<vmem>>, vector<16xf32>,
    tpu.vector_store %arg9[%swap3A_390, %swap3A_391], %broadcast_in_dim3A_1 {strides = array<i32>} : memref<16x128xf32, #tpu.memory_space<vmem>>, vector<16xf32>,
    %swap3A_393 = arith.constant 12 : i32
    %swap3A_394 = arith.index_cast %swap3A_393 : i32 to index
    %swap3A_395 = arith.constant 32 : index
    %swap3A_396 = tpu.vector_load %arg9[%swap3A_394, %swap3A_395] {strides = array<i32>} : memref<16x128xf32, #tpu.memory_space<vmem>>, vector<16xf32>,
    tpu.vector_store %arg9[%swap3A_394, %swap3A_395], %broadcast_in_dim3A_1 {strides = array<i32>} : memref<16x128xf32, #tpu.memory_space<vmem>>, vector<16xf32>,
    %swap3A_397 = arith.constant 12 : i32
    %swap3A_398 = arith.index_cast %swap3A_397 : i32 to index
    %swap3A_399 = arith.constant 48 : index
    %swap3A_400 = tpu.vector_load %arg9[%swap3A_398, %swap3A_399] {strides = array<i32>} : memref<16x128xf32, #tpu.memory_space<vmem>>, vector<16xf32>,
    tpu.vector_store %arg9[%swap3A_398, %swap3A_399], %broadcast_in_dim3A_1 {strides = array<i32>} : memref<16x128xf32, #tpu.memory_space<vmem>>, vector<16xf32>,
    %swap3A_401 = arith.constant 12 : i32
    %swap3A_402 = arith.index_cast %swap3A_401 : i32 to index
    %swap3A_403 = arith.constant 64 : index
    %swap3A_404 = tpu.vector_load %arg9[%swap3A_402, %swap3A_403] {strides = array<i32>} : memref<16x128xf32, #tpu.memory_space<vmem>>, vector<16xf32>,
    tpu.vector_store %arg9[%swap3A_402, %swap3A_403], %broadcast_in_dim3A_1 {strides = array<i32>} : memref<16x128xf32, #tpu.memory_space<vmem>>, vector<16xf32>,
    %swap3A_405 = arith.constant 12 : i32
    %swap3A_406 = arith.index_cast %swap3A_405 : i32 to index
    %swap3A_407 = arith.constant 80 : index
    %swap3A_408 = tpu.vector_load %arg9[%swap3A_406, %swap3A_407] {strides = array<i32>} : memref<16x128xf32, #tpu.memory_space<vmem>>, vector<16xf32>,
    tpu.vector_store %arg9[%swap3A_406, %swap3A_407], %broadcast_in_dim3A_1 {strides = array<i32>} : memref<16x128xf32, #tpu.memory_space<vmem>>, vector<16xf32>,
    %swap3A_409 = arith.constant 12 : i32
    %swap3A_410 = arith.index_cast %swap3A_409 : i32 to index
    %swap3A_411 = arith.constant 96 : index
    %swap3A_412 = tpu.vector_load %arg9[%swap3A_410, %swap3A_411] {strides = array<i32>} : memref<16x128xf32, #tpu.memory_space<vmem>>, vector<16xf32>,
    tpu.vector_store %arg9[%swap3A_410, %swap3A_411], %broadcast_in_dim3A_1 {strides = array<i32>} : memref<16x128xf32, #tpu.memory_space<vmem>>, vector<16xf32>,
    %swap3A_413 = arith.constant 12 : i32
    %swap3A_414 = arith.index_cast %swap3A_413 : i32 to index
    %swap3A_415 = arith.constant 112 : index
    %swap3A_416 = tpu.vector_load %arg9[%swap3A_414, %swap3A_415] {strides = array<i32>} : memref<16x128xf32, #tpu.memory_space<vmem>>, vector<16xf32>,
    tpu.vector_store %arg9[%swap3A_414, %swap3A_415], %broadcast_in_dim3A_1 {strides = array<i32>} : memref<16x128xf32, #tpu.memory_space<vmem>>, vector<16xf32>,
    %swap3A_417 = arith.constant 13 : i32
    %swap3A_418 = arith.index_cast %swap3A_417 : i32 to index
    %swap3A_419 = arith.constant 0 : index
    %swap3A_420 = tpu.vector_load %arg9[%swap3A_418, %swap3A_419] {strides = array<i32>} : memref<16x128xf32, #tpu.memory_space<vmem>>, vector<16xf32>,
    tpu.vector_store %arg9[%swap3A_418, %swap3A_419], %broadcast_in_dim3A_1 {strides = array<i32>} : memref<16x128xf32, #tpu.memory_space<vmem>>, vector<16xf32>,
    %swap3A_421 = arith.constant 13 : i32
    %swap3A_422 = arith.index_cast %swap3A_421 : i32 to index
    %swap3A_423 = arith.constant 16 : index
    %swap3A_424 = tpu.vector_load %arg9[%swap3A_422, %swap3A_423] {strides = array<i32>} : memref<16x128xf32, #tpu.memory_space<vmem>>, vector<16xf32>,
    tpu.vector_store %arg9[%swap3A_422, %swap3A_423], %broadcast_in_dim3A_1 {strides = array<i32>} : memref<16x128xf32, #tpu.memory_space<vmem>>, vector<16xf32>,
    %swap3A_425 = arith.constant 13 : i32
    %swap3A_426 = arith.index_cast %swap3A_425 : i32 to index
    %swap3A_427 = arith.constant 32 : index
    %swap3A_428 = tpu.vector_load %arg9[%swap3A_426, %swap3A_427] {strides = array<i32>} : memref<16x128xf32, #tpu.memory_space<vmem>>, vector<16xf32>,
    tpu.vector_store %arg9[%swap3A_426, %swap3A_427], %broadcast_in_dim3A_1 {strides = array<i32>} : memref<16x128xf32, #tpu.memory_space<vmem>>, vector<16xf32>,
    %swap3A_429 = arith.constant 13 : i32
    %swap3A_430 = arith.index_cast %swap3A_429 : i32 to index
    %swap3A_431 = arith.constant 48 : index
    %swap3A_432 = tpu.vector_load %arg9[%swap3A_430, %swap3A_431] {strides = array<i32>} : memref<16x128xf32, #tpu.memory_space<vmem>>, vector<16xf32>,
    tpu.vector_store %arg9[%swap3A_430, %swap3A_431], %broadcast_in_dim3A_1 {strides = array<i32>} : memref<16x128xf32, #tpu.memory_space<vmem>>, vector<16xf32>,
    %swap3A_433 = arith.constant 13 : i32
    %swap3A_434 = arith.index_cast %swap3A_433 : i32 to index
    %swap3A_435 = arith.constant 64 : index
    %swap3A_436 = tpu.vector_load %arg9[%swap3A_434, %swap3A_435] {strides = array<i32>} : memref<16x128xf32, #tpu.memory_space<vmem>>, vector<16xf32>,
    tpu.vector_store %arg9[%swap3A_434, %swap3A_435], %broadcast_in_dim3A_1 {strides = array<i32>} : memref<16x128xf32, #tpu.memory_space<vmem>>, vector<16xf32>,
    %swap3A_437 = arith.constant 13 : i32
    %swap3A_438 = arith.index_cast %swap3A_437 : i32 to index
    %swap3A_439 = arith.constant 80 : index
    %swap3A_440 = tpu.vector_load %arg9[%swap3A_438, %swap3A_439] {strides = array<i32>} : memref<16x128xf32, #tpu.memory_space<vmem>>, vector<16xf32>,
    tpu.vector_store %arg9[%swap3A_438, %swap3A_439], %broadcast_in_dim3A_1 {strides = array<i32>} : memref<16x128xf32, #tpu.memory_space<vmem>>, vector<16xf32>,
    %swap3A_441 = arith.constant 13 : i32
    %swap3A_442 = arith.index_cast %swap3A_441 : i32 to index
    %swap3A_443 = arith.constant 96 : index
    %swap3A_444 = tpu.vector_load %arg9[%swap3A_442, %swap3A_443] {strides = array<i32>} : memref<16x128xf32, #tpu.memory_space<vmem>>, vector<16xf32>,
    tpu.vector_store %arg9[%swap3A_442, %swap3A_443], %broadcast_in_dim3A_1 {strides = array<i32>} : memref<16x128xf32, #tpu.memory_space<vmem>>, vector<16xf32>,
    %swap3A_445 = arith.constant 13 : i32
    %swap3A_446 = arith.index_cast %swap3A_445 : i32 to index
    %swap3A_447 = arith.constant 112 : index
    %swap3A_448 = tpu.vector_load %arg9[%swap3A_446, %swap3A_447] {strides = array<i32>} : memref<16x128xf32, #tpu.memory_space<vmem>>, vector<16xf32>,
    tpu.vector_store %arg9[%swap3A_446, %swap3A_447], %broadcast_in_dim3A_1 {strides = array<i32>} : memref<16x128xf32, #tpu.memory_space<vmem>>, vector<16xf32>,
    %swap3A_449 = arith.constant 14 : i32
    %swap3A_450 = arith.index_cast %swap3A_449 : i32 to index
    %swap3A_451 = arith.constant 0 : index
    %swap3A_452 = tpu.vector_load %arg9[%swap3A_450, %swap3A_451] {strides = array<i32>} : memref<16x128xf32, #tpu.memory_space<vmem>>, vector<16xf32>,
    tpu.vector_store %arg9[%swap3A_450, %swap3A_451], %broadcast_in_dim3A_1 {strides = array<i32>} : memref<16x128xf32, #tpu.memory_space<vmem>>, vector<16xf32>,
    %swap3A_453 = arith.constant 14 : i32
    %swap3A_454 = arith.index_cast %swap3A_453 : i32 to index
    %swap3A_455 = arith.constant 16 : index
    %swap3A_456 = tpu.vector_load %arg9[%swap3A_454, %swap3A_455] {strides = array<i32>} : memref<16x128xf32, #tpu.memory_space<vmem>>, vector<16xf32>,
    tpu.vector_store %arg9[%swap3A_454, %swap3A_455], %broadcast_in_dim3A_1 {strides = array<i32>} : memref<16x128xf32, #tpu.memory_space<vmem>>, vector<16xf32>,
    %swap3A_457 = arith.constant 14 : i32
    %swap3A_458 = arith.index_cast %swap3A_457 : i32 to index
    %swap3A_459 = arith.constant 32 : index
    %swap3A_460 = tpu.vector_load %arg9[%swap3A_458, %swap3A_459] {strides = array<i32>} : memref<16x128xf32, #tpu.memory_space<vmem>>, vector<16xf32>,
    tpu.vector_store %arg9[%swap3A_458, %swap3A_459], %broadcast_in_dim3A_1 {strides = array<i32>} : memref<16x128xf32, #tpu.memory_space<vmem>>, vector<16xf32>,
    %swap3A_461 = arith.constant 14 : i32
    %swap3A_462 = arith.index_cast %swap3A_461 : i32 to index
    %swap3A_463 = arith.constant 48 : index
    %swap3A_464 = tpu.vector_load %arg9[%swap3A_462, %swap3A_463] {strides = array<i32>} : memref<16x128xf32, #tpu.memory_space<vmem>>, vector<16xf32>,
    tpu.vector_store %arg9[%swap3A_462, %swap3A_463], %broadcast_in_dim3A_1 {strides = array<i32>} : memref<16x128xf32, #tpu.memory_space<vmem>>, vector<16xf32>,
    %swap3A_465 = arith.constant 14 : i32
    %swap3A_466 = arith.index_cast %swap3A_465 : i32 to index
    %swap3A_467 = arith.constant 64 : index
    %swap3A_468 = tpu.vector_load %arg9[%swap3A_466, %swap3A_467] {strides = array<i32>} : memref<16x128xf32, #tpu.memory_space<vmem>>, vector<16xf32>,
    tpu.vector_store %arg9[%swap3A_466, %swap3A_467], %broadcast_in_dim3A_1 {strides = array<i32>} : memref<16x128xf32, #tpu.memory_space<vmem>>, vector<16xf32>,
    %swap3A_469 = arith.constant 14 : i32
    %swap3A_470 = arith.index_cast %swap3A_469 : i32 to index
    %swap3A_471 = arith.constant 80 : index
    %swap3A_472 = tpu.vector_load %arg9[%swap3A_470, %swap3A_471] {strides = array<i32>} : memref<16x128xf32, #tpu.memory_space<vmem>>, vector<16xf32>,
    tpu.vector_store %arg9[%swap3A_470, %swap3A_471], %broadcast_in_dim3A_1 {strides = array<i32>} : memref<16x128xf32, #tpu.memory_space<vmem>>, vector<16xf32>,
    %swap3A_473 = arith.constant 14 : i32
    %swap3A_474 = arith.index_cast %swap3A_473 : i32 to index
    %swap3A_475 = arith.constant 96 : index
    %swap3A_476 = tpu.vector_load %arg9[%swap3A_474, %swap3A_475] {strides = array<i32>} : memref<16x128xf32, #tpu.memory_space<vmem>>, vector<16xf32>,
    tpu.vector_store %arg9[%swap3A_474, %swap3A_475], %broadcast_in_dim3A_1 {strides = array<i32>} : memref<16x128xf32, #tpu.memory_space<vmem>>, vector<16xf32>,
    %swap3A_477 = arith.constant 14 : i32
    %swap3A_478 = arith.index_cast %swap3A_477 : i32 to index
    %swap3A_479 = arith.constant 112 : index
    %swap3A_480 = tpu.vector_load %arg9[%swap3A_478, %swap3A_479] {strides = array<i32>} : memref<16x128xf32, #tpu.memory_space<vmem>>, vector<16xf32>,
    tpu.vector_store %arg9[%swap3A_478, %swap3A_479], %broadcast_in_dim3A_1 {strides = array<i32>} : memref<16x128xf32, #tpu.memory_space<vmem>>, vector<16xf32>,
    %swap3A_481 = arith.constant 15 : i32
    %swap3A_482 = arith.index_cast %swap3A_481 : i32 to index
    %swap3A_483 = arith.constant 0 : index
    %swap3A_484 = tpu.vector_load %arg9[%swap3A_482, %swap3A_483] {strides = array<i32>} : memref<16x128xf32, #tpu.memory_space<vmem>>, vector<16xf32>,
    tpu.vector_store %arg9[%swap3A_482, %swap3A_483], %broadcast_in_dim3A_1 {strides = array<i32>} : memref<16x128xf32, #tpu.memory_space<vmem>>, vector<16xf32>,
    %swap3A_485 = arith.constant 15 : i32
    %swap3A_486 = arith.index_cast %swap3A_485 : i32 to index
    %swap3A_487 = arith.constant 16 : index
    %swap3A_488 = tpu.vector_load %arg9[%swap3A_486, %swap3A_487] {strides = array<i32>} : memref<16x128xf32, #tpu.memory_space<vmem>>, vector<16xf32>,
    tpu.vector_store %arg9[%swap3A_486, %swap3A_487], %broadcast_in_dim3A_1 {strides = array<i32>} : memref<16x128xf32, #tpu.memory_space<vmem>>, vector<16xf32>,
    %swap3A_489 = arith.constant 15 : i32
    %swap3A_490 = arith.index_cast %swap3A_489 : i32 to index
    %swap3A_491 = arith.constant 32 : index
    %swap3A_492 = tpu.vector_load %arg9[%swap3A_490, %swap3A_491] {strides = array<i32>} : memref<16x128xf32, #tpu.memory_space<vmem>>, vector<16xf32>,
    tpu.vector_store %arg9[%swap3A_490, %swap3A_491], %broadcast_in_dim3A_1 {strides = array<i32>} : memref<16x128xf32, #tpu.memory_space<vmem>>, vector<16xf32>,
    %swap3A_493 = arith.constant 15 : i32
    %swap3A_494 = arith.index_cast %swap3A_493 : i32 to index
    %swap3A_495 = arith.constant 48 : index
    %swap3A_496 = tpu.vector_load %arg9[%swap3A_494, %swap3A_495] {strides = array<i32>} : memref<16x128xf32, #tpu.memory_space<vmem>>, vector<16xf32>,
    tpu.vector_store %arg9[%swap3A_494, %swap3A_495], %broadcast_in_dim3A_1 {strides = array<i32>} : memref<16x128xf32, #tpu.memory_space<vmem>>, vector<16xf32>,
    %swap3A_497 = arith.constant 15 : i32
    %swap3A_498 = arith.index_cast %swap3A_497 : i32 to index
    %swap3A_499 = arith.constant 64 : index
    %swap3A_500 = tpu.vector_load %arg9[%swap3A_498, %swap3A_499] {strides = array<i32>} : memref<16x128xf32, #tpu.memory_space<vmem>>, vector<16xf32>,
    tpu.vector_store %arg9[%swap3A_498, %swap3A_499], %broadcast_in_dim3A_1 {strides = array<i32>} : memref<16x128xf32, #tpu.memory_space<vmem>>, vector<16xf32>,
    %swap3A_501 = arith.constant 15 : i32
    %swap3A_502 = arith.index_cast %swap3A_501 : i32 to index
    %swap3A_503 = arith.constant 80 : index
    %swap3A_504 = tpu.vector_load %arg9[%swap3A_502, %swap3A_503] {strides = array<i32>} : memref<16x128xf32, #tpu.memory_space<vmem>>, vector<16xf32>,
    tpu.vector_store %arg9[%swap3A_502, %swap3A_503], %broadcast_in_dim3A_1 {strides = array<i32>} : memref<16x128xf32, #tpu.memory_space<vmem>>, vector<16xf32>,
    %swap3A_505 = arith.constant 15 : i32
    %swap3A_506 = arith.index_cast %swap3A_505 : i32 to index
    %swap3A_507 = arith.constant 96 : index
    %swap3A_508 = tpu.vector_load %arg9[%swap3A_506, %swap3A_507] {strides = array<i32>} : memref<16x128xf32, #tpu.memory_space<vmem>>, vector<16xf32>,
    tpu.vector_store %arg9[%swap3A_506, %swap3A_507], %broadcast_in_dim3A_1 {strides = array<i32>} : memref<16x128xf32, #tpu.memory_space<vmem>>, vector<16xf32>,
    %swap3A_509 = arith.constant 15 : i32
    %swap3A_510 = arith.index_cast %swap3A_509 : i32 to index
    %swap3A_511 = arith.constant 112 : index
    %swap3A_512 = tpu.vector_load %arg9[%swap3A_510, %swap3A_511] {strides = array<i32>} : memref<16x128xf32, #tpu.memory_space<vmem>>, vector<16xf32>,
    tpu.vector_store %arg9[%swap3A_510, %swap3A_511], %broadcast_in_dim3A_1 {strides = array<i32>} : memref<16x128xf32, #tpu.memory_space<vmem>>, vector<16xf32>,
    %mul3A_513 = arith.constant 640 : i32
    %mul3A_514 = arith.muli %arg1, %mul3A_513 : i32
    %scan3A = arith.constant 0 : i32
    %scan3A_515 = arith.constant 0 : i32
    %scan3A_516 = arith.constant 40 : i32
    %scan3A_517 = arith.addi %scan3A_515, %scan3A_516 : i32
    %scan3A_518 = arith.constant 1 : i32
    scf.for %scan3A_527 = %scan3A_515 to %scan3A_517 step %scan3A_518  : i32 {
      %mul3A_528 = arith.constant 16 : i32
      %mul3A_529 = arith.muli %scan3A_527, %mul3A_528 : i32
      %add3A_530 = arith.addi %mul3A_514, %mul3A_529 : i32
      "tpu.region"() ({
        %run_scoped3A = tpu.sem_alloc : memref<!tpu.dma_semaphore, #tpu.memory_space<semaphore_mem>>
        %dma_start3A = arith.constant 0 : i32
        %dma_start3A_531 = tpu.memref_slice %arg10[%add3A_530, %dma_start3A] : memref<10240x128xf32, #tpu.memory_space<vmem_shared>> -> memref<16x128xf32, #tpu.memory_space<vmem_shared>>
        %dma_start3A_532 = arith.constant 0 : i32
        %dma_start3A_533 = tpu.memref_slice %arg10[%add3A_530, %dma_start3A_532] : memref<10240x128xf32, #tpu.memory_space<vmem_shared>> -> memref<16x128xf32, #tpu.memory_space<vmem_shared>>
        tpu.enqueue_dma source(%arg9 : memref<16x128xf32, #tpu.memory_space<vmem>>) target(%dma_start3A_533 : memref<16x128xf32, #tpu.memory_space<vmem_shared>>) target_semaphore(%run_scoped3A : memref<!tpu.dma_semaphore, #tpu.memory_space<semaphore_mem>>)
        %dma_wait3A = arith.constant 0 : i32
        %dma_wait3A_534 = tpu.memref_slice %arg10[%add3A_530, %dma_wait3A] : memref<10240x128xf32, #tpu.memory_space<vmem_shared>> -> memref<16x128xf32, #tpu.memory_space<vmem_shared>>
        %dma_wait3A_535 = arith.constant 0 : i32
        %dma_wait3A_536 = tpu.memref_slice %arg10[%add3A_530, %dma_wait3A_535] : memref<10240x128xf32, #tpu.memory_space<vmem_shared>> -> memref<16x128xf32, #tpu.memory_space<vmem_shared>>
        tpu.wait_dma2 semaphore(%run_scoped3A : memref<!tpu.dma_semaphore, #tpu.memory_space<semaphore_mem>>) src(%arg9 : memref<16x128xf32, #tpu.memory_space<vmem>>) dst(%dma_wait3A_536 : memref<16x128xf32, #tpu.memory_space<vmem_shared>>)
        tpu.yield
      }) : () -> ()
    }
    %scan3A_519 = arith.constant 40 : i32
    %barrier3A = arith.constant 0 : index
    tpu.barrier barrier_id(%barrier3A)
    "tpu.region"() ({
      %run_scoped3A = tpu.sem_alloc : memref<!tpu.dma_semaphore, #tpu.memory_space<semaphore_mem>>
      %dma_start3A = arith.constant 0 : i32
      %dma_start3A_527 = arith.constant 0 : i32
      %dma_start3A_528 = tpu.memref_slice %arg3[%add3A, %dma_start3A, %dma_start3A_527] : memref<32x80x128xi32, #tpu.memory_space<hbm>> -> memref<1x80x128xi32, #tpu.memory_space<hbm>>
      %dma_start3A_529 = tpu.memref_squeeze %dma_start3A_528 : memref<1x80x128xi32, #tpu.memory_space<hbm>> -> memref<80x128xi32, #tpu.memory_space<hbm>>
      %dma_start3A_530 = arith.constant 0 : i32
      %dma_start3A_531 = arith.constant 0 : i32
      %dma_start3A_532 = tpu.memref_slice %arg3[%add3A, %dma_start3A_530, %dma_start3A_531] : memref<32x80x128xi32, #tpu.memory_space<hbm>> -> memref<1x80x128xi32, #tpu.memory_space<hbm>>
      %dma_start3A_533 = tpu.memref_squeeze %dma_start3A_532 : memref<1x80x128xi32, #tpu.memory_space<hbm>> -> memref<80x128xi32, #tpu.memory_space<hbm>>
      tpu.enqueue_dma source(%dma_start3A_533 : memref<80x128xi32, #tpu.memory_space<hbm>>) target(%arg6 : memref<80x128xi32, #tpu.memory_space<vmem>>) target_semaphore(%run_scoped3A : memref<!tpu.dma_semaphore, #tpu.memory_space<semaphore_mem>>)
      %dma_wait3A = arith.constant 0 : i32
      %dma_wait3A_534 = arith.constant 0 : i32
      %dma_wait3A_535 = tpu.memref_slice %arg3[%add3A, %dma_wait3A, %dma_wait3A_534] : memref<32x80x128xi32, #tpu.memory_space<hbm>> -> memref<1x80x128xi32, #tpu.memory_space<hbm>>
      %dma_wait3A_536 = tpu.memref_squeeze %dma_wait3A_535 : memref<1x80x128xi32, #tpu.memory_space<hbm>> -> memref<80x128xi32, #tpu.memory_space<hbm>>
      %dma_wait3A_537 = arith.constant 0 : i32
      %dma_wait3A_538 = arith.constant 0 : i32
      %dma_wait3A_539 = tpu.memref_slice %arg3[%add3A, %dma_wait3A_537, %dma_wait3A_538] : memref<32x80x128xi32, #tpu.memory_space<hbm>> -> memref<1x80x128xi32, #tpu.memory_space<hbm>>
      %dma_wait3A_540 = tpu.memref_squeeze %dma_wait3A_539 : memref<1x80x128xi32, #tpu.memory_space<hbm>> -> memref<80x128xi32, #tpu.memory_space<hbm>>
      tpu.wait_dma2 semaphore(%run_scoped3A : memref<!tpu.dma_semaphore, #tpu.memory_space<semaphore_mem>>) src(%dma_wait3A_540 : memref<80x128xi32, #tpu.memory_space<hbm>>) dst(%arg6 : memref<80x128xi32, #tpu.memory_space<vmem>>)
      tpu.yield
    }) : () -> ()
    "tpu.region"() ({
      %run_scoped3A = tpu.sem_alloc : memref<!tpu.dma_semaphore, #tpu.memory_space<semaphore_mem>>
      %dma_start3A = arith.constant 0 : i32
      %dma_start3A_527 = arith.constant 0 : i32
      %dma_start3A_528 = tpu.memref_slice %arg4[%add3A, %dma_start3A, %dma_start3A_527] : memref<32x80x128xi32, #tpu.memory_space<hbm>> -> memref<1x80x128xi32, #tpu.memory_space<hbm>>
      %dma_start3A_529 = tpu.memref_squeeze %dma_start3A_528 : memref<1x80x128xi32, #tpu.memory_space<hbm>> -> memref<80x128xi32, #tpu.memory_space<hbm>>
      %dma_start3A_530 = arith.constant 0 : i32
      %dma_start3A_531 = arith.constant 0 : i32
      %dma_start3A_532 = tpu.memref_slice %arg4[%add3A, %dma_start3A_530, %dma_start3A_531] : memref<32x80x128xi32, #tpu.memory_space<hbm>> -> memref<1x80x128xi32, #tpu.memory_space<hbm>>
      %dma_start3A_533 = tpu.memref_squeeze %dma_start3A_532 : memref<1x80x128xi32, #tpu.memory_space<hbm>> -> memref<80x128xi32, #tpu.memory_space<hbm>>
      tpu.enqueue_dma source(%dma_start3A_533 : memref<80x128xi32, #tpu.memory_space<hbm>>) target(%arg7 : memref<80x128xi32, #tpu.memory_space<vmem>>) target_semaphore(%run_scoped3A : memref<!tpu.dma_semaphore, #tpu.memory_space<semaphore_mem>>)
      %dma_wait3A = arith.constant 0 : i32
      %dma_wait3A_534 = arith.constant 0 : i32
      %dma_wait3A_535 = tpu.memref_slice %arg4[%add3A, %dma_wait3A, %dma_wait3A_534] : memref<32x80x128xi32, #tpu.memory_space<hbm>> -> memref<1x80x128xi32, #tpu.memory_space<hbm>>
      %dma_wait3A_536 = tpu.memref_squeeze %dma_wait3A_535 : memref<1x80x128xi32, #tpu.memory_space<hbm>> -> memref<80x128xi32, #tpu.memory_space<hbm>>
      %dma_wait3A_537 = arith.constant 0 : i32
      %dma_wait3A_538 = arith.constant 0 : i32
      %dma_wait3A_539 = tpu.memref_slice %arg4[%add3A, %dma_wait3A_537, %dma_wait3A_538] : memref<32x80x128xi32, #tpu.memory_space<hbm>> -> memref<1x80x128xi32, #tpu.memory_space<hbm>>
      %dma_wait3A_540 = tpu.memref_squeeze %dma_wait3A_539 : memref<1x80x128xi32, #tpu.memory_space<hbm>> -> memref<80x128xi32, #tpu.memory_space<hbm>>
      tpu.wait_dma2 semaphore(%run_scoped3A : memref<!tpu.dma_semaphore, #tpu.memory_space<semaphore_mem>>) src(%dma_wait3A_540 : memref<80x128xi32, #tpu.memory_space<hbm>>) dst(%arg7 : memref<80x128xi32, #tpu.memory_space<vmem>>)
      tpu.yield
    }) : () -> ()
    %scan3A_520 = arith.constant 0 : i32
    %scan3A_521 = arith.constant 0 : i32
    %scan3A_522 = arith.constant 80 : i32
    %scan3A_523 = arith.addi %scan3A_521, %scan3A_522 : i32
    %scan3A_524 = arith.constant 1 : i32
    scf.for %scan3A_527 = %scan3A_521 to %scan3A_523 step %scan3A_524  : i32 {
      %dma_start3A = arith.constant 0 : i32
      %dma_start3A_528 = tpu.memref_slice %arg6[%scan3A_527, %dma_start3A] : memref<80x128xi32, #tpu.memory_space<vmem>> -> memref<1x128xi32, #tpu.memory_space<vmem>>
      %dma_start3A_529 = tpu.memref_squeeze %dma_start3A_528 : memref<1x128xi32, #tpu.memory_space<vmem>> -> memref<128xi32, #tpu.memory_space<vmem>>
      %dma_start3A_530 = arith.constant 0 : i32
      %dma_start3A_531 = arith.constant 0 : i32
      %dma_start3A_532 = tpu.memref_slice %arg2[%dma_start3A_530, %dma_start3A_531] : memref<10000x128xf32, #tpu.memory_space<hbm>> -> memref<10000x128xf32, #tpu.memory_space<hbm>>
      tpu.enqueue_indirect_dma source(%dma_start3A_532 : memref<10000x128xf32, #tpu.memory_space<hbm>>) target(%arg8 : memref<128x128xf32, #tpu.memory_space<vmem>>) offsets(%dma_start3A_529 : memref<128xi32, #tpu.memory_space<vmem>>) semaphore(%arg11 : memref<!tpu.dma_semaphore, #tpu.memory_space<semaphore_mem>>)
      %dma_wait3A = arith.constant 0 : i32
      %dma_wait3A_533 = tpu.memref_slice %arg6[%scan3A_527, %dma_wait3A] : memref<80x128xi32, #tpu.memory_space<vmem>> -> memref<1x128xi32, #tpu.memory_space<vmem>>
      %dma_wait3A_534 = tpu.memref_squeeze %dma_wait3A_533 : memref<1x128xi32, #tpu.memory_space<vmem>> -> memref<128xi32, #tpu.memory_space<vmem>>
      %dma_wait3A_535 = arith.constant 0 : i32
      %dma_wait3A_536 = arith.constant 0 : i32
      %dma_wait3A_537 = tpu.memref_slice %arg2[%dma_wait3A_535, %dma_wait3A_536] : memref<10000x128xf32, #tpu.memory_space<hbm>> -> memref<10000x128xf32, #tpu.memory_space<hbm>>
      tpu.wait_indirect_dma semaphore(%arg11 : memref<!tpu.dma_semaphore, #tpu.memory_space<semaphore_mem>>) src(%dma_wait3A_537 : memref<10000x128xf32, #tpu.memory_space<hbm>>) dst(%arg8 : memref<128x128xf32, #tpu.memory_space<vmem>>)
      "tpu.region"() ({
        %run_scoped3A = tpu.sem_alloc : memref<!tpu.dma_semaphore, #tpu.memory_space<semaphore_mem>>
        %dma_start3A_538 = arith.constant 0 : i32
        %dma_start3A_539 = tpu.memref_slice %arg7[%scan3A_527, %dma_start3A_538] : memref<80x128xi32, #tpu.memory_space<vmem>> -> memref<1x128xi32, #tpu.memory_space<vmem>>
        %dma_start3A_540 = tpu.memref_squeeze %dma_start3A_539 : memref<1x128xi32, #tpu.memory_space<vmem>> -> memref<128xi32, #tpu.memory_space<vmem>>
        %dma_start3A_541 = arith.constant 0 : i32
        %dma_start3A_542 = arith.constant 0 : i32
        %dma_start3A_543 = tpu.memref_slice %arg10[%dma_start3A_541, %dma_start3A_542] : memref<10240x128xf32, #tpu.memory_space<vmem_shared>> -> memref<10240x128xf32, #tpu.memory_space<vmem_shared>>
        tpu.enqueue_indirect_dma source(%arg8 : memref<128x128xf32, #tpu.memory_space<vmem>>) target(%dma_start3A_543 : memref<10240x128xf32, #tpu.memory_space<vmem_shared>>) offsets(%dma_start3A_540 : memref<128xi32, #tpu.memory_space<vmem>>) semaphore(%run_scoped3A : memref<!tpu.dma_semaphore, #tpu.memory_space<semaphore_mem>>) {add = true}
        %dma_wait3A_544 = arith.constant 0 : i32
        %dma_wait3A_545 = tpu.memref_slice %arg7[%scan3A_527, %dma_wait3A_544] : memref<80x128xi32, #tpu.memory_space<vmem>> -> memref<1x128xi32, #tpu.memory_space<vmem>>
        %dma_wait3A_546 = tpu.memref_squeeze %dma_wait3A_545 : memref<1x128xi32, #tpu.memory_space<vmem>> -> memref<128xi32, #tpu.memory_space<vmem>>
        %dma_wait3A_547 = arith.constant 0 : i32
        %dma_wait3A_548 = arith.constant 0 : i32
        %dma_wait3A_549 = tpu.memref_slice %arg10[%dma_wait3A_547, %dma_wait3A_548] : memref<10240x128xf32, #tpu.memory_space<vmem_shared>> -> memref<10240x128xf32, #tpu.memory_space<vmem_shared>>
        tpu.wait_indirect_dma semaphore(%run_scoped3A : memref<!tpu.dma_semaphore, #tpu.memory_space<semaphore_mem>>) src(%arg8 : memref<128x128xf32, #tpu.memory_space<vmem>>) dst(%dma_wait3A_549 : memref<10240x128xf32, #tpu.memory_space<vmem_shared>>)
        tpu.yield
      }) : () -> ()
    }
    %scan3A_525 = arith.constant 80 : i32
    %barrier3A_526 = arith.constant 0 : index
    tpu.barrier barrier_id(%barrier3A_526)
    "tpu.region"() ({
      %run_scoped3A = tpu.sem_alloc : memref<!tpu.dma_semaphore, #tpu.memory_space<semaphore_mem>>
      %dma_start3A = arith.constant 0 : i32
      %dma_start3A_527 = tpu.memref_slice %arg5[%arg0, %mul3A_514, %dma_start3A] : memref<2x10240x128xf32, #tpu.memory_space<hbm>> -> memref<1x640x128xf32, #tpu.memory_space<hbm>>
      %dma_start3A_528 = tpu.memref_squeeze %dma_start3A_527 : memref<1x640x128xf32, #tpu.memory_space<hbm>> -> memref<640x128xf32, #tpu.memory_space<hbm>>
      %dma_start3A_529 = arith.constant 0 : i32
      %dma_start3A_530 = tpu.memref_slice %arg10[%mul3A_514, %dma_start3A_529] : memref<10240x128xf32, #tpu.memory_space<vmem_shared>> -> memref<640x128xf32, #tpu.memory_space<vmem_shared>>
      tpu.enqueue_dma source(%dma_start3A_530 : memref<640x128xf32, #tpu.memory_space<vmem_shared>>) target(%dma_start3A_528 : memref<640x128xf32, #tpu.memory_space<hbm>>) target_semaphore(%run_scoped3A : memref<!tpu.dma_semaphore, #tpu.memory_space<semaphore_mem>>)
      %dma_wait3A = arith.constant 0 : i32
      %dma_wait3A_531 = tpu.memref_slice %arg5[%arg0, %mul3A_514, %dma_wait3A] : memref<2x10240x128xf32, #tpu.memory_space<hbm>> -> memref<1x640x128xf32, #tpu.memory_space<hbm>>
      %dma_wait3A_532 = tpu.memref_squeeze %dma_wait3A_531 : memref<1x640x128xf32, #tpu.memory_space<hbm>> -> memref<640x128xf32, #tpu.memory_space<hbm>>
      %dma_wait3A_533 = arith.constant 0 : i32
      %dma_wait3A_534 = tpu.memref_slice %arg10[%mul3A_514, %dma_wait3A_533] : memref<10240x128xf32, #tpu.memory_space<vmem_shared>> -> memref<640x128xf32, #tpu.memory_space<vmem_shared>>
      tpu.wait_dma2 semaphore(%run_scoped3A : memref<!tpu.dma_semaphore, #tpu.memory_space<semaphore_mem>>) src(%dma_wait3A_534 : memref<640x128xf32, #tpu.memory_space<vmem_shared>>) dst(%dma_wait3A_532 : memref<640x128xf32, #tpu.memory_space<hbm>>)
      tpu.yield
    }) : () -> ()
    return
  }
}

module attributes {stable_mosaic.version = 14 : i64} {
  func.func @_h0_body(%arg0: i32, %arg1: memref<400x9xi32, #tpu.memory_space<vmem>>, %arg2: memref<1024x128xf32, #tpu.memory_space<vmem>>, %arg3: memref<400x128xf32, #tpu.memory_space<vmem>>) attributes {dimension_semantics = [#tpu.dimension_semantics<arbitrary>], iteration_bounds = array<i64: 25>, scalar_prefetch = 0 : i64, scratch_operands = 0 : i64, tpu.core_type = #tpu.core_type<tc>, window_params = [{transform_indices = @transform_0, window_bounds = array<i64: 400, 9>}, {pipeline_mode = #tpu.pipeline_mode<synchronous>, transform_indices = @transform_1, window_bounds = array<i64: 1024, 128>}, {transform_indices = @transform_2, window_bounds = array<i64: 400, 128>}]} {
    %get3A = arith.constant 0 : index
    %get3A_0 = arith.constant 0 : index
    %get3A_1 = vector.load %arg1[%get3A, %get3A_0] : memref<400x9xi32, #tpu.memory_space<vmem>>, vector<400x9xi32>
    %iota3A = tpu.iota {dimensions = array<i32: 1>} : vector<400x1024xi32>
    %broadcast_in_dim3A = arith.constant 0.000000e+00 : f32
    %broadcast_in_dim3A_2 = vector.broadcast %broadcast_in_dim3A : f32 to vector<400x1024xf32>
    %slice3A = vector.extract_strided_slice %get3A_1 {offsets = [0, 0], sizes = [400, 1], strides = [1, 1]} : vector<400x9xi32> to vector<400x1xi32>
    %squeeze3A = vector.shape_cast %slice3A : vector<400x1xi32> to vector<400xi32>
    %broadcast_in_dim3A_3 = vector.shape_cast %squeeze3A : vector<400xi32> to vector<400x1xi32>
    %eq3A = vector.broadcast %broadcast_in_dim3A_3 : vector<400x1xi32> to vector<400x1024xi32>
    %eq3A_4 = arith.cmpi eq, %iota3A, %eq3A : vector<400x1024xi32>
    %convert_element_type3A = arith.extui %eq3A_4 : vector<400x1024xi1> to vector<400x1024xi32>
    %convert_element_type3A_5 = arith.sitofp %convert_element_type3A : vector<400x1024xi32> to vector<400x1024xf32>
    %add3A = arith.addf %broadcast_in_dim3A_2, %convert_element_type3A_5 : vector<400x1024xf32>
    %slice3A_6 = vector.extract_strided_slice %get3A_1 {offsets = [0, 1], sizes = [400, 1], strides = [1, 1]} : vector<400x9xi32> to vector<400x1xi32>
    %squeeze3A_7 = vector.shape_cast %slice3A_6 : vector<400x1xi32> to vector<400xi32>
    %broadcast_in_dim3A_8 = vector.shape_cast %squeeze3A_7 : vector<400xi32> to vector<400x1xi32>
    %eq3A_9 = vector.broadcast %broadcast_in_dim3A_8 : vector<400x1xi32> to vector<400x1024xi32>
    %eq3A_10 = arith.cmpi eq, %iota3A, %eq3A_9 : vector<400x1024xi32>
    %convert_element_type3A_11 = arith.extui %eq3A_10 : vector<400x1024xi1> to vector<400x1024xi32>
    %convert_element_type3A_12 = arith.sitofp %convert_element_type3A_11 : vector<400x1024xi32> to vector<400x1024xf32>
    %add3A_13 = arith.addf %add3A, %convert_element_type3A_12 : vector<400x1024xf32>
    %slice3A_14 = vector.extract_strided_slice %get3A_1 {offsets = [0, 2], sizes = [400, 1], strides = [1, 1]} : vector<400x9xi32> to vector<400x1xi32>
    %squeeze3A_15 = vector.shape_cast %slice3A_14 : vector<400x1xi32> to vector<400xi32>
    %broadcast_in_dim3A_16 = vector.shape_cast %squeeze3A_15 : vector<400xi32> to vector<400x1xi32>
    %eq3A_17 = vector.broadcast %broadcast_in_dim3A_16 : vector<400x1xi32> to vector<400x1024xi32>
    %eq3A_18 = arith.cmpi eq, %iota3A, %eq3A_17 : vector<400x1024xi32>
    %convert_element_type3A_19 = arith.extui %eq3A_18 : vector<400x1024xi1> to vector<400x1024xi32>
    %convert_element_type3A_20 = arith.sitofp %convert_element_type3A_19 : vector<400x1024xi32> to vector<400x1024xf32>
    %add3A_21 = arith.addf %add3A_13, %convert_element_type3A_20 : vector<400x1024xf32>
    %slice3A_22 = vector.extract_strided_slice %get3A_1 {offsets = [0, 3], sizes = [400, 1], strides = [1, 1]} : vector<400x9xi32> to vector<400x1xi32>
    %squeeze3A_23 = vector.shape_cast %slice3A_22 : vector<400x1xi32> to vector<400xi32>
    %broadcast_in_dim3A_24 = vector.shape_cast %squeeze3A_23 : vector<400xi32> to vector<400x1xi32>
    %eq3A_25 = vector.broadcast %broadcast_in_dim3A_24 : vector<400x1xi32> to vector<400x1024xi32>
    %eq3A_26 = arith.cmpi eq, %iota3A, %eq3A_25 : vector<400x1024xi32>
    %convert_element_type3A_27 = arith.extui %eq3A_26 : vector<400x1024xi1> to vector<400x1024xi32>
    %convert_element_type3A_28 = arith.sitofp %convert_element_type3A_27 : vector<400x1024xi32> to vector<400x1024xf32>
    %add3A_29 = arith.addf %add3A_21, %convert_element_type3A_28 : vector<400x1024xf32>
    %slice3A_30 = vector.extract_strided_slice %get3A_1 {offsets = [0, 4], sizes = [400, 1], strides = [1, 1]} : vector<400x9xi32> to vector<400x1xi32>
    %squeeze3A_31 = vector.shape_cast %slice3A_30 : vector<400x1xi32> to vector<400xi32>
    %broadcast_in_dim3A_32 = vector.shape_cast %squeeze3A_31 : vector<400xi32> to vector<400x1xi32>
    %eq3A_33 = vector.broadcast %broadcast_in_dim3A_32 : vector<400x1xi32> to vector<400x1024xi32>
    %eq3A_34 = arith.cmpi eq, %iota3A, %eq3A_33 : vector<400x1024xi32>
    %convert_element_type3A_35 = arith.extui %eq3A_34 : vector<400x1024xi1> to vector<400x1024xi32>
    %convert_element_type3A_36 = arith.sitofp %convert_element_type3A_35 : vector<400x1024xi32> to vector<400x1024xf32>
    %add3A_37 = arith.addf %add3A_29, %convert_element_type3A_36 : vector<400x1024xf32>
    %slice3A_38 = vector.extract_strided_slice %get3A_1 {offsets = [0, 5], sizes = [400, 1], strides = [1, 1]} : vector<400x9xi32> to vector<400x1xi32>
    %squeeze3A_39 = vector.shape_cast %slice3A_38 : vector<400x1xi32> to vector<400xi32>
    %broadcast_in_dim3A_40 = vector.shape_cast %squeeze3A_39 : vector<400xi32> to vector<400x1xi32>
    %eq3A_41 = vector.broadcast %broadcast_in_dim3A_40 : vector<400x1xi32> to vector<400x1024xi32>
    %eq3A_42 = arith.cmpi eq, %iota3A, %eq3A_41 : vector<400x1024xi32>
    %convert_element_type3A_43 = arith.extui %eq3A_42 : vector<400x1024xi1> to vector<400x1024xi32>
    %convert_element_type3A_44 = arith.sitofp %convert_element_type3A_43 : vector<400x1024xi32> to vector<400x1024xf32>
    %add3A_45 = arith.addf %add3A_37, %convert_element_type3A_44 : vector<400x1024xf32>
    %slice3A_46 = vector.extract_strided_slice %get3A_1 {offsets = [0, 6], sizes = [400, 1], strides = [1, 1]} : vector<400x9xi32> to vector<400x1xi32>
    %squeeze3A_47 = vector.shape_cast %slice3A_46 : vector<400x1xi32> to vector<400xi32>
    %broadcast_in_dim3A_48 = vector.shape_cast %squeeze3A_47 : vector<400xi32> to vector<400x1xi32>
    %eq3A_49 = vector.broadcast %broadcast_in_dim3A_48 : vector<400x1xi32> to vector<400x1024xi32>
    %eq3A_50 = arith.cmpi eq, %iota3A, %eq3A_49 : vector<400x1024xi32>
    %convert_element_type3A_51 = arith.extui %eq3A_50 : vector<400x1024xi1> to vector<400x1024xi32>
    %convert_element_type3A_52 = arith.sitofp %convert_element_type3A_51 : vector<400x1024xi32> to vector<400x1024xf32>
    %add3A_53 = arith.addf %add3A_45, %convert_element_type3A_52 : vector<400x1024xf32>
    %slice3A_54 = vector.extract_strided_slice %get3A_1 {offsets = [0, 7], sizes = [400, 1], strides = [1, 1]} : vector<400x9xi32> to vector<400x1xi32>
    %squeeze3A_55 = vector.shape_cast %slice3A_54 : vector<400x1xi32> to vector<400xi32>
    %broadcast_in_dim3A_56 = vector.shape_cast %squeeze3A_55 : vector<400xi32> to vector<400x1xi32>
    %eq3A_57 = vector.broadcast %broadcast_in_dim3A_56 : vector<400x1xi32> to vector<400x1024xi32>
    %eq3A_58 = arith.cmpi eq, %iota3A, %eq3A_57 : vector<400x1024xi32>
    %convert_element_type3A_59 = arith.extui %eq3A_58 : vector<400x1024xi1> to vector<400x1024xi32>
    %convert_element_type3A_60 = arith.sitofp %convert_element_type3A_59 : vector<400x1024xi32> to vector<400x1024xf32>
    %add3A_61 = arith.addf %add3A_53, %convert_element_type3A_60 : vector<400x1024xf32>
    %slice3A_62 = vector.extract_strided_slice %get3A_1 {offsets = [0, 8], sizes = [400, 1], strides = [1, 1]} : vector<400x9xi32> to vector<400x1xi32>
    %squeeze3A_63 = vector.shape_cast %slice3A_62 : vector<400x1xi32> to vector<400xi32>
    %broadcast_in_dim3A_64 = vector.shape_cast %squeeze3A_63 : vector<400xi32> to vector<400x1xi32>
    %eq3A_65 = vector.broadcast %broadcast_in_dim3A_64 : vector<400x1xi32> to vector<400x1024xi32>
    %eq3A_66 = arith.cmpi eq, %iota3A, %eq3A_65 : vector<400x1024xi32>
    %convert_element_type3A_67 = arith.extui %eq3A_66 : vector<400x1024xi1> to vector<400x1024xi32>
    %convert_element_type3A_68 = arith.sitofp %convert_element_type3A_67 : vector<400x1024xi32> to vector<400x1024xf32>
    %add3A_69 = arith.addf %add3A_61, %convert_element_type3A_68 : vector<400x1024xf32>
    %get3A_70 = arith.constant 0 : index
    %get3A_71 = arith.constant 0 : index
    %get3A_72 = vector.load %arg2[%get3A_70, %get3A_71] : memref<1024x128xf32, #tpu.memory_space<vmem>>, vector<1024x128xf32>
    %dot_general3A = arith.constant dense<0.000000e+00> : vector<400x128xf32>
    %dot_general3A_73 = tpu.matmul %add3A_69, %get3A_72, %dot_general3A {dimension_numbers = #tpu.dot_dimension_numbers<[1], [0], [0], [1], [0, 0, 1, 1], [], []>, precision = #tpu.contract_precision<fp32>, transpose_lhs_hint = false} : vector<400x1024xf32>, vector<1024x128xf32>, vector<400x128xf32> -> vector<400x128xf32>
    %swap3A = arith.constant 0 : index
    %swap3A_74 = arith.constant 0 : index
    %swap3A_75 = vector.load %arg3[%swap3A, %swap3A_74] : memref<400x128xf32, #tpu.memory_space<vmem>>, vector<400x128xf32>
    tpu.vector_store %arg3[%swap3A, %swap3A_74], %dot_general3A_73 {strides = array<i32>} : memref<400x128xf32, #tpu.memory_space<vmem>>, vector<400x128xf32>,
    return
  }
  func.func @transform_0(%arg0: i32) -> (i32, i32) {
    %c0_i32 = arith.constant 0 : i32
    %c0_i32_0 = arith.constant 0 : i32
    return %arg0, %c0_i32 : i32, i32
  }
  func.func @transform_1(%arg0: i32) -> (i32, i32) {
    %c0_i32 = arith.constant 0 : i32
    %c0_i32_0 = arith.constant 0 : i32
    %c0_i32_1 = arith.constant 0 : i32
    return %c0_i32, %c0_i32_0 : i32, i32
  }
  func.func @transform_2(%arg0: i32) -> (i32, i32) {
    %c0_i32 = arith.constant 0 : i32
    %c0_i32_0 = arith.constant 0 : i32
    return %arg0, %c0_i32 : i32, i32
  }
}

module attributes {stable_mosaic.version = 14 : i64} {
  func.func @_dense_body(%arg0: i32, %arg1: i32, %arg2: memref<400x128xf32, #tpu.memory_space<vmem>>, %arg3: memref<2x400x128xf32, #tpu.memory_space<vmem>>, %arg4: memref<2x400x16xf32, #tpu.memory_space<vmem>>, %arg5: memref<16x128xf32, #tpu.memory_space<vmem>>, %arg6: memref<128x128xf32, #tpu.memory_space<vmem>>, %arg7: memref<1x128xf32, #tpu.memory_space<vmem>>, %arg8: memref<1x128xf32, #tpu.memory_space<vmem>>, %arg9: memref<1x128xf32, #tpu.memory_space<vmem>>, %arg10: memref<400x128xf32, #tpu.memory_space<vmem>>, %arg11: memref<10000x128xf32, #tpu.memory_space<vmem>>, %arg12: memref<1x128xf32, #tpu.memory_space<vmem>>, %arg13: memref<1x128xf32, #tpu.memory_space<vmem>>, %arg14: memref<1x128xf32, #tpu.memory_space<vmem>>) attributes {dimension_semantics = [#tpu.dimension_semantics<arbitrary>, #tpu.dimension_semantics<arbitrary>], iteration_bounds = array<i64: 3, 25>, scalar_prefetch = 0 : i64, scratch_operands = 4 : i64, tpu.core_type = #tpu.core_type<tc>, window_params = [{transform_indices = @transform_0, window_bounds = array<i64: 400, 128>}, {transform_indices = @transform_1, window_bounds = array<i64: 2, 400, 128>}, {transform_indices = @transform_2, window_bounds = array<i64: 2, 400, 16>}, {pipeline_mode = #tpu.pipeline_mode<synchronous>, transform_indices = @transform_3, window_bounds = array<i64: 16, 128>}, {pipeline_mode = #tpu.pipeline_mode<synchronous>, transform_indices = @transform_4, window_bounds = array<i64: 128, 128>}, {pipeline_mode = #tpu.pipeline_mode<synchronous>, transform_indices = @transform_5, window_bounds = array<i64: 1, 128>}, {pipeline_mode = #tpu.pipeline_mode<synchronous>, transform_indices = @transform_6, window_bounds = array<i64: 1, 128>}, {pipeline_mode = #tpu.pipeline_mode<synchronous>, transform_indices = @transform_7, window_bounds = array<i64: 1, 128>}, {transform_indices = @transform_8, window_bounds = array<i64: 400, 128>}]} {
    %eq3A = arith.constant 0 : i32
    %eq3A_0 = arith.cmpi eq, %arg0, %eq3A : i32
    %convert_element_type3A = arith.extui %eq3A_0 : i1 to i32
    %cond3A = arith.constant 0 : i32
    %cond3A_1 = arith.cmpi ne, %convert_element_type3A, %cond3A : i32
    scf.if %cond3A_1 {
      %get3A = arith.constant 0 : index
      %get3A_12 = arith.constant 0 : index
      %get3A_13 = arith.constant 0 : index
      %get3A_14 = vector.load %arg4[%get3A, %get3A_12, %get3A_13] : memref<2x400x16xf32, #tpu.memory_space<vmem>>, vector<1x400x16xf32>
      %get3A_15 = vector.shape_cast %get3A_14 : vector<1x400x16xf32> to vector<400x16xf32>
      %get3A_16 = arith.constant 1 : index
      %get3A_17 = arith.constant 0 : index
      %get3A_18 = arith.constant 0 : index
      %get3A_19 = vector.load %arg4[%get3A_16, %get3A_17, %get3A_18] : memref<2x400x16xf32, #tpu.memory_space<vmem>>, vector<1x400x16xf32>
      %get3A_20 = vector.shape_cast %get3A_19 : vector<1x400x16xf32> to vector<400x16xf32>
      %add3A = arith.addf %get3A_15, %get3A_20 : vector<400x16xf32>
      %get3A_21 = arith.constant 0 : index
      %get3A_22 = arith.constant 0 : index
      %get3A_23 = arith.constant 0 : index
      %get3A_24 = vector.load %arg3[%get3A_21, %get3A_22, %get3A_23] : memref<2x400x128xf32, #tpu.memory_space<vmem>>, vector<1x400x128xf32>
      %get3A_25 = vector.shape_cast %get3A_24 : vector<1x400x128xf32> to vector<400x128xf32>
      %get3A_26 = arith.constant 1 : index
      %get3A_27 = arith.constant 0 : index
      %get3A_28 = arith.constant 0 : index
      %get3A_29 = vector.load %arg3[%get3A_26, %get3A_27, %get3A_28] : memref<2x400x128xf32, #tpu.memory_space<vmem>>, vector<1x400x128xf32>
      %get3A_30 = vector.shape_cast %get3A_29 : vector<1x400x128xf32> to vector<400x128xf32>
      %add3A_31 = arith.addf %get3A_25, %get3A_30 : vector<400x128xf32>
      %reduce_sum3A = arith.constant dense<0.000000e+00> : vector<400xf32>
      %reduce_sum3A_32 = vector.multi_reduction <add>, %add3A, %reduce_sum3A [1] : vector<400x16xf32> to vector<400xf32>
      %broadcast_in_dim3A = vector.shape_cast %reduce_sum3A_32 : vector<400xf32> to vector<400x1xf32>
      %mul3A = arith.constant 0.333333343 : f32
      %mul3A_33 = vector.broadcast %mul3A : f32 to vector<400x1xf32>
      %mul3A_34 = arith.mulf %broadcast_in_dim3A, %mul3A_33 : vector<400x1xf32>
      %add3A_35 = arith.constant 1.000000e+00 : f32
      %add3A_36 = vector.broadcast %add3A_35 : f32 to vector<400x1xf32>
      %add3A_37 = arith.addf %add3A_36, %mul3A_34 : vector<400x1xf32>
      %get3A_38 = arith.constant 0 : index
      %get3A_39 = arith.constant 0 : index
      %get3A_40 = vector.load %arg5[%get3A_38, %get3A_39] : memref<16x128xf32, #tpu.memory_space<vmem>>, vector<16x128xf32>
      %dot_general3A = arith.constant dense<0.000000e+00> : vector<400x128xf32>
      %dot_general3A_41 = tpu.matmul %add3A, %get3A_40, %dot_general3A {dimension_numbers = #tpu.dot_dimension_numbers<[1], [0], [0], [1], [0, 0, 1, 1], [], []>, precision = #tpu.contract_precision<fp32>, transpose_lhs_hint = false} : vector<400x16xf32>, vector<16x128xf32>, vector<400x128xf32> -> vector<400x128xf32>
      %div3A = arith.constant 1.000000e+00 : f32
      %div3A_42 = vector.broadcast %div3A : f32 to vector<400x1xf32>
      %div3A_43 = arith.divf %div3A_42, %add3A_37 : vector<400x1xf32>
      %mul3A_44 = arith.mulf %add3A_37, %div3A_43 : vector<400x1xf32>
      %sub3A = arith.constant 2.000000e+00 : f32
      %sub3A_45 = vector.broadcast %sub3A : f32 to vector<400x1xf32>
      %sub3A_46 = arith.subf %sub3A_45, %mul3A_44 : vector<400x1xf32>
      %mul3A_47 = arith.mulf %div3A_43, %sub3A_46 : vector<400x1xf32>
      %get3A_48 = arith.constant 0 : index
      %get3A_49 = arith.constant 0 : index
      %get3A_50 = vector.load %arg2[%get3A_48, %get3A_49] : memref<400x128xf32, #tpu.memory_space<vmem>>, vector<400x128xf32>
      %add3A_51 = arith.addf %get3A_50, %add3A_31 : vector<400x128xf32>
      %add3A_52 = arith.addf %add3A_51, %dot_general3A_41 : vector<400x128xf32>
      %mul3A_53 = vector.broadcast %mul3A_47 : vector<400x1xf32> to vector<400x128xf32>
      %mul3A_54 = arith.mulf %add3A_52, %mul3A_53 : vector<400x128xf32>
      %get3A_55 = arith.constant 0 : index
      %get3A_56 = arith.constant 0 : index
      %get3A_57 = vector.load %arg6[%get3A_55, %get3A_56] : memref<128x128xf32, #tpu.memory_space<vmem>>, vector<128x128xf32>
      %dot_general3A_58 = arith.constant dense<0.000000e+00> : vector<400x128xf32>
      %dot_general3A_59 = tpu.matmul %mul3A_54, %get3A_57, %dot_general3A_58 {dimension_numbers = #tpu.dot_dimension_numbers<[1], [0], [0], [1], [0, 0, 1, 1], [], []>, transpose_lhs_hint = false} : vector<400x128xf32>, vector<128x128xf32>, vector<400x128xf32> -> vector<400x128xf32>
      %get3A_60 = arith.constant 0 : index
      %get3A_61 = arith.constant 0 : index
      %get3A_62 = vector.load %arg7[%get3A_60, %get3A_61] : memref<1x128xf32, #tpu.memory_space<vmem>>, vector<1x128xf32>
      %add3A_63 = vector.broadcast %get3A_62 : vector<1x128xf32> to vector<400x128xf32>
      %add3A_64 = arith.addf %dot_general3A_59, %add3A_63 : vector<400x128xf32>
      %mul3A_65 = arith.constant 400 : i32
      %mul3A_66 = arith.muli %arg1, %mul3A_65 : i32
      %swap3A = arith.index_cast %mul3A_66 : i32 to index
      %swap3A_67 = arith.constant 0 : index
      %swap3A_68 = vector.load %arg11[%swap3A, %swap3A_67] : memref<10000x128xf32, #tpu.memory_space<vmem>>, vector<400x128xf32>
      tpu.vector_store %arg11[%swap3A, %swap3A_67], %add3A_64 {strides = array<i32>} : memref<10000x128xf32, #tpu.memory_space<vmem>>, vector<400x128xf32>,
      %reduce_sum3A_69 = arith.constant dense<0.000000e+00> : vector<128xf32>
      %reduce_sum3A_70 = vector.multi_reduction <add>, %add3A_64, %reduce_sum3A_69 [0] : vector<400x128xf32> to vector<128xf32>
      %broadcast_in_dim3A_71 = vector.shape_cast %reduce_sum3A_70 : vector<128xf32> to vector<1x128xf32>
      %eq3A_72 = arith.constant 0 : i32
      %eq3A_73 = arith.cmpi eq, %arg1, %eq3A_72 : i32
      %convert_element_type3A_74 = arith.extui %eq3A_73 : i1 to i32
      %cond3A_75 = arith.constant 0 : i32
      %cond3A_76 = arith.cmpi ne, %convert_element_type3A_74, %cond3A_75 : i32
      scf.if %cond3A_76 {
        %swap3A_81 = arith.constant 0 : index
        %swap3A_82 = arith.constant 0 : index
        %swap3A_83 = vector.load %arg12[%swap3A_81, %swap3A_82] : memref<1x128xf32, #tpu.memory_space<vmem>>, vector<1x128xf32>
        tpu.vector_store %arg12[%swap3A_81, %swap3A_82], %broadcast_in_dim3A_71 {strides = array<i32>} : memref<1x128xf32, #tpu.memory_space<vmem>>, vector<1x128xf32>,
      } else {
      }
      %gt3A = arith.constant 0 : i32
      %gt3A_77 = arith.cmpi sgt, %arg1, %gt3A : i32
      %convert_element_type3A_78 = arith.extui %gt3A_77 : i1 to i32
      %cond3A_79 = arith.constant 0 : i32
      %cond3A_80 = arith.cmpi ne, %convert_element_type3A_78, %cond3A_79 : i32
      scf.if %cond3A_80 {
        %get3A_81 = arith.constant 0 : index
        %get3A_82 = arith.constant 0 : index
        %get3A_83 = vector.load %arg12[%get3A_81, %get3A_82] : memref<1x128xf32, #tpu.memory_space<vmem>>, vector<1x128xf32>
        %add3A_84 = arith.addf %get3A_83, %broadcast_in_dim3A_71 : vector<1x128xf32>
        %swap3A_85 = arith.constant 0 : index
        %swap3A_86 = arith.constant 0 : index
        %swap3A_87 = vector.load %arg12[%swap3A_85, %swap3A_86] : memref<1x128xf32, #tpu.memory_space<vmem>>, vector<1x128xf32>
        tpu.vector_store %arg12[%swap3A_85, %swap3A_86], %add3A_84 {strides = array<i32>} : memref<1x128xf32, #tpu.memory_space<vmem>>, vector<1x128xf32>,
      } else {
      }
    } else {
    }
    %eq3A_2 = arith.constant 1 : i32
    %eq3A_3 = arith.cmpi eq, %arg0, %eq3A_2 : i32
    %convert_element_type3A_4 = arith.extui %eq3A_3 : i1 to i32
    %cond3A_5 = arith.constant 0 : i32
    %cond3A_6 = arith.cmpi ne, %convert_element_type3A_4, %cond3A_5 : i32
    scf.if %cond3A_6 {
      %mul3A = arith.constant 400 : i32
      %mul3A_12 = arith.muli %arg1, %mul3A : i32
      %get3A = arith.index_cast %mul3A_12 : i32 to index
      %get3A_13 = arith.constant 0 : index
      %get3A_14 = vector.load %arg11[%get3A, %get3A_13] : memref<10000x128xf32, #tpu.memory_space<vmem>>, vector<400x128xf32>
      %get3A_15 = arith.constant 0 : index
      %get3A_16 = arith.constant 0 : index
      %get3A_17 = vector.load %arg12[%get3A_15, %get3A_16] : memref<1x128xf32, #tpu.memory_space<vmem>>, vector<1x128xf32>
      %mul3A_18 = arith.constant 9.99999974E-5 : f32
      %mul3A_19 = vector.broadcast %mul3A_18 : f32 to vector<1x128xf32>
      %mul3A_20 = arith.mulf %get3A_17, %mul3A_19 : vector<1x128xf32>
      %sub3A = vector.broadcast %mul3A_20 : vector<1x128xf32> to vector<400x128xf32>
      %sub3A_21 = arith.subf %get3A_14, %sub3A : vector<400x128xf32>
      %mul3A_22 = arith.mulf %sub3A_21, %sub3A_21 : vector<400x128xf32>
      %reduce_sum3A = arith.constant dense<0.000000e+00> : vector<128xf32>
      %reduce_sum3A_23 = vector.multi_reduction <add>, %mul3A_22, %reduce_sum3A [0] : vector<400x128xf32> to vector<128xf32>
      %broadcast_in_dim3A = vector.shape_cast %reduce_sum3A_23 : vector<128xf32> to vector<1x128xf32>
      %eq3A_24 = arith.constant 0 : i32
      %eq3A_25 = arith.cmpi eq, %arg1, %eq3A_24 : i32
      %convert_element_type3A_26 = arith.extui %eq3A_25 : i1 to i32
      %cond3A_27 = arith.constant 0 : i32
      %cond3A_28 = arith.cmpi ne, %convert_element_type3A_26, %cond3A_27 : i32
      scf.if %cond3A_28 {
        %swap3A = arith.constant 0 : index
        %swap3A_33 = arith.constant 0 : index
        %swap3A_34 = vector.load %arg13[%swap3A, %swap3A_33] : memref<1x128xf32, #tpu.memory_space<vmem>>, vector<1x128xf32>
        tpu.vector_store %arg13[%swap3A, %swap3A_33], %broadcast_in_dim3A {strides = array<i32>} : memref<1x128xf32, #tpu.memory_space<vmem>>, vector<1x128xf32>,
      } else {
      }
      %gt3A = arith.constant 0 : i32
      %gt3A_29 = arith.cmpi sgt, %arg1, %gt3A : i32
      %convert_element_type3A_30 = arith.extui %gt3A_29 : i1 to i32
      %cond3A_31 = arith.constant 0 : i32
      %cond3A_32 = arith.cmpi ne, %convert_element_type3A_30, %cond3A_31 : i32
      scf.if %cond3A_32 {
        %get3A_33 = arith.constant 0 : index
        %get3A_34 = arith.constant 0 : index
        %get3A_35 = vector.load %arg13[%get3A_33, %get3A_34] : memref<1x128xf32, #tpu.memory_space<vmem>>, vector<1x128xf32>
        %add3A = arith.addf %get3A_35, %broadcast_in_dim3A : vector<1x128xf32>
        %swap3A = arith.constant 0 : index
        %swap3A_36 = arith.constant 0 : index
        %swap3A_37 = vector.load %arg13[%swap3A, %swap3A_36] : memref<1x128xf32, #tpu.memory_space<vmem>>, vector<1x128xf32>
        tpu.vector_store %arg13[%swap3A, %swap3A_36], %add3A {strides = array<i32>} : memref<1x128xf32, #tpu.memory_space<vmem>>, vector<1x128xf32>,
      } else {
      }
    } else {
    }
    %eq3A_7 = arith.constant 2 : i32
    %eq3A_8 = arith.cmpi eq, %arg0, %eq3A_7 : i32
    %convert_element_type3A_9 = arith.extui %eq3A_8 : i1 to i32
    %cond3A_10 = arith.constant 0 : i32
    %cond3A_11 = arith.cmpi ne, %convert_element_type3A_9, %cond3A_10 : i32
    scf.if %cond3A_11 {
      %mul3A = arith.constant 400 : i32
      %mul3A_12 = arith.muli %arg1, %mul3A : i32
      %get3A = arith.index_cast %mul3A_12 : i32 to index
      %get3A_13 = arith.constant 0 : index
      %get3A_14 = vector.load %arg11[%get3A, %get3A_13] : memref<10000x128xf32, #tpu.memory_space<vmem>>, vector<400x128xf32>
      %get3A_15 = arith.constant 0 : index
      %get3A_16 = arith.constant 0 : index
      %get3A_17 = vector.load %arg12[%get3A_15, %get3A_16] : memref<1x128xf32, #tpu.memory_space<vmem>>, vector<1x128xf32>
      %mul3A_18 = arith.constant 9.99999974E-5 : f32
      %mul3A_19 = vector.broadcast %mul3A_18 : f32 to vector<1x128xf32>
      %mul3A_20 = arith.mulf %get3A_17, %mul3A_19 : vector<1x128xf32>
      %get3A_21 = arith.constant 0 : index
      %get3A_22 = arith.constant 0 : index
      %get3A_23 = vector.load %arg13[%get3A_21, %get3A_22] : memref<1x128xf32, #tpu.memory_space<vmem>>, vector<1x128xf32>
      %mul3A_24 = arith.constant 9.99999974E-5 : f32
      %mul3A_25 = vector.broadcast %mul3A_24 : f32 to vector<1x128xf32>
      %mul3A_26 = arith.mulf %get3A_23, %mul3A_25 : vector<1x128xf32>
      %add3A = arith.constant 9.99999974E-6 : f32
      %add3A_27 = vector.broadcast %add3A : f32 to vector<1x128xf32>
      %add3A_28 = arith.addf %mul3A_26, %add3A_27 : vector<1x128xf32>
      %rsqrt3A = math.rsqrt %add3A_28 : vector<1x128xf32>
      %mul3A_29 = arith.constant 5.000000e-01 : f32
      %mul3A_30 = vector.broadcast %mul3A_29 : f32 to vector<1x128xf32>
      %mul3A_31 = arith.mulf %mul3A_30, %add3A_28 : vector<1x128xf32>
      %mul3A_32 = arith.mulf %mul3A_31, %rsqrt3A : vector<1x128xf32>
      %mul3A_33 = arith.mulf %mul3A_32, %rsqrt3A : vector<1x128xf32>
      %sub3A = arith.constant 1.500000e+00 : f32
      %sub3A_34 = vector.broadcast %sub3A : f32 to vector<1x128xf32>
      %sub3A_35 = arith.subf %sub3A_34, %mul3A_33 : vector<1x128xf32>
      %mul3A_36 = arith.mulf %rsqrt3A, %sub3A_35 : vector<1x128xf32>
      %sub3A_37 = vector.broadcast %mul3A_20 : vector<1x128xf32> to vector<400x128xf32>
      %sub3A_38 = arith.subf %get3A_14, %sub3A_37 : vector<400x128xf32>
      %mul3A_39 = vector.broadcast %mul3A_36 : vector<1x128xf32> to vector<400x128xf32>
      %mul3A_40 = arith.mulf %sub3A_38, %mul3A_39 : vector<400x128xf32>
      %get3A_41 = arith.constant 0 : index
      %get3A_42 = arith.constant 0 : index
      %get3A_43 = vector.load %arg8[%get3A_41, %get3A_42] : memref<1x128xf32, #tpu.memory_space<vmem>>, vector<1x128xf32>
      %mul3A_44 = vector.broadcast %get3A_43 : vector<1x128xf32> to vector<400x128xf32>
      %mul3A_45 = arith.mulf %mul3A_40, %mul3A_44 : vector<400x128xf32>
      %get3A_46 = arith.constant 0 : index
      %get3A_47 = arith.constant 0 : index
      %get3A_48 = vector.load %arg9[%get3A_46, %get3A_47] : memref<1x128xf32, #tpu.memory_space<vmem>>, vector<1x128xf32>
      %add3A_49 = vector.broadcast %get3A_48 : vector<1x128xf32> to vector<400x128xf32>
      %add3A_50 = arith.addf %mul3A_45, %add3A_49 : vector<400x128xf32>
      %max3A = arith.constant 0.000000e+00 : f32
      %max3A_51 = vector.broadcast %max3A : f32 to vector<400x128xf32>
      %max3A_52 = arith.maximumf %add3A_50, %max3A_51 : vector<400x128xf32>
      %swap3A = arith.constant 0 : index
      %swap3A_53 = arith.constant 0 : index
      %swap3A_54 = vector.load %arg10[%swap3A, %swap3A_53] : memref<400x128xf32, #tpu.memory_space<vmem>>, vector<400x128xf32>
      tpu.vector_store %arg10[%swap3A, %swap3A_53], %max3A_52 {strides = array<i32>} : memref<400x128xf32, #tpu.memory_space<vmem>>, vector<400x128xf32>,
    } else {
    }
    return
  }
  func.func @transform_0(%arg0: i32, %arg1: i32) -> (i32, i32) {
    %c0_i32 = arith.constant 0 : i32
    %c0_i32_0 = arith.constant 0 : i32
    return %arg1, %c0_i32 : i32, i32
  }
  func.func @transform_1(%arg0: i32, %arg1: i32) -> (i32, i32, i32) {
    %c0_i32 = arith.constant 0 : i32
    %c0_i32_0 = arith.constant 0 : i32
    %c0_i32_1 = arith.constant 0 : i32
    return %c0_i32, %arg1, %c0_i32_0 : i32, i32, i32
  }
  func.func @transform_2(%arg0: i32, %arg1: i32) -> (i32, i32, i32) {
    %c0_i32 = arith.constant 0 : i32
    %c0_i32_0 = arith.constant 0 : i32
    %c0_i32_1 = arith.constant 0 : i32
    return %c0_i32, %arg1, %c0_i32_0 : i32, i32, i32
  }
  func.func @transform_3(%arg0: i32, %arg1: i32) -> (i32, i32) {
    %c0_i32 = arith.constant 0 : i32
    %c0_i32_0 = arith.constant 0 : i32
    %c0_i32_1 = arith.constant 0 : i32
    return %c0_i32, %c0_i32_0 : i32, i32
  }
  func.func @transform_4(%arg0: i32, %arg1: i32) -> (i32, i32) {
    %c0_i32 = arith.constant 0 : i32
    %c0_i32_0 = arith.constant 0 : i32
    %c0_i32_1 = arith.constant 0 : i32
    return %c0_i32, %c0_i32_0 : i32, i32
  }
  func.func @transform_5(%arg0: i32, %arg1: i32) -> (i32, i32) {
    %c0_i32 = arith.constant 0 : i32
    %c0_i32_0 = arith.constant 0 : i32
    %c0_i32_1 = arith.constant 0 : i32
    return %c0_i32, %c0_i32_0 : i32, i32
  }
  func.func @transform_6(%arg0: i32, %arg1: i32) -> (i32, i32) {
    %c0_i32 = arith.constant 0 : i32
    %c0_i32_0 = arith.constant 0 : i32
    %c0_i32_1 = arith.constant 0 : i32
    return %c0_i32, %c0_i32_0 : i32, i32
  }
  func.func @transform_7(%arg0: i32, %arg1: i32) -> (i32, i32) {
    %c0_i32 = arith.constant 0 : i32
    %c0_i32_0 = arith.constant 0 : i32
    %c0_i32_1 = arith.constant 0 : i32
    return %c0_i32, %c0_i32_0 : i32, i32
  }
  func.func @transform_8(%arg0: i32, %arg1: i32) -> (i32, i32) {
    %c0_i32 = arith.constant 0 : i32
    %c0_i32_0 = arith.constant 0 : i32
    return %arg1, %c0_i32 : i32, i32
  }
}

module attributes {stable_mosaic.version = 14 : i64} {
  func.func @_dense_body(%arg0: i32, %arg1: i32, %arg2: memref<400x128xf32, #tpu.memory_space<vmem>>, %arg3: memref<2x400x128xf32, #tpu.memory_space<vmem>>, %arg4: memref<2x400x16xf32, #tpu.memory_space<vmem>>, %arg5: memref<16x128xf32, #tpu.memory_space<vmem>>, %arg6: memref<128x128xf32, #tpu.memory_space<vmem>>, %arg7: memref<1x128xf32, #tpu.memory_space<vmem>>, %arg8: memref<1x128xf32, #tpu.memory_space<vmem>>, %arg9: memref<1x128xf32, #tpu.memory_space<vmem>>, %arg10: memref<128x128xf32, #tpu.memory_space<vmem>>, %arg11: memref<1x128xf32, #tpu.memory_space<vmem>>, %arg12: memref<128x128xf32, #tpu.memory_space<vmem>>, %arg13: memref<1x128xf32, #tpu.memory_space<vmem>>, %arg14: memref<1x128xf32, #tpu.memory_space<vmem>>, %arg15: memref<10000x128xf32, #tpu.memory_space<vmem>>, %arg16: memref<1x128xf32, #tpu.memory_space<vmem>>, %arg17: memref<1x128xf32, #tpu.memory_space<vmem>>, %arg18: memref<1x128xf32, #tpu.memory_space<vmem>>) attributes {dimension_semantics = [#tpu.dimension_semantics<arbitrary>, #tpu.dimension_semantics<arbitrary>], iteration_bounds = array<i64: 3, 25>, scalar_prefetch = 0 : i64, scratch_operands = 4 : i64, tpu.core_type = #tpu.core_type<tc>, window_params = [{transform_indices = @transform_0, window_bounds = array<i64: 400, 128>}, {transform_indices = @transform_1, window_bounds = array<i64: 2, 400, 128>}, {transform_indices = @transform_2, window_bounds = array<i64: 2, 400, 16>}, {pipeline_mode = #tpu.pipeline_mode<synchronous>, transform_indices = @transform_3, window_bounds = array<i64: 16, 128>}, {pipeline_mode = #tpu.pipeline_mode<synchronous>, transform_indices = @transform_4, window_bounds = array<i64: 128, 128>}, {pipeline_mode = #tpu.pipeline_mode<synchronous>, transform_indices = @transform_5, window_bounds = array<i64: 1, 128>}, {pipeline_mode = #tpu.pipeline_mode<synchronous>, transform_indices = @transform_6, window_bounds = array<i64: 1, 128>}, {pipeline_mode = #tpu.pipeline_mode<synchronous>, transform_indices = @transform_7, window_bounds = array<i64: 1, 128>}, {pipeline_mode = #tpu.pipeline_mode<synchronous>, transform_indices = @transform_8, window_bounds = array<i64: 128, 128>}, {pipeline_mode = #tpu.pipeline_mode<synchronous>, transform_indices = @transform_9, window_bounds = array<i64: 1, 128>}, {pipeline_mode = #tpu.pipeline_mode<synchronous>, transform_indices = @transform_10, window_bounds = array<i64: 128, 128>}, {pipeline_mode = #tpu.pipeline_mode<synchronous>, transform_indices = @transform_11, window_bounds = array<i64: 1, 128>}, {pipeline_mode = #tpu.pipeline_mode<synchronous>, transform_indices = @transform_12, window_bounds = array<i64: 1, 128>}]} {
    %eq3A = arith.constant 0 : i32
    %eq3A_0 = arith.cmpi eq, %arg0, %eq3A : i32
    %convert_element_type3A = arith.extui %eq3A_0 : i1 to i32
    %cond3A = arith.constant 0 : i32
    %cond3A_1 = arith.cmpi ne, %convert_element_type3A, %cond3A : i32
    scf.if %cond3A_1 {
      %get3A = arith.constant 0 : index
      %get3A_12 = arith.constant 0 : index
      %get3A_13 = arith.constant 0 : index
      %get3A_14 = vector.load %arg4[%get3A, %get3A_12, %get3A_13] : memref<2x400x16xf32, #tpu.memory_space<vmem>>, vector<1x400x16xf32>
      %get3A_15 = vector.shape_cast %get3A_14 : vector<1x400x16xf32> to vector<400x16xf32>
      %get3A_16 = arith.constant 1 : index
      %get3A_17 = arith.constant 0 : index
      %get3A_18 = arith.constant 0 : index
      %get3A_19 = vector.load %arg4[%get3A_16, %get3A_17, %get3A_18] : memref<2x400x16xf32, #tpu.memory_space<vmem>>, vector<1x400x16xf32>
      %get3A_20 = vector.shape_cast %get3A_19 : vector<1x400x16xf32> to vector<400x16xf32>
      %add3A = arith.addf %get3A_15, %get3A_20 : vector<400x16xf32>
      %get3A_21 = arith.constant 0 : index
      %get3A_22 = arith.constant 0 : index
      %get3A_23 = arith.constant 0 : index
      %get3A_24 = vector.load %arg3[%get3A_21, %get3A_22, %get3A_23] : memref<2x400x128xf32, #tpu.memory_space<vmem>>, vector<1x400x128xf32>
      %get3A_25 = vector.shape_cast %get3A_24 : vector<1x400x128xf32> to vector<400x128xf32>
      %get3A_26 = arith.constant 1 : index
      %get3A_27 = arith.constant 0 : index
      %get3A_28 = arith.constant 0 : index
      %get3A_29 = vector.load %arg3[%get3A_26, %get3A_27, %get3A_28] : memref<2x400x128xf32, #tpu.memory_space<vmem>>, vector<1x400x128xf32>
      %get3A_30 = vector.shape_cast %get3A_29 : vector<1x400x128xf32> to vector<400x128xf32>
      %add3A_31 = arith.addf %get3A_25, %get3A_30 : vector<400x128xf32>
      %reduce_sum3A = arith.constant dense<0.000000e+00> : vector<400xf32>
      %reduce_sum3A_32 = vector.multi_reduction <add>, %add3A, %reduce_sum3A [1] : vector<400x16xf32> to vector<400xf32>
      %broadcast_in_dim3A = vector.shape_cast %reduce_sum3A_32 : vector<400xf32> to vector<400x1xf32>
      %mul3A = arith.constant 0.333333343 : f32
      %mul3A_33 = vector.broadcast %mul3A : f32 to vector<400x1xf32>
      %mul3A_34 = arith.mulf %broadcast_in_dim3A, %mul3A_33 : vector<400x1xf32>
      %add3A_35 = arith.constant 1.000000e+00 : f32
      %add3A_36 = vector.broadcast %add3A_35 : f32 to vector<400x1xf32>
      %add3A_37 = arith.addf %add3A_36, %mul3A_34 : vector<400x1xf32>
      %get3A_38 = arith.constant 0 : index
      %get3A_39 = arith.constant 0 : index
      %get3A_40 = vector.load %arg5[%get3A_38, %get3A_39] : memref<16x128xf32, #tpu.memory_space<vmem>>, vector<16x128xf32>
      %dot_general3A = arith.constant dense<0.000000e+00> : vector<400x128xf32>
      %dot_general3A_41 = tpu.matmul %add3A, %get3A_40, %dot_general3A {dimension_numbers = #tpu.dot_dimension_numbers<[1], [0], [0], [1], [0, 0, 1, 1], [], []>, precision = #tpu.contract_precision<fp32>, transpose_lhs_hint = false} : vector<400x16xf32>, vector<16x128xf32>, vector<400x128xf32> -> vector<400x128xf32>
      %div3A = arith.constant 1.000000e+00 : f32
      %div3A_42 = vector.broadcast %div3A : f32 to vector<400x1xf32>
      %div3A_43 = arith.divf %div3A_42, %add3A_37 : vector<400x1xf32>
      %mul3A_44 = arith.mulf %add3A_37, %div3A_43 : vector<400x1xf32>
      %sub3A = arith.constant 2.000000e+00 : f32
      %sub3A_45 = vector.broadcast %sub3A : f32 to vector<400x1xf32>
      %sub3A_46 = arith.subf %sub3A_45, %mul3A_44 : vector<400x1xf32>
      %mul3A_47 = arith.mulf %div3A_43, %sub3A_46 : vector<400x1xf32>
      %get3A_48 = arith.constant 0 : index
      %get3A_49 = arith.constant 0 : index
      %get3A_50 = vector.load %arg2[%get3A_48, %get3A_49] : memref<400x128xf32, #tpu.memory_space<vmem>>, vector<400x128xf32>
      %add3A_51 = arith.addf %get3A_50, %add3A_31 : vector<400x128xf32>
      %add3A_52 = arith.addf %add3A_51, %dot_general3A_41 : vector<400x128xf32>
      %mul3A_53 = vector.broadcast %mul3A_47 : vector<400x1xf32> to vector<400x128xf32>
      %mul3A_54 = arith.mulf %add3A_52, %mul3A_53 : vector<400x128xf32>
      %get3A_55 = arith.constant 0 : index
      %get3A_56 = arith.constant 0 : index
      %get3A_57 = vector.load %arg6[%get3A_55, %get3A_56] : memref<128x128xf32, #tpu.memory_space<vmem>>, vector<128x128xf32>
      %dot_general3A_58 = arith.constant dense<0.000000e+00> : vector<400x128xf32>
      %dot_general3A_59 = tpu.matmul %mul3A_54, %get3A_57, %dot_general3A_58 {dimension_numbers = #tpu.dot_dimension_numbers<[1], [0], [0], [1], [0, 0, 1, 1], [], []>, transpose_lhs_hint = false} : vector<400x128xf32>, vector<128x128xf32>, vector<400x128xf32> -> vector<400x128xf32>
      %get3A_60 = arith.constant 0 : index
      %get3A_61 = arith.constant 0 : index
      %get3A_62 = vector.load %arg7[%get3A_60, %get3A_61] : memref<1x128xf32, #tpu.memory_space<vmem>>, vector<1x128xf32>
      %add3A_63 = vector.broadcast %get3A_62 : vector<1x128xf32> to vector<400x128xf32>
      %add3A_64 = arith.addf %dot_general3A_59, %add3A_63 : vector<400x128xf32>
      %mul3A_65 = arith.constant 400 : i32
      %mul3A_66 = arith.muli %arg1, %mul3A_65 : i32
      %swap3A = arith.index_cast %mul3A_66 : i32 to index
      %swap3A_67 = arith.constant 0 : index
      %swap3A_68 = vector.load %arg15[%swap3A, %swap3A_67] : memref<10000x128xf32, #tpu.memory_space<vmem>>, vector<400x128xf32>
      tpu.vector_store %arg15[%swap3A, %swap3A_67], %add3A_64 {strides = array<i32>} : memref<10000x128xf32, #tpu.memory_space<vmem>>, vector<400x128xf32>,
      %reduce_sum3A_69 = arith.constant dense<0.000000e+00> : vector<128xf32>
      %reduce_sum3A_70 = vector.multi_reduction <add>, %add3A_64, %reduce_sum3A_69 [0] : vector<400x128xf32> to vector<128xf32>
      %broadcast_in_dim3A_71 = vector.shape_cast %reduce_sum3A_70 : vector<128xf32> to vector<1x128xf32>
      %eq3A_72 = arith.constant 0 : i32
      %eq3A_73 = arith.cmpi eq, %arg1, %eq3A_72 : i32
      %convert_element_type3A_74 = arith.extui %eq3A_73 : i1 to i32
      %cond3A_75 = arith.constant 0 : i32
      %cond3A_76 = arith.cmpi ne, %convert_element_type3A_74, %cond3A_75 : i32
      scf.if %cond3A_76 {
        %swap3A_81 = arith.constant 0 : index
        %swap3A_82 = arith.constant 0 : index
        %swap3A_83 = vector.load %arg16[%swap3A_81, %swap3A_82] : memref<1x128xf32, #tpu.memory_space<vmem>>, vector<1x128xf32>
        tpu.vector_store %arg16[%swap3A_81, %swap3A_82], %broadcast_in_dim3A_71 {strides = array<i32>} : memref<1x128xf32, #tpu.memory_space<vmem>>, vector<1x128xf32>,
      } else {
      }
      %gt3A = arith.constant 0 : i32
      %gt3A_77 = arith.cmpi sgt, %arg1, %gt3A : i32
      %convert_element_type3A_78 = arith.extui %gt3A_77 : i1 to i32
      %cond3A_79 = arith.constant 0 : i32
      %cond3A_80 = arith.cmpi ne, %convert_element_type3A_78, %cond3A_79 : i32
      scf.if %cond3A_80 {
        %get3A_81 = arith.constant 0 : index
        %get3A_82 = arith.constant 0 : index
        %get3A_83 = vector.load %arg16[%get3A_81, %get3A_82] : memref<1x128xf32, #tpu.memory_space<vmem>>, vector<1x128xf32>
        %add3A_84 = arith.addf %get3A_83, %broadcast_in_dim3A_71 : vector<1x128xf32>
        %swap3A_85 = arith.constant 0 : index
        %swap3A_86 = arith.constant 0 : index
        %swap3A_87 = vector.load %arg16[%swap3A_85, %swap3A_86] : memref<1x128xf32, #tpu.memory_space<vmem>>, vector<1x128xf32>
        tpu.vector_store %arg16[%swap3A_85, %swap3A_86], %add3A_84 {strides = array<i32>} : memref<1x128xf32, #tpu.memory_space<vmem>>, vector<1x128xf32>,
      } else {
      }
    } else {
    }
    %eq3A_2 = arith.constant 1 : i32
    %eq3A_3 = arith.cmpi eq, %arg0, %eq3A_2 : i32
    %convert_element_type3A_4 = arith.extui %eq3A_3 : i1 to i32
    %cond3A_5 = arith.constant 0 : i32
    %cond3A_6 = arith.cmpi ne, %convert_element_type3A_4, %cond3A_5 : i32
    scf.if %cond3A_6 {
      %mul3A = arith.constant 400 : i32
      %mul3A_12 = arith.muli %arg1, %mul3A : i32
      %get3A = arith.index_cast %mul3A_12 : i32 to index
      %get3A_13 = arith.constant 0 : index
      %get3A_14 = vector.load %arg15[%get3A, %get3A_13] : memref<10000x128xf32, #tpu.memory_space<vmem>>, vector<400x128xf32>
      %get3A_15 = arith.constant 0 : index
      %get3A_16 = arith.constant 0 : index
      %get3A_17 = vector.load %arg16[%get3A_15, %get3A_16] : memref<1x128xf32, #tpu.memory_space<vmem>>, vector<1x128xf32>
      %mul3A_18 = arith.constant 9.99999974E-5 : f32
      %mul3A_19 = vector.broadcast %mul3A_18 : f32 to vector<1x128xf32>
      %mul3A_20 = arith.mulf %get3A_17, %mul3A_19 : vector<1x128xf32>
      %sub3A = vector.broadcast %mul3A_20 : vector<1x128xf32> to vector<400x128xf32>
      %sub3A_21 = arith.subf %get3A_14, %sub3A : vector<400x128xf32>
      %mul3A_22 = arith.mulf %sub3A_21, %sub3A_21 : vector<400x128xf32>
      %reduce_sum3A = arith.constant dense<0.000000e+00> : vector<128xf32>
      %reduce_sum3A_23 = vector.multi_reduction <add>, %mul3A_22, %reduce_sum3A [0] : vector<400x128xf32> to vector<128xf32>
      %broadcast_in_dim3A = vector.shape_cast %reduce_sum3A_23 : vector<128xf32> to vector<1x128xf32>
      %eq3A_24 = arith.constant 0 : i32
      %eq3A_25 = arith.cmpi eq, %arg1, %eq3A_24 : i32
      %convert_element_type3A_26 = arith.extui %eq3A_25 : i1 to i32
      %cond3A_27 = arith.constant 0 : i32
      %cond3A_28 = arith.cmpi ne, %convert_element_type3A_26, %cond3A_27 : i32
      scf.if %cond3A_28 {
        %swap3A = arith.constant 0 : index
        %swap3A_33 = arith.constant 0 : index
        %swap3A_34 = vector.load %arg17[%swap3A, %swap3A_33] : memref<1x128xf32, #tpu.memory_space<vmem>>, vector<1x128xf32>
        tpu.vector_store %arg17[%swap3A, %swap3A_33], %broadcast_in_dim3A {strides = array<i32>} : memref<1x128xf32, #tpu.memory_space<vmem>>, vector<1x128xf32>,
      } else {
      }
      %gt3A = arith.constant 0 : i32
      %gt3A_29 = arith.cmpi sgt, %arg1, %gt3A : i32
      %convert_element_type3A_30 = arith.extui %gt3A_29 : i1 to i32
      %cond3A_31 = arith.constant 0 : i32
      %cond3A_32 = arith.cmpi ne, %convert_element_type3A_30, %cond3A_31 : i32
      scf.if %cond3A_32 {
        %get3A_33 = arith.constant 0 : index
        %get3A_34 = arith.constant 0 : index
        %get3A_35 = vector.load %arg17[%get3A_33, %get3A_34] : memref<1x128xf32, #tpu.memory_space<vmem>>, vector<1x128xf32>
        %add3A = arith.addf %get3A_35, %broadcast_in_dim3A : vector<1x128xf32>
        %swap3A = arith.constant 0 : index
        %swap3A_36 = arith.constant 0 : index
        %swap3A_37 = vector.load %arg17[%swap3A, %swap3A_36] : memref<1x128xf32, #tpu.memory_space<vmem>>, vector<1x128xf32>
        tpu.vector_store %arg17[%swap3A, %swap3A_36], %add3A {strides = array<i32>} : memref<1x128xf32, #tpu.memory_space<vmem>>, vector<1x128xf32>,
      } else {
      }
    } else {
    }
    %eq3A_7 = arith.constant 2 : i32
    %eq3A_8 = arith.cmpi eq, %arg0, %eq3A_7 : i32
    %convert_element_type3A_9 = arith.extui %eq3A_8 : i1 to i32
    %cond3A_10 = arith.constant 0 : i32
    %cond3A_11 = arith.cmpi ne, %convert_element_type3A_9, %cond3A_10 : i32
    scf.if %cond3A_11 {
      %mul3A = arith.constant 400 : i32
      %mul3A_12 = arith.muli %arg1, %mul3A : i32
      %get3A = arith.index_cast %mul3A_12 : i32 to index
      %get3A_13 = arith.constant 0 : index
      %get3A_14 = vector.load %arg15[%get3A, %get3A_13] : memref<10000x128xf32, #tpu.memory_space<vmem>>, vector<400x128xf32>
      %get3A_15 = arith.constant 0 : index
      %get3A_16 = arith.constant 0 : index
      %get3A_17 = vector.load %arg16[%get3A_15, %get3A_16] : memref<1x128xf32, #tpu.memory_space<vmem>>, vector<1x128xf32>
      %mul3A_18 = arith.constant 9.99999974E-5 : f32
      %mul3A_19 = vector.broadcast %mul3A_18 : f32 to vector<1x128xf32>
      %mul3A_20 = arith.mulf %get3A_17, %mul3A_19 : vector<1x128xf32>
      %get3A_21 = arith.constant 0 : index
      %get3A_22 = arith.constant 0 : index
      %get3A_23 = vector.load %arg17[%get3A_21, %get3A_22] : memref<1x128xf32, #tpu.memory_space<vmem>>, vector<1x128xf32>
      %mul3A_24 = arith.constant 9.99999974E-5 : f32
      %mul3A_25 = vector.broadcast %mul3A_24 : f32 to vector<1x128xf32>
      %mul3A_26 = arith.mulf %get3A_23, %mul3A_25 : vector<1x128xf32>
      %add3A = arith.constant 9.99999974E-6 : f32
      %add3A_27 = vector.broadcast %add3A : f32 to vector<1x128xf32>
      %add3A_28 = arith.addf %mul3A_26, %add3A_27 : vector<1x128xf32>
      %rsqrt3A = math.rsqrt %add3A_28 : vector<1x128xf32>
      %mul3A_29 = arith.constant 5.000000e-01 : f32
      %mul3A_30 = vector.broadcast %mul3A_29 : f32 to vector<1x128xf32>
      %mul3A_31 = arith.mulf %mul3A_30, %add3A_28 : vector<1x128xf32>
      %mul3A_32 = arith.mulf %mul3A_31, %rsqrt3A : vector<1x128xf32>
      %mul3A_33 = arith.mulf %mul3A_32, %rsqrt3A : vector<1x128xf32>
      %sub3A = arith.constant 1.500000e+00 : f32
      %sub3A_34 = vector.broadcast %sub3A : f32 to vector<1x128xf32>
      %sub3A_35 = arith.subf %sub3A_34, %mul3A_33 : vector<1x128xf32>
      %mul3A_36 = arith.mulf %rsqrt3A, %sub3A_35 : vector<1x128xf32>
      %sub3A_37 = vector.broadcast %mul3A_20 : vector<1x128xf32> to vector<400x128xf32>
      %sub3A_38 = arith.subf %get3A_14, %sub3A_37 : vector<400x128xf32>
      %mul3A_39 = vector.broadcast %mul3A_36 : vector<1x128xf32> to vector<400x128xf32>
      %mul3A_40 = arith.mulf %sub3A_38, %mul3A_39 : vector<400x128xf32>
      %get3A_41 = arith.constant 0 : index
      %get3A_42 = arith.constant 0 : index
      %get3A_43 = vector.load %arg8[%get3A_41, %get3A_42] : memref<1x128xf32, #tpu.memory_space<vmem>>, vector<1x128xf32>
      %mul3A_44 = vector.broadcast %get3A_43 : vector<1x128xf32> to vector<400x128xf32>
      %mul3A_45 = arith.mulf %mul3A_40, %mul3A_44 : vector<400x128xf32>
      %get3A_46 = arith.constant 0 : index
      %get3A_47 = arith.constant 0 : index
      %get3A_48 = vector.load %arg9[%get3A_46, %get3A_47] : memref<1x128xf32, #tpu.memory_space<vmem>>, vector<1x128xf32>
      %add3A_49 = vector.broadcast %get3A_48 : vector<1x128xf32> to vector<400x128xf32>
      %add3A_50 = arith.addf %mul3A_45, %add3A_49 : vector<400x128xf32>
      %max3A = arith.constant 0.000000e+00 : f32
      %max3A_51 = vector.broadcast %max3A : f32 to vector<400x128xf32>
      %max3A_52 = arith.maximumf %add3A_50, %max3A_51 : vector<400x128xf32>
      %reduce_sum3A = arith.constant dense<0.000000e+00> : vector<128xf32>
      %reduce_sum3A_53 = vector.multi_reduction <add>, %max3A_52, %reduce_sum3A [0] : vector<400x128xf32> to vector<128xf32>
      %broadcast_in_dim3A = vector.shape_cast %reduce_sum3A_53 : vector<128xf32> to vector<1x128xf32>
      %eq3A_54 = arith.constant 0 : i32
      %eq3A_55 = arith.cmpi eq, %arg1, %eq3A_54 : i32
      %convert_element_type3A_56 = arith.extui %eq3A_55 : i1 to i32
      %cond3A_57 = arith.constant 0 : i32
      %cond3A_58 = arith.cmpi ne, %convert_element_type3A_56, %cond3A_57 : i32
      scf.if %cond3A_58 {
        %swap3A = arith.constant 0 : index
        %swap3A_68 = arith.constant 0 : index
        %swap3A_69 = vector.load %arg18[%swap3A, %swap3A_68] : memref<1x128xf32, #tpu.memory_space<vmem>>, vector<1x128xf32>
        tpu.vector_store %arg18[%swap3A, %swap3A_68], %broadcast_in_dim3A {strides = array<i32>} : memref<1x128xf32, #tpu.memory_space<vmem>>, vector<1x128xf32>,
      } else {
      }
      %gt3A = arith.constant 0 : i32
      %gt3A_59 = arith.cmpi sgt, %arg1, %gt3A : i32
      %convert_element_type3A_60 = arith.extui %gt3A_59 : i1 to i32
      %cond3A_61 = arith.constant 0 : i32
      %cond3A_62 = arith.cmpi ne, %convert_element_type3A_60, %cond3A_61 : i32
      scf.if %cond3A_62 {
        %get3A_68 = arith.constant 0 : index
        %get3A_69 = arith.constant 0 : index
        %get3A_70 = vector.load %arg18[%get3A_68, %get3A_69] : memref<1x128xf32, #tpu.memory_space<vmem>>, vector<1x128xf32>
        %add3A_71 = arith.addf %get3A_70, %broadcast_in_dim3A : vector<1x128xf32>
        %swap3A = arith.constant 0 : index
        %swap3A_72 = arith.constant 0 : index
        %swap3A_73 = vector.load %arg18[%swap3A, %swap3A_72] : memref<1x128xf32, #tpu.memory_space<vmem>>, vector<1x128xf32>
        tpu.vector_store %arg18[%swap3A, %swap3A_72], %add3A_71 {strides = array<i32>} : memref<1x128xf32, #tpu.memory_space<vmem>>, vector<1x128xf32>,
      } else {
      }
      %eq3A_63 = arith.constant 24 : i32
      %eq3A_64 = arith.cmpi eq, %arg1, %eq3A_63 : i32
      %convert_element_type3A_65 = arith.extui %eq3A_64 : i1 to i32
      %cond3A_66 = arith.constant 0 : i32
      %cond3A_67 = arith.cmpi ne, %convert_element_type3A_65, %cond3A_66 : i32
      scf.if %cond3A_67 {
        %get3A_68 = arith.constant 0 : index
        %get3A_69 = arith.constant 0 : index
        %get3A_70 = vector.load %arg18[%get3A_68, %get3A_69] : memref<1x128xf32, #tpu.memory_space<vmem>>, vector<1x128xf32>
        %mul3A_71 = arith.constant 9.99999974E-5 : f32
        %mul3A_72 = vector.broadcast %mul3A_71 : f32 to vector<1x128xf32>
        %mul3A_73 = arith.mulf %get3A_70, %mul3A_72 : vector<1x128xf32>
        %get3A_74 = arith.constant 0 : index
        %get3A_75 = arith.constant 0 : index
        %get3A_76 = vector.load %arg10[%get3A_74, %get3A_75] : memref<128x128xf32, #tpu.memory_space<vmem>>, vector<128x128xf32>
        %dot_general3A = arith.constant dense<0.000000e+00> : vector<1x128xf32>
        %dot_general3A_77 = tpu.matmul %mul3A_73, %get3A_76, %dot_general3A {dimension_numbers = #tpu.dot_dimension_numbers<[1], [0], [0], [1], [0, 0, 1, 1], [], []>, transpose_lhs_hint = false} : vector<1x128xf32>, vector<128x128xf32>, vector<1x128xf32> -> vector<1x128xf32>
        %get3A_78 = arith.constant 0 : index
        %get3A_79 = arith.constant 0 : index
        %get3A_80 = vector.load %arg11[%get3A_78, %get3A_79] : memref<1x128xf32, #tpu.memory_space<vmem>>, vector<1x128xf32>
        %add3A_81 = arith.addf %dot_general3A_77, %get3A_80 : vector<1x128xf32>
        %max3A_82 = arith.constant 0.000000e+00 : f32
        %max3A_83 = vector.broadcast %max3A_82 : f32 to vector<1x128xf32>
        %max3A_84 = arith.maximumf %add3A_81, %max3A_83 : vector<1x128xf32>
        %get3A_85 = arith.constant 0 : index
        %get3A_86 = arith.constant 0 : index
        %get3A_87 = vector.load %arg12[%get3A_85, %get3A_86] : memref<128x128xf32, #tpu.memory_space<vmem>>, vector<128x128xf32>
        %dot_general3A_88 = arith.constant dense<0.000000e+00> : vector<1x128xf32>
        %dot_general3A_89 = tpu.matmul %max3A_84, %get3A_87, %dot_general3A_88 {dimension_numbers = #tpu.dot_dimension_numbers<[1], [0], [0], [1], [0, 0, 1, 1], [], []>, transpose_lhs_hint = false} : vector<1x128xf32>, vector<128x128xf32>, vector<1x128xf32> -> vector<1x128xf32>
        %get3A_90 = arith.constant 0 : index
        %get3A_91 = arith.constant 0 : index
        %get3A_92 = vector.load %arg13[%get3A_90, %get3A_91] : memref<1x128xf32, #tpu.memory_space<vmem>>, vector<1x128xf32>
        %add3A_93 = arith.addf %dot_general3A_89, %get3A_92 : vector<1x128xf32>
        %swap3A = arith.constant 0 : index
        %swap3A_94 = arith.constant 0 : index
        %swap3A_95 = vector.load %arg14[%swap3A, %swap3A_94] : memref<1x128xf32, #tpu.memory_space<vmem>>, vector<1x128xf32>
        tpu.vector_store %arg14[%swap3A, %swap3A_94], %add3A_93 {strides = array<i32>} : memref<1x128xf32, #tpu.memory_space<vmem>>, vector<1x128xf32>,
      } else {
      }
    } else {
    }
    return
  }
  func.func @transform_0(%arg0: i32, %arg1: i32) -> (i32, i32) {
    %c0_i32 = arith.constant 0 : i32
    %c0_i32_0 = arith.constant 0 : i32
    return %arg1, %c0_i32 : i32, i32
  }
  func.func @transform_1(%arg0: i32, %arg1: i32) -> (i32, i32, i32) {
    %c0_i32 = arith.constant 0 : i32
    %c0_i32_0 = arith.constant 0 : i32
    %c0_i32_1 = arith.constant 0 : i32
    return %c0_i32, %arg1, %c0_i32_0 : i32, i32, i32
  }
  func.func @transform_2(%arg0: i32, %arg1: i32) -> (i32, i32, i32) {
    %c0_i32 = arith.constant 0 : i32
    %c0_i32_0 = arith.constant 0 : i32
    %c0_i32_1 = arith.constant 0 : i32
    return %c0_i32, %arg1, %c0_i32_0 : i32, i32, i32
  }
  func.func @transform_3(%arg0: i32, %arg1: i32) -> (i32, i32) {
    %c0_i32 = arith.constant 0 : i32
    %c0_i32_0 = arith.constant 0 : i32
    %c0_i32_1 = arith.constant 0 : i32
    return %c0_i32, %c0_i32_0 : i32, i32
  }
  func.func @transform_4(%arg0: i32, %arg1: i32) -> (i32, i32) {
    %c0_i32 = arith.constant 0 : i32
    %c0_i32_0 = arith.constant 0 : i32
    %c0_i32_1 = arith.constant 0 : i32
    return %c0_i32, %c0_i32_0 : i32, i32
  }
  func.func @transform_5(%arg0: i32, %arg1: i32) -> (i32, i32) {
    %c0_i32 = arith.constant 0 : i32
    %c0_i32_0 = arith.constant 0 : i32
    %c0_i32_1 = arith.constant 0 : i32
    return %c0_i32, %c0_i32_0 : i32, i32
  }
  func.func @transform_6(%arg0: i32, %arg1: i32) -> (i32, i32) {
    %c0_i32 = arith.constant 0 : i32
    %c0_i32_0 = arith.constant 0 : i32
    %c0_i32_1 = arith.constant 0 : i32
    return %c0_i32, %c0_i32_0 : i32, i32
  }
  func.func @transform_7(%arg0: i32, %arg1: i32) -> (i32, i32) {
    %c0_i32 = arith.constant 0 : i32
    %c0_i32_0 = arith.constant 0 : i32
    %c0_i32_1 = arith.constant 0 : i32
    return %c0_i32, %c0_i32_0 : i32, i32
  }
  func.func @transform_8(%arg0: i32, %arg1: i32) -> (i32, i32) {
    %c0_i32 = arith.constant 0 : i32
    %c0_i32_0 = arith.constant 0 : i32
    %c0_i32_1 = arith.constant 0 : i32
    return %c0_i32, %c0_i32_0 : i32, i32
  }
  func.func @transform_9(%arg0: i32, %arg1: i32) -> (i32, i32) {
    %c0_i32 = arith.constant 0 : i32
    %c0_i32_0 = arith.constant 0 : i32
    %c0_i32_1 = arith.constant 0 : i32
    return %c0_i32, %c0_i32_0 : i32, i32
  }
  func.func @transform_10(%arg0: i32, %arg1: i32) -> (i32, i32) {
    %c0_i32 = arith.constant 0 : i32
    %c0_i32_0 = arith.constant 0 : i32
    %c0_i32_1 = arith.constant 0 : i32
    return %c0_i32, %c0_i32_0 : i32, i32
  }
  func.func @transform_11(%arg0: i32, %arg1: i32) -> (i32, i32) {
    %c0_i32 = arith.constant 0 : i32
    %c0_i32_0 = arith.constant 0 : i32
    %c0_i32_1 = arith.constant 0 : i32
    return %c0_i32, %c0_i32_0 : i32, i32
  }
  func.func @transform_12(%arg0: i32, %arg1: i32) -> (i32, i32) {
    %c0_i32 = arith.constant 0 : i32
    %c0_i32_0 = arith.constant 0 : i32
    %c0_i32_1 = arith.constant 0 : i32
    return %c0_i32, %c0_i32_0 : i32, i32
  }
}

</mosaic_0001>

<sc_bundles>
// kernel: kernel.10.cloned.1.call-start
scs
__scs_entry_jumppad:
0x0: {  	(pc) =	sbr.rel $0x88, $3  }
0x1: {  	(tag) =	ssettag $0x0;
	lr =	simm.s32 $0x1  }
0x2: {  	[smem:$0x3F94] =	sst lr;
	_ =	strace $0xD0000000  }
0x3: {  	_ = 	snop  }
0x4: {  	_ = 	snop  }
0x5: {  	_ = 	snop  }
0x6: {  	_ = 	snop  }
0x7: {  	_ = 	snop  }
__scs_overlays_trampoline_lowered:
0x8: {  	[smem:$0x3FA3] =	sst s0  }
0x9: {  	[smem:$0x3FA4] =	sst s1  }
0xa: {  	[smem:$0x3FA5] =	sst s2  }
0xb: {  	[smem:$0x3FA6] =	sst s3  }
0xc: {  	[smem:$0x3FA7] =	sst s4  }
0xd: {  	[smem:$0x3FA8] =	sst s5  }
0xe: {  	[smem:$0x3FA9] =	sst s6  }
0xf: {  	[smem:$0x3FAA] =	sst s7  }
0x10: {  	[smem:$0x3FAB] =	sst s8  }
0x11: {  	[smem:$0x3FAC] =	sst s9;
	s0 =	simm.s32 @!p0 $0x0  }
0x12: {  	s1 =	sld [smem:$0x3F92];
	s0 =	simm.s32 @p0 $0x1  }
0x13: {  	[smem:$0x3FAD] =	sst s0;
	s0 =	simm.s32 @!p1 $0x0  }
0x14: {  	s2 =	sld [smem:$0x3F91];
	s0 =	simm.s32 @p1 $0x1  }
0x15: {  	[smem:$0x3FAE] =	sst s0;
	s0 =	simm.s32 @!p2 $0x0  }
0x16: {  	s3 =	sld [smem:$0x3FDB];
	s0 =	simm.s32 @p2 $0x1  }
0x17: {  	s4 =	simm.s32 $0x1BF5;
	[smem:$0x3FB0] =	sst s0  }
0x18: {  	s0 =	sld [smem:$0x3F93];
	_ =	swait.ge [sflag:s4], $0x0  }
0x19: {  	s7 =	sld [smem:$0x3F94]  }
0x1a: {  	s8 =	sadd.s32 $0xFFFFE003, lr  }
0x1b: {  	s9 =	sadd.s32 $0xFFFFFEF7, lr;
	s5 =	simm.s32 $0xFFFFFFFF;
	p2 =	slt.u32 s8, $0xFFFFF086  }
0x1c: {  	p1 =	slt.u32 s9, $0xF7A;
	s5 =	simm.s32 @!p2 $0x0  }
0x1d: {  	s5 =	simm.s32 @p1 $0x1;
	p0 =	seq.s32 s7, s2  }
0x1e: {  	s7 =	smul.u32 @!p0 $0xF7A, s2;
	p2 =	seq.s32 @!p0 s5, $0x0  }
0x1f: {  	s9 =	smul.u32 $0xF7A, s1;
	s8 =	simm.s32 @!p0 $0x1BF5;
	p2 =	por !p2, p0  }
0x20: {  	[sflag:s8] =	ssyncset.s32 @!p0 $0xFFFFF086;
	s6 =	sadd.s32 @!p0 s3, s7;
	s7 =	simm.s32 @!p0 $0x108  }
0x21: {  	s3 =	sadd.s32 s3, s9;
	s6 =	sadd.s32 @!p0 $0x88, s6;
	s7 =	simm.s32 @p2 $0x1082  }
0x22: {  	[simem:s7], [sflag:s8] =	dma.local @!p0 [hbm:s6], $0xF7A  }
0x23: {  	s9 =	sor.u32 $0xD0000000, s2;
	s6 =	simm.s32 $0x108;
	_ =	swait.ge @!p0 [sflag:s8], $0x0  }
0x24: {  	s3 =	sadd.s32 $0x88, s3;
	s6 =	simm.s32 @!p1 $0x1082;
	[sflag:s4] =	ssyncset.s32 $0xFFFFF086  }
0x25: {  	[simem:s6], [sflag:s4] =	dma.local [hbm:s3], $0xF7A  }
0x26: {  	[smem:$0x3F94] =	sst s1;
	(tag) =	ssettag s2;
	_ =	strace s9  }
0x27: {  	s1 =	sld [smem:$0x3FA4]  }
0x28: {  	s2 =	sld [smem:$0x3FA5]  }
0x29: {  	s4 =	sld [smem:$0x3FA7]  }
0x2a: {  	p0 =	seq.s32 s5, $0x0;
	s5 =	sld [smem:$0x3FA8]  }
0x2b: {  	s6 =	sld [smem:$0x3FA9]  }
0x2c: {  	s7 =	sld [smem:$0x3FAA]  }
0x2d: {  	s3 =	simm.s32 $0x108;
	s8 =	sld [smem:$0x3FAB]  }
0x2e: {  	s3 =	simm.s32 @!p0 $0x1082;
	s9 =	sld [smem:$0x3FAC]  }
0x2f: {  	lr =	sadd.s32 s0, s3;
	s0 =	sld [smem:$0x3FA3]  }
0x30: {  	s3 =	sld [smem:$0x3FA6]  }
0x31: {  	[smem:$0x3FAF] =	sst s10  }
0x32: {  	s10 =	sld [smem:$0x3FAD];
	_ =	sdelay $0x3  }
0x33: {  	p0 =	seq.s32 s10, $0x1;
	s10 =	sld [smem:$0x3FAF];
	_ =	sdelay $0x3  }
0x34: {  	[smem:$0x3FAF] =	sst s10  }
0x35: {  	s10 =	sld [smem:$0x3FAE];
	_ =	sdelay $0x3  }
0x36: {  	p1 =	seq.s32 s10, $0x1;
	s10 =	sld [smem:$0x3FAF];
	_ =	sdelay $0x3  }
0x37: {  	[smem:$0x3FAF] =	sst s10  }
0x38: {  	s10 =	sld [smem:$0x3FB0]  }
0x39: {  	_ = 	snop;
	(pc) =	sbr.ind lr, $3  }
0x3a: {  	_ = 	snop  }
0x3b: {  	_ = 	snop  }
0x3c: {  	p2 =	seq.s32 s10, $0x1;
	s10 =	sld [smem:$0x3FAF]  }
0x3d: {  	_ =	shalt  }
0x3e: {  	_ =	shalt  }
0x3f: {  	_ =	shalt  }
0x40: {  	_ =	shalt  }
0x41: {  	_ =	shalt  }
0x42: {  	_ =	shalt  }
0x43: {  	_ =	shalt  }
0x44: {  	_ =	shalt  }
0x45: {  	_ =	shalt  }
0x46: {  	_ =	shalt  }
0x47: {  	_ =	shalt  }
0x48: {  	_ =	shalt  }
0x49: {  	_ =	shalt  }
0x4a: {  	_ =	shalt  }
0x4b: {  	_ =	shalt  }
0x4c: {  	_ =	shalt  }
0x4d: {  	_ =	shalt  }
0x4e: {  	_ =	shalt  }
0x4f: {  	_ =	shalt  }
0x50: {  	_ =	shalt  }
0x51: {  	_ =	shalt  }
0x52: {  	_ =	shalt  }
0x53: {  	_ =	shalt  }
0x54: {  	_ =	shalt  }
0x55: {  	_ =	shalt  }
0x56: {  	_ =	shalt  }
0x57: {  	_ =	shalt  }
0x58: {  	_ =	shalt  }
0x59: {  	_ =	shalt  }
0x5a: {  	_ =	shalt  }
0x5b: {  	_ =	shalt  }
0x5c: {  	_ =	shalt  }
0x5d: {  	_ =	shalt  }
0x5e: {  	_ =	shalt  }
0x5f: {  	_ =	shalt  }
0x60: {  	_ =	shalt  }
0x61: {  	_ =	shalt  }
0x62: {  	_ =	shalt  }
0x63: {  	_ =	shalt  }
0x64: {  	_ =	shalt  }
0x65: {  	_ =	shalt  }
0x66: {  	_ =	shalt  }
0x67: {  	_ =	shalt  }
0x68: {  	_ =	shalt  }
0x69: {  	_ =	shalt  }
0x6a: {  	_ =	shalt  }
0x6b: {  	_ =	shalt  }
0x6c: {  	_ =	shalt  }
0x6d: {  	_ =	shalt  }
0x6e: {  	_ =	shalt  }
0x6f: {  	_ =	shalt  }
0x70: {  	_ =	shalt  }
0x71: {  	_ =	shalt  }
0x72: {  	_ =	shalt  }
0x73: {  	_ =	shalt  }
0x74: {  	_ =	shalt  }
0x75: {  	_ =	shalt  }
0x76: {  	_ =	shalt  }
0x77: {  	_ =	shalt  }
0x78: {  	_ =	shalt  }
0x79: {  	_ =	shalt  }
0x7a: {  	_ =	shalt  }
0x7b: {  	_ =	shalt  }
0x7c: {  	_ =	shalt  }
0x7d: {  	_ =	shalt  }
0x7e: {  	_ =	shalt  }
0x7f: {  	_ =	shalt  }
0x80: {  	_ =	shalt  }
0x81: {  	_ =	shalt  }
0x82: {  	_ =	shalt  }
0x83: {  	_ =	shalt  }
0x84: {  	_ =	shalt  }
0x85: {  	_ =	shalt  }
0x86: {  	_ =	shalt  }
0x87: {  	_ =	shalt  }
.Lfunc_end0:
.L_simem_size_0:
called_computation_lowered:
.L_overlay_start_0:
0x88: {  	s2 =	sld [smem:$0x3FD9]  }
0x89: {  	s3 =	sld [smem:$0x3FFE];
	_ =	sdelay $0x1  }
0x8a: {  	s1 =	srdreg.scid  }
0x8b: {  	s0 =	sand.u32 $0x1, s1  }
0x8c: {  	s17 =	sshll.u32 s0, $0xA;
	s2 =	sadd.s32 s3, s2  }
0x8d: {  	s2 =	sadd.s32 s2, s17  }
0x8e: {  	[smem:$0x3FBB] =	sst s2  }
0x8f: {  	_ = 	snop  }
0x90: {  	(tm) =	ssettm $0x1  }
0x91: {  	s18 =	sld [smem:$0x3FFB];
	_ =	sdelay $0x3  }
0x92: {  	_ =	strace s18  }
0x93: {  	s2 =	sld [smem:$0x3FFC];
	_ =	sdelay $0x3  }
0x94: {  	_ =	strace s2  }
0x95: {  	s2 =	sld [smem:$0x3FFD];
	_ =	sdelay $0x3  }
0x96: {  	_ =	strace s2  }
0x97: {  	_ =	strace $0x8FFFFFFF  }
0x98: {  	s19 =	sld [smem:$0x3FDB];
	_ =	sdelay $0x1  }
0x99: {  	s20 =	simm.s32 $_scs_section_size  }
0x9a: {  	s4 =	simm.s32 $_size__tile_overlayer_lowered;
	s5 =	simm.s32 $_tile_overlayer_lowered  }
0x9b: {  	s6 =	simm.s32 $0x1BFF;
	s21 =	sshll.u32 s5, $0x1;
	s3 =	sadd.s32 s20, s19  }
0x9c: {  	s22 =	simm.s32 $0x0;
	s4 =	sshll.u32 s4, $0x1;
	s5 =	sadd.s32 s21, s3  }
0x9d: {  	[timem:s22], [sflag:s6] =	dma.local [hbm:s5], s4  }
0x9e: {  	_ =	swait.ge [sflag:s6], s4  }
0x9f: {  	s4 =	ssub.s32 $0x0, s4;
	[sflag:s6] =	ssyncset.done $0x0  }
0xa0: {  	[sflag:s6] =	ssyncadd.s32 s4;
	_ =	sdelay $0x1  }
0xa1: {  	s23 =	simm.s32 $0x1B8B  }
0xa2: {  	_ =	swait.ge [sflag:s23], $0x1  }
0xa3: {  	[sflag:s23] =	ssyncset.done $0x0  }
0xa4: {  	[sflag:s23] =	ssyncadd.s32 $0xFFFFFFFF  }
0xa5: {  	s4 =	sld [smem:$0x0]  }
0xa6: {  	s5 =	sand.u32 $0xFFFFFFFE, s1  }
0xa7: {  	p0 =	sne.s32 s1, s5  }
0xa8: {  	s5 =	sshll.u32 @p0 s5, $0xE  }
0xa9: {  	s5 =	sadd.s32 @p0 $0x11B8D, s5;
	s6 =	sshll.u32 @p0 s4, $0x11  }
0xaa: {  	s5 =	sor.u32 @p0 s6, s5  }
0xab: {  	[sflag:s5] =	ssyncadd.remote.s32 @p0 $0x1;
	_ =	sdelay $0x1  }
0xac: {  	s5 =	simm.s32 @p0 $0x1B8D  }
0xad: {  	_ =	swait.eq @p0 [sflag:s5], $0x1  }
0xae: {  	[sflag:s5] =	ssyncadd.s32 @p0 $0xFFFFFFFF  }
0xaf: {  	s6 =	sshll.u32 @!p0 s1, $0xE  }
0xb0: {  	s6 =	sor.u32 @!p0 $0x4000, s6;
	s5 =	simm.s32 @!p0 $0x1B8D  }
0xb1: {  	s4 =	sshll.u32 @!p0 s4, $0x11;
	s6 =	sadd.s32 @!p0 $0x11B8D, s6;
	_ =	swait.eq @!p0 [sflag:s5], $0x1  }
0xb2: {  	s4 =	sor.u32 @!p0 s4, s6;
	[sflag:s5] =	ssyncadd.s32 @!p0 $0xFFFFFFFF  }
0xb3: {  	s25 =	simm.s32 $0x1B8E;
	s24 =	sld [smem:$0x3FFE];
	[sflag:s4] =	ssyncadd.remote.s32 @!p0 $0x1  }
0xb4: {  	s26 =	simm.s32 $execute0_lowered;
	[smem:$0x3FD2] =	sst s25  }
0xb5: {  	s5 =	sshll.u32 s26, $0x1;
	_ =	strace $0x80000049;
	[dreg:$0x1] =	wrdreg $0xFFFFFFFF  }
0xb6: {  	s28 =	simm.s32 $_size_execute0_lowered;
	s3 =	sadd.s32 s3, s5;
	[dreg:$0x0] =	wrdreg $0x0  }
0xb7: {  	s5 =	sshll.u32 s28, $0x1;
	[dreg:$0x2] =	wrdreg s3  }
0xb8: {  	[dreg:$0x3] =	wrdreg s5  }
0xb9: {  	[dreg:$0x4] =	wrdreg $0xC0  }
0xba: {  	_ =	task [dreg:s22], $0x5FFFF  }
0xbb: {  	[dreg:$0x1] =	wrdreg $0xFFFFFFFF  }
0xbc: {  	[dreg:$0x0] =	wrdreg $0x60  }
0xbd: {  	[dreg:$0x2] =	wrdreg s24  }
0xbe: {  	[dreg:$0x3] =	wrdreg $0x98000  }
0xbf: {  	[dreg:$0x4] =	wrdreg $0x9  }
0xc0: {  	_ =	task.clear_ibuf [dreg:s22], $0x5FFFF;
	_ =	strace $0x90000049  }
0xc1: {  	s29 =	simm.s32 $0x9;
	_ =	strace $0x8000004B  }
0xc2: {  	_ =	swait.ge [sflag:s29], $0x1  }
0xc3: {  	[sflag:s29] =	ssyncadd.s32 $0xFFFFFFFF  }
0xc4: {  	_ =	strace $0x9000004B  }
0xc5: {  	_ =	sfence  }
0xc6: {  	s30 =	sld [smem:$0x0];
	_ =	sdelay $0x2  }
0xc7: {  	s31 =	sshll.u32 s1, $0xD;
	s1 =	sshrl.u32 s1, $0x2  }
0xc8: {  	s4 =	sand.u32 $0x4000, s31;
	s1 =	sadd.s32 s1, s30  }
0xc9: {  	s0 =	sor.u32 s4, s0;
	s1 =	sshll.u32 s1, $0x11  }
0xca: {  	s0 =	sor.u32 s1, s0  }
0xcb: {  	s0 =	sadd.s32 $0x8F2B, s0  }
0xcc: {  	[sflag:s0] =	ssyncadd.remote.s32 $0x1  }
0xcd: {  	_ =	sfence.sel $0xFFFF  }
0xce: {  	[dreg:$0x0] =	wrdreg $0xFFFFFFFF;
	(pc) =	sbr.abs _section_cstart, $3  }
0xcf: {  	[dreg:$0x1] =	wrdreg $0xFFFFFFFF  }
0xd0: {  	_ =	task.clear_ibuf [dreg:s22], $0x2FFFF;
	_ =	strace $0x9FFFFFFF  }
0xd1: {  	(tm) =	ssettm $0x7FFFFFFF  }
tec
execute0_lowered:
.L_overlay_start_1:
0x0: {  	(tag) =	ssettag $0x1  }
0x1: {  	s5 =	rddreg [dreg:$0x0]  }
0x2: {  	s1 =	rddreg [dreg:$0x1]  }
0x3: {  	s2 =	srdreg.scid;
	s0 =	rddreg [dreg:$0x2];
	s3 =	simm.s32 $0x0  }
0x4: {  	s12 =	simm.s32 $0x2800;
	s13 =	simm.s32 $0x80;
	s6 =	sand.u32 $0x1, s2  }
0x5: {  	s14 =	simm.s32 $0x5000;
	s2 =	stileid.u32;
	s7 =	smul.u32 $0x140000, s6  }
0x6: {  	s15 =	simm.s32 $0x1;
	[smem:$0x7FF] =	sst s3;
	s8 =	smul.u32 $0x14000, s2  }
0x7: {  	s4 =	sshll.u32 s6, $0x4;
	_ =	strace $0x8000004A;
	s29 =	smul.u32 $0x50000, s2  }
0x8: {  	s6 =	ssub.s32 $0x2, s6;
	s16 =	sshll.u32 s2, $0x6;
	s4 =	sor.u32 s2, s4  }
0x9: {  	s30 =	sshrl.u32 s6, $0x1;
	s16 =	sor.u32 $0x1C02, s16;
	s9 =	smul.u32 $0x500, s4  }
0xa: {  	s4 =	sadd.s32 $0x570A00, s5;
	s7 =	sadd.s32 s8, s7;
	s31 =	sshrl.u32 s29, $0x2  }
0xb: {  	s11 =	ssub.s32 s6, s30;
	s7 =	sshrl.u32 s7, $0x3;
	s9 =	sadd.s32 s9, s5  }
0xc: {  	s10 =	sadd.s32 s7, s5;
	s5 =	sadd.s32 s31, s1;
	s6 =	sadd.s32 $0x8EA00, s9  }
0xd: {  	s7 =	sadd.s32 $0x3800, s9;
	s8 =	sadd.s32 $0x98A00, s10;
	s9 =	smax.u32 s11, $0x1  }
0xe: {  	v0 =	vimm.f32 $0.0e+00;
	s10 =	simm.s32 $0x9000;
	s11 =	simm.s32 $0x2;
	s17 =	sshrl.u32 s5, $0x3  }
.LBB2_1:
0xf: {  	[tilespmem:$0x9000] =	vst v0  }
0x10: {  	[tilespmem:$0x9010] =	vst v0  }
0x11: {  	[tilespmem:$0x9020] =	vst v0  }
0x12: {  	[tilespmem:$0x9030] =	vst v0  }
0x13: {  	[tilespmem:$0x9040] =	vst v0  }
0x14: {  	[tilespmem:$0x9050] =	vst v0  }
0x15: {  	[tilespmem:$0x9060] =	vst v0  }
0x16: {  	[tilespmem:$0x9070] =	vst v0  }
0x17: {  	[tilespmem:$0x9080] =	vst v0  }
0x18: {  	[tilespmem:$0x9090] =	vst v0  }
0x19: {  	[tilespmem:$0x90A0] =	vst v0  }
0x1a: {  	[tilespmem:$0x90B0] =	vst v0  }
0x1b: {  	[tilespmem:$0x90C0] =	vst v0  }
0x1c: {  	[tilespmem:$0x90D0] =	vst v0  }
0x1d: {  	[tilespmem:$0x90E0] =	vst v0  }
0x1e: {  	[tilespmem:$0x90F0] =	vst v0  }
0x1f: {  	[tilespmem:$0x9100] =	vst v0  }
0x20: {  	[tilespmem:$0x9110] =	vst v0  }
0x21: {  	[tilespmem:$0x9120] =	vst v0  }
0x22: {  	[tilespmem:$0x9130] =	vst v0  }
0x23: {  	[tilespmem:$0x9140] =	vst v0  }
0x24: {  	[tilespmem:$0x9150] =	vst v0  }
0x25: {  	[tilespmem:$0x9160] =	vst v0  }
0x26: {  	[tilespmem:$0x9170] =	vst v0  }
0x27: {  	[tilespmem:$0x9180] =	vst v0  }
0x28: {  	[tilespmem:$0x9190] =	vst v0  }
0x29: {  	[tilespmem:$0x91A0] =	vst v0  }
0x2a: {  	[tilespmem:$0x91B0] =	vst v0  }
0x2b: {  	[tilespmem:$0x91C0] =	vst v0  }
0x2c: {  	[tilespmem:$0x91D0] =	vst v0  }
0x2d: {  	[tilespmem:$0x91E0] =	vst v0  }
0x2e: {  	[tilespmem:$0x91F0] =	vst v0  }
0x2f: {  	[tilespmem:$0x9200] =	vst v0  }
0x30: {  	[tilespmem:$0x9210] =	vst v0  }
0x31: {  	[tilespmem:$0x9220] =	vst v0  }
0x32: {  	[tilespmem:$0x9230] =	vst v0  }
0x33: {  	[tilespmem:$0x9240] =	vst v0  }
0x34: {  	[tilespmem:$0x9250] =	vst v0  }
0x35: {  	[tilespmem:$0x9260] =	vst v0  }
0x36: {  	[tilespmem:$0x9270] =	vst v0  }
0x37: {  	[tilespmem:$0x9280] =	vst v0  }
0x38: {  	[tilespmem:$0x9290] =	vst v0  }
0x39: {  	[tilespmem:$0x92A0] =	vst v0  }
0x3a: {  	[tilespmem:$0x92B0] =	vst v0  }
0x3b: {  	[tilespmem:$0x92C0] =	vst v0  }
0x3c: {  	[tilespmem:$0x92D0] =	vst v0  }
0x3d: {  	[tilespmem:$0x92E0] =	vst v0  }
0x3e: {  	[tilespmem:$0x92F0] =	vst v0  }
0x3f: {  	[tilespmem:$0x9300] =	vst v0  }
0x40: {  	[tilespmem:$0x9310] =	vst v0  }
0x41: {  	[tilespmem:$0x9320] =	vst v0  }
0x42: {  	[tilespmem:$0x9330] =	vst v0  }
0x43: {  	[tilespmem:$0x9340] =	vst v0  }
0x44: {  	[tilespmem:$0x9350] =	vst v0  }
0x45: {  	[tilespmem:$0x9360] =	vst v0  }
0x46: {  	[tilespmem:$0x9370] =	vst v0  }
0x47: {  	[tilespmem:$0x9380] =	vst v0  }
0x48: {  	[tilespmem:$0x9390] =	vst v0  }
0x49: {  	[tilespmem:$0x93A0] =	vst v0  }
0x4a: {  	[tilespmem:$0x93B0] =	vst v0  }
0x4b: {  	[tilespmem:$0x93C0] =	vst v0  }
0x4c: {  	[tilespmem:$0x93D0] =	vst v0  }
0x4d: {  	[tilespmem:$0x93E0] =	vst v0  }
0x4e: {  	[tilespmem:$0x93F0] =	vst v0  }
0x4f: {  	[tilespmem:$0x9400] =	vst v0  }
0x50: {  	[tilespmem:$0x9410] =	vst v0  }
0x51: {  	[tilespmem:$0x9420] =	vst v0  }
0x52: {  	[tilespmem:$0x9430] =	vst v0  }
0x53: {  	[tilespmem:$0x9440] =	vst v0  }
0x54: {  	[tilespmem:$0x9450] =	vst v0  }
0x55: {  	[tilespmem:$0x9460] =	vst v0  }
0x56: {  	[tilespmem:$0x9470] =	vst v0  }
0x57: {  	[tilespmem:$0x9480] =	vst v0  }
0x58: {  	[tilespmem:$0x9490] =	vst v0  }
0x59: {  	[tilespmem:$0x94A0] =	vst v0  }
0x5a: {  	[tilespmem:$0x94B0] =	vst v0  }
0x5b: {  	[tilespmem:$0x94C0] =	vst v0  }
0x5c: {  	[tilespmem:$0x94D0] =	vst v0  }
0x5d: {  	[tilespmem:$0x94E0] =	vst v0  }
0x5e: {  	[tilespmem:$0x94F0] =	vst v0  }
0x5f: {  	[tilespmem:$0x9500] =	vst v0  }
0x60: {  	[tilespmem:$0x9510] =	vst v0  }
0x61: {  	[tilespmem:$0x9520] =	vst v0  }
0x62: {  	[tilespmem:$0x9530] =	vst v0  }
0x63: {  	[tilespmem:$0x9540] =	vst v0  }
0x64: {  	[tilespmem:$0x9550] =	vst v0  }
0x65: {  	[tilespmem:$0x9560] =	vst v0  }
0x66: {  	[tilespmem:$0x9570] =	vst v0  }
0x67: {  	[tilespmem:$0x9580] =	vst v0  }
0x68: {  	[tilespmem:$0x9590] =	vst v0  }
0x69: {  	[tilespmem:$0x95A0] =	vst v0  }
0x6a: {  	[tilespmem:$0x95B0] =	vst v0  }
0x6b: {  	[tilespmem:$0x95C0] =	vst v0  }
0x6c: {  	[tilespmem:$0x95D0] =	vst v0  }
0x6d: {  	[tilespmem:$0x95E0] =	vst v0  }
0x6e: {  	[tilespmem:$0x95F0] =	vst v0  }
0x6f: {  	[tilespmem:$0x9600] =	vst v0  }
0x70: {  	[tilespmem:$0x9610] =	vst v0  }
0x71: {  	[tilespmem:$0x9620] =	vst v0  }
0x72: {  	[tilespmem:$0x9630] =	vst v0  }
0x73: {  	[tilespmem:$0x9640] =	vst v0  }
0x74: {  	[tilespmem:$0x9650] =	vst v0  }
0x75: {  	[tilespmem:$0x9660] =	vst v0  }
0x76: {  	[tilespmem:$0x9670] =	vst v0  }
0x77: {  	[tilespmem:$0x9680] =	vst v0  }
0x78: {  	[tilespmem:$0x9690] =	vst v0  }
0x79: {  	[tilespmem:$0x96A0] =	vst v0  }
0x7a: {  	[tilespmem:$0x96B0] =	vst v0  }
0x7b: {  	[tilespmem:$0x96C0] =	vst v0  }
0x7c: {  	[tilespmem:$0x96D0] =	vst v0  }
0x7d: {  	[tilespmem:$0x96E0] =	vst v0  }
0x7e: {  	[tilespmem:$0x96F0] =	vst v0  }
0x7f: {  	[tilespmem:$0x9700] =	vst v0  }
0x80: {  	[tilespmem:$0x9710] =	vst v0  }
0x81: {  	[tilespmem:$0x9720] =	vst v0  }
0x82: {  	[tilespmem:$0x9730] =	vst v0  }
0x83: {  	[tilespmem:$0x9740] =	vst v0  }
0x84: {  	[tilespmem:$0x9750] =	vst v0  }
0x85: {  	[tilespmem:$0x9760] =	vst v0  }
0x86: {  	[tilespmem:$0x9770] =	vst v0  }
0x87: {  	[tilespmem:$0x9780] =	vst v0  }
0x88: {  	[tilespmem:$0x9790] =	vst v0  }
0x89: {  	[tilespmem:$0x97A0] =	vst v0  }
0x8a: {  	[tilespmem:$0x97B0] =	vst v0  }
0x8b: {  	[tilespmem:$0x97C0] =	vst v0  }
0x8c: {  	[tilespmem:$0x97D0] =	vst v0  }
0x8d: {  	[tilespmem:$0x97E0] =	vst v0  }
0x8e: {  	[tilespmem:$0x97F0] =	vst v0;
	s18 =	sadd.s32 $0x0, s5  }
0x8f: {  	[spmem:s18] =	stream.linear.scatter [tilespmem:s10], [sflag:$0x2], $0x800, $0x38;
	[tilespmem:$0x1D800] =	vst v63  }
0x90: {  	s18 =	simm.s32 $0x2000;
	_ =	swait.ge [sflag:s11], $0x800  }
.LBB2_2:
0x91: {  	s19 =	sshra.s32 s18, $0x2;
	[sflag:s11] =	ssyncset.done $0x0;
	p0 =	sne.s32 s18, $0x4E000  }
.Ltmp0:
0x92: {  	s19 =	sadd.s32 s19, s5;
	[sflag:s11] =	ssyncadd.s32 $0xFFFFF800;
	(pc) =	sbr.rel @p0 .LBB2_2-.Ltmp0, $3  }
0x93: {  	[spmem:s19] =	stream.linear.scatter [tilespmem:s10], [sflag:$0x2], $0x800, $0x38;
	[tilespmem:$0x1D800] =	vst v63  }
0x94: {  	s18 =	sadd.s32 $0x2000, s18;
	_ =	sdelay $0x1  }
0x95: {  	_ =	swait.ge [sflag:s11], $0x800  }
0x96: {  	[sflag:s11] =	ssyncset.done $0x0  }
0x97: {  	[sflag:s11] =	ssyncadd.s32 $0xFFFFF800  }
0x98: {  	s18 =	simm.s32 $0x0;
	[bflag:$0x0] =	sbarrier.arrive $0xFFFF  }
0x99: {  	[tilespmem:s18], [sflag:$0x2] =	stream.linear.gather [hbm4b:s6+s18], $0x2800, $0x38;
	[tilespmem:$0x1D800] =	vst v63  }
0x9a: {  	_ =	swait.ge [sflag:s11], $0x2800  }
0x9b: {  	[sflag:s11] =	ssyncset.done $0x0  }
0x9c: {  	[sflag:s11] =	ssyncadd.s32 $0xFFFFD800  }
0x9d: {  	[tilespmem:s12], [sflag:$0x2] =	stream.linear.gather [hbm4b:s7+s18], $0x2800, $0x38;
	[tilespmem:$0x1D800] =	vst v63  }
0x9e: {  	_ =	swait.ge [sflag:s11], $0x2800  }
0x9f: {  	[sflag:s11] =	ssyncset.done $0x0  }
0xa0: {  	s30 =	simm.s32 $0x0;
	[sflag:s11] =	ssyncadd.s32 $0xFFFFD800  }
0xa1: {  	[tilespmem:s14], [sflag:$0x1] =	stream.indirect.gather [hbm4b:s4+s13], $0x80, s30, s13, $0xb8;
	[tilespmem:$0x1D800] =	vst v63  }
0xa2: {  	_ =	swait.ge [sflag:s15], $0x4000  }
0xa3: {  	[sflag:s15] =	ssyncset.done $0x0  }
0xa4: {  	s31 =	simm.s32 $0x2800;
	[sflag:s15] =	ssyncadd.s32 $0xFFFFC000  }
0xa5: {  	[spmem:s1] =	stream.indirect.scatter.add.f32 [tilespmem:s14], [sflag:$0x2], $0x80, s31, s13, $0xb8;
	[tilespmem:$0x1D800] =	vst v63  }
0xa6: {  	_ =	swait.ge [sflag:s11], $0x4000  }
0xa7: {  	s19 =	simm.s32 $0x400;
	s18 =	simm.s32 $0x200;
	[sflag:s11] =	ssyncset.done $0x0  }
.LBB2_4:
0xa8: {  	s20 =	sshra.s32 s18, $0x2  }
0xa9: {  	[sflag:s11] =	ssyncadd.s32 $0xFFFFC000;
	s18 =	smov.u32 s19;
	s21 =	sadd.s32 $0x200, s19  }
0xaa: {  	[tilespmem:s14], [sflag:$0x1] =	stream.indirect.gather [hbm4b:s4+s13], $0x80, s20, s13, $0xb8;
	[tilespmem:$0x1D800] =	vst v63  }
0xab: {  	p0 =	sne.s32 s19, $0x9E00;
	_ =	swait.ge [sflag:s15], $0x4000  }
.Ltmp1:
0xac: {  	[sflag:s15] =	ssyncset.done $0x0;
	(pc) =	sbr.rel @p0 .LBB2_4-.Ltmp1, $4  }
0xad: {  	s19 =	sadd.s32 $0x2800, s20;
	[sflag:s15] =	ssyncadd.s32 $0xFFFFC000  }
0xae: {  	[spmem:s1] =	stream.indirect.scatter.add.f32 [tilespmem:s14], [sflag:$0x2], $0x80, s19, s13, $0xb8;
	[tilespmem:$0x1D800] =	vst v63  }
0xaf: {  	_ =	swait.ge [sflag:s11], $0x4000  }
0xb0: {  	s19 =	smov.u32 s21;
	[sflag:s11] =	ssyncset.done $0x0  }
0xb1: {  	s18 =	sshra.s32 s18, $0x2;
	[sflag:s11] =	ssyncadd.s32 $0xFFFFC000  }
0xb2: {  	[tilespmem:s14], [sflag:$0x1] =	stream.indirect.gather [hbm4b:s4+s13], $0x80, s18, s13, $0xb8;
	[tilespmem:$0x1D800] =	vst v63  }
0xb3: {  	_ =	swait.ge [sflag:s15], $0x4000  }
0xb4: {  	[sflag:s15] =	ssyncset.done $0x0  }
0xb5: {  	s18 =	sadd.s32 $0x2800, s18;
	[sflag:s15] =	ssyncadd.s32 $0xFFFFC000  }
0xb6: {  	[spmem:s1] =	stream.indirect.scatter.add.f32 [tilespmem:s14], [sflag:$0x2], $0x80, s18, s13, $0xb8;
	[tilespmem:$0x1D800] =	vst v63  }
0xb7: {  	_ =	swait.ge [sflag:s11], $0x4000  }
0xb8: {  	s3 =	sadd.s32 $0x1, s3;
	[sflag:s11] =	ssyncset.done $0x0  }
0xb9: {  	p0 =	sne.s32 s3, s9;
	[sflag:s11] =	ssyncadd.s32 $0xFFFFC000  }
.Ltmp2:
0xba: {  	[bflag:$0x0] =	sbarrier.arrive $0xFFFF;
	(pc) =	sbr.rel @p0 .LBB2_1-.Ltmp2, $4  }
0xbb: {  	[hbm:s8], [sflag:s16] =	dma.local [spmem:s17], $0x2800  }
0xbc: {  	_ =	swait.ge [sflag:s11], $0x2800  }
0xbd: {  	[sflag:s11] =	ssyncset.done $0x0  }
0xbe: {  	[sflag:s11] =	ssyncadd.s32 $0xFFFFD800  }
0xbf: {  	_ =	sfence.sel $0x180000  }
0xc0: {  	[bflag:$0x0] =	sbarrier.arrive $0xFFFF  }
0xc1: {  	p0 =	sne.s32 s2, $0x0;
	_ =	strace $0x9000004A  }
0xc2: {  	s0 =	sadd.s32 @!p0 $0x100000, s0;
	[bflag:$0x2] =	sbarrier.arrive $0xFFFF  }
0xc3: {  	[sflag:s0] =	ssyncadd.tile.s32 @!p0 $0x1;
	_ =	shalt  }
.Lfunc_end2:
_tile_overlayer_lowered:
.L_overlay_start_2:
0xc4: {  	(tag) =	ssettag $0x2  }
0xc5: {  	s0 =	rddreg [dreg:$0x0];
	s2 =	stileid.u32  }
0xc6: {  	s1 =	rddreg [dreg:$0x1];
	p0 =	sne.s32 s2, $0x0  }
0xc7: {  	s3 =	rddreg [dreg:$0x2];
	[bflag:$0x3] =	sbarrier.arrive $0xFFFF;
	s2 =	simm.s32 @!p0 $0x1C02  }
0xc8: {  	[timem:s3], [sflag:s2] =	dma.local @!p0 [hbm:s0], s1  }
0xc9: {  	s0 =	simm.s32 @!p0 $0x2  }
0xca: {  	_ =	swait.ge @!p0 [sflag:s0], s1  }
0xcb: {  	s1 =	ssub.s32 @!p0 $0x0, s1;
	[sflag:s0] =	ssyncset.done @!p0 $0x0  }
0xcc: {  	[sflag:s0] =	ssyncadd.s32 @!p0 s1  }
0xcd: {  	[bflag:$0x3] =	sbarrier.arrive $0xFFFF  }
0xce: {  	_ =	shalt  }

// kernel: kernel.13.cloned.1.call-start
scs
__scs_entry_jumppad:
0x0: {  	(pc) =	sbr.rel $0x88, $3  }
0x1: {  	(tag) =	ssettag $0x0;
	lr =	simm.s32 $0x1  }
0x2: {  	[smem:$0x3F94] =	sst lr;
	_ =	strace $0xD0000000  }
0x3: {  	_ = 	snop  }
0x4: {  	_ = 	snop  }
0x5: {  	_ = 	snop  }
0x6: {  	_ = 	snop  }
0x7: {  	_ = 	snop  }
__scs_overlays_trampoline_lowered:
0x8: {  	[smem:$0x3FA3] =	sst s0  }
0x9: {  	[smem:$0x3FA4] =	sst s1  }
0xa: {  	[smem:$0x3FA5] =	sst s2  }
0xb: {  	[smem:$0x3FA6] =	sst s3  }
0xc: {  	[smem:$0x3FA7] =	sst s4  }
0xd: {  	[smem:$0x3FA8] =	sst s5  }
0xe: {  	[smem:$0x3FA9] =	sst s6  }
0xf: {  	[smem:$0x3FAA] =	sst s7  }
0x10: {  	[smem:$0x3FAB] =	sst s8  }
0x11: {  	[smem:$0x3FAC] =	sst s9;
	s0 =	simm.s32 @!p0 $0x0  }
0x12: {  	s1 =	sld [smem:$0x3F92];
	s0 =	simm.s32 @p0 $0x1  }
0x13: {  	[smem:$0x3FAD] =	sst s0;
	s0 =	simm.s32 @!p1 $0x0  }
0x14: {  	s2 =	sld [smem:$0x3F91];
	s0 =	simm.s32 @p1 $0x1  }
0x15: {  	[smem:$0x3FAE] =	sst s0;
	s0 =	simm.s32 @!p2 $0x0  }
0x16: {  	s3 =	sld [smem:$0x3FDB];
	s0 =	simm.s32 @p2 $0x1  }
0x17: {  	s4 =	simm.s32 $0x1BF5;
	[smem:$0x3FB0] =	sst s0  }
0x18: {  	s0 =	sld [smem:$0x3F93];
	_ =	swait.ge [sflag:s4], $0x0  }
0x19: {  	s7 =	sld [smem:$0x3F94]  }
0x1a: {  	s8 =	sadd.s32 $0xFFFFE003, lr  }
0x1b: {  	s9 =	sadd.s32 $0xFFFFFEF7, lr;
	s5 =	simm.s32 $0xFFFFFFFF;
	p2 =	slt.u32 s8, $0xFFFFF086  }
0x1c: {  	p1 =	slt.u32 s9, $0xF7A;
	s5 =	simm.s32 @!p2 $0x0  }
0x1d: {  	s5 =	simm.s32 @p1 $0x1;
	p0 =	seq.s32 s7, s2  }
0x1e: {  	s7 =	smul.u32 @!p0 $0xF7A, s2;
	p2 =	seq.s32 @!p0 s5, $0x0  }
0x1f: {  	s9 =	smul.u32 $0xF7A, s1;
	s8 =	simm.s32 @!p0 $0x1BF5;
	p2 =	por !p2, p0  }
0x20: {  	[sflag:s8] =	ssyncset.s32 @!p0 $0xFFFFF086;
	s6 =	sadd.s32 @!p0 s3, s7;
	s7 =	simm.s32 @!p0 $0x108  }
0x21: {  	s3 =	sadd.s32 s3, s9;
	s6 =	sadd.s32 @!p0 $0x88, s6;
	s7 =	simm.s32 @p2 $0x1082  }
0x22: {  	[simem:s7], [sflag:s8] =	dma.local @!p0 [hbm:s6], $0xF7A  }
0x23: {  	s9 =	sor.u32 $0xD0000000, s2;
	s6 =	simm.s32 $0x108;
	_ =	swait.ge @!p0 [sflag:s8], $0x0  }
0x24: {  	s3 =	sadd.s32 $0x88, s3;
	s6 =	simm.s32 @!p1 $0x1082;
	[sflag:s4] =	ssyncset.s32 $0xFFFFF086  }
0x25: {  	[simem:s6], [sflag:s4] =	dma.local [hbm:s3], $0xF7A  }
0x26: {  	[smem:$0x3F94] =	sst s1;
	(tag) =	ssettag s2;
	_ =	strace s9  }
0x27: {  	s1 =	sld [smem:$0x3FA4]  }
0x28: {  	s2 =	sld [smem:$0x3FA5]  }
0x29: {  	s4 =	sld [smem:$0x3FA7]  }
0x2a: {  	p0 =	seq.s32 s5, $0x0;
	s5 =	sld [smem:$0x3FA8]  }
0x2b: {  	s6 =	sld [smem:$0x3FA9]  }
0x2c: {  	s7 =	sld [smem:$0x3FAA]  }
0x2d: {  	s3 =	simm.s32 $0x108;
	s8 =	sld [smem:$0x3FAB]  }
0x2e: {  	s3 =	simm.s32 @!p0 $0x1082;
	s9 =	sld [smem:$0x3FAC]  }
0x2f: {  	lr =	sadd.s32 s0, s3;
	s0 =	sld [smem:$0x3FA3]  }
0x30: {  	s3 =	sld [smem:$0x3FA6]  }
0x31: {  	[smem:$0x3FAF] =	sst s10  }
0x32: {  	s10 =	sld [smem:$0x3FAD];
	_ =	sdelay $0x3  }
0x33: {  	p0 =	seq.s32 s10, $0x1;
	s10 =	sld [smem:$0x3FAF];
	_ =	sdelay $0x3  }
0x34: {  	[smem:$0x3FAF] =	sst s10  }
0x35: {  	s10 =	sld [smem:$0x3FAE];
	_ =	sdelay $0x3  }
0x36: {  	p1 =	seq.s32 s10, $0x1;
	s10 =	sld [smem:$0x3FAF];
	_ =	sdelay $0x3  }
0x37: {  	[smem:$0x3FAF] =	sst s10  }
0x38: {  	s10 =	sld [smem:$0x3FB0]  }
0x39: {  	_ = 	snop;
	(pc) =	sbr.ind lr, $3  }
0x3a: {  	_ = 	snop  }
0x3b: {  	_ = 	snop  }
0x3c: {  	p2 =	seq.s32 s10, $0x1;
	s10 =	sld [smem:$0x3FAF]  }
0x3d: {  	_ =	shalt  }
0x3e: {  	_ =	shalt  }
0x3f: {  	_ =	shalt  }
0x40: {  	_ =	shalt  }
0x41: {  	_ =	shalt  }
0x42: {  	_ =	shalt  }
0x43: {  	_ =	shalt  }
0x44: {  	_ =	shalt  }
0x45: {  	_ =	shalt  }
0x46: {  	_ =	shalt  }
0x47: {  	_ =	shalt  }
0x48: {  	_ =	shalt  }
0x49: {  	_ =	shalt  }
0x4a: {  	_ =	shalt  }
0x4b: {  	_ =	shalt  }
0x4c: {  	_ =	shalt  }
0x4d: {  	_ =	shalt  }
0x4e: {  	_ =	shalt  }
0x4f: {  	_ =	shalt  }
0x50: {  	_ =	shalt  }
0x51: {  	_ =	shalt  }
0x52: {  	_ =	shalt  }
0x53: {  	_ =	shalt  }
0x54: {  	_ =	shalt  }
0x55: {  	_ =	shalt  }
0x56: {  	_ =	shalt  }
0x57: {  	_ =	shalt  }
0x58: {  	_ =	shalt  }
0x59: {  	_ =	shalt  }
0x5a: {  	_ =	shalt  }
0x5b: {  	_ =	shalt  }
0x5c: {  	_ =	shalt  }
0x5d: {  	_ =	shalt  }
0x5e: {  	_ =	shalt  }
0x5f: {  	_ =	shalt  }
0x60: {  	_ =	shalt  }
0x61: {  	_ =	shalt  }
0x62: {  	_ =	shalt  }
0x63: {  	_ =	shalt  }
0x64: {  	_ =	shalt  }
0x65: {  	_ =	shalt  }
0x66: {  	_ =	shalt  }
0x67: {  	_ =	shalt  }
0x68: {  	_ =	shalt  }
0x69: {  	_ =	shalt  }
0x6a: {  	_ =	shalt  }
0x6b: {  	_ =	shalt  }
0x6c: {  	_ =	shalt  }
0x6d: {  	_ =	shalt  }
0x6e: {  	_ =	shalt  }
0x6f: {  	_ =	shalt  }
0x70: {  	_ =	shalt  }
0x71: {  	_ =	shalt  }
0x72: {  	_ =	shalt  }
0x73: {  	_ =	shalt  }
0x74: {  	_ =	shalt  }
0x75: {  	_ =	shalt  }
0x76: {  	_ =	shalt  }
0x77: {  	_ =	shalt  }
0x78: {  	_ =	shalt  }
0x79: {  	_ =	shalt  }
0x7a: {  	_ =	shalt  }
0x7b: {  	_ =	shalt  }
0x7c: {  	_ =	shalt  }
0x7d: {  	_ =	shalt  }
0x7e: {  	_ =	shalt  }
0x7f: {  	_ =	shalt  }
0x80: {  	_ =	shalt  }
0x81: {  	_ =	shalt  }
0x82: {  	_ =	shalt  }
0x83: {  	_ =	shalt  }
0x84: {  	_ =	shalt  }
0x85: {  	_ =	shalt  }
0x86: {  	_ =	shalt  }
0x87: {  	_ =	shalt  }
.Lfunc_end0:
.L_simem_size_0:
called_computation.1_lowered:
.L_overlay_start_0:
0x88: {  	s2 =	sld [smem:$0x3FD9]  }
0x89: {  	s3 =	sld [smem:$0x3FFE];
	_ =	sdelay $0x1  }
0x8a: {  	s1 =	srdreg.scid  }
0x8b: {  	s0 =	sand.u32 $0x1, s1  }
0x8c: {  	s16 =	sshll.u32 s0, $0xA;
	s2 =	sadd.s32 s3, s2  }
0x8d: {  	s2 =	sadd.s32 s2, s16  }
0x8e: {  	[smem:$0x3FBB] =	sst s2  }
0x8f: {  	_ = 	snop  }
0x90: {  	(tm) =	ssettm $0x1  }
0x91: {  	s17 =	sld [smem:$0x3FFB];
	_ =	sdelay $0x3  }
0x92: {  	_ =	strace s17  }
0x93: {  	s2 =	sld [smem:$0x3FFC];
	_ =	sdelay $0x3  }
0x94: {  	_ =	strace s2  }
0x95: {  	s2 =	sld [smem:$0x3FFD];
	_ =	sdelay $0x3  }
0x96: {  	_ =	strace s2  }
0x97: {  	_ =	strace $0x8FFFFFFF  }
0x98: {  	s18 =	sld [smem:$0x3FDB];
	_ =	sdelay $0x1  }
0x99: {  	s19 =	simm.s32 $_scs_section_size  }
0x9a: {  	s4 =	simm.s32 $_size__tile_overlayer_lowered;
	s5 =	simm.s32 $_tile_overlayer_lowered  }
0x9b: {  	s22 =	simm.s32 $0x1BFF;
	s21 =	sshll.u32 s5, $0x1;
	s2 =	sadd.s32 s19, s18  }
0x9c: {  	s6 =	simm.s32 $0x0;
	s20 =	sshll.u32 s4, $0x1;
	s4 =	sadd.s32 s21, s2  }
0x9d: {  	[timem:s6], [sflag:s22] =	dma.local [hbm:s4], s20  }
0x9e: {  	_ =	swait.ge [sflag:s22], s20  }
0x9f: {  	s3 =	ssub.s32 $0x0, s20;
	[sflag:s22] =	ssyncset.done $0x0  }
0xa0: {  	[sflag:s22] =	ssyncadd.s32 s3;
	_ =	sdelay $0x1  }
0xa1: {  	s23 =	simm.s32 $0x1B8B  }
0xa2: {  	_ =	swait.ge [sflag:s23], $0x1  }
0xa3: {  	[sflag:s23] =	ssyncset.done $0x0  }
0xa4: {  	s25 =	simm.s32 $0x1B8E;
	s24 =	sld [smem:$0x3FFE];
	[sflag:s23] =	ssyncadd.s32 $0xFFFFFFFF  }
0xa5: {  	s26 =	simm.s32 $execute0_lowered;
	[smem:$0x3FD2] =	sst s25  }
0xa6: {  	s4 =	sshll.u32 s26, $0x1;
	_ =	strace $0x80000046;
	[dreg:$0x1] =	wrdreg $0xFFFFFFFF  }
0xa7: {  	s28 =	simm.s32 $_size_execute0_lowered;
	s2 =	sadd.s32 s2, s4;
	[dreg:$0x0] =	wrdreg $0x0  }
0xa8: {  	s4 =	sshll.u32 s28, $0x1;
	[dreg:$0x2] =	wrdreg s2  }
0xa9: {  	[dreg:$0x3] =	wrdreg s4  }
0xaa: {  	[dreg:$0x4] =	wrdreg $0xC0  }
0xab: {  	_ =	task [dreg:s6], $0x5FFFF  }
0xac: {  	[dreg:$0x1] =	wrdreg $0xFFFFFFFF  }
0xad: {  	[dreg:$0x0] =	wrdreg $0x60  }
0xae: {  	[dreg:$0x2] =	wrdreg s24  }
0xaf: {  	[dreg:$0x3] =	wrdreg $0x98000  }
0xb0: {  	[dreg:$0x4] =	wrdreg $0xA  }
0xb1: {  	_ =	task.clear_ibuf [dreg:s6], $0x5FFFF;
	_ =	strace $0x90000046  }
0xb2: {  	s29 =	simm.s32 $0xA;
	_ =	strace $0x80000048  }
0xb3: {  	_ =	swait.ge [sflag:s29], $0x1  }
0xb4: {  	[sflag:s29] =	ssyncadd.s32 $0xFFFFFFFF  }
0xb5: {  	_ =	strace $0x90000048  }
0xb6: {  	_ =	sfence  }
0xb7: {  	s30 =	sld [smem:$0x0];
	_ =	sdelay $0x2  }
0xb8: {  	s31 =	sshll.u32 s1, $0xD;
	s1 =	sshrl.u32 s1, $0x2  }
0xb9: {  	s3 =	sand.u32 $0x4000, s31;
	s1 =	sadd.s32 s1, s30  }
0xba: {  	s0 =	sor.u32 s3, s0;
	s1 =	sshll.u32 s1, $0x11  }
0xbb: {  	s0 =	sor.u32 s1, s0  }
0xbc: {  	s0 =	sadd.s32 $0x8F2B, s0  }
0xbd: {  	[sflag:s0] =	ssyncadd.remote.s32 $0x1  }
0xbe: {  	_ =	sfence.sel $0xFFFF  }
0xbf: {  	[dreg:$0x0] =	wrdreg $0xFFFFFFFF;
	(pc) =	sbr.abs _section_cstart, $3  }
0xc0: {  	[dreg:$0x1] =	wrdreg $0xFFFFFFFF  }
0xc1: {  	_ =	task.clear_ibuf [dreg:s6], $0x2FFFF;
	_ =	strace $0x9FFFFFFF  }
0xc2: {  	(tm) =	ssettm $0x7FFFFFFF  }
0xc3: {  	_ =	shalt  }
tec
execute0_lowered:
.L_overlay_start_1:
0x0: {  	(tag) =	ssettag $0x1  }
0x1: {  	s5 =	rddreg [dreg:$0x0]  }
0x2: {  	s1 =	rddreg [dreg:$0x1]  }
0x3: {  	s2 =	srdreg.scid;
	s0 =	rddreg [dreg:$0x2];
	s3 =	simm.s32 $0x0  }
0x4: {  	s12 =	simm.s32 $0x2800;
	s13 =	simm.s32 $0x80;
	s6 =	sand.u32 $0x1, s2  }
0x5: {  	s14 =	simm.s32 $0x5000;
	s2 =	stileid.u32;
	s7 =	smul.u32 $0x140000, s6  }
0x6: {  	s15 =	simm.s32 $0x1;
	[smem:$0x7FF] =	sst s3;
	s8 =	smul.u32 $0x14000, s2  }
0x7: {  	s4 =	sshll.u32 s6, $0x4;
	_ =	strace $0x80000047;
	s29 =	smul.u32 $0x50000, s2  }
0x8: {  	s6 =	ssub.s32 $0x2, s6;
	s16 =	sshll.u32 s2, $0x6;
	s4 =	sor.u32 s2, s4  }
0x9: {  	s30 =	sshrl.u32 s6, $0x1;
	s16 =	sor.u32 $0x1C02, s16;
	s9 =	smul.u32 $0x500, s4  }
0xa: {  	s4 =	sadd.s32 $0x17800, s5;
	s7 =	sadd.s32 s8, s7;
	s31 =	sshrl.u32 s29, $0x2  }
0xb: {  	s11 =	ssub.s32 s6, s30;
	s7 =	sshrl.u32 s7, $0x3;
	s9 =	sadd.s32 s9, s5  }
0xc: {  	s10 =	sadd.s32 s7, s5;
	s5 =	sadd.s32 s31, s1;
	s6 =	sadd.s32 $0xD800, s9  }
0xd: {  	s7 =	sadd.s32 $0x3800, s9;
	s8 =	sadd.s32 $0x3EA00, s10;
	s9 =	smax.u32 s11, $0x1  }
0xe: {  	v0 =	vimm.f32 $0.0e+00;
	s10 =	simm.s32 $0x9000;
	s11 =	simm.s32 $0x2;
	s17 =	sshrl.u32 s5, $0x3  }
.LBB2_1:
0xf: {  	[tilespmem:$0x9000] =	vst v0  }
0x10: {  	[tilespmem:$0x9010] =	vst v0  }
0x11: {  	[tilespmem:$0x9020] =	vst v0  }
0x12: {  	[tilespmem:$0x9030] =	vst v0  }
0x13: {  	[tilespmem:$0x9040] =	vst v0  }
0x14: {  	[tilespmem:$0x9050] =	vst v0  }
0x15: {  	[tilespmem:$0x9060] =	vst v0  }
0x16: {  	[tilespmem:$0x9070] =	vst v0  }
0x17: {  	[tilespmem:$0x9080] =	vst v0  }
0x18: {  	[tilespmem:$0x9090] =	vst v0  }
0x19: {  	[tilespmem:$0x90A0] =	vst v0  }
0x1a: {  	[tilespmem:$0x90B0] =	vst v0  }
0x1b: {  	[tilespmem:$0x90C0] =	vst v0  }
0x1c: {  	[tilespmem:$0x90D0] =	vst v0  }
0x1d: {  	[tilespmem:$0x90E0] =	vst v0  }
0x1e: {  	[tilespmem:$0x90F0] =	vst v0  }
0x1f: {  	[tilespmem:$0x9100] =	vst v0  }
0x20: {  	[tilespmem:$0x9110] =	vst v0  }
0x21: {  	[tilespmem:$0x9120] =	vst v0  }
0x22: {  	[tilespmem:$0x9130] =	vst v0  }
0x23: {  	[tilespmem:$0x9140] =	vst v0  }
0x24: {  	[tilespmem:$0x9150] =	vst v0  }
0x25: {  	[tilespmem:$0x9160] =	vst v0  }
0x26: {  	[tilespmem:$0x9170] =	vst v0  }
0x27: {  	[tilespmem:$0x9180] =	vst v0  }
0x28: {  	[tilespmem:$0x9190] =	vst v0  }
0x29: {  	[tilespmem:$0x91A0] =	vst v0  }
0x2a: {  	[tilespmem:$0x91B0] =	vst v0  }
0x2b: {  	[tilespmem:$0x91C0] =	vst v0  }
0x2c: {  	[tilespmem:$0x91D0] =	vst v0  }
0x2d: {  	[tilespmem:$0x91E0] =	vst v0  }
0x2e: {  	[tilespmem:$0x91F0] =	vst v0  }
0x2f: {  	[tilespmem:$0x9200] =	vst v0  }
0x30: {  	[tilespmem:$0x9210] =	vst v0  }
0x31: {  	[tilespmem:$0x9220] =	vst v0  }
0x32: {  	[tilespmem:$0x9230] =	vst v0  }
0x33: {  	[tilespmem:$0x9240] =	vst v0  }
0x34: {  	[tilespmem:$0x9250] =	vst v0  }
0x35: {  	[tilespmem:$0x9260] =	vst v0  }
0x36: {  	[tilespmem:$0x9270] =	vst v0  }
0x37: {  	[tilespmem:$0x9280] =	vst v0  }
0x38: {  	[tilespmem:$0x9290] =	vst v0  }
0x39: {  	[tilespmem:$0x92A0] =	vst v0  }
0x3a: {  	[tilespmem:$0x92B0] =	vst v0  }
0x3b: {  	[tilespmem:$0x92C0] =	vst v0  }
0x3c: {  	[tilespmem:$0x92D0] =	vst v0  }
0x3d: {  	[tilespmem:$0x92E0] =	vst v0  }
0x3e: {  	[tilespmem:$0x92F0] =	vst v0  }
0x3f: {  	[tilespmem:$0x9300] =	vst v0  }
0x40: {  	[tilespmem:$0x9310] =	vst v0  }
0x41: {  	[tilespmem:$0x9320] =	vst v0  }
0x42: {  	[tilespmem:$0x9330] =	vst v0  }
0x43: {  	[tilespmem:$0x9340] =	vst v0  }
0x44: {  	[tilespmem:$0x9350] =	vst v0  }
0x45: {  	[tilespmem:$0x9360] =	vst v0  }
0x46: {  	[tilespmem:$0x9370] =	vst v0  }
0x47: {  	[tilespmem:$0x9380] =	vst v0  }
0x48: {  	[tilespmem:$0x9390] =	vst v0  }
0x49: {  	[tilespmem:$0x93A0] =	vst v0  }
0x4a: {  	[tilespmem:$0x93B0] =	vst v0  }
0x4b: {  	[tilespmem:$0x93C0] =	vst v0  }
0x4c: {  	[tilespmem:$0x93D0] =	vst v0  }
0x4d: {  	[tilespmem:$0x93E0] =	vst v0  }
0x4e: {  	[tilespmem:$0x93F0] =	vst v0  }
0x4f: {  	[tilespmem:$0x9400] =	vst v0  }
0x50: {  	[tilespmem:$0x9410] =	vst v0  }
0x51: {  	[tilespmem:$0x9420] =	vst v0  }
0x52: {  	[tilespmem:$0x9430] =	vst v0  }
0x53: {  	[tilespmem:$0x9440] =	vst v0  }
0x54: {  	[tilespmem:$0x9450] =	vst v0  }
0x55: {  	[tilespmem:$0x9460] =	vst v0  }
0x56: {  	[tilespmem:$0x9470] =	vst v0  }
0x57: {  	[tilespmem:$0x9480] =	vst v0  }
0x58: {  	[tilespmem:$0x9490] =	vst v0  }
0x59: {  	[tilespmem:$0x94A0] =	vst v0  }
0x5a: {  	[tilespmem:$0x94B0] =	vst v0  }
0x5b: {  	[tilespmem:$0x94C0] =	vst v0  }
0x5c: {  	[tilespmem:$0x94D0] =	vst v0  }
0x5d: {  	[tilespmem:$0x94E0] =	vst v0  }
0x5e: {  	[tilespmem:$0x94F0] =	vst v0  }
0x5f: {  	[tilespmem:$0x9500] =	vst v0  }
0x60: {  	[tilespmem:$0x9510] =	vst v0  }
0x61: {  	[tilespmem:$0x9520] =	vst v0  }
0x62: {  	[tilespmem:$0x9530] =	vst v0  }
0x63: {  	[tilespmem:$0x9540] =	vst v0  }
0x64: {  	[tilespmem:$0x9550] =	vst v0  }
0x65: {  	[tilespmem:$0x9560] =	vst v0  }
0x66: {  	[tilespmem:$0x9570] =	vst v0  }
0x67: {  	[tilespmem:$0x9580] =	vst v0  }
0x68: {  	[tilespmem:$0x9590] =	vst v0  }
0x69: {  	[tilespmem:$0x95A0] =	vst v0  }
0x6a: {  	[tilespmem:$0x95B0] =	vst v0  }
0x6b: {  	[tilespmem:$0x95C0] =	vst v0  }
0x6c: {  	[tilespmem:$0x95D0] =	vst v0  }
0x6d: {  	[tilespmem:$0x95E0] =	vst v0  }
0x6e: {  	[tilespmem:$0x95F0] =	vst v0  }
0x6f: {  	[tilespmem:$0x9600] =	vst v0  }
0x70: {  	[tilespmem:$0x9610] =	vst v0  }
0x71: {  	[tilespmem:$0x9620] =	vst v0  }
0x72: {  	[tilespmem:$0x9630] =	vst v0  }
0x73: {  	[tilespmem:$0x9640] =	vst v0  }
0x74: {  	[tilespmem:$0x9650] =	vst v0  }
0x75: {  	[tilespmem:$0x9660] =	vst v0  }
0x76: {  	[tilespmem:$0x9670] =	vst v0  }
0x77: {  	[tilespmem:$0x9680] =	vst v0  }
0x78: {  	[tilespmem:$0x9690] =	vst v0  }
0x79: {  	[tilespmem:$0x96A0] =	vst v0  }
0x7a: {  	[tilespmem:$0x96B0] =	vst v0  }
0x7b: {  	[tilespmem:$0x96C0] =	vst v0  }
0x7c: {  	[tilespmem:$0x96D0] =	vst v0  }
0x7d: {  	[tilespmem:$0x96E0] =	vst v0  }
0x7e: {  	[tilespmem:$0x96F0] =	vst v0  }
0x7f: {  	[tilespmem:$0x9700] =	vst v0  }
0x80: {  	[tilespmem:$0x9710] =	vst v0  }
0x81: {  	[tilespmem:$0x9720] =	vst v0  }
0x82: {  	[tilespmem:$0x9730] =	vst v0  }
0x83: {  	[tilespmem:$0x9740] =	vst v0  }
0x84: {  	[tilespmem:$0x9750] =	vst v0  }
0x85: {  	[tilespmem:$0x9760] =	vst v0  }
0x86: {  	[tilespmem:$0x9770] =	vst v0  }
0x87: {  	[tilespmem:$0x9780] =	vst v0  }
0x88: {  	[tilespmem:$0x9790] =	vst v0  }
0x89: {  	[tilespmem:$0x97A0] =	vst v0  }
0x8a: {  	[tilespmem:$0x97B0] =	vst v0  }
0x8b: {  	[tilespmem:$0x97C0] =	vst v0  }
0x8c: {  	[tilespmem:$0x97D0] =	vst v0  }
0x8d: {  	[tilespmem:$0x97E0] =	vst v0  }
0x8e: {  	[tilespmem:$0x97F0] =	vst v0;
	s18 =	sadd.s32 $0x0, s5  }
0x8f: {  	[spmem:s18] =	stream.linear.scatter [tilespmem:s10], [sflag:$0x2], $0x800, $0x38;
	[tilespmem:$0x1D800] =	vst v63  }
0x90: {  	s18 =	simm.s32 $0x2000;
	_ =	swait.ge [sflag:s11], $0x800  }
.LBB2_2:
0x91: {  	s19 =	sshra.s32 s18, $0x2;
	[sflag:s11] =	ssyncset.done $0x0;
	p0 =	sne.s32 s18, $0x4E000  }
.Ltmp0:
0x92: {  	s19 =	sadd.s32 s19, s5;
	[sflag:s11] =	ssyncadd.s32 $0xFFFFF800;
	(pc) =	sbr.rel @p0 .LBB2_2-.Ltmp0, $3  }
0x93: {  	[spmem:s19] =	stream.linear.scatter [tilespmem:s10], [sflag:$0x2], $0x800, $0x38;
	[tilespmem:$0x1D800] =	vst v63  }
0x94: {  	s18 =	sadd.s32 $0x2000, s18;
	_ =	sdelay $0x1  }
0x95: {  	_ =	swait.ge [sflag:s11], $0x800  }
0x96: {  	[sflag:s11] =	ssyncset.done $0x0  }
0x97: {  	[sflag:s11] =	ssyncadd.s32 $0xFFFFF800  }
0x98: {  	s18 =	simm.s32 $0x0;
	[bflag:$0x0] =	sbarrier.arrive $0xFFFF  }
0x99: {  	[tilespmem:s18], [sflag:$0x2] =	stream.linear.gather [hbm4b:s6+s18], $0x2800, $0x38;
	[tilespmem:$0x1D800] =	vst v63  }
0x9a: {  	_ =	swait.ge [sflag:s11], $0x2800  }
0x9b: {  	[sflag:s11] =	ssyncset.done $0x0  }
0x9c: {  	[sflag:s11] =	ssyncadd.s32 $0xFFFFD800  }
0x9d: {  	[tilespmem:s12], [sflag:$0x2] =	stream.linear.gather [hbm4b:s7+s18], $0x2800, $0x38;
	[tilespmem:$0x1D800] =	vst v63  }
0x9e: {  	_ =	swait.ge [sflag:s11], $0x2800  }
0x9f: {  	[sflag:s11] =	ssyncset.done $0x0  }
0xa0: {  	s30 =	simm.s32 $0x0;
	[sflag:s11] =	ssyncadd.s32 $0xFFFFD800  }
0xa1: {  	[tilespmem:s14], [sflag:$0x1] =	stream.indirect.gather [hbm4b:s4+s13], $0x80, s30, s13, $0xb8;
	[tilespmem:$0x1D800] =	vst v63  }
0xa2: {  	_ =	swait.ge [sflag:s15], $0x4000  }
0xa3: {  	[sflag:s15] =	ssyncset.done $0x0  }
0xa4: {  	s31 =	simm.s32 $0x2800;
	[sflag:s15] =	ssyncadd.s32 $0xFFFFC000  }
0xa5: {  	[spmem:s1] =	stream.indirect.scatter.add.f32 [tilespmem:s14], [sflag:$0x2], $0x80, s31, s13, $0xb8;
	[tilespmem:$0x1D800] =	vst v63  }
0xa6: {  	_ =	swait.ge [sflag:s11], $0x4000  }
0xa7: {  	s19 =	simm.s32 $0x400;
	s18 =	simm.s32 $0x200;
	[sflag:s11] =	ssyncset.done $0x0  }
.LBB2_4:
0xa8: {  	s20 =	sshra.s32 s18, $0x2  }
0xa9: {  	[sflag:s11] =	ssyncadd.s32 $0xFFFFC000;
	s18 =	smov.u32 s19;
	s21 =	sadd.s32 $0x200, s19  }
0xaa: {  	[tilespmem:s14], [sflag:$0x1] =	stream.indirect.gather [hbm4b:s4+s13], $0x80, s20, s13, $0xb8;
	[tilespmem:$0x1D800] =	vst v63  }
0xab: {  	p0 =	sne.s32 s19, $0x9E00;
	_ =	swait.ge [sflag:s15], $0x4000  }
.Ltmp1:
0xac: {  	[sflag:s15] =	ssyncset.done $0x0;
	(pc) =	sbr.rel @p0 .LBB2_4-.Ltmp1, $4  }
0xad: {  	s19 =	sadd.s32 $0x2800, s20;
	[sflag:s15] =	ssyncadd.s32 $0xFFFFC000  }
0xae: {  	[spmem:s1] =	stream.indirect.scatter.add.f32 [tilespmem:s14], [sflag:$0x2], $0x80, s19, s13, $0xb8;
	[tilespmem:$0x1D800] =	vst v63  }
0xaf: {  	_ =	swait.ge [sflag:s11], $0x4000  }
0xb0: {  	s19 =	smov.u32 s21;
	[sflag:s11] =	ssyncset.done $0x0  }
0xb1: {  	s18 =	sshra.s32 s18, $0x2;
	[sflag:s11] =	ssyncadd.s32 $0xFFFFC000  }
0xb2: {  	[tilespmem:s14], [sflag:$0x1] =	stream.indirect.gather [hbm4b:s4+s13], $0x80, s18, s13, $0xb8;
	[tilespmem:$0x1D800] =	vst v63  }
0xb3: {  	_ =	swait.ge [sflag:s15], $0x4000  }
0xb4: {  	[sflag:s15] =	ssyncset.done $0x0  }
0xb5: {  	s18 =	sadd.s32 $0x2800, s18;
	[sflag:s15] =	ssyncadd.s32 $0xFFFFC000  }
0xb6: {  	[spmem:s1] =	stream.indirect.scatter.add.f32 [tilespmem:s14], [sflag:$0x2], $0x80, s18, s13, $0xb8;
	[tilespmem:$0x1D800] =	vst v63  }
0xb7: {  	_ =	swait.ge [sflag:s11], $0x4000  }
0xb8: {  	s3 =	sadd.s32 $0x1, s3;
	[sflag:s11] =	ssyncset.done $0x0  }
0xb9: {  	p0 =	sne.s32 s3, s9;
	[sflag:s11] =	ssyncadd.s32 $0xFFFFC000  }
.Ltmp2:
0xba: {  	[bflag:$0x0] =	sbarrier.arrive $0xFFFF;
	(pc) =	sbr.rel @p0 .LBB2_1-.Ltmp2, $4  }
0xbb: {  	[hbm:s8], [sflag:s16] =	dma.local [spmem:s17], $0x2800  }
0xbc: {  	_ =	swait.ge [sflag:s11], $0x2800  }
0xbd: {  	[sflag:s11] =	ssyncset.done $0x0  }
0xbe: {  	[sflag:s11] =	ssyncadd.s32 $0xFFFFD800  }
0xbf: {  	_ =	sfence.sel $0x180000  }
0xc0: {  	[bflag:$0x0] =	sbarrier.arrive $0xFFFF  }
0xc1: {  	p0 =	sne.s32 s2, $0x0;
	_ =	strace $0x90000047  }
0xc2: {  	s0 =	sadd.s32 @!p0 $0x100000, s0;
	[bflag:$0x2] =	sbarrier.arrive $0xFFFF  }
0xc3: {  	[sflag:s0] =	ssyncadd.tile.s32 @!p0 $0x1;
	_ =	shalt  }
.Lfunc_end2:
_tile_overlayer_lowered:
.L_overlay_start_2:
0xc4: {  	(tag) =	ssettag $0x2  }
0xc5: {  	s0 =	rddreg [dreg:$0x0];
	s2 =	stileid.u32  }
0xc6: {  	s1 =	rddreg [dreg:$0x1];
	p0 =	sne.s32 s2, $0x0  }
0xc7: {  	s3 =	rddreg [dreg:$0x2];
	[bflag:$0x3] =	sbarrier.arrive $0xFFFF;
	s2 =	simm.s32 @!p0 $0x1C02  }
0xc8: {  	[timem:s3], [sflag:s2] =	dma.local @!p0 [hbm:s0], s1  }
0xc9: {  	s0 =	simm.s32 @!p0 $0x2  }
0xca: {  	_ =	swait.ge @!p0 [sflag:s0], s1  }
0xcb: {  	s1 =	ssub.s32 @!p0 $0x0, s1;
	[sflag:s0] =	ssyncset.done @!p0 $0x0  }
0xcc: {  	[sflag:s0] =	ssyncadd.s32 @!p0 s1  }
0xcd: {  	[bflag:$0x3] =	sbarrier.arrive $0xFFFF  }
0xce: {  	_ =	shalt  }

// kernel: kernel.16.cloned.1.call-start
scs
__scs_entry_jumppad:
0x0: {  	(pc) =	sbr.rel $0x88, $3  }
0x1: {  	(tag) =	ssettag $0x0;
	lr =	simm.s32 $0x1  }
0x2: {  	[smem:$0x3F94] =	sst lr;
	_ =	strace $0xD0000000  }
0x3: {  	_ = 	snop  }
0x4: {  	_ = 	snop  }
0x5: {  	_ = 	snop  }
0x6: {  	_ = 	snop  }
0x7: {  	_ = 	snop  }
__scs_overlays_trampoline_lowered:
0x8: {  	[smem:$0x3FA3] =	sst s0  }
0x9: {  	[smem:$0x3FA4] =	sst s1  }
0xa: {  	[smem:$0x3FA5] =	sst s2  }
0xb: {  	[smem:$0x3FA6] =	sst s3  }
0xc: {  	[smem:$0x3FA7] =	sst s4  }
0xd: {  	[smem:$0x3FA8] =	sst s5  }
0xe: {  	[smem:$0x3FA9] =	sst s6  }
0xf: {  	[smem:$0x3FAA] =	sst s7  }
0x10: {  	[smem:$0x3FAB] =	sst s8  }
0x11: {  	[smem:$0x3FAC] =	sst s9;
	s0 =	simm.s32 @!p0 $0x0  }
0x12: {  	s1 =	sld [smem:$0x3F92];
	s0 =	simm.s32 @p0 $0x1  }
0x13: {  	[smem:$0x3FAD] =	sst s0;
	s0 =	simm.s32 @!p1 $0x0  }
0x14: {  	s2 =	sld [smem:$0x3F91];
	s0 =	simm.s32 @p1 $0x1  }
0x15: {  	[smem:$0x3FAE] =	sst s0;
	s0 =	simm.s32 @!p2 $0x0  }
0x16: {  	s3 =	sld [smem:$0x3FDB];
	s0 =	simm.s32 @p2 $0x1  }
0x17: {  	s4 =	simm.s32 $0x1BF5;
	[smem:$0x3FB0] =	sst s0  }
0x18: {  	s0 =	sld [smem:$0x3F93];
	_ =	swait.ge [sflag:s4], $0x0  }
0x19: {  	s7 =	sld [smem:$0x3F94]  }
0x1a: {  	s8 =	sadd.s32 $0xFFFFE003, lr  }
0x1b: {  	s9 =	sadd.s32 $0xFFFFFEF7, lr;
	s5 =	simm.s32 $0xFFFFFFFF;
	p2 =	slt.u32 s8, $0xFFFFF086  }
0x1c: {  	p1 =	slt.u32 s9, $0xF7A;
	s5 =	simm.s32 @!p2 $0x0  }
0x1d: {  	s5 =	simm.s32 @p1 $0x1;
	p0 =	seq.s32 s7, s2  }
0x1e: {  	s7 =	smul.u32 @!p0 $0xF7A, s2;
	p2 =	seq.s32 @!p0 s5, $0x0  }
0x1f: {  	s9 =	smul.u32 $0xF7A, s1;
	s8 =	simm.s32 @!p0 $0x1BF5;
	p2 =	por !p2, p0  }
0x20: {  	[sflag:s8] =	ssyncset.s32 @!p0 $0xFFFFF086;
	s6 =	sadd.s32 @!p0 s3, s7;
	s7 =	simm.s32 @!p0 $0x108  }
0x21: {  	s3 =	sadd.s32 s3, s9;
	s6 =	sadd.s32 @!p0 $0x88, s6;
	s7 =	simm.s32 @p2 $0x1082  }
0x22: {  	[simem:s7], [sflag:s8] =	dma.local @!p0 [hbm:s6], $0xF7A  }
0x23: {  	s9 =	sor.u32 $0xD0000000, s2;
	s6 =	simm.s32 $0x108;
	_ =	swait.ge @!p0 [sflag:s8], $0x0  }
0x24: {  	s3 =	sadd.s32 $0x88, s3;
	s6 =	simm.s32 @!p1 $0x1082;
	[sflag:s4] =	ssyncset.s32 $0xFFFFF086  }
0x25: {  	[simem:s6], [sflag:s4] =	dma.local [hbm:s3], $0xF7A  }
0x26: {  	[smem:$0x3F94] =	sst s1;
	(tag) =	ssettag s2;
	_ =	strace s9  }
0x27: {  	s1 =	sld [smem:$0x3FA4]  }
0x28: {  	s2 =	sld [smem:$0x3FA5]  }
0x29: {  	s4 =	sld [smem:$0x3FA7]  }
0x2a: {  	p0 =	seq.s32 s5, $0x0;
	s5 =	sld [smem:$0x3FA8]  }
0x2b: {  	s6 =	sld [smem:$0x3FA9]  }
0x2c: {  	s7 =	sld [smem:$0x3FAA]  }
0x2d: {  	s3 =	simm.s32 $0x108;
	s8 =	sld [smem:$0x3FAB]  }
0x2e: {  	s3 =	simm.s32 @!p0 $0x1082;
	s9 =	sld [smem:$0x3FAC]  }
0x2f: {  	lr =	sadd.s32 s0, s3;
	s0 =	sld [smem:$0x3FA3]  }
0x30: {  	s3 =	sld [smem:$0x3FA6]  }
0x31: {  	[smem:$0x3FAF] =	sst s10  }
0x32: {  	s10 =	sld [smem:$0x3FAD];
	_ =	sdelay $0x3  }
0x33: {  	p0 =	seq.s32 s10, $0x1;
	s10 =	sld [smem:$0x3FAF];
	_ =	sdelay $0x3  }
0x34: {  	[smem:$0x3FAF] =	sst s10  }
0x35: {  	s10 =	sld [smem:$0x3FAE];
	_ =	sdelay $0x3  }
0x36: {  	p1 =	seq.s32 s10, $0x1;
	s10 =	sld [smem:$0x3FAF];
	_ =	sdelay $0x3  }
0x37: {  	[smem:$0x3FAF] =	sst s10  }
0x38: {  	s10 =	sld [smem:$0x3FB0]  }
0x39: {  	_ = 	snop;
	(pc) =	sbr.ind lr, $3  }
0x3a: {  	_ = 	snop  }
0x3b: {  	_ = 	snop  }
0x3c: {  	p2 =	seq.s32 s10, $0x1;
	s10 =	sld [smem:$0x3FAF]  }
0x3d: {  	_ =	shalt  }
0x3e: {  	_ =	shalt  }
0x3f: {  	_ =	shalt  }
0x40: {  	_ =	shalt  }
0x41: {  	_ =	shalt  }
0x42: {  	_ =	shalt  }
0x43: {  	_ =	shalt  }
0x44: {  	_ =	shalt  }
0x45: {  	_ =	shalt  }
0x46: {  	_ =	shalt  }
0x47: {  	_ =	shalt  }
0x48: {  	_ =	shalt  }
0x49: {  	_ =	shalt  }
0x4a: {  	_ =	shalt  }
0x4b: {  	_ =	shalt  }
0x4c: {  	_ =	shalt  }
0x4d: {  	_ =	shalt  }
0x4e: {  	_ =	shalt  }
0x4f: {  	_ =	shalt  }
0x50: {  	_ =	shalt  }
0x51: {  	_ =	shalt  }
0x52: {  	_ =	shalt  }
0x53: {  	_ =	shalt  }
0x54: {  	_ =	shalt  }
0x55: {  	_ =	shalt  }
0x56: {  	_ =	shalt  }
0x57: {  	_ =	shalt  }
0x58: {  	_ =	shalt  }
0x59: {  	_ =	shalt  }
0x5a: {  	_ =	shalt  }
0x5b: {  	_ =	shalt  }
0x5c: {  	_ =	shalt  }
0x5d: {  	_ =	shalt  }
0x5e: {  	_ =	shalt  }
0x5f: {  	_ =	shalt  }
0x60: {  	_ =	shalt  }
0x61: {  	_ =	shalt  }
0x62: {  	_ =	shalt  }
0x63: {  	_ =	shalt  }
0x64: {  	_ =	shalt  }
0x65: {  	_ =	shalt  }
0x66: {  	_ =	shalt  }
0x67: {  	_ =	shalt  }
0x68: {  	_ =	shalt  }
0x69: {  	_ =	shalt  }
0x6a: {  	_ =	shalt  }
0x6b: {  	_ =	shalt  }
0x6c: {  	_ =	shalt  }
0x6d: {  	_ =	shalt  }
0x6e: {  	_ =	shalt  }
0x6f: {  	_ =	shalt  }
0x70: {  	_ =	shalt  }
0x71: {  	_ =	shalt  }
0x72: {  	_ =	shalt  }
0x73: {  	_ =	shalt  }
0x74: {  	_ =	shalt  }
0x75: {  	_ =	shalt  }
0x76: {  	_ =	shalt  }
0x77: {  	_ =	shalt  }
0x78: {  	_ =	shalt  }
0x79: {  	_ =	shalt  }
0x7a: {  	_ =	shalt  }
0x7b: {  	_ =	shalt  }
0x7c: {  	_ =	shalt  }
0x7d: {  	_ =	shalt  }
0x7e: {  	_ =	shalt  }
0x7f: {  	_ =	shalt  }
0x80: {  	_ =	shalt  }
0x81: {  	_ =	shalt  }
0x82: {  	_ =	shalt  }
0x83: {  	_ =	shalt  }
0x84: {  	_ =	shalt  }
0x85: {  	_ =	shalt  }
0x86: {  	_ =	shalt  }
0x87: {  	_ =	shalt  }
.Lfunc_end0:
.L_simem_size_0:
called_computation.2_lowered:
.L_overlay_start_0:
0x88: {  	s2 =	sld [smem:$0x3FD9]  }
0x89: {  	s3 =	sld [smem:$0x3FFE];
	_ =	sdelay $0x1  }
0x8a: {  	s1 =	srdreg.scid  }
0x8b: {  	s0 =	sand.u32 $0x1, s1  }
0x8c: {  	s16 =	sshll.u32 s0, $0xA;
	s2 =	sadd.s32 s3, s2  }
0x8d: {  	s2 =	sadd.s32 s2, s16  }
0x8e: {  	[smem:$0x3FBB] =	sst s2  }
0x8f: {  	_ = 	snop  }
0x90: {  	(tm) =	ssettm $0x1  }
0x91: {  	s17 =	sld [smem:$0x3FFB];
	_ =	sdelay $0x3  }
0x92: {  	_ =	strace s17  }
0x93: {  	s2 =	sld [smem:$0x3FFC];
	_ =	sdelay $0x3  }
0x94: {  	_ =	strace s2  }
0x95: {  	s2 =	sld [smem:$0x3FFD];
	_ =	sdelay $0x3  }
0x96: {  	_ =	strace s2  }
0x97: {  	_ =	strace $0x8FFFFFFF  }
0x98: {  	s18 =	sld [smem:$0x3FDB];
	_ =	sdelay $0x1  }
0x99: {  	s19 =	simm.s32 $_scs_section_size  }
0x9a: {  	s4 =	simm.s32 $_size__tile_overlayer_lowered;
	s5 =	simm.s32 $_tile_overlayer_lowered  }
0x9b: {  	s22 =	simm.s32 $0x1BFF;
	s21 =	sshll.u32 s5, $0x1;
	s2 =	sadd.s32 s19, s18  }
0x9c: {  	s6 =	simm.s32 $0x0;
	s20 =	sshll.u32 s4, $0x1;
	s4 =	sadd.s32 s21, s2  }
0x9d: {  	[timem:s6], [sflag:s22] =	dma.local [hbm:s4], s20  }
0x9e: {  	_ =	swait.ge [sflag:s22], s20  }
0x9f: {  	s3 =	ssub.s32 $0x0, s20;
	[sflag:s22] =	ssyncset.done $0x0  }
0xa0: {  	[sflag:s22] =	ssyncadd.s32 s3;
	_ =	sdelay $0x1  }
0xa1: {  	s23 =	simm.s32 $0x1B8B  }
0xa2: {  	_ =	swait.ge [sflag:s23], $0x1  }
0xa3: {  	[sflag:s23] =	ssyncset.done $0x0  }
0xa4: {  	s25 =	simm.s32 $0x1B8E;
	s24 =	sld [smem:$0x3FFE];
	[sflag:s23] =	ssyncadd.s32 $0xFFFFFFFF  }
0xa5: {  	s26 =	simm.s32 $execute0_lowered;
	[smem:$0x3FD2] =	sst s25  }
0xa6: {  	s4 =	sshll.u32 s26, $0x1;
	_ =	strace $0x8000004C;
	[dreg:$0x1] =	wrdreg $0xFFFFFFFF  }
0xa7: {  	s28 =	simm.s32 $_size_execute0_lowered;
	s2 =	sadd.s32 s2, s4;
	[dreg:$0x0] =	wrdreg $0x0  }
0xa8: {  	s4 =	sshll.u32 s28, $0x1;
	[dreg:$0x2] =	wrdreg s2  }
0xa9: {  	[dreg:$0x3] =	wrdreg s4  }
0xaa: {  	[dreg:$0x4] =	wrdreg $0xC0  }
0xab: {  	_ =	task [dreg:s6], $0x5FFFF  }
0xac: {  	[dreg:$0x1] =	wrdreg $0xFFFFFFFF  }
0xad: {  	[dreg:$0x0] =	wrdreg $0x60  }
0xae: {  	[dreg:$0x2] =	wrdreg s24  }
0xaf: {  	[dreg:$0x3] =	wrdreg $0x98000  }
0xb0: {  	[dreg:$0x4] =	wrdreg $0x9  }
0xb1: {  	_ =	task.clear_ibuf [dreg:s6], $0x5FFFF;
	_ =	strace $0x9000004C  }
0xb2: {  	s29 =	simm.s32 $0x9;
	_ =	strace $0x8000004E  }
0xb3: {  	_ =	swait.ge [sflag:s29], $0x1  }
0xb4: {  	[sflag:s29] =	ssyncadd.s32 $0xFFFFFFFF  }
0xb5: {  	_ =	strace $0x9000004E  }
0xb6: {  	_ =	sfence  }
0xb7: {  	s30 =	sld [smem:$0x0];
	_ =	sdelay $0x2  }
0xb8: {  	s31 =	sshll.u32 s1, $0xD;
	s1 =	sshrl.u32 s1, $0x2  }
0xb9: {  	s3 =	sand.u32 $0x4000, s31;
	s1 =	sadd.s32 s1, s30  }
0xba: {  	s0 =	sor.u32 s3, s0;
	s1 =	sshll.u32 s1, $0x11  }
0xbb: {  	s0 =	sor.u32 s1, s0  }
0xbc: {  	s0 =	sadd.s32 $0x8F2B, s0  }
0xbd: {  	[sflag:s0] =	ssyncadd.remote.s32 $0x1  }
0xbe: {  	_ =	sfence.sel $0xFFFF  }
0xbf: {  	[dreg:$0x0] =	wrdreg $0xFFFFFFFF;
	(pc) =	sbr.abs _section_cstart, $3  }
0xc0: {  	[dreg:$0x1] =	wrdreg $0xFFFFFFFF  }
0xc1: {  	_ =	task.clear_ibuf [dreg:s6], $0x2FFFF;
	_ =	strace $0x9FFFFFFF  }
0xc2: {  	(tm) =	ssettm $0x7FFFFFFF  }
0xc3: {  	_ =	shalt  }
tec
execute0_lowered:
.L_overlay_start_1:
0x0: {  	(tag) =	ssettag $0x1  }
0x1: {  	s5 =	rddreg [dreg:$0x0]  }
0x2: {  	s1 =	rddreg [dreg:$0x1]  }
0x3: {  	s2 =	srdreg.scid;
	s0 =	rddreg [dreg:$0x2];
	s3 =	simm.s32 $0x0  }
0x4: {  	s12 =	simm.s32 $0x2800;
	s13 =	simm.s32 $0x80;
	s6 =	sand.u32 $0x1, s2  }
0x5: {  	s14 =	simm.s32 $0x5000;
	s2 =	stileid.u32;
	s7 =	smul.u32 $0x140000, s6  }
0x6: {  	s15 =	simm.s32 $0x1;
	[smem:$0x7FF] =	sst s3;
	s8 =	smul.u32 $0x14000, s2  }
0x7: {  	s4 =	sshll.u32 s6, $0x4;
	_ =	strace $0x8000004D;
	s29 =	smul.u32 $0x50000, s2  }
0x8: {  	s6 =	ssub.s32 $0x2, s6;
	s16 =	sshll.u32 s2, $0x6;
	s4 =	sor.u32 s2, s4  }
0x9: {  	s30 =	sshrl.u32 s6, $0x1;
	s16 =	sor.u32 $0x1C02, s16;
	s9 =	smul.u32 $0x500, s4  }
0xa: {  	s4 =	sadd.s32 $0x17800, s5;
	s7 =	sadd.s32 s8, s7;
	s31 =	sshrl.u32 s29, $0x2  }
0xb: {  	s11 =	ssub.s32 s6, s30;
	s7 =	sshrl.u32 s7, $0x3;
	s9 =	sadd.s32 s9, s5  }
0xc: {  	s10 =	sadd.s32 s7, s5;
	s5 =	sadd.s32 s31, s1;
	s6 =	sadd.s32 $0xD800, s9  }
0xd: {  	s7 =	sadd.s32 $0x3800, s9;
	s8 =	sadd.s32 $0x3EA00, s10;
	s9 =	smax.u32 s11, $0x1  }
0xe: {  	v0 =	vimm.f32 $0.0e+00;
	s10 =	simm.s32 $0x9000;
	s11 =	simm.s32 $0x2;
	s17 =	sshrl.u32 s5, $0x3  }
.LBB2_1:
0xf: {  	[tilespmem:$0x9000] =	vst v0  }
0x10: {  	[tilespmem:$0x9010] =	vst v0  }
0x11: {  	[tilespmem:$0x9020] =	vst v0  }
0x12: {  	[tilespmem:$0x9030] =	vst v0  }
0x13: {  	[tilespmem:$0x9040] =	vst v0  }
0x14: {  	[tilespmem:$0x9050] =	vst v0  }
0x15: {  	[tilespmem:$0x9060] =	vst v0  }
0x16: {  	[tilespmem:$0x9070] =	vst v0  }
0x17: {  	[tilespmem:$0x9080] =	vst v0  }
0x18: {  	[tilespmem:$0x9090] =	vst v0  }
0x19: {  	[tilespmem:$0x90A0] =	vst v0  }
0x1a: {  	[tilespmem:$0x90B0] =	vst v0  }
0x1b: {  	[tilespmem:$0x90C0] =	vst v0  }
0x1c: {  	[tilespmem:$0x90D0] =	vst v0  }
0x1d: {  	[tilespmem:$0x90E0] =	vst v0  }
0x1e: {  	[tilespmem:$0x90F0] =	vst v0  }
0x1f: {  	[tilespmem:$0x9100] =	vst v0  }
0x20: {  	[tilespmem:$0x9110] =	vst v0  }
0x21: {  	[tilespmem:$0x9120] =	vst v0  }
0x22: {  	[tilespmem:$0x9130] =	vst v0  }
0x23: {  	[tilespmem:$0x9140] =	vst v0  }
0x24: {  	[tilespmem:$0x9150] =	vst v0  }
0x25: {  	[tilespmem:$0x9160] =	vst v0  }
0x26: {  	[tilespmem:$0x9170] =	vst v0  }
0x27: {  	[tilespmem:$0x9180] =	vst v0  }
0x28: {  	[tilespmem:$0x9190] =	vst v0  }
0x29: {  	[tilespmem:$0x91A0] =	vst v0  }
0x2a: {  	[tilespmem:$0x91B0] =	vst v0  }
0x2b: {  	[tilespmem:$0x91C0] =	vst v0  }
0x2c: {  	[tilespmem:$0x91D0] =	vst v0  }
0x2d: {  	[tilespmem:$0x91E0] =	vst v0  }
0x2e: {  	[tilespmem:$0x91F0] =	vst v0  }
0x2f: {  	[tilespmem:$0x9200] =	vst v0  }
0x30: {  	[tilespmem:$0x9210] =	vst v0  }
0x31: {  	[tilespmem:$0x9220] =	vst v0  }
0x32: {  	[tilespmem:$0x9230] =	vst v0  }
0x33: {  	[tilespmem:$0x9240] =	vst v0  }
0x34: {  	[tilespmem:$0x9250] =	vst v0  }
0x35: {  	[tilespmem:$0x9260] =	vst v0  }
0x36: {  	[tilespmem:$0x9270] =	vst v0  }
0x37: {  	[tilespmem:$0x9280] =	vst v0  }
0x38: {  	[tilespmem:$0x9290] =	vst v0  }
0x39: {  	[tilespmem:$0x92A0] =	vst v0  }
0x3a: {  	[tilespmem:$0x92B0] =	vst v0  }
0x3b: {  	[tilespmem:$0x92C0] =	vst v0  }
0x3c: {  	[tilespmem:$0x92D0] =	vst v0  }
0x3d: {  	[tilespmem:$0x92E0] =	vst v0  }
0x3e: {  	[tilespmem:$0x92F0] =	vst v0  }
0x3f: {  	[tilespmem:$0x9300] =	vst v0  }
0x40: {  	[tilespmem:$0x9310] =	vst v0  }
0x41: {  	[tilespmem:$0x9320] =	vst v0  }
0x42: {  	[tilespmem:$0x9330] =	vst v0  }
0x43: {  	[tilespmem:$0x9340] =	vst v0  }
0x44: {  	[tilespmem:$0x9350] =	vst v0  }
0x45: {  	[tilespmem:$0x9360] =	vst v0  }
0x46: {  	[tilespmem:$0x9370] =	vst v0  }
0x47: {  	[tilespmem:$0x9380] =	vst v0  }
0x48: {  	[tilespmem:$0x9390] =	vst v0  }
0x49: {  	[tilespmem:$0x93A0] =	vst v0  }
0x4a: {  	[tilespmem:$0x93B0] =	vst v0  }
0x4b: {  	[tilespmem:$0x93C0] =	vst v0  }
0x4c: {  	[tilespmem:$0x93D0] =	vst v0  }
0x4d: {  	[tilespmem:$0x93E0] =	vst v0  }
0x4e: {  	[tilespmem:$0x93F0] =	vst v0  }
0x4f: {  	[tilespmem:$0x9400] =	vst v0  }
0x50: {  	[tilespmem:$0x9410] =	vst v0  }
0x51: {  	[tilespmem:$0x9420] =	vst v0  }
0x52: {  	[tilespmem:$0x9430] =	vst v0  }
0x53: {  	[tilespmem:$0x9440] =	vst v0  }
0x54: {  	[tilespmem:$0x9450] =	vst v0  }
0x55: {  	[tilespmem:$0x9460] =	vst v0  }
0x56: {  	[tilespmem:$0x9470] =	vst v0  }
0x57: {  	[tilespmem:$0x9480] =	vst v0  }
0x58: {  	[tilespmem:$0x9490] =	vst v0  }
0x59: {  	[tilespmem:$0x94A0] =	vst v0  }
0x5a: {  	[tilespmem:$0x94B0] =	vst v0  }
0x5b: {  	[tilespmem:$0x94C0] =	vst v0  }
0x5c: {  	[tilespmem:$0x94D0] =	vst v0  }
0x5d: {  	[tilespmem:$0x94E0] =	vst v0  }
0x5e: {  	[tilespmem:$0x94F0] =	vst v0  }
0x5f: {  	[tilespmem:$0x9500] =	vst v0  }
0x60: {  	[tilespmem:$0x9510] =	vst v0  }
0x61: {  	[tilespmem:$0x9520] =	vst v0  }
0x62: {  	[tilespmem:$0x9530] =	vst v0  }
0x63: {  	[tilespmem:$0x9540] =	vst v0  }
0x64: {  	[tilespmem:$0x9550] =	vst v0  }
0x65: {  	[tilespmem:$0x9560] =	vst v0  }
0x66: {  	[tilespmem:$0x9570] =	vst v0  }
0x67: {  	[tilespmem:$0x9580] =	vst v0  }
0x68: {  	[tilespmem:$0x9590] =	vst v0  }
0x69: {  	[tilespmem:$0x95A0] =	vst v0  }
0x6a: {  	[tilespmem:$0x95B0] =	vst v0  }
0x6b: {  	[tilespmem:$0x95C0] =	vst v0  }
0x6c: {  	[tilespmem:$0x95D0] =	vst v0  }
0x6d: {  	[tilespmem:$0x95E0] =	vst v0  }
0x6e: {  	[tilespmem:$0x95F0] =	vst v0  }
0x6f: {  	[tilespmem:$0x9600] =	vst v0  }
0x70: {  	[tilespmem:$0x9610] =	vst v0  }
0x71: {  	[tilespmem:$0x9620] =	vst v0  }
0x72: {  	[tilespmem:$0x9630] =	vst v0  }
0x73: {  	[tilespmem:$0x9640] =	vst v0  }
0x74: {  	[tilespmem:$0x9650] =	vst v0  }
0x75: {  	[tilespmem:$0x9660] =	vst v0  }
0x76: {  	[tilespmem:$0x9670] =	vst v0  }
0x77: {  	[tilespmem:$0x9680] =	vst v0  }
0x78: {  	[tilespmem:$0x9690] =	vst v0  }
0x79: {  	[tilespmem:$0x96A0] =	vst v0  }
0x7a: {  	[tilespmem:$0x96B0] =	vst v0  }
0x7b: {  	[tilespmem:$0x96C0] =	vst v0  }
0x7c: {  	[tilespmem:$0x96D0] =	vst v0  }
0x7d: {  	[tilespmem:$0x96E0] =	vst v0  }
0x7e: {  	[tilespmem:$0x96F0] =	vst v0  }
0x7f: {  	[tilespmem:$0x9700] =	vst v0  }
0x80: {  	[tilespmem:$0x9710] =	vst v0  }
0x81: {  	[tilespmem:$0x9720] =	vst v0  }
0x82: {  	[tilespmem:$0x9730] =	vst v0  }
0x83: {  	[tilespmem:$0x9740] =	vst v0  }
0x84: {  	[tilespmem:$0x9750] =	vst v0  }
0x85: {  	[tilespmem:$0x9760] =	vst v0  }
0x86: {  	[tilespmem:$0x9770] =	vst v0  }
0x87: {  	[tilespmem:$0x9780] =	vst v0  }
0x88: {  	[tilespmem:$0x9790] =	vst v0  }
0x89: {  	[tilespmem:$0x97A0] =	vst v0  }
0x8a: {  	[tilespmem:$0x97B0] =	vst v0  }
0x8b: {  	[tilespmem:$0x97C0] =	vst v0  }
0x8c: {  	[tilespmem:$0x97D0] =	vst v0  }
0x8d: {  	[tilespmem:$0x97E0] =	vst v0  }
0x8e: {  	[tilespmem:$0x97F0] =	vst v0;
	s18 =	sadd.s32 $0x0, s5  }
0x8f: {  	[spmem:s18] =	stream.linear.scatter [tilespmem:s10], [sflag:$0x2], $0x800, $0x38;
	[tilespmem:$0x1D800] =	vst v63  }
0x90: {  	s18 =	simm.s32 $0x2000;
	_ =	swait.ge [sflag:s11], $0x800  }
.LBB2_2:
0x91: {  	s19 =	sshra.s32 s18, $0x2;
	[sflag:s11] =	ssyncset.done $0x0;
	p0 =	sne.s32 s18, $0x4E000  }
.Ltmp0:
0x92: {  	s19 =	sadd.s32 s19, s5;
	[sflag:s11] =	ssyncadd.s32 $0xFFFFF800;
	(pc) =	sbr.rel @p0 .LBB2_2-.Ltmp0, $3  }
0x93: {  	[spmem:s19] =	stream.linear.scatter [tilespmem:s10], [sflag:$0x2], $0x800, $0x38;
	[tilespmem:$0x1D800] =	vst v63  }
0x94: {  	s18 =	sadd.s32 $0x2000, s18;
	_ =	sdelay $0x1  }
0x95: {  	_ =	swait.ge [sflag:s11], $0x800  }
0x96: {  	[sflag:s11] =	ssyncset.done $0x0  }
0x97: {  	[sflag:s11] =	ssyncadd.s32 $0xFFFFF800  }
0x98: {  	s18 =	simm.s32 $0x0;
	[bflag:$0x0] =	sbarrier.arrive $0xFFFF  }
0x99: {  	[tilespmem:s18], [sflag:$0x2] =	stream.linear.gather [hbm4b:s6+s18], $0x2800, $0x38;
	[tilespmem:$0x1D800] =	vst v63  }
0x9a: {  	_ =	swait.ge [sflag:s11], $0x2800  }
0x9b: {  	[sflag:s11] =	ssyncset.done $0x0  }
0x9c: {  	[sflag:s11] =	ssyncadd.s32 $0xFFFFD800  }
0x9d: {  	[tilespmem:s12], [sflag:$0x2] =	stream.linear.gather [hbm4b:s7+s18], $0x2800, $0x38;
	[tilespmem:$0x1D800] =	vst v63  }
0x9e: {  	_ =	swait.ge [sflag:s11], $0x2800  }
0x9f: {  	[sflag:s11] =	ssyncset.done $0x0  }
0xa0: {  	s30 =	simm.s32 $0x0;
	[sflag:s11] =	ssyncadd.s32 $0xFFFFD800  }
0xa1: {  	[tilespmem:s14], [sflag:$0x1] =	stream.indirect.gather [hbm4b:s4+s13], $0x80, s30, s13, $0xb8;
	[tilespmem:$0x1D800] =	vst v63  }
0xa2: {  	_ =	swait.ge [sflag:s15], $0x4000  }
0xa3: {  	[sflag:s15] =	ssyncset.done $0x0  }
0xa4: {  	s31 =	simm.s32 $0x2800;
	[sflag:s15] =	ssyncadd.s32 $0xFFFFC000  }
0xa5: {  	[spmem:s1] =	stream.indirect.scatter.add.f32 [tilespmem:s14], [sflag:$0x2], $0x80, s31, s13, $0xb8;
	[tilespmem:$0x1D800] =	vst v63  }
0xa6: {  	_ =	swait.ge [sflag:s11], $0x4000  }
0xa7: {  	s19 =	simm.s32 $0x400;
	s18 =	simm.s32 $0x200;
	[sflag:s11] =	ssyncset.done $0x0  }
.LBB2_4:
0xa8: {  	s20 =	sshra.s32 s18, $0x2  }
0xa9: {  	[sflag:s11] =	ssyncadd.s32 $0xFFFFC000;
	s18 =	smov.u32 s19;
	s21 =	sadd.s32 $0x200, s19  }
0xaa: {  	[tilespmem:s14], [sflag:$0x1] =	stream.indirect.gather [hbm4b:s4+s13], $0x80, s20, s13, $0xb8;
	[tilespmem:$0x1D800] =	vst v63  }
0xab: {  	p0 =	sne.s32 s19, $0x9E00;
	_ =	swait.ge [sflag:s15], $0x4000  }
.Ltmp1:
0xac: {  	[sflag:s15] =	ssyncset.done $0x0;
	(pc) =	sbr.rel @p0 .LBB2_4-.Ltmp1, $4  }
0xad: {  	s19 =	sadd.s32 $0x2800, s20;
	[sflag:s15] =	ssyncadd.s32 $0xFFFFC000  }
0xae: {  	[spmem:s1] =	stream.indirect.scatter.add.f32 [tilespmem:s14], [sflag:$0x2], $0x80, s19, s13, $0xb8;
	[tilespmem:$0x1D800] =	vst v63  }
0xaf: {  	_ =	swait.ge [sflag:s11], $0x4000  }
0xb0: {  	s19 =	smov.u32 s21;
	[sflag:s11] =	ssyncset.done $0x0  }
0xb1: {  	s18 =	sshra.s32 s18, $0x2;
	[sflag:s11] =	ssyncadd.s32 $0xFFFFC000  }
0xb2: {  	[tilespmem:s14], [sflag:$0x1] =	stream.indirect.gather [hbm4b:s4+s13], $0x80, s18, s13, $0xb8;
	[tilespmem:$0x1D800] =	vst v63  }
0xb3: {  	_ =	swait.ge [sflag:s15], $0x4000  }
0xb4: {  	[sflag:s15] =	ssyncset.done $0x0  }
0xb5: {  	s18 =	sadd.s32 $0x2800, s18;
	[sflag:s15] =	ssyncadd.s32 $0xFFFFC000  }
0xb6: {  	[spmem:s1] =	stream.indirect.scatter.add.f32 [tilespmem:s14], [sflag:$0x2], $0x80, s18, s13, $0xb8;
	[tilespmem:$0x1D800] =	vst v63  }
0xb7: {  	_ =	swait.ge [sflag:s11], $0x4000  }
0xb8: {  	s3 =	sadd.s32 $0x1, s3;
	[sflag:s11] =	ssyncset.done $0x0  }
0xb9: {  	p0 =	sne.s32 s3, s9;
	[sflag:s11] =	ssyncadd.s32 $0xFFFFC000  }
.Ltmp2:
0xba: {  	[bflag:$0x0] =	sbarrier.arrive $0xFFFF;
	(pc) =	sbr.rel @p0 .LBB2_1-.Ltmp2, $4  }
0xbb: {  	[hbm:s8], [sflag:s16] =	dma.local [spmem:s17], $0x2800  }
0xbc: {  	_ =	swait.ge [sflag:s11], $0x2800  }
0xbd: {  	[sflag:s11] =	ssyncset.done $0x0  }
0xbe: {  	[sflag:s11] =	ssyncadd.s32 $0xFFFFD800  }
0xbf: {  	_ =	sfence.sel $0x180000  }
0xc0: {  	[bflag:$0x0] =	sbarrier.arrive $0xFFFF  }
0xc1: {  	p0 =	sne.s32 s2, $0x0;
	_ =	strace $0x9000004D  }
0xc2: {  	s0 =	sadd.s32 @!p0 $0x100000, s0;
	[bflag:$0x2] =	sbarrier.arrive $0xFFFF  }
0xc3: {  	[sflag:s0] =	ssyncadd.tile.s32 @!p0 $0x1;
	_ =	shalt  }
.Lfunc_end2:
_tile_overlayer_lowered:
.L_overlay_start_2:
0xc4: {  	(tag) =	ssettag $0x2  }
0xc5: {  	s0 =	rddreg [dreg:$0x0];
	s2 =	stileid.u32  }
0xc6: {  	s1 =	rddreg [dreg:$0x1];
	p0 =	sne.s32 s2, $0x0  }
0xc7: {  	s3 =	rddreg [dreg:$0x2];
	[bflag:$0x3] =	sbarrier.arrive $0xFFFF;
	s2 =	simm.s32 @!p0 $0x1C02  }
0xc8: {  	[timem:s3], [sflag:s2] =	dma.local @!p0 [hbm:s0], s1  }
0xc9: {  	s0 =	simm.s32 @!p0 $0x2  }
0xca: {  	_ =	swait.ge @!p0 [sflag:s0], s1  }
0xcb: {  	s1 =	ssub.s32 @!p0 $0x0, s1;
	[sflag:s0] =	ssyncset.done @!p0 $0x0  }
0xcc: {  	[sflag:s0] =	ssyncadd.s32 @!p0 s1  }
0xcd: {  	[bflag:$0x3] =	sbarrier.arrive $0xFFFF  }
0xce: {  	_ =	shalt  }

// kernel: kernel.19.cloned.1.call-start
scs
__scs_entry_jumppad:
0x0: {  	(pc) =	sbr.rel $0x88, $3  }
0x1: {  	(tag) =	ssettag $0x0;
	lr =	simm.s32 $0x1  }
0x2: {  	[smem:$0x3F94] =	sst lr;
	_ =	strace $0xD0000000  }
0x3: {  	_ = 	snop  }
0x4: {  	_ = 	snop  }
0x5: {  	_ = 	snop  }
0x6: {  	_ = 	snop  }
0x7: {  	_ = 	snop  }
__scs_overlays_trampoline_lowered:
0x8: {  	[smem:$0x3FA3] =	sst s0  }
0x9: {  	[smem:$0x3FA4] =	sst s1  }
0xa: {  	[smem:$0x3FA5] =	sst s2  }
0xb: {  	[smem:$0x3FA6] =	sst s3  }
0xc: {  	[smem:$0x3FA7] =	sst s4  }
0xd: {  	[smem:$0x3FA8] =	sst s5  }
0xe: {  	[smem:$0x3FA9] =	sst s6  }
0xf: {  	[smem:$0x3FAA] =	sst s7  }
0x10: {  	[smem:$0x3FAB] =	sst s8  }
0x11: {  	[smem:$0x3FAC] =	sst s9;
	s0 =	simm.s32 @!p0 $0x0  }
0x12: {  	s1 =	sld [smem:$0x3F92];
	s0 =	simm.s32 @p0 $0x1  }
0x13: {  	[smem:$0x3FAD] =	sst s0;
	s0 =	simm.s32 @!p1 $0x0  }
0x14: {  	s2 =	sld [smem:$0x3F91];
	s0 =	simm.s32 @p1 $0x1  }
0x15: {  	[smem:$0x3FAE] =	sst s0;
	s0 =	simm.s32 @!p2 $0x0  }
0x16: {  	s3 =	sld [smem:$0x3FDB];
	s0 =	simm.s32 @p2 $0x1  }
0x17: {  	s4 =	simm.s32 $0x1BF5;
	[smem:$0x3FB0] =	sst s0  }
0x18: {  	s0 =	sld [smem:$0x3F93];
	_ =	swait.ge [sflag:s4], $0x0  }
0x19: {  	s7 =	sld [smem:$0x3F94]  }
0x1a: {  	s8 =	sadd.s32 $0xFFFFE003, lr  }
0x1b: {  	s9 =	sadd.s32 $0xFFFFFEF7, lr;
	s5 =	simm.s32 $0xFFFFFFFF;
	p2 =	slt.u32 s8, $0xFFFFF086  }
0x1c: {  	p1 =	slt.u32 s9, $0xF7A;
	s5 =	simm.s32 @!p2 $0x0  }
0x1d: {  	s5 =	simm.s32 @p1 $0x1;
	p0 =	seq.s32 s7, s2  }
0x1e: {  	s7 =	smul.u32 @!p0 $0xF7A, s2;
	p2 =	seq.s32 @!p0 s5, $0x0  }
0x1f: {  	s9 =	smul.u32 $0xF7A, s1;
	s8 =	simm.s32 @!p0 $0x1BF5;
	p2 =	por !p2, p0  }
0x20: {  	[sflag:s8] =	ssyncset.s32 @!p0 $0xFFFFF086;
	s6 =	sadd.s32 @!p0 s3, s7;
	s7 =	simm.s32 @!p0 $0x108  }
0x21: {  	s3 =	sadd.s32 s3, s9;
	s6 =	sadd.s32 @!p0 $0x88, s6;
	s7 =	simm.s32 @p2 $0x1082  }
0x22: {  	[simem:s7], [sflag:s8] =	dma.local @!p0 [hbm:s6], $0xF7A  }
0x23: {  	s9 =	sor.u32 $0xD0000000, s2;
	s6 =	simm.s32 $0x108;
	_ =	swait.ge @!p0 [sflag:s8], $0x0  }
0x24: {  	s3 =	sadd.s32 $0x88, s3;
	s6 =	simm.s32 @!p1 $0x1082;
	[sflag:s4] =	ssyncset.s32 $0xFFFFF086  }
0x25: {  	[simem:s6], [sflag:s4] =	dma.local [hbm:s3], $0xF7A  }
0x26: {  	[smem:$0x3F94] =	sst s1;
	(tag) =	ssettag s2;
	_ =	strace s9  }
0x27: {  	s1 =	sld [smem:$0x3FA4]  }
0x28: {  	s2 =	sld [smem:$0x3FA5]  }
0x29: {  	s4 =	sld [smem:$0x3FA7]  }
0x2a: {  	p0 =	seq.s32 s5, $0x0;
	s5 =	sld [smem:$0x3FA8]  }
0x2b: {  	s6 =	sld [smem:$0x3FA9]  }
0x2c: {  	s7 =	sld [smem:$0x3FAA]  }
0x2d: {  	s3 =	simm.s32 $0x108;
	s8 =	sld [smem:$0x3FAB]  }
0x2e: {  	s3 =	simm.s32 @!p0 $0x1082;
	s9 =	sld [smem:$0x3FAC]  }
0x2f: {  	lr =	sadd.s32 s0, s3;
	s0 =	sld [smem:$0x3FA3]  }
0x30: {  	s3 =	sld [smem:$0x3FA6]  }
0x31: {  	[smem:$0x3FAF] =	sst s10  }
0x32: {  	s10 =	sld [smem:$0x3FAD];
	_ =	sdelay $0x3  }
0x33: {  	p0 =	seq.s32 s10, $0x1;
	s10 =	sld [smem:$0x3FAF];
	_ =	sdelay $0x3  }
0x34: {  	[smem:$0x3FAF] =	sst s10  }
0x35: {  	s10 =	sld [smem:$0x3FAE];
	_ =	sdelay $0x3  }
0x36: {  	p1 =	seq.s32 s10, $0x1;
	s10 =	sld [smem:$0x3FAF];
	_ =	sdelay $0x3  }
0x37: {  	[smem:$0x3FAF] =	sst s10  }
0x38: {  	s10 =	sld [smem:$0x3FB0]  }
0x39: {  	_ = 	snop;
	(pc) =	sbr.ind lr, $3  }
0x3a: {  	_ = 	snop  }
0x3b: {  	_ = 	snop  }
0x3c: {  	p2 =	seq.s32 s10, $0x1;
	s10 =	sld [smem:$0x3FAF]  }
0x3d: {  	_ =	shalt  }
0x3e: {  	_ =	shalt  }
0x3f: {  	_ =	shalt  }
0x40: {  	_ =	shalt  }
0x41: {  	_ =	shalt  }
0x42: {  	_ =	shalt  }
0x43: {  	_ =	shalt  }
0x44: {  	_ =	shalt  }
0x45: {  	_ =	shalt  }
0x46: {  	_ =	shalt  }
0x47: {  	_ =	shalt  }
0x48: {  	_ =	shalt  }
0x49: {  	_ =	shalt  }
0x4a: {  	_ =	shalt  }
0x4b: {  	_ =	shalt  }
0x4c: {  	_ =	shalt  }
0x4d: {  	_ =	shalt  }
0x4e: {  	_ =	shalt  }
0x4f: {  	_ =	shalt  }
0x50: {  	_ =	shalt  }
0x51: {  	_ =	shalt  }
0x52: {  	_ =	shalt  }
0x53: {  	_ =	shalt  }
0x54: {  	_ =	shalt  }
0x55: {  	_ =	shalt  }
0x56: {  	_ =	shalt  }
0x57: {  	_ =	shalt  }
0x58: {  	_ =	shalt  }
0x59: {  	_ =	shalt  }
0x5a: {  	_ =	shalt  }
0x5b: {  	_ =	shalt  }
0x5c: {  	_ =	shalt  }
0x5d: {  	_ =	shalt  }
0x5e: {  	_ =	shalt  }
0x5f: {  	_ =	shalt  }
0x60: {  	_ =	shalt  }
0x61: {  	_ =	shalt  }
0x62: {  	_ =	shalt  }
0x63: {  	_ =	shalt  }
0x64: {  	_ =	shalt  }
0x65: {  	_ =	shalt  }
0x66: {  	_ =	shalt  }
0x67: {  	_ =	shalt  }
0x68: {  	_ =	shalt  }
0x69: {  	_ =	shalt  }
0x6a: {  	_ =	shalt  }
0x6b: {  	_ =	shalt  }
0x6c: {  	_ =	shalt  }
0x6d: {  	_ =	shalt  }
0x6e: {  	_ =	shalt  }
0x6f: {  	_ =	shalt  }
0x70: {  	_ =	shalt  }
0x71: {  	_ =	shalt  }
0x72: {  	_ =	shalt  }
0x73: {  	_ =	shalt  }
0x74: {  	_ =	shalt  }
0x75: {  	_ =	shalt  }
0x76: {  	_ =	shalt  }
0x77: {  	_ =	shalt  }
0x78: {  	_ =	shalt  }
0x79: {  	_ =	shalt  }
0x7a: {  	_ =	shalt  }
0x7b: {  	_ =	shalt  }
0x7c: {  	_ =	shalt  }
0x7d: {  	_ =	shalt  }
0x7e: {  	_ =	shalt  }
0x7f: {  	_ =	shalt  }
0x80: {  	_ =	shalt  }
0x81: {  	_ =	shalt  }
0x82: {  	_ =	shalt  }
0x83: {  	_ =	shalt  }
0x84: {  	_ =	shalt  }
0x85: {  	_ =	shalt  }
0x86: {  	_ =	shalt  }
0x87: {  	_ =	shalt  }
.Lfunc_end0:
.L_simem_size_0:
called_computation.3_lowered:
.L_overlay_start_0:
0x88: {  	s2 =	sld [smem:$0x3FD9]  }
0x89: {  	s3 =	sld [smem:$0x3FFE];
	_ =	sdelay $0x1  }
0x8a: {  	s1 =	srdreg.scid  }
0x8b: {  	s0 =	sand.u32 $0x1, s1  }
0x8c: {  	s16 =	sshll.u32 s0, $0xA;
	s2 =	sadd.s32 s3, s2  }
0x8d: {  	s2 =	sadd.s32 s2, s16  }
0x8e: {  	[smem:$0x3FBB] =	sst s2  }
0x8f: {  	_ = 	snop  }
0x90: {  	(tm) =	ssettm $0x1  }
0x91: {  	s17 =	sld [smem:$0x3FFB];
	_ =	sdelay $0x3  }
0x92: {  	_ =	strace s17  }
0x93: {  	s2 =	sld [smem:$0x3FFC];
	_ =	sdelay $0x3  }
0x94: {  	_ =	strace s2  }
0x95: {  	s2 =	sld [smem:$0x3FFD];
	_ =	sdelay $0x3  }
0x96: {  	_ =	strace s2  }
0x97: {  	_ =	strace $0x8FFFFFFF  }
0x98: {  	s18 =	sld [smem:$0x3FDB];
	_ =	sdelay $0x1  }
0x99: {  	s19 =	simm.s32 $_scs_section_size  }
0x9a: {  	s4 =	simm.s32 $_size__tile_overlayer_lowered;
	s5 =	simm.s32 $_tile_overlayer_lowered  }
0x9b: {  	s22 =	simm.s32 $0x1BFF;
	s21 =	sshll.u32 s5, $0x1;
	s2 =	sadd.s32 s19, s18  }
0x9c: {  	s6 =	simm.s32 $0x0;
	s20 =	sshll.u32 s4, $0x1;
	s4 =	sadd.s32 s21, s2  }
0x9d: {  	[timem:s6], [sflag:s22] =	dma.local [hbm:s4], s20  }
0x9e: {  	_ =	swait.ge [sflag:s22], s20  }
0x9f: {  	s3 =	ssub.s32 $0x0, s20;
	[sflag:s22] =	ssyncset.done $0x0  }
0xa0: {  	[sflag:s22] =	ssyncadd.s32 s3;
	_ =	sdelay $0x1  }
0xa1: {  	s23 =	simm.s32 $0x1B8B  }
0xa2: {  	_ =	swait.ge [sflag:s23], $0x1  }
0xa3: {  	[sflag:s23] =	ssyncset.done $0x0  }
0xa4: {  	s25 =	simm.s32 $0x1B8E;
	s24 =	sld [smem:$0x3FFE];
	[sflag:s23] =	ssyncadd.s32 $0xFFFFFFFF  }
0xa5: {  	s26 =	simm.s32 $execute0_lowered;
	[smem:$0x3FD2] =	sst s25  }
0xa6: {  	s4 =	sshll.u32 s26, $0x1;
	_ =	strace $0x8000004F;
	[dreg:$0x1] =	wrdreg $0xFFFFFFFF  }
0xa7: {  	s28 =	simm.s32 $_size_execute0_lowered;
	s2 =	sadd.s32 s2, s4;
	[dreg:$0x0] =	wrdreg $0x0  }
0xa8: {  	s4 =	sshll.u32 s28, $0x1;
	[dreg:$0x2] =	wrdreg s2  }
0xa9: {  	[dreg:$0x3] =	wrdreg s4  }
0xaa: {  	[dreg:$0x4] =	wrdreg $0xC0  }
0xab: {  	_ =	task [dreg:s6], $0x5FFFF  }
0xac: {  	[dreg:$0x1] =	wrdreg $0xFFFFFFFF  }
0xad: {  	[dreg:$0x0] =	wrdreg $0x60  }
0xae: {  	[dreg:$0x2] =	wrdreg s24  }
0xaf: {  	[dreg:$0x3] =	wrdreg $0x98000  }
0xb0: {  	[dreg:$0x4] =	wrdreg $0x9  }
0xb1: {  	_ =	task.clear_ibuf [dreg:s6], $0x5FFFF;
	_ =	strace $0x9000004F  }
0xb2: {  	s29 =	simm.s32 $0x9;
	_ =	strace $0x80000051  }
0xb3: {  	_ =	swait.ge [sflag:s29], $0x1  }
0xb4: {  	[sflag:s29] =	ssyncadd.s32 $0xFFFFFFFF  }
0xb5: {  	_ =	strace $0x90000051  }
0xb6: {  	_ =	sfence  }
0xb7: {  	s30 =	sld [smem:$0x0];
	_ =	sdelay $0x2  }
0xb8: {  	s31 =	sshll.u32 s1, $0xD;
	s1 =	sshrl.u32 s1, $0x2  }
0xb9: {  	s3 =	sand.u32 $0x4000, s31;
	s1 =	sadd.s32 s1, s30  }
0xba: {  	s0 =	sor.u32 s3, s0;
	s1 =	sshll.u32 s1, $0x11  }
0xbb: {  	s0 =	sor.u32 s1, s0  }
0xbc: {  	s0 =	sadd.s32 $0x8F2B, s0  }
0xbd: {  	[sflag:s0] =	ssyncadd.remote.s32 $0x1  }
0xbe: {  	_ =	sfence.sel $0xFFFF  }
0xbf: {  	[dreg:$0x0] =	wrdreg $0xFFFFFFFF;
	(pc) =	sbr.abs _section_cstart, $3  }
0xc0: {  	[dreg:$0x1] =	wrdreg $0xFFFFFFFF  }
0xc1: {  	_ =	task.clear_ibuf [dreg:s6], $0x2FFFF;
	_ =	strace $0x9FFFFFFF  }
0xc2: {  	(tm) =	ssettm $0x7FFFFFFF  }
0xc3: {  	_ =	shalt  }
tec
execute0_lowered:
.L_overlay_start_1:
0x0: {  	(tag) =	ssettag $0x1  }
0x1: {  	s5 =	rddreg [dreg:$0x0]  }
0x2: {  	s1 =	rddreg [dreg:$0x1]  }
0x3: {  	s2 =	srdreg.scid;
	s0 =	rddreg [dreg:$0x2];
	s3 =	simm.s32 $0x0  }
0x4: {  	s12 =	simm.s32 $0x2800;
	s13 =	simm.s32 $0x80;
	s6 =	sand.u32 $0x1, s2  }
0x5: {  	s14 =	simm.s32 $0x5000;
	s2 =	stileid.u32;
	s7 =	smul.u32 $0x140000, s6  }
0x6: {  	s15 =	simm.s32 $0x1;
	[smem:$0x7FF] =	sst s3;
	s8 =	smul.u32 $0x14000, s2  }
0x7: {  	s4 =	sshll.u32 s6, $0x4;
	_ =	strace $0x80000050;
	s29 =	smul.u32 $0x50000, s2  }
0x8: {  	s6 =	ssub.s32 $0x2, s6;
	s16 =	sshll.u32 s2, $0x6;
	s4 =	sor.u32 s2, s4  }
0x9: {  	s30 =	sshrl.u32 s6, $0x1;
	s16 =	sor.u32 $0x1C02, s16;
	s9 =	smul.u32 $0x500, s4  }
0xa: {  	s4 =	sadd.s32 $0x17800, s5;
	s7 =	sadd.s32 s8, s7;
	s31 =	sshrl.u32 s29, $0x2  }
0xb: {  	s11 =	ssub.s32 s6, s30;
	s7 =	sshrl.u32 s7, $0x3;
	s9 =	sadd.s32 s9, s5  }
0xc: {  	s10 =	sadd.s32 s7, s5;
	s5 =	sadd.s32 s31, s1;
	s6 =	sadd.s32 $0xD800, s9  }
0xd: {  	s7 =	sadd.s32 $0x3800, s9;
	s8 =	sadd.s32 $0x3EA00, s10;
	s9 =	smax.u32 s11, $0x1  }
0xe: {  	v0 =	vimm.f32 $0.0e+00;
	s10 =	simm.s32 $0x9000;
	s11 =	simm.s32 $0x2;
	s17 =	sshrl.u32 s5, $0x3  }
.LBB2_1:
0xf: {  	[tilespmem:$0x9000] =	vst v0  }
0x10: {  	[tilespmem:$0x9010] =	vst v0  }
0x11: {  	[tilespmem:$0x9020] =	vst v0  }
0x12: {  	[tilespmem:$0x9030] =	vst v0  }
0x13: {  	[tilespmem:$0x9040] =	vst v0  }
0x14: {  	[tilespmem:$0x9050] =	vst v0  }
0x15: {  	[tilespmem:$0x9060] =	vst v0  }
0x16: {  	[tilespmem:$0x9070] =	vst v0  }
0x17: {  	[tilespmem:$0x9080] =	vst v0  }
0x18: {  	[tilespmem:$0x9090] =	vst v0  }
0x19: {  	[tilespmem:$0x90A0] =	vst v0  }
0x1a: {  	[tilespmem:$0x90B0] =	vst v0  }
0x1b: {  	[tilespmem:$0x90C0] =	vst v0  }
0x1c: {  	[tilespmem:$0x90D0] =	vst v0  }
0x1d: {  	[tilespmem:$0x90E0] =	vst v0  }
0x1e: {  	[tilespmem:$0x90F0] =	vst v0  }
0x1f: {  	[tilespmem:$0x9100] =	vst v0  }
0x20: {  	[tilespmem:$0x9110] =	vst v0  }
0x21: {  	[tilespmem:$0x9120] =	vst v0  }
0x22: {  	[tilespmem:$0x9130] =	vst v0  }
0x23: {  	[tilespmem:$0x9140] =	vst v0  }
0x24: {  	[tilespmem:$0x9150] =	vst v0  }
0x25: {  	[tilespmem:$0x9160] =	vst v0  }
0x26: {  	[tilespmem:$0x9170] =	vst v0  }
0x27: {  	[tilespmem:$0x9180] =	vst v0  }
0x28: {  	[tilespmem:$0x9190] =	vst v0  }
0x29: {  	[tilespmem:$0x91A0] =	vst v0  }
0x2a: {  	[tilespmem:$0x91B0] =	vst v0  }
0x2b: {  	[tilespmem:$0x91C0] =	vst v0  }
0x2c: {  	[tilespmem:$0x91D0] =	vst v0  }
0x2d: {  	[tilespmem:$0x91E0] =	vst v0  }
0x2e: {  	[tilespmem:$0x91F0] =	vst v0  }
0x2f: {  	[tilespmem:$0x9200] =	vst v0  }
0x30: {  	[tilespmem:$0x9210] =	vst v0  }
0x31: {  	[tilespmem:$0x9220] =	vst v0  }
0x32: {  	[tilespmem:$0x9230] =	vst v0  }
0x33: {  	[tilespmem:$0x9240] =	vst v0  }
0x34: {  	[tilespmem:$0x9250] =	vst v0  }
0x35: {  	[tilespmem:$0x9260] =	vst v0  }
0x36: {  	[tilespmem:$0x9270] =	vst v0  }
0x37: {  	[tilespmem:$0x9280] =	vst v0  }
0x38: {  	[tilespmem:$0x9290] =	vst v0  }
0x39: {  	[tilespmem:$0x92A0] =	vst v0  }
0x3a: {  	[tilespmem:$0x92B0] =	vst v0  }
0x3b: {  	[tilespmem:$0x92C0] =	vst v0  }
0x3c: {  	[tilespmem:$0x92D0] =	vst v0  }
0x3d: {  	[tilespmem:$0x92E0] =	vst v0  }
0x3e: {  	[tilespmem:$0x92F0] =	vst v0  }
0x3f: {  	[tilespmem:$0x9300] =	vst v0  }
0x40: {  	[tilespmem:$0x9310] =	vst v0  }
0x41: {  	[tilespmem:$0x9320] =	vst v0  }
0x42: {  	[tilespmem:$0x9330] =	vst v0  }
0x43: {  	[tilespmem:$0x9340] =	vst v0  }
0x44: {  	[tilespmem:$0x9350] =	vst v0  }
0x45: {  	[tilespmem:$0x9360] =	vst v0  }
0x46: {  	[tilespmem:$0x9370] =	vst v0  }
0x47: {  	[tilespmem:$0x9380] =	vst v0  }
0x48: {  	[tilespmem:$0x9390] =	vst v0  }
0x49: {  	[tilespmem:$0x93A0] =	vst v0  }
0x4a: {  	[tilespmem:$0x93B0] =	vst v0  }
0x4b: {  	[tilespmem:$0x93C0] =	vst v0  }
0x4c: {  	[tilespmem:$0x93D0] =	vst v0  }
0x4d: {  	[tilespmem:$0x93E0] =	vst v0  }
0x4e: {  	[tilespmem:$0x93F0] =	vst v0  }
0x4f: {  	[tilespmem:$0x9400] =	vst v0  }
0x50: {  	[tilespmem:$0x9410] =	vst v0  }
0x51: {  	[tilespmem:$0x9420] =	vst v0  }
0x52: {  	[tilespmem:$0x9430] =	vst v0  }
0x53: {  	[tilespmem:$0x9440] =	vst v0  }
0x54: {  	[tilespmem:$0x9450] =	vst v0  }
0x55: {  	[tilespmem:$0x9460] =	vst v0  }
0x56: {  	[tilespmem:$0x9470] =	vst v0  }
0x57: {  	[tilespmem:$0x9480] =	vst v0  }
0x58: {  	[tilespmem:$0x9490] =	vst v0  }
0x59: {  	[tilespmem:$0x94A0] =	vst v0  }
0x5a: {  	[tilespmem:$0x94B0] =	vst v0  }
0x5b: {  	[tilespmem:$0x94C0] =	vst v0  }
0x5c: {  	[tilespmem:$0x94D0] =	vst v0  }
0x5d: {  	[tilespmem:$0x94E0] =	vst v0  }
0x5e: {  	[tilespmem:$0x94F0] =	vst v0  }
0x5f: {  	[tilespmem:$0x9500] =	vst v0  }
0x60: {  	[tilespmem:$0x9510] =	vst v0  }
0x61: {  	[tilespmem:$0x9520] =	vst v0  }
0x62: {  	[tilespmem:$0x9530] =	vst v0  }
0x63: {  	[tilespmem:$0x9540] =	vst v0  }
0x64: {  	[tilespmem:$0x9550] =	vst v0  }
0x65: {  	[tilespmem:$0x9560] =	vst v0  }
0x66: {  	[tilespmem:$0x9570] =	vst v0  }
0x67: {  	[tilespmem:$0x9580] =	vst v0  }
0x68: {  	[tilespmem:$0x9590] =	vst v0  }
0x69: {  	[tilespmem:$0x95A0] =	vst v0  }
0x6a: {  	[tilespmem:$0x95B0] =	vst v0  }
0x6b: {  	[tilespmem:$0x95C0] =	vst v0  }
0x6c: {  	[tilespmem:$0x95D0] =	vst v0  }
0x6d: {  	[tilespmem:$0x95E0] =	vst v0  }
0x6e: {  	[tilespmem:$0x95F0] =	vst v0  }
0x6f: {  	[tilespmem:$0x9600] =	vst v0  }
0x70: {  	[tilespmem:$0x9610] =	vst v0  }
0x71: {  	[tilespmem:$0x9620] =	vst v0  }
0x72: {  	[tilespmem:$0x9630] =	vst v0  }
0x73: {  	[tilespmem:$0x9640] =	vst v0  }
0x74: {  	[tilespmem:$0x9650] =	vst v0  }
0x75: {  	[tilespmem:$0x9660] =	vst v0  }
0x76: {  	[tilespmem:$0x9670] =	vst v0  }
0x77: {  	[tilespmem:$0x9680] =	vst v0  }
0x78: {  	[tilespmem:$0x9690] =	vst v0  }
0x79: {  	[tilespmem:$0x96A0] =	vst v0  }
0x7a: {  	[tilespmem:$0x96B0] =	vst v0  }
0x7b: {  	[tilespmem:$0x96C0] =	vst v0  }
0x7c: {  	[tilespmem:$0x96D0] =	vst v0  }
0x7d: {  	[tilespmem:$0x96E0] =	vst v0  }
0x7e: {  	[tilespmem:$0x96F0] =	vst v0  }
0x7f: {  	[tilespmem:$0x9700] =	vst v0  }
0x80: {  	[tilespmem:$0x9710] =	vst v0  }
0x81: {  	[tilespmem:$0x9720] =	vst v0  }
0x82: {  	[tilespmem:$0x9730] =	vst v0  }
0x83: {  	[tilespmem:$0x9740] =	vst v0  }
0x84: {  	[tilespmem:$0x9750] =	vst v0  }
0x85: {  	[tilespmem:$0x9760] =	vst v0  }
0x86: {  	[tilespmem:$0x9770] =	vst v0  }
0x87: {  	[tilespmem:$0x9780] =	vst v0  }
0x88: {  	[tilespmem:$0x9790] =	vst v0  }
0x89: {  	[tilespmem:$0x97A0] =	vst v0  }
0x8a: {  	[tilespmem:$0x97B0] =	vst v0  }
0x8b: {  	[tilespmem:$0x97C0] =	vst v0  }
0x8c: {  	[tilespmem:$0x97D0] =	vst v0  }
0x8d: {  	[tilespmem:$0x97E0] =	vst v0  }
0x8e: {  	[tilespmem:$0x97F0] =	vst v0;
	s18 =	sadd.s32 $0x0, s5  }
0x8f: {  	[spmem:s18] =	stream.linear.scatter [tilespmem:s10], [sflag:$0x2], $0x800, $0x38;
	[tilespmem:$0x1D800] =	vst v63  }
0x90: {  	s18 =	simm.s32 $0x2000;
	_ =	swait.ge [sflag:s11], $0x800  }
.LBB2_2:
0x91: {  	s19 =	sshra.s32 s18, $0x2;
	[sflag:s11] =	ssyncset.done $0x0;
	p0 =	sne.s32 s18, $0x4E000  }
.Ltmp0:
0x92: {  	s19 =	sadd.s32 s19, s5;
	[sflag:s11] =	ssyncadd.s32 $0xFFFFF800;
	(pc) =	sbr.rel @p0 .LBB2_2-.Ltmp0, $3  }
0x93: {  	[spmem:s19] =	stream.linear.scatter [tilespmem:s10], [sflag:$0x2], $0x800, $0x38;
	[tilespmem:$0x1D800] =	vst v63  }
0x94: {  	s18 =	sadd.s32 $0x2000, s18;
	_ =	sdelay $0x1  }
0x95: {  	_ =	swait.ge [sflag:s11], $0x800  }
0x96: {  	[sflag:s11] =	ssyncset.done $0x0  }
0x97: {  	[sflag:s11] =	ssyncadd.s32 $0xFFFFF800  }
0x98: {  	s18 =	simm.s32 $0x0;
	[bflag:$0x0] =	sbarrier.arrive $0xFFFF  }
0x99: {  	[tilespmem:s18], [sflag:$0x2] =	stream.linear.gather [hbm4b:s6+s18], $0x2800, $0x38;
	[tilespmem:$0x1D800] =	vst v63  }
0x9a: {  	_ =	swait.ge [sflag:s11], $0x2800  }
0x9b: {  	[sflag:s11] =	ssyncset.done $0x0  }
0x9c: {  	[sflag:s11] =	ssyncadd.s32 $0xFFFFD800  }
0x9d: {  	[tilespmem:s12], [sflag:$0x2] =	stream.linear.gather [hbm4b:s7+s18], $0x2800, $0x38;
	[tilespmem:$0x1D800] =	vst v63  }
0x9e: {  	_ =	swait.ge [sflag:s11], $0x2800  }
0x9f: {  	[sflag:s11] =	ssyncset.done $0x0  }
0xa0: {  	s30 =	simm.s32 $0x0;
	[sflag:s11] =	ssyncadd.s32 $0xFFFFD800  }
0xa1: {  	[tilespmem:s14], [sflag:$0x1] =	stream.indirect.gather [hbm4b:s4+s13], $0x80, s30, s13, $0xb8;
	[tilespmem:$0x1D800] =	vst v63  }
0xa2: {  	_ =	swait.ge [sflag:s15], $0x4000  }
0xa3: {  	[sflag:s15] =	ssyncset.done $0x0  }
0xa4: {  	s31 =	simm.s32 $0x2800;
	[sflag:s15] =	ssyncadd.s32 $0xFFFFC000  }
0xa5: {  	[spmem:s1] =	stream.indirect.scatter.add.f32 [tilespmem:s14], [sflag:$0x2], $0x80, s31, s13, $0xb8;
	[tilespmem:$0x1D800] =	vst v63  }
0xa6: {  	_ =	swait.ge [sflag:s11], $0x4000  }
0xa7: {  	s19 =	simm.s32 $0x400;
	s18 =	simm.s32 $0x200;
	[sflag:s11] =	ssyncset.done $0x0  }
.LBB2_4:
0xa8: {  	s20 =	sshra.s32 s18, $0x2  }
0xa9: {  	[sflag:s11] =	ssyncadd.s32 $0xFFFFC000;
	s18 =	smov.u32 s19;
	s21 =	sadd.s32 $0x200, s19  }
0xaa: {  	[tilespmem:s14], [sflag:$0x1] =	stream.indirect.gather [hbm4b:s4+s13], $0x80, s20, s13, $0xb8;
	[tilespmem:$0x1D800] =	vst v63  }
0xab: {  	p0 =	sne.s32 s19, $0x9E00;
	_ =	swait.ge [sflag:s15], $0x4000  }
.Ltmp1:
0xac: {  	[sflag:s15] =	ssyncset.done $0x0;
	(pc) =	sbr.rel @p0 .LBB2_4-.Ltmp1, $4  }
0xad: {  	s19 =	sadd.s32 $0x2800, s20;
	[sflag:s15] =	ssyncadd.s32 $0xFFFFC000  }
0xae: {  	[spmem:s1] =	stream.indirect.scatter.add.f32 [tilespmem:s14], [sflag:$0x2], $0x80, s19, s13, $0xb8;
	[tilespmem:$0x1D800] =	vst v63  }
0xaf: {  	_ =	swait.ge [sflag:s11], $0x4000  }
0xb0: {  	s19 =	smov.u32 s21;
	[sflag:s11] =	ssyncset.done $0x0  }
0xb1: {  	s18 =	sshra.s32 s18, $0x2;
	[sflag:s11] =	ssyncadd.s32 $0xFFFFC000  }
0xb2: {  	[tilespmem:s14], [sflag:$0x1] =	stream.indirect.gather [hbm4b:s4+s13], $0x80, s18, s13, $0xb8;
	[tilespmem:$0x1D800] =	vst v63  }
0xb3: {  	_ =	swait.ge [sflag:s15], $0x4000  }
0xb4: {  	[sflag:s15] =	ssyncset.done $0x0  }
0xb5: {  	s18 =	sadd.s32 $0x2800, s18;
	[sflag:s15] =	ssyncadd.s32 $0xFFFFC000  }
0xb6: {  	[spmem:s1] =	stream.indirect.scatter.add.f32 [tilespmem:s14], [sflag:$0x2], $0x80, s18, s13, $0xb8;
	[tilespmem:$0x1D800] =	vst v63  }
0xb7: {  	_ =	swait.ge [sflag:s11], $0x4000  }
0xb8: {  	s3 =	sadd.s32 $0x1, s3;
	[sflag:s11] =	ssyncset.done $0x0  }
0xb9: {  	p0 =	sne.s32 s3, s9;
	[sflag:s11] =	ssyncadd.s32 $0xFFFFC000  }
.Ltmp2:
0xba: {  	[bflag:$0x0] =	sbarrier.arrive $0xFFFF;
	(pc) =	sbr.rel @p0 .LBB2_1-.Ltmp2, $4  }
0xbb: {  	[hbm:s8], [sflag:s16] =	dma.local [spmem:s17], $0x2800  }
0xbc: {  	_ =	swait.ge [sflag:s11], $0x2800  }
0xbd: {  	[sflag:s11] =	ssyncset.done $0x0  }
0xbe: {  	[sflag:s11] =	ssyncadd.s32 $0xFFFFD800  }
0xbf: {  	_ =	sfence.sel $0x180000  }
0xc0: {  	[bflag:$0x0] =	sbarrier.arrive $0xFFFF  }
0xc1: {  	p0 =	sne.s32 s2, $0x0;
	_ =	strace $0x90000050  }
0xc2: {  	s0 =	sadd.s32 @!p0 $0x100000, s0;
	[bflag:$0x2] =	sbarrier.arrive $0xFFFF  }
0xc3: {  	[sflag:s0] =	ssyncadd.tile.s32 @!p0 $0x1;
	_ =	shalt  }
.Lfunc_end2:
_tile_overlayer_lowered:
.L_overlay_start_2:
0xc4: {  	(tag) =	ssettag $0x2  }
0xc5: {  	s0 =	rddreg [dreg:$0x0];
	s2 =	stileid.u32  }
0xc6: {  	s1 =	rddreg [dreg:$0x1];
	p0 =	sne.s32 s2, $0x0  }
0xc7: {  	s3 =	rddreg [dreg:$0x2];
	[bflag:$0x3] =	sbarrier.arrive $0xFFFF;
	s2 =	simm.s32 @!p0 $0x1C02  }
0xc8: {  	[timem:s3], [sflag:s2] =	dma.local @!p0 [hbm:s0], s1  }
0xc9: {  	s0 =	simm.s32 @!p0 $0x2  }
0xca: {  	_ =	swait.ge @!p0 [sflag:s0], s1  }
0xcb: {  	s1 =	ssub.s32 @!p0 $0x0, s1;
	[sflag:s0] =	ssyncset.done @!p0 $0x0  }
0xcc: {  	[sflag:s0] =	ssyncadd.s32 @!p0 s1  }
0xcd: {  	[bflag:$0x3] =	sbarrier.arrive $0xFFFF  }
0xce: {  	_ =	shalt  }

</sc_bundles>
